<compile_context>
chip_gen: v7x
topology: tpu7x:2x2x1
jax: 0.10.2.dev20260603
libtpu: 0.0.44.dev20260713+nightly
codegen_flags: <defaults>
</compile_context>

<pallas_src>
import functools

import jax
import jax.numpy as jnp
from jax import lax
from jax.experimental import pallas as pl
from jax.experimental.pallas import tpu as pltpu
from jax.experimental.pallas import tpu_sc as plsc

_ANT_IDX = (3, 7, 12, 20)
_CONS_IDX = (45, 60, 77)
_SIGNS_A = (1.0, -1.0, 1.0, -1.0)
_SIGNS_C = (1.0, -1.0, 1.0)
_ALL_IDX = _ANT_IDX + _CONS_IDX
_ND = len(_ALL_IDX)
_MIN_W, _MAX_W = 0.0, 500.0

_NC, _NS, _L = 2, 16, 16
_NW = _NC * _NS
_P = 128
_CHUNK = 128


def _sc_call(batch):
    rows_w = batch // _NW
    n_chunks = rows_w // _CHUNK
    assert n_chunks % 2 == 0
    mesh = plsc.VectorSubcoreMesh(core_axis_name="c", subcore_axis_name="s")

    @functools.partial(
        pl.kernel,
        mesh=mesh,
        compiler_params=pltpu.CompilerParams(needs_layout_passes=False),
        out_type=[
            jax.ShapeDtypeStruct((batch, _P), jnp.float32),
            jax.ShapeDtypeStruct((batch, _ND), jnp.float32),
        ],
        scratch_types=[
            pltpu.VMEM((2, _CHUNK, _P), jnp.float32),
            pltpu.VMEM((2, _CHUNK, _P), jnp.float32),
            pltpu.VMEM((2, _CHUNK, _ND), jnp.float32),
            pltpu.VMEM((_L,), jnp.float32),
            pltpu.SemaphoreType.DMA((2,)),
            pltpu.SemaphoreType.DMA((2,)),
            pltpu.SemaphoreType.DMA((2,)),
        ],
    )
    def sc(x_hbm, w_hbm, out_hbm, delta_hbm, in_buf, out_buf, d_buf, w_buf,
           in_sem, out_sem, d_sem):
        wid = lax.axis_index("s") * _NC + lax.axis_index("c")
        row0 = wid * rows_w

        def _in_copy(ci, b):
            return pltpu.make_async_copy(
                x_hbm.at[pl.ds(row0 + ci * _CHUNK, _CHUNK)],
                in_buf.at[b], in_sem.at[b])

        def _out_copy(ci, b):
            return pltpu.make_async_copy(
                out_buf.at[b],
                out_hbm.at[pl.ds(row0 + ci * _CHUNK, _CHUNK)],
                out_sem.at[b])

        def _d_copy(ci, b):
            return pltpu.make_async_copy(
                d_buf.at[b],
                delta_hbm.at[pl.ds(row0 + ci * _CHUNK, _CHUNK)],
                d_sem.at[b])

        _in_copy(0, 0).start()

        pltpu.sync_copy(w_hbm, w_buf)
        wv = jnp.clip(w_buf[...], _MIN_W, _MAX_W)

        zero16 = jnp.zeros((_L,), jnp.float32)

        def _zero(r, carry):
            for b in range(2):
                for k in range(_P // _L):
                    out_buf[b, r, pl.ds(k * _L, _L)] = zero16
            return carry

        lax.fori_loop(0, _CHUNK, _zero, 0)

        iota = lax.iota(jnp.int32, _L)
        colv = [jnp.full((_L,), c, jnp.int32) for c in _ALL_IDX]
        dcolv = [jnp.full((_L,), k, jnp.int32) for k in range(_ND)]

        def _compute(b):
            ob = out_buf.at[b]
            db = d_buf.at[b]
            ib = in_buf.at[b]
            for g in range(_CHUNK // _L):
                rows = iota + (g * _L)
                v = [plsc.load_gather(ib, [rows, cc]) for cc in colv]
                ea = [jnp.exp(v[i] * (-_SIGNS_A[i])) for i in range(4)]
                za = (ea[0] + ea[1]) + (ea[2] + ea[3])
                ua = wv / za
                una = -ua
                da = [ea[i] * (una if _SIGNS_A[i] > 0 else ua)
                      for i in range(4)]
                ec = [jnp.exp(v[4 + i] * _SIGNS_C[i]) for i in range(3)]
                zc = (ec[0] + ec[1]) + ec[2]
                uc = wv / zc
                unc = -uc
                dc = [ec[i] * (uc if _SIGNS_C[i] > 0 else unc)
                      for i in range(3)]
                d = da + dc
                for k in range(_ND):
                    plsc.store_scatter(ob, [rows, colv[k]], d[k])
                    plsc.store_scatter(db, [rows, dcolv[k]], d[k])

        def _pair(p, carry):
            for b in range(2):
                ci = p * 2 + b
                nb = 1 - b

                @pl.when(ci + 1 < n_chunks)
                def _():
                    _in_copy(ci + 1, nb).start()

                _in_copy(ci, b).wait()

                @pl.when(ci >= 2)
                def _():
                    _out_copy(ci - 2, b).wait()
                    _d_copy(ci - 2, b).wait()

                _compute(b)
                _out_copy(ci, b).start()
                _d_copy(ci, b).start()
            return carry

        lax.fori_loop(0, n_chunks // 2, _pair, 0)

        for ci in (n_chunks - 2, n_chunks - 1):
            b = ci % 2
            _out_copy(ci, b).wait()
            _d_copy(ci, b).wait()

    return sc


def kernel(ground_atoms, clause_weight):
    batch, n_pred = ground_atoms.shape
    w16 = jnp.broadcast_to(clause_weight.reshape(1), (_L,))
    out, delta = _sc_call(batch)(ground_atoms, w16)
    return (out, delta)

# --- scband reference (transcript-rebuilt; emitter-appended) ---
"""Pipeline reference for scband-clause-enhancer-impl-23287312679576 (READ-ONLY COPY).

The authoritative reference and input builder live on the scoring server;
editing this copy changes nothing except your own understanding.
"""

import jax, jax.numpy as jnp
import numpy as np

BATCH = 65536
N_PRED = 128
ANT_IDX = jnp.array([3, 7, 12, 20], dtype=jnp.int32)
CONS_IDX = jnp.array([45, 60, 77], dtype=jnp.int32)
SIGNS_A = jnp.array([1.0, -1.0, 1.0, -1.0], dtype=jnp.float32)
SIGNS_C = jnp.array([1.0, -1.0, 1.0], dtype=jnp.float32)
MIN_W, MAX_W = 0.0, 500.0


def setup_inputs(seed: int = 0) -> dict:
    key = jax.random.key(seed)
    k1, _ = jax.random.split(key)
    ground_atoms = jax.random.normal(k1, (BATCH, N_PRED), dtype=jnp.float32)
    # learned clause weight (initial_clause_weight=0.5, not fixed since weight string is '_')
    clause_weight = jnp.array(0.5, dtype=jnp.float32)
    return {"ground_atoms": ground_atoms, "clause_weight": clause_weight}


def reference(ground_atoms, clause_weight):
    # select_predicates: gather antecedent / consequent literal pre-activations
    ant = ground_atoms[..., ANT_IDX]
    cons = ground_atoms[..., CONS_IDX]
    # GodelBoostResiduum: clamp clause weight, boost consequent disjunction
    # (push strongest consequent literal up) and relax antecedent conjunction
    # (push weakest antecedent literal down), soft (softmax) Godel selection.
    w = jnp.clip(clause_weight, MIN_W, MAX_W)
    signed_ant = ant * SIGNS_A
    signed_cons = cons * SIGNS_C
    delta_ant = -SIGNS_A * w * jax.nn.softmax(-signed_ant, axis=-1)
    delta_cons = SIGNS_C * w * jax.nn.softmax(signed_cons, axis=-1)
    delta = jnp.concatenate([delta_ant, delta_cons], axis=-1)
    # scatter delta back into a zero tensor shaped like ground_atoms
    all_idx = jnp.concatenate([ANT_IDX, CONS_IDX])
    scattered_delta = jnp.zeros_like(ground_atoms).at[..., all_idx].set(delta)
    return (scattered_delta, delta)

if __name__ == "__main__":
    import jax
    _d = setup_inputs()
    print(jax.jit(kernel)(*tuple(_d.values())))

</pallas_src>

<mosaic_0001>
#map = affine_map<(d0, d1) -> (0, 0)>
#map1 = affine_map<(d0, d1) -> (0)>
module attributes {stable_mosaic.version = 14 : i64} {
  func.func @sc(%arg0: i32, %arg1: i32, %arg2: memref<65536x128xf32, #tpu.memory_space<hbm>>, %arg3: memref<16xf32, #tpu.memory_space<hbm>>, %arg4: memref<65536x128xf32, #tpu.memory_space<hbm>>, %arg5: memref<65536x7xf32, #tpu.memory_space<hbm>>, %arg6: memref<2x128x128xf32, #tpu.memory_space<vmem>>, %arg7: memref<2x128x128xf32, #tpu.memory_space<vmem>>, %arg8: memref<2x128x7xf32, #tpu.memory_space<vmem>>, %arg9: memref<16xf32, #tpu.memory_space<vmem>>, %arg10: memref<2x!tpu.dma_semaphore, #tpu.memory_space<semaphore_mem>>, %arg11: memref<2x!tpu.dma_semaphore, #tpu.memory_space<semaphore_mem>>, %arg12: memref<2x!tpu.dma_semaphore, #tpu.memory_space<semaphore_mem>>) attributes {dimension_semantics = [#tpu.dimension_semantics<core_parallel>, #tpu.dimension_semantics<subcore_parallel>], iteration_bounds = array<i64: 2, 16>, scalar_prefetch = 0 : i64, scratch_operands = 7 : i64, tpu.core_type = #tpu.core_type<sc_vector_subcore>, window_params = [{transform_indices = #map}, {transform_indices = #map1}, {transform_indices = #map}, {transform_indices = #map}]} {
    %mul3A = arith.constant 2 : i32
    %mul3A_0 = arith.muli %arg1, %mul3A : i32
    %add3A = arith.addi %mul3A_0, %arg0 : i32
    %mul3A_1 = arith.constant 2048 : i32
    %mul3A_2 = arith.muli %add3A, %mul3A_1 : i32
    %add3A_3 = arith.constant 0 : i32
    %add3A_4 = arith.addi %mul3A_2, %add3A_3 : i32
    %dma_start3A = arith.constant 0 : i32
    %dma_start3A_5 = arith.constant 0 : i32
    %dma_start3A_6 = arith.constant 0 : i32
    %dma_start3A_7 = arith.constant 0 : i32
    %dma_start3A_8 = tpu.memref_slice %arg6[%dma_start3A, %dma_start3A_6, %dma_start3A_7] : memref<2x128x128xf32, #tpu.memory_space<vmem>> -> memref<1x128x128xf32, #tpu.memory_space<vmem>>
    %dma_start3A_9 = tpu.memref_squeeze %dma_start3A_8 : memref<1x128x128xf32, #tpu.memory_space<vmem>> -> memref<128x128xf32, #tpu.memory_space<vmem>>
    %dma_start3A_10 = arith.constant 0 : i32
    %dma_start3A_11 = tpu.memref_slice %arg2[%add3A_4, %dma_start3A_10] : memref<65536x128xf32, #tpu.memory_space<hbm>> -> memref<128x128xf32, #tpu.memory_space<hbm>>
    %dma_start3A_12 = tpu.memref_slice %arg10[%dma_start3A_5] : memref<2x!tpu.dma_semaphore, #tpu.memory_space<semaphore_mem>> -> memref<1x!tpu.dma_semaphore, #tpu.memory_space<semaphore_mem>>
    %dma_start3A_13 = tpu.memref_squeeze %dma_start3A_12 : memref<1x!tpu.dma_semaphore, #tpu.memory_space<semaphore_mem>> -> memref<!tpu.dma_semaphore, #tpu.memory_space<semaphore_mem>>
    %dma_start3A_14 = arith.constant 0 : i32
    %dma_start3A_15 = arith.constant 0 : i32
    %dma_start3A_16 = tpu.memref_slice %arg6[%dma_start3A, %dma_start3A_14, %dma_start3A_15] : memref<2x128x128xf32, #tpu.memory_space<vmem>> -> memref<1x128x128xf32, #tpu.memory_space<vmem>>
    %dma_start3A_17 = tpu.memref_squeeze %dma_start3A_16 : memref<1x128x128xf32, #tpu.memory_space<vmem>> -> memref<128x128xf32, #tpu.memory_space<vmem>>
    %dma_start3A_18 = arith.constant 0 : i32
    %dma_start3A_19 = tpu.memref_slice %arg2[%add3A_4, %dma_start3A_18] : memref<65536x128xf32, #tpu.memory_space<hbm>> -> memref<128x128xf32, #tpu.memory_space<hbm>>
    tpu.enqueue_dma source(%dma_start3A_19 : memref<128x128xf32, #tpu.memory_space<hbm>>) target(%dma_start3A_17 : memref<128x128xf32, #tpu.memory_space<vmem>>) target_semaphore(%dma_start3A_13 : memref<!tpu.dma_semaphore, #tpu.memory_space<semaphore_mem>>)
    "tpu.region"() ({
      %run_scoped3A = tpu.sem_alloc : memref<!tpu.dma_semaphore, #tpu.memory_space<semaphore_mem>>
      tpu.enqueue_dma source(%arg3 : memref<16xf32, #tpu.memory_space<hbm>>) target(%arg9 : memref<16xf32, #tpu.memory_space<vmem>>) target_semaphore(%run_scoped3A : memref<!tpu.dma_semaphore, #tpu.memory_space<semaphore_mem>>)
      tpu.wait_dma2 semaphore(%run_scoped3A : memref<!tpu.dma_semaphore, #tpu.memory_space<semaphore_mem>>) src(%arg3 : memref<16xf32, #tpu.memory_space<hbm>>) dst(%arg9 : memref<16xf32, #tpu.memory_space<vmem>>)
      tpu.yield
    }) : () -> ()
    %get3A = arith.constant 0 : index
    %get3A_20 = tpu.vector_load %arg9[%get3A] {strides = array<i32>} : memref<16xf32, #tpu.memory_space<vmem>>, vector<16xf32>,
    %jit3A = arith.constant 0.000000e+00 : f32
    %jit3A_21 = arith.constant 5.000000e+02 : f32
    %max3A = vector.broadcast %jit3A : f32 to vector<16xf32>
    %max3A_22 = arith.maximumf %max3A, %get3A_20 : vector<16xf32>
    %min3A = vector.broadcast %jit3A_21 : f32 to vector<16xf32>
    %min3A_23 = arith.minimumf %min3A, %max3A_22 : vector<16xf32>
    %broadcast_in_dim3A = arith.constant 0.000000e+00 : f32
    %broadcast_in_dim3A_24 = vector.broadcast %broadcast_in_dim3A : f32 to vector<16xf32>
    %scan3A = arith.constant 0 : i32
    %scan3A_25 = arith.constant 0 : i32
    %scan3A_26 = arith.constant 128 : i32
    %scan3A_27 = arith.addi %scan3A_25, %scan3A_26 : i32
    %scan3A_28 = arith.constant 1 : i32
    scf.for %scan3A_135 = %scan3A_25 to %scan3A_27 step %scan3A_28  : i32 {
      %swap3A = arith.constant 0 : i32
      %swap3A_136 = arith.index_cast %swap3A : i32 to index
      %swap3A_137 = arith.index_cast %scan3A_135 : i32 to index
      %swap3A_138 = arith.constant 0 : index
      %swap3A_139 = tpu.vector_load %arg7[%swap3A_136, %swap3A_137, %swap3A_138] {strides = array<i32>} : memref<2x128x128xf32, #tpu.memory_space<vmem>>, vector<16xf32>,
      tpu.vector_store %arg7[%swap3A_136, %swap3A_137, %swap3A_138], %broadcast_in_dim3A_24 {strides = array<i32>} : memref<2x128x128xf32, #tpu.memory_space<vmem>>, vector<16xf32>,
      %swap3A_140 = arith.constant 0 : i32
      %swap3A_141 = arith.index_cast %swap3A_140 : i32 to index
      %swap3A_142 = arith.index_cast %scan3A_135 : i32 to index
      %swap3A_143 = arith.constant 16 : index
      %swap3A_144 = tpu.vector_load %arg7[%swap3A_141, %swap3A_142, %swap3A_143] {strides = array<i32>} : memref<2x128x128xf32, #tpu.memory_space<vmem>>, vector<16xf32>,
      tpu.vector_store %arg7[%swap3A_141, %swap3A_142, %swap3A_143], %broadcast_in_dim3A_24 {strides = array<i32>} : memref<2x128x128xf32, #tpu.memory_space<vmem>>, vector<16xf32>,
      %swap3A_145 = arith.constant 0 : i32
      %swap3A_146 = arith.index_cast %swap3A_145 : i32 to index
      %swap3A_147 = arith.index_cast %scan3A_135 : i32 to index
      %swap3A_148 = arith.constant 32 : index
      %swap3A_149 = tpu.vector_load %arg7[%swap3A_146, %swap3A_147, %swap3A_148] {strides = array<i32>} : memref<2x128x128xf32, #tpu.memory_space<vmem>>, vector<16xf32>,
      tpu.vector_store %arg7[%swap3A_146, %swap3A_147, %swap3A_148], %broadcast_in_dim3A_24 {strides = array<i32>} : memref<2x128x128xf32, #tpu.memory_space<vmem>>, vector<16xf32>,
      %swap3A_150 = arith.constant 0 : i32
      %swap3A_151 = arith.index_cast %swap3A_150 : i32 to index
      %swap3A_152 = arith.index_cast %scan3A_135 : i32 to index
      %swap3A_153 = arith.constant 48 : index
      %swap3A_154 = tpu.vector_load %arg7[%swap3A_151, %swap3A_152, %swap3A_153] {strides = array<i32>} : memref<2x128x128xf32, #tpu.memory_space<vmem>>, vector<16xf32>,
      tpu.vector_store %arg7[%swap3A_151, %swap3A_152, %swap3A_153], %broadcast_in_dim3A_24 {strides = array<i32>} : memref<2x128x128xf32, #tpu.memory_space<vmem>>, vector<16xf32>,
      %swap3A_155 = arith.constant 0 : i32
      %swap3A_156 = arith.index_cast %swap3A_155 : i32 to index
      %swap3A_157 = arith.index_cast %scan3A_135 : i32 to index
      %swap3A_158 = arith.constant 64 : index
      %swap3A_159 = tpu.vector_load %arg7[%swap3A_156, %swap3A_157, %swap3A_158] {strides = array<i32>} : memref<2x128x128xf32, #tpu.memory_space<vmem>>, vector<16xf32>,
      tpu.vector_store %arg7[%swap3A_156, %swap3A_157, %swap3A_158], %broadcast_in_dim3A_24 {strides = array<i32>} : memref<2x128x128xf32, #tpu.memory_space<vmem>>, vector<16xf32>,
      %swap3A_160 = arith.constant 0 : i32
      %swap3A_161 = arith.index_cast %swap3A_160 : i32 to index
      %swap3A_162 = arith.index_cast %scan3A_135 : i32 to index
      %swap3A_163 = arith.constant 80 : index
      %swap3A_164 = tpu.vector_load %arg7[%swap3A_161, %swap3A_162, %swap3A_163] {strides = array<i32>} : memref<2x128x128xf32, #tpu.memory_space<vmem>>, vector<16xf32>,
      tpu.vector_store %arg7[%swap3A_161, %swap3A_162, %swap3A_163], %broadcast_in_dim3A_24 {strides = array<i32>} : memref<2x128x128xf32, #tpu.memory_space<vmem>>, vector<16xf32>,
      %swap3A_165 = arith.constant 0 : i32
      %swap3A_166 = arith.index_cast %swap3A_165 : i32 to index
      %swap3A_167 = arith.index_cast %scan3A_135 : i32 to index
      %swap3A_168 = arith.constant 96 : index
      %swap3A_169 = tpu.vector_load %arg7[%swap3A_166, %swap3A_167, %swap3A_168] {strides = array<i32>} : memref<2x128x128xf32, #tpu.memory_space<vmem>>, vector<16xf32>,
      tpu.vector_store %arg7[%swap3A_166, %swap3A_167, %swap3A_168], %broadcast_in_dim3A_24 {strides = array<i32>} : memref<2x128x128xf32, #tpu.memory_space<vmem>>, vector<16xf32>,
      %swap3A_170 = arith.constant 0 : i32
      %swap3A_171 = arith.index_cast %swap3A_170 : i32 to index
      %swap3A_172 = arith.index_cast %scan3A_135 : i32 to index
      %swap3A_173 = arith.constant 112 : index
      %swap3A_174 = tpu.vector_load %arg7[%swap3A_171, %swap3A_172, %swap3A_173] {strides = array<i32>} : memref<2x128x128xf32, #tpu.memory_space<vmem>>, vector<16xf32>,
      tpu.vector_store %arg7[%swap3A_171, %swap3A_172, %swap3A_173], %broadcast_in_dim3A_24 {strides = array<i32>} : memref<2x128x128xf32, #tpu.memory_space<vmem>>, vector<16xf32>,
      %swap3A_175 = arith.constant 1 : i32
      %swap3A_176 = arith.index_cast %swap3A_175 : i32 to index
      %swap3A_177 = arith.index_cast %scan3A_135 : i32 to index
      %swap3A_178 = arith.constant 0 : index
      %swap3A_179 = tpu.vector_load %arg7[%swap3A_176, %swap3A_177, %swap3A_178] {strides = array<i32>} : memref<2x128x128xf32, #tpu.memory_space<vmem>>, vector<16xf32>,
      tpu.vector_store %arg7[%swap3A_176, %swap3A_177, %swap3A_178], %broadcast_in_dim3A_24 {strides = array<i32>} : memref<2x128x128xf32, #tpu.memory_space<vmem>>, vector<16xf32>,
      %swap3A_180 = arith.constant 1 : i32
      %swap3A_181 = arith.index_cast %swap3A_180 : i32 to index
      %swap3A_182 = arith.index_cast %scan3A_135 : i32 to index
      %swap3A_183 = arith.constant 16 : index
      %swap3A_184 = tpu.vector_load %arg7[%swap3A_181, %swap3A_182, %swap3A_183] {strides = array<i32>} : memref<2x128x128xf32, #tpu.memory_space<vmem>>, vector<16xf32>,
      tpu.vector_store %arg7[%swap3A_181, %swap3A_182, %swap3A_183], %broadcast_in_dim3A_24 {strides = array<i32>} : memref<2x128x128xf32, #tpu.memory_space<vmem>>, vector<16xf32>,
      %swap3A_185 = arith.constant 1 : i32
      %swap3A_186 = arith.index_cast %swap3A_185 : i32 to index
      %swap3A_187 = arith.index_cast %scan3A_135 : i32 to index
      %swap3A_188 = arith.constant 32 : index
      %swap3A_189 = tpu.vector_load %arg7[%swap3A_186, %swap3A_187, %swap3A_188] {strides = array<i32>} : memref<2x128x128xf32, #tpu.memory_space<vmem>>, vector<16xf32>,
      tpu.vector_store %arg7[%swap3A_186, %swap3A_187, %swap3A_188], %broadcast_in_dim3A_24 {strides = array<i32>} : memref<2x128x128xf32, #tpu.memory_space<vmem>>, vector<16xf32>,
      %swap3A_190 = arith.constant 1 : i32
      %swap3A_191 = arith.index_cast %swap3A_190 : i32 to index
      %swap3A_192 = arith.index_cast %scan3A_135 : i32 to index
      %swap3A_193 = arith.constant 48 : index
      %swap3A_194 = tpu.vector_load %arg7[%swap3A_191, %swap3A_192, %swap3A_193] {strides = array<i32>} : memref<2x128x128xf32, #tpu.memory_space<vmem>>, vector<16xf32>,
      tpu.vector_store %arg7[%swap3A_191, %swap3A_192, %swap3A_193], %broadcast_in_dim3A_24 {strides = array<i32>} : memref<2x128x128xf32, #tpu.memory_space<vmem>>, vector<16xf32>,
      %swap3A_195 = arith.constant 1 : i32
      %swap3A_196 = arith.index_cast %swap3A_195 : i32 to index
      %swap3A_197 = arith.index_cast %scan3A_135 : i32 to index
      %swap3A_198 = arith.constant 64 : index
      %swap3A_199 = tpu.vector_load %arg7[%swap3A_196, %swap3A_197, %swap3A_198] {strides = array<i32>} : memref<2x128x128xf32, #tpu.memory_space<vmem>>, vector<16xf32>,
      tpu.vector_store %arg7[%swap3A_196, %swap3A_197, %swap3A_198], %broadcast_in_dim3A_24 {strides = array<i32>} : memref<2x128x128xf32, #tpu.memory_space<vmem>>, vector<16xf32>,
      %swap3A_200 = arith.constant 1 : i32
      %swap3A_201 = arith.index_cast %swap3A_200 : i32 to index
      %swap3A_202 = arith.index_cast %scan3A_135 : i32 to index
      %swap3A_203 = arith.constant 80 : index
      %swap3A_204 = tpu.vector_load %arg7[%swap3A_201, %swap3A_202, %swap3A_203] {strides = array<i32>} : memref<2x128x128xf32, #tpu.memory_space<vmem>>, vector<16xf32>,
      tpu.vector_store %arg7[%swap3A_201, %swap3A_202, %swap3A_203], %broadcast_in_dim3A_24 {strides = array<i32>} : memref<2x128x128xf32, #tpu.memory_space<vmem>>, vector<16xf32>,
      %swap3A_205 = arith.constant 1 : i32
      %swap3A_206 = arith.index_cast %swap3A_205 : i32 to index
      %swap3A_207 = arith.index_cast %scan3A_135 : i32 to index
      %swap3A_208 = arith.constant 96 : index
      %swap3A_209 = tpu.vector_load %arg7[%swap3A_206, %swap3A_207, %swap3A_208] {strides = array<i32>} : memref<2x128x128xf32, #tpu.memory_space<vmem>>, vector<16xf32>,
      tpu.vector_store %arg7[%swap3A_206, %swap3A_207, %swap3A_208], %broadcast_in_dim3A_24 {strides = array<i32>} : memref<2x128x128xf32, #tpu.memory_space<vmem>>, vector<16xf32>,
      %swap3A_210 = arith.constant 1 : i32
      %swap3A_211 = arith.index_cast %swap3A_210 : i32 to index
      %swap3A_212 = arith.index_cast %scan3A_135 : i32 to index
      %swap3A_213 = arith.constant 112 : index
      %swap3A_214 = tpu.vector_load %arg7[%swap3A_211, %swap3A_212, %swap3A_213] {strides = array<i32>} : memref<2x128x128xf32, #tpu.memory_space<vmem>>, vector<16xf32>,
      tpu.vector_store %arg7[%swap3A_211, %swap3A_212, %swap3A_213], %broadcast_in_dim3A_24 {strides = array<i32>} : memref<2x128x128xf32, #tpu.memory_space<vmem>>, vector<16xf32>,
    }
    %scan3A_29 = arith.constant 128 : i32
    %iota3A = tpu.iota {dimensions = array<i32: 0>} : vector<16xi32>
    %broadcast_in_dim3A_30 = arith.constant 3 : i32
    %broadcast_in_dim3A_31 = vector.broadcast %broadcast_in_dim3A_30 : i32 to vector<16xi32>
    %broadcast_in_dim3A_32 = arith.constant 7 : i32
    %broadcast_in_dim3A_33 = vector.broadcast %broadcast_in_dim3A_32 : i32 to vector<16xi32>
    %broadcast_in_dim3A_34 = arith.constant 12 : i32
    %broadcast_in_dim3A_35 = vector.broadcast %broadcast_in_dim3A_34 : i32 to vector<16xi32>
    %broadcast_in_dim3A_36 = arith.constant 20 : i32
    %broadcast_in_dim3A_37 = vector.broadcast %broadcast_in_dim3A_36 : i32 to vector<16xi32>
    %broadcast_in_dim3A_38 = arith.constant 45 : i32
    %broadcast_in_dim3A_39 = vector.broadcast %broadcast_in_dim3A_38 : i32 to vector<16xi32>
    %broadcast_in_dim3A_40 = arith.constant 60 : i32
    %broadcast_in_dim3A_41 = vector.broadcast %broadcast_in_dim3A_40 : i32 to vector<16xi32>
    %broadcast_in_dim3A_42 = arith.constant 77 : i32
    %broadcast_in_dim3A_43 = vector.broadcast %broadcast_in_dim3A_42 : i32 to vector<16xi32>
    %broadcast_in_dim3A_44 = arith.constant 0 : i32
    %broadcast_in_dim3A_45 = vector.broadcast %broadcast_in_dim3A_44 : i32 to vector<16xi32>
    %broadcast_in_dim3A_46 = arith.constant 1 : i32
    %broadcast_in_dim3A_47 = vector.broadcast %broadcast_in_dim3A_46 : i32 to vector<16xi32>
    %broadcast_in_dim3A_48 = arith.constant 2 : i32
    %broadcast_in_dim3A_49 = vector.broadcast %broadcast_in_dim3A_48 : i32 to vector<16xi32>
    %broadcast_in_dim3A_50 = arith.constant 3 : i32
    %broadcast_in_dim3A_51 = vector.broadcast %broadcast_in_dim3A_50 : i32 to vector<16xi32>
    %broadcast_in_dim3A_52 = arith.constant 4 : i32
    %broadcast_in_dim3A_53 = vector.broadcast %broadcast_in_dim3A_52 : i32 to vector<16xi32>
    %broadcast_in_dim3A_54 = arith.constant 5 : i32
    %broadcast_in_dim3A_55 = vector.broadcast %broadcast_in_dim3A_54 : i32 to vector<16xi32>
    %broadcast_in_dim3A_56 = arith.constant 6 : i32
    %broadcast_in_dim3A_57 = vector.broadcast %broadcast_in_dim3A_56 : i32 to vector<16xi32>
    %scan3A_58 = arith.constant 0 : i32
    %scan3A_59 = arith.constant 0 : i32
    %scan3A_60 = arith.constant 8 : i32
    %scan3A_61 = arith.addi %scan3A_59, %scan3A_60 : i32
    %scan3A_62 = arith.constant 1 : i32
    scf.for %scan3A_135 = %scan3A_59 to %scan3A_61 step %scan3A_62  : i32 {
      %mul3A_136 = arith.constant 2 : i32
      %mul3A_137 = arith.muli %scan3A_135, %mul3A_136 : i32
      %add3A_138 = arith.constant 0 : i32
      %add3A_139 = arith.addi %mul3A_137, %add3A_138 : i32
      %add3A_140 = arith.constant 1 : i32
      %add3A_141 = arith.addi %add3A_139, %add3A_140 : i32
      %lt3A = arith.constant 16 : i32
      %lt3A_142 = arith.cmpi slt, %add3A_141, %lt3A : i32
      %convert_element_type3A = arith.extui %lt3A_142 : i1 to i32
      %cond3A = arith.constant 0 : i32
      %cond3A_143 = arith.cmpi ne, %convert_element_type3A, %cond3A : i32
      scf.if %cond3A_143 {
        %add3A_2881 = arith.constant 1 : i32
        %add3A_2882 = arith.addi %add3A_139, %add3A_2881 : i32
        %mul3A_2883 = arith.constant 128 : i32
        %mul3A_2884 = arith.muli %add3A_2882, %mul3A_2883 : i32
        %add3A_2885 = arith.addi %mul3A_2, %mul3A_2884 : i32
        %dma_start3A_2886 = arith.constant 1 : i32
        %dma_start3A_2887 = arith.constant 1 : i32
        %dma_start3A_2888 = arith.constant 0 : i32
        %dma_start3A_2889 = arith.constant 0 : i32
        %dma_start3A_2890 = tpu.memref_slice %arg6[%dma_start3A_2886, %dma_start3A_2888, %dma_start3A_2889] : memref<2x128x128xf32, #tpu.memory_space<vmem>> -> memref<1x128x128xf32, #tpu.memory_space<vmem>>
        %dma_start3A_2891 = tpu.memref_squeeze %dma_start3A_2890 : memref<1x128x128xf32, #tpu.memory_space<vmem>> -> memref<128x128xf32, #tpu.memory_space<vmem>>
        %dma_start3A_2892 = arith.constant 0 : i32
        %dma_start3A_2893 = tpu.memref_slice %arg2[%add3A_2885, %dma_start3A_2892] : memref<65536x128xf32, #tpu.memory_space<hbm>> -> memref<128x128xf32, #tpu.memory_space<hbm>>
        %dma_start3A_2894 = tpu.memref_slice %arg10[%dma_start3A_2887] : memref<2x!tpu.dma_semaphore, #tpu.memory_space<semaphore_mem>> -> memref<1x!tpu.dma_semaphore, #tpu.memory_space<semaphore_mem>>
        %dma_start3A_2895 = tpu.memref_squeeze %dma_start3A_2894 : memref<1x!tpu.dma_semaphore, #tpu.memory_space<semaphore_mem>> -> memref<!tpu.dma_semaphore, #tpu.memory_space<semaphore_mem>>
        %dma_start3A_2896 = arith.constant 0 : i32
        %dma_start3A_2897 = arith.constant 0 : i32
        %dma_start3A_2898 = tpu.memref_slice %arg6[%dma_start3A_2886, %dma_start3A_2896, %dma_start3A_2897] : memref<2x128x128xf32, #tpu.memory_space<vmem>> -> memref<1x128x128xf32, #tpu.memory_space<vmem>>
        %dma_start3A_2899 = tpu.memref_squeeze %dma_start3A_2898 : memref<1x128x128xf32, #tpu.memory_space<vmem>> -> memref<128x128xf32, #tpu.memory_space<vmem>>
        %dma_start3A_2900 = arith.constant 0 : i32
        %dma_start3A_2901 = tpu.memref_slice %arg2[%add3A_2885, %dma_start3A_2900] : memref<65536x128xf32, #tpu.memory_space<hbm>> -> memref<128x128xf32, #tpu.memory_space<hbm>>
        tpu.enqueue_dma source(%dma_start3A_2901 : memref<128x128xf32, #tpu.memory_space<hbm>>) target(%dma_start3A_2899 : memref<128x128xf32, #tpu.memory_space<vmem>>) target_semaphore(%dma_start3A_2895 : memref<!tpu.dma_semaphore, #tpu.memory_space<semaphore_mem>>)
      } else {
      }
      %mul3A_144 = arith.constant 128 : i32
      %mul3A_145 = arith.muli %add3A_139, %mul3A_144 : i32
      %add3A_146 = arith.addi %mul3A_2, %mul3A_145 : i32
      %dma_wait3A_147 = arith.constant 0 : i32
      %dma_wait3A_148 = arith.constant 0 : i32
      %dma_wait3A_149 = arith.constant 0 : i32
      %dma_wait3A_150 = arith.constant 0 : i32
      %dma_wait3A_151 = tpu.memref_slice %arg6[%dma_wait3A_147, %dma_wait3A_149, %dma_wait3A_150] : memref<2x128x128xf32, #tpu.memory_space<vmem>> -> memref<1x128x128xf32, #tpu.memory_space<vmem>>
      %dma_wait3A_152 = tpu.memref_squeeze %dma_wait3A_151 : memref<1x128x128xf32, #tpu.memory_space<vmem>> -> memref<128x128xf32, #tpu.memory_space<vmem>>
      %dma_wait3A_153 = arith.constant 0 : i32
      %dma_wait3A_154 = tpu.memref_slice %arg2[%add3A_146, %dma_wait3A_153] : memref<65536x128xf32, #tpu.memory_space<hbm>> -> memref<128x128xf32, #tpu.memory_space<hbm>>
      %dma_wait3A_155 = tpu.memref_slice %arg10[%dma_wait3A_148] : memref<2x!tpu.dma_semaphore, #tpu.memory_space<semaphore_mem>> -> memref<1x!tpu.dma_semaphore, #tpu.memory_space<semaphore_mem>>
      %dma_wait3A_156 = tpu.memref_squeeze %dma_wait3A_155 : memref<1x!tpu.dma_semaphore, #tpu.memory_space<semaphore_mem>> -> memref<!tpu.dma_semaphore, #tpu.memory_space<semaphore_mem>>
      %dma_wait3A_157 = arith.constant 0 : i32
      %dma_wait3A_158 = arith.constant 0 : i32
      %dma_wait3A_159 = tpu.memref_slice %arg6[%dma_wait3A_147, %dma_wait3A_157, %dma_wait3A_158] : memref<2x128x128xf32, #tpu.memory_space<vmem>> -> memref<1x128x128xf32, #tpu.memory_space<vmem>>
      %dma_wait3A_160 = tpu.memref_squeeze %dma_wait3A_159 : memref<1x128x128xf32, #tpu.memory_space<vmem>> -> memref<128x128xf32, #tpu.memory_space<vmem>>
      %dma_wait3A_161 = arith.constant 0 : i32
      %dma_wait3A_162 = tpu.memref_slice %arg2[%add3A_146, %dma_wait3A_161] : memref<65536x128xf32, #tpu.memory_space<hbm>> -> memref<128x128xf32, #tpu.memory_space<hbm>>
      tpu.wait_dma2 semaphore(%dma_wait3A_156 : memref<!tpu.dma_semaphore, #tpu.memory_space<semaphore_mem>>) src(%dma_wait3A_162 : memref<128x128xf32, #tpu.memory_space<hbm>>) dst(%dma_wait3A_160 : memref<128x128xf32, #tpu.memory_space<vmem>>)
      %ge3A = arith.constant 2 : i32
      %ge3A_163 = arith.cmpi sge, %add3A_139, %ge3A : i32
      %convert_element_type3A_164 = arith.extui %ge3A_163 : i1 to i32
      %cond3A_165 = arith.constant 0 : i32
      %cond3A_166 = arith.cmpi ne, %convert_element_type3A_164, %cond3A_165 : i32
      scf.if %cond3A_166 {
        %sub3A = arith.constant 2 : i32
        %sub3A_2881 = arith.subi %add3A_139, %sub3A : i32
        %mul3A_2882 = arith.constant 128 : i32
        %mul3A_2883 = arith.muli %sub3A_2881, %mul3A_2882 : i32
        %add3A_2884 = arith.addi %mul3A_2, %mul3A_2883 : i32
        %dma_wait3A_2885 = arith.constant 0 : i32
        %dma_wait3A_2886 = arith.constant 0 : i32
        %dma_wait3A_2887 = arith.constant 0 : i32
        %dma_wait3A_2888 = arith.constant 0 : i32
        %dma_wait3A_2889 = tpu.memref_slice %arg7[%dma_wait3A_2885, %dma_wait3A_2887, %dma_wait3A_2888] : memref<2x128x128xf32, #tpu.memory_space<vmem>> -> memref<1x128x128xf32, #tpu.memory_space<vmem>>
        %dma_wait3A_2890 = tpu.memref_squeeze %dma_wait3A_2889 : memref<1x128x128xf32, #tpu.memory_space<vmem>> -> memref<128x128xf32, #tpu.memory_space<vmem>>
        %dma_wait3A_2891 = arith.constant 0 : i32
        %dma_wait3A_2892 = tpu.memref_slice %arg4[%add3A_2884, %dma_wait3A_2891] : memref<65536x128xf32, #tpu.memory_space<hbm>> -> memref<128x128xf32, #tpu.memory_space<hbm>>
        %dma_wait3A_2893 = tpu.memref_slice %arg11[%dma_wait3A_2886] : memref<2x!tpu.dma_semaphore, #tpu.memory_space<semaphore_mem>> -> memref<1x!tpu.dma_semaphore, #tpu.memory_space<semaphore_mem>>
        %dma_wait3A_2894 = tpu.memref_squeeze %dma_wait3A_2893 : memref<1x!tpu.dma_semaphore, #tpu.memory_space<semaphore_mem>> -> memref<!tpu.dma_semaphore, #tpu.memory_space<semaphore_mem>>
        %dma_wait3A_2895 = arith.constant 0 : i32
        %dma_wait3A_2896 = tpu.memref_slice %arg4[%add3A_2884, %dma_wait3A_2895] : memref<65536x128xf32, #tpu.memory_space<hbm>> -> memref<128x128xf32, #tpu.memory_space<hbm>>
        %dma_wait3A_2897 = arith.constant 0 : i32
        %dma_wait3A_2898 = arith.constant 0 : i32
        %dma_wait3A_2899 = tpu.memref_slice %arg7[%dma_wait3A_2885, %dma_wait3A_2897, %dma_wait3A_2898] : memref<2x128x128xf32, #tpu.memory_space<vmem>> -> memref<1x128x128xf32, #tpu.memory_space<vmem>>
        %dma_wait3A_2900 = tpu.memref_squeeze %dma_wait3A_2899 : memref<1x128x128xf32, #tpu.memory_space<vmem>> -> memref<128x128xf32, #tpu.memory_space<vmem>>
        tpu.wait_dma2 semaphore(%dma_wait3A_2894 : memref<!tpu.dma_semaphore, #tpu.memory_space<semaphore_mem>>) src(%dma_wait3A_2900 : memref<128x128xf32, #tpu.memory_space<vmem>>) dst(%dma_wait3A_2896 : memref<128x128xf32, #tpu.memory_space<hbm>>)
        %sub3A_2901 = arith.constant 2 : i32
        %sub3A_2902 = arith.subi %add3A_139, %sub3A_2901 : i32
        %mul3A_2903 = arith.constant 128 : i32
        %mul3A_2904 = arith.muli %sub3A_2902, %mul3A_2903 : i32
        %add3A_2905 = arith.addi %mul3A_2, %mul3A_2904 : i32
        %dma_wait3A_2906 = arith.constant 0 : i32
        %dma_wait3A_2907 = arith.constant 0 : i32
        %dma_wait3A_2908 = arith.constant 0 : i32
        %dma_wait3A_2909 = arith.constant 0 : i32
        %dma_wait3A_2910 = tpu.memref_slice %arg8[%dma_wait3A_2906, %dma_wait3A_2908, %dma_wait3A_2909] : memref<2x128x7xf32, #tpu.memory_space<vmem>> -> memref<1x128x7xf32, #tpu.memory_space<vmem>>
        %dma_wait3A_2911 = tpu.memref_squeeze %dma_wait3A_2910 : memref<1x128x7xf32, #tpu.memory_space<vmem>> -> memref<128x7xf32, #tpu.memory_space<vmem>>
        %dma_wait3A_2912 = arith.constant 0 : i32
        %dma_wait3A_2913 = tpu.memref_slice %arg5[%add3A_2905, %dma_wait3A_2912] : memref<65536x7xf32, #tpu.memory_space<hbm>> -> memref<128x7xf32, #tpu.memory_space<hbm>>
        %dma_wait3A_2914 = tpu.memref_slice %arg12[%dma_wait3A_2907] : memref<2x!tpu.dma_semaphore, #tpu.memory_space<semaphore_mem>> -> memref<1x!tpu.dma_semaphore, #tpu.memory_space<semaphore_mem>>
        %dma_wait3A_2915 = tpu.memref_squeeze %dma_wait3A_2914 : memref<1x!tpu.dma_semaphore, #tpu.memory_space<semaphore_mem>> -> memref<!tpu.dma_semaphore, #tpu.memory_space<semaphore_mem>>
        %dma_wait3A_2916 = arith.constant 0 : i32
        %dma_wait3A_2917 = tpu.memref_slice %arg5[%add3A_2905, %dma_wait3A_2916] : memref<65536x7xf32, #tpu.memory_space<hbm>> -> memref<128x7xf32, #tpu.memory_space<hbm>>
        %dma_wait3A_2918 = arith.constant 0 : i32
        %dma_wait3A_2919 = arith.constant 0 : i32
        %dma_wait3A_2920 = tpu.memref_slice %arg8[%dma_wait3A_2906, %dma_wait3A_2918, %dma_wait3A_2919] : memref<2x128x7xf32, #tpu.memory_space<vmem>> -> memref<1x128x7xf32, #tpu.memory_space<vmem>>
        %dma_wait3A_2921 = tpu.memref_squeeze %dma_wait3A_2920 : memref<1x128x7xf32, #tpu.memory_space<vmem>> -> memref<128x7xf32, #tpu.memory_space<vmem>>
        tpu.wait_dma2 semaphore(%dma_wait3A_2915 : memref<!tpu.dma_semaphore, #tpu.memory_space<semaphore_mem>>) src(%dma_wait3A_2921 : memref<128x7xf32, #tpu.memory_space<vmem>>) dst(%dma_wait3A_2917 : memref<128x7xf32, #tpu.memory_space<hbm>>)
      } else {
      }
      %add3A_167 = arith.constant 0 : i32
      %add3A_168 = vector.broadcast %add3A_167 : i32 to vector<16xi32>
      %add3A_169 = arith.addi %iota3A, %add3A_168 : vector<16xi32>
      %gather3A = arith.constant 0 : i32
      %gather3A_170 = arith.constant 0 : i32
      %gather3A_171 = arith.constant 0 : i32
      %gather3A_172 = tpu.memref_slice %arg6[%gather3A, %gather3A_170, %gather3A_171] : memref<2x128x128xf32, #tpu.memory_space<vmem>> -> memref<1x128x128xf32, #tpu.memory_space<vmem>>
      %gather3A_173 = tpu.memref_squeeze %gather3A_172 : memref<1x128x128xf32, #tpu.memory_space<vmem>> -> memref<128x128xf32, #tpu.memory_space<vmem>>
      %gather3A_174 = tpu.vector_load_idx %gather3A_173[%add3A_169, %broadcast_in_dim3A_31] : memref<128x128xf32, #tpu.memory_space<vmem>>[vector<16xi32>, vector<16xi32>], vector<16xf32>,
      %gather3A_175 = arith.constant 0 : i32
      %gather3A_176 = arith.constant 0 : i32
      %gather3A_177 = arith.constant 0 : i32
      %gather3A_178 = tpu.memref_slice %arg6[%gather3A_175, %gather3A_176, %gather3A_177] : memref<2x128x128xf32, #tpu.memory_space<vmem>> -> memref<1x128x128xf32, #tpu.memory_space<vmem>>
      %gather3A_179 = tpu.memref_squeeze %gather3A_178 : memref<1x128x128xf32, #tpu.memory_space<vmem>> -> memref<128x128xf32, #tpu.memory_space<vmem>>
      %gather3A_180 = tpu.vector_load_idx %gather3A_179[%add3A_169, %broadcast_in_dim3A_33] : memref<128x128xf32, #tpu.memory_space<vmem>>[vector<16xi32>, vector<16xi32>], vector<16xf32>,
      %gather3A_181 = arith.constant 0 : i32
      %gather3A_182 = arith.constant 0 : i32
      %gather3A_183 = arith.constant 0 : i32
      %gather3A_184 = tpu.memref_slice %arg6[%gather3A_181, %gather3A_182, %gather3A_183] : memref<2x128x128xf32, #tpu.memory_space<vmem>> -> memref<1x128x128xf32, #tpu.memory_space<vmem>>
      %gather3A_185 = tpu.memref_squeeze %gather3A_184 : memref<1x128x128xf32, #tpu.memory_space<vmem>> -> memref<128x128xf32, #tpu.memory_space<vmem>>
      %gather3A_186 = tpu.vector_load_idx %gather3A_185[%add3A_169, %broadcast_in_dim3A_35] : memref<128x128xf32, #tpu.memory_space<vmem>>[vector<16xi32>, vector<16xi32>], vector<16xf32>,
      %gather3A_187 = arith.constant 0 : i32
      %gather3A_188 = arith.constant 0 : i32
      %gather3A_189 = arith.constant 0 : i32
      %gather3A_190 = tpu.memref_slice %arg6[%gather3A_187, %gather3A_188, %gather3A_189] : memref<2x128x128xf32, #tpu.memory_space<vmem>> -> memref<1x128x128xf32, #tpu.memory_space<vmem>>
      %gather3A_191 = tpu.memref_squeeze %gather3A_190 : memref<1x128x128xf32, #tpu.memory_space<vmem>> -> memref<128x128xf32, #tpu.memory_space<vmem>>
      %gather3A_192 = tpu.vector_load_idx %gather3A_191[%add3A_169, %broadcast_in_dim3A_37] : memref<128x128xf32, #tpu.memory_space<vmem>>[vector<16xi32>, vector<16xi32>], vector<16xf32>,
      %gather3A_193 = arith.constant 0 : i32
      %gather3A_194 = arith.constant 0 : i32
      %gather3A_195 = arith.constant 0 : i32
      %gather3A_196 = tpu.memref_slice %arg6[%gather3A_193, %gather3A_194, %gather3A_195] : memref<2x128x128xf32, #tpu.memory_space<vmem>> -> memref<1x128x128xf32, #tpu.memory_space<vmem>>
      %gather3A_197 = tpu.memref_squeeze %gather3A_196 : memref<1x128x128xf32, #tpu.memory_space<vmem>> -> memref<128x128xf32, #tpu.memory_space<vmem>>
      %gather3A_198 = tpu.vector_load_idx %gather3A_197[%add3A_169, %broadcast_in_dim3A_39] : memref<128x128xf32, #tpu.memory_space<vmem>>[vector<16xi32>, vector<16xi32>], vector<16xf32>,
      %gather3A_199 = arith.constant 0 : i32
      %gather3A_200 = arith.constant 0 : i32
      %gather3A_201 = arith.constant 0 : i32
      %gather3A_202 = tpu.memref_slice %arg6[%gather3A_199, %gather3A_200, %gather3A_201] : memref<2x128x128xf32, #tpu.memory_space<vmem>> -> memref<1x128x128xf32, #tpu.memory_space<vmem>>
      %gather3A_203 = tpu.memref_squeeze %gather3A_202 : memref<1x128x128xf32, #tpu.memory_space<vmem>> -> memref<128x128xf32, #tpu.memory_space<vmem>>
      %gather3A_204 = tpu.vector_load_idx %gather3A_203[%add3A_169, %broadcast_in_dim3A_41] : memref<128x128xf32, #tpu.memory_space<vmem>>[vector<16xi32>, vector<16xi32>], vector<16xf32>,
      %gather3A_205 = arith.constant 0 : i32
      %gather3A_206 = arith.constant 0 : i32
      %gather3A_207 = arith.constant 0 : i32
      %gather3A_208 = tpu.memref_slice %arg6[%gather3A_205, %gather3A_206, %gather3A_207] : memref<2x128x128xf32, #tpu.memory_space<vmem>> -> memref<1x128x128xf32, #tpu.memory_space<vmem>>
      %gather3A_209 = tpu.memref_squeeze %gather3A_208 : memref<1x128x128xf32, #tpu.memory_space<vmem>> -> memref<128x128xf32, #tpu.memory_space<vmem>>
      %gather3A_210 = tpu.vector_load_idx %gather3A_209[%add3A_169, %broadcast_in_dim3A_43] : memref<128x128xf32, #tpu.memory_space<vmem>>[vector<16xi32>, vector<16xi32>], vector<16xf32>,
      %mul3A_211 = arith.constant -1.000000e+00 : f32
      %mul3A_212 = vector.broadcast %mul3A_211 : f32 to vector<16xf32>
      %mul3A_213 = arith.mulf %gather3A_174, %mul3A_212 : vector<16xf32>
      %exp3A = math.exp %mul3A_213 : vector<16xf32>
      %mul3A_214 = arith.constant 1.000000e+00 : f32
      %mul3A_215 = vector.broadcast %mul3A_214 : f32 to vector<16xf32>
      %mul3A_216 = arith.mulf %gather3A_180, %mul3A_215 : vector<16xf32>
      %exp3A_217 = math.exp %mul3A_216 : vector<16xf32>
      %mul3A_218 = arith.constant -1.000000e+00 : f32
      %mul3A_219 = vector.broadcast %mul3A_218 : f32 to vector<16xf32>
      %mul3A_220 = arith.mulf %gather3A_186, %mul3A_219 : vector<16xf32>
      %exp3A_221 = math.exp %mul3A_220 : vector<16xf32>
      %mul3A_222 = arith.constant 1.000000e+00 : f32
      %mul3A_223 = vector.broadcast %mul3A_222 : f32 to vector<16xf32>
      %mul3A_224 = arith.mulf %gather3A_192, %mul3A_223 : vector<16xf32>
      %exp3A_225 = math.exp %mul3A_224 : vector<16xf32>
      %add3A_226 = arith.addf %exp3A, %exp3A_217 : vector<16xf32>
      %add3A_227 = arith.addf %exp3A_221, %exp3A_225 : vector<16xf32>
      %add3A_228 = arith.addf %add3A_226, %add3A_227 : vector<16xf32>
      %div3A = arith.divf %min3A_23, %add3A_228 : vector<16xf32>
      %neg3A = arith.constant 0.000000e+00 : f32
      %neg3A_229 = vector.broadcast %neg3A : f32 to vector<16xf32>
      %neg3A_230 = arith.subf %neg3A_229, %div3A : vector<16xf32>
      %mul3A_231 = arith.mulf %exp3A, %neg3A_230 : vector<16xf32>
      %mul3A_232 = arith.mulf %exp3A_217, %div3A : vector<16xf32>
      %mul3A_233 = arith.mulf %exp3A_221, %neg3A_230 : vector<16xf32>
      %mul3A_234 = arith.mulf %exp3A_225, %div3A : vector<16xf32>
      %mul3A_235 = arith.constant 1.000000e+00 : f32
      %mul3A_236 = vector.broadcast %mul3A_235 : f32 to vector<16xf32>
      %mul3A_237 = arith.mulf %gather3A_198, %mul3A_236 : vector<16xf32>
      %exp3A_238 = math.exp %mul3A_237 : vector<16xf32>
      %mul3A_239 = arith.constant -1.000000e+00 : f32
      %mul3A_240 = vector.broadcast %mul3A_239 : f32 to vector<16xf32>
      %mul3A_241 = arith.mulf %gather3A_204, %mul3A_240 : vector<16xf32>
      %exp3A_242 = math.exp %mul3A_241 : vector<16xf32>
      %mul3A_243 = arith.constant 1.000000e+00 : f32
      %mul3A_244 = vector.broadcast %mul3A_243 : f32 to vector<16xf32>
      %mul3A_245 = arith.mulf %gather3A_210, %mul3A_244 : vector<16xf32>
      %exp3A_246 = math.exp %mul3A_245 : vector<16xf32>
      %add3A_247 = arith.addf %exp3A_238, %exp3A_242 : vector<16xf32>
      %add3A_248 = arith.addf %add3A_247, %exp3A_246 : vector<16xf32>
      %div3A_249 = arith.divf %min3A_23, %add3A_248 : vector<16xf32>
      %neg3A_250 = arith.constant 0.000000e+00 : f32
      %neg3A_251 = vector.broadcast %neg3A_250 : f32 to vector<16xf32>
      %neg3A_252 = arith.subf %neg3A_251, %div3A_249 : vector<16xf32>
      %mul3A_253 = arith.mulf %exp3A_238, %div3A_249 : vector<16xf32>
      %mul3A_254 = arith.mulf %exp3A_242, %neg3A_252 : vector<16xf32>
      %mul3A_255 = arith.mulf %exp3A_246, %div3A_249 : vector<16xf32>
      %scatter3A = arith.constant 0 : i32
      %scatter3A_256 = arith.constant 0 : i32
      %scatter3A_257 = arith.constant 0 : i32
      %scatter3A_258 = tpu.memref_slice %arg7[%scatter3A, %scatter3A_256, %scatter3A_257] : memref<2x128x128xf32, #tpu.memory_space<vmem>> -> memref<1x128x128xf32, #tpu.memory_space<vmem>>
      %scatter3A_259 = tpu.memref_squeeze %scatter3A_258 : memref<1x128x128xf32, #tpu.memory_space<vmem>> -> memref<128x128xf32, #tpu.memory_space<vmem>>
      tpu.vector_store_idx %scatter3A_259[%add3A_169, %broadcast_in_dim3A_31], %mul3A_231 : memref<128x128xf32, #tpu.memory_space<vmem>>[vector<16xi32>, vector<16xi32>], vector<16xf32>,
      %scatter3A_260 = arith.constant 0 : i32
      %scatter3A_261 = arith.constant 0 : i32
      %scatter3A_262 = arith.constant 0 : i32
      %scatter3A_263 = tpu.memref_slice %arg8[%scatter3A_260, %scatter3A_261, %scatter3A_262] : memref<2x128x7xf32, #tpu.memory_space<vmem>> -> memref<1x128x7xf32, #tpu.memory_space<vmem>>
      %scatter3A_264 = tpu.memref_squeeze %scatter3A_263 : memref<1x128x7xf32, #tpu.memory_space<vmem>> -> memref<128x7xf32, #tpu.memory_space<vmem>>
      tpu.vector_store_idx %scatter3A_264[%add3A_169, %broadcast_in_dim3A_45], %mul3A_231 : memref<128x7xf32, #tpu.memory_space<vmem>>[vector<16xi32>, vector<16xi32>], vector<16xf32>,
      %scatter3A_265 = arith.constant 0 : i32
      %scatter3A_266 = arith.constant 0 : i32
      %scatter3A_267 = arith.constant 0 : i32
      %scatter3A_268 = tpu.memref_slice %arg7[%scatter3A_265, %scatter3A_266, %scatter3A_267] : memref<2x128x128xf32, #tpu.memory_space<vmem>> -> memref<1x128x128xf32, #tpu.memory_space<vmem>>
      %scatter3A_269 = tpu.memref_squeeze %scatter3A_268 : memref<1x128x128xf32, #tpu.memory_space<vmem>> -> memref<128x128xf32, #tpu.memory_space<vmem>>
      tpu.vector_store_idx %scatter3A_269[%add3A_169, %broadcast_in_dim3A_33], %mul3A_232 : memref<128x128xf32, #tpu.memory_space<vmem>>[vector<16xi32>, vector<16xi32>], vector<16xf32>,
      %scatter3A_270 = arith.constant 0 : i32
      %scatter3A_271 = arith.constant 0 : i32
      %scatter3A_272 = arith.constant 0 : i32
      %scatter3A_273 = tpu.memref_slice %arg8[%scatter3A_270, %scatter3A_271, %scatter3A_272] : memref<2x128x7xf32, #tpu.memory_space<vmem>> -> memref<1x128x7xf32, #tpu.memory_space<vmem>>
      %scatter3A_274 = tpu.memref_squeeze %scatter3A_273 : memref<1x128x7xf32, #tpu.memory_space<vmem>> -> memref<128x7xf32, #tpu.memory_space<vmem>>
      tpu.vector_store_idx %scatter3A_274[%add3A_169, %broadcast_in_dim3A_47], %mul3A_232 : memref<128x7xf32, #tpu.memory_space<vmem>>[vector<16xi32>, vector<16xi32>], vector<16xf32>,
      %scatter3A_275 = arith.constant 0 : i32
      %scatter3A_276 = arith.constant 0 : i32
      %scatter3A_277 = arith.constant 0 : i32
      %scatter3A_278 = tpu.memref_slice %arg7[%scatter3A_275, %scatter3A_276, %scatter3A_277] : memref<2x128x128xf32, #tpu.memory_space<vmem>> -> memref<1x128x128xf32, #tpu.memory_space<vmem>>
      %scatter3A_279 = tpu.memref_squeeze %scatter3A_278 : memref<1x128x128xf32, #tpu.memory_space<vmem>> -> memref<128x128xf32, #tpu.memory_space<vmem>>
      tpu.vector_store_idx %scatter3A_279[%add3A_169, %broadcast_in_dim3A_35], %mul3A_233 : memref<128x128xf32, #tpu.memory_space<vmem>>[vector<16xi32>, vector<16xi32>], vector<16xf32>,
      %scatter3A_280 = arith.constant 0 : i32
      %scatter3A_281 = arith.constant 0 : i32
      %scatter3A_282 = arith.constant 0 : i32
      %scatter3A_283 = tpu.memref_slice %arg8[%scatter3A_280, %scatter3A_281, %scatter3A_282] : memref<2x128x7xf32, #tpu.memory_space<vmem>> -> memref<1x128x7xf32, #tpu.memory_space<vmem>>
      %scatter3A_284 = tpu.memref_squeeze %scatter3A_283 : memref<1x128x7xf32, #tpu.memory_space<vmem>> -> memref<128x7xf32, #tpu.memory_space<vmem>>
      tpu.vector_store_idx %scatter3A_284[%add3A_169, %broadcast_in_dim3A_49], %mul3A_233 : memref<128x7xf32, #tpu.memory_space<vmem>>[vector<16xi32>, vector<16xi32>], vector<16xf32>,
      %scatter3A_285 = arith.constant 0 : i32
      %scatter3A_286 = arith.constant 0 : i32
      %scatter3A_287 = arith.constant 0 : i32
      %scatter3A_288 = tpu.memref_slice %arg7[%scatter3A_285, %scatter3A_286, %scatter3A_287] : memref<2x128x128xf32, #tpu.memory_space<vmem>> -> memref<1x128x128xf32, #tpu.memory_space<vmem>>
      %scatter3A_289 = tpu.memref_squeeze %scatter3A_288 : memref<1x128x128xf32, #tpu.memory_space<vmem>> -> memref<128x128xf32, #tpu.memory_space<vmem>>
      tpu.vector_store_idx %scatter3A_289[%add3A_169, %broadcast_in_dim3A_37], %mul3A_234 : memref<128x128xf32, #tpu.memory_space<vmem>>[vector<16xi32>, vector<16xi32>], vector<16xf32>,
      %scatter3A_290 = arith.constant 0 : i32
      %scatter3A_291 = arith.constant 0 : i32
      %scatter3A_292 = arith.constant 0 : i32
      %scatter3A_293 = tpu.memref_slice %arg8[%scatter3A_290, %scatter3A_291, %scatter3A_292] : memref<2x128x7xf32, #tpu.memory_space<vmem>> -> memref<1x128x7xf32, #tpu.memory_space<vmem>>
      %scatter3A_294 = tpu.memref_squeeze %scatter3A_293 : memref<1x128x7xf32, #tpu.memory_space<vmem>> -> memref<128x7xf32, #tpu.memory_space<vmem>>
      tpu.vector_store_idx %scatter3A_294[%add3A_169, %broadcast_in_dim3A_51], %mul3A_234 : memref<128x7xf32, #tpu.memory_space<vmem>>[vector<16xi32>, vector<16xi32>], vector<16xf32>,
      %scatter3A_295 = arith.constant 0 : i32
      %scatter3A_296 = arith.constant 0 : i32
      %scatter3A_297 = arith.constant 0 : i32
      %scatter3A_298 = tpu.memref_slice %arg7[%scatter3A_295, %scatter3A_296, %scatter3A_297] : memref<2x128x128xf32, #tpu.memory_space<vmem>> -> memref<1x128x128xf32, #tpu.memory_space<vmem>>
      %scatter3A_299 = tpu.memref_squeeze %scatter3A_298 : memref<1x128x128xf32, #tpu.memory_space<vmem>> -> memref<128x128xf32, #tpu.memory_space<vmem>>
      tpu.vector_store_idx %scatter3A_299[%add3A_169, %broadcast_in_dim3A_39], %mul3A_253 : memref<128x128xf32, #tpu.memory_space<vmem>>[vector<16xi32>, vector<16xi32>], vector<16xf32>,
      %scatter3A_300 = arith.constant 0 : i32
      %scatter3A_301 = arith.constant 0 : i32
      %scatter3A_302 = arith.constant 0 : i32
      %scatter3A_303 = tpu.memref_slice %arg8[%scatter3A_300, %scatter3A_301, %scatter3A_302] : memref<2x128x7xf32, #tpu.memory_space<vmem>> -> memref<1x128x7xf32, #tpu.memory_space<vmem>>
      %scatter3A_304 = tpu.memref_squeeze %scatter3A_303 : memref<1x128x7xf32, #tpu.memory_space<vmem>> -> memref<128x7xf32, #tpu.memory_space<vmem>>
      tpu.vector_store_idx %scatter3A_304[%add3A_169, %broadcast_in_dim3A_53], %mul3A_253 : memref<128x7xf32, #tpu.memory_space<vmem>>[vector<16xi32>, vector<16xi32>], vector<16xf32>,
      %scatter3A_305 = arith.constant 0 : i32
      %scatter3A_306 = arith.constant 0 : i32
      %scatter3A_307 = arith.constant 0 : i32
      %scatter3A_308 = tpu.memref_slice %arg7[%scatter3A_305, %scatter3A_306, %scatter3A_307] : memref<2x128x128xf32, #tpu.memory_space<vmem>> -> memref<1x128x128xf32, #tpu.memory_space<vmem>>
      %scatter3A_309 = tpu.memref_squeeze %scatter3A_308 : memref<1x128x128xf32, #tpu.memory_space<vmem>> -> memref<128x128xf32, #tpu.memory_space<vmem>>
      tpu.vector_store_idx %scatter3A_309[%add3A_169, %broadcast_in_dim3A_41], %mul3A_254 : memref<128x128xf32, #tpu.memory_space<vmem>>[vector<16xi32>, vector<16xi32>], vector<16xf32>,
      %scatter3A_310 = arith.constant 0 : i32
      %scatter3A_311 = arith.constant 0 : i32
      %scatter3A_312 = arith.constant 0 : i32
      %scatter3A_313 = tpu.memref_slice %arg8[%scatter3A_310, %scatter3A_311, %scatter3A_312] : memref<2x128x7xf32, #tpu.memory_space<vmem>> -> memref<1x128x7xf32, #tpu.memory_space<vmem>>
      %scatter3A_314 = tpu.memref_squeeze %scatter3A_313 : memref<1x128x7xf32, #tpu.memory_space<vmem>> -> memref<128x7xf32, #tpu.memory_space<vmem>>
      tpu.vector_store_idx %scatter3A_314[%add3A_169, %broadcast_in_dim3A_55], %mul3A_254 : memref<128x7xf32, #tpu.memory_space<vmem>>[vector<16xi32>, vector<16xi32>], vector<16xf32>,
      %scatter3A_315 = arith.constant 0 : i32
      %scatter3A_316 = arith.constant 0 : i32
      %scatter3A_317 = arith.constant 0 : i32
      %scatter3A_318 = tpu.memref_slice %arg7[%scatter3A_315, %scatter3A_316, %scatter3A_317] : memref<2x128x128xf32, #tpu.memory_space<vmem>> -> memref<1x128x128xf32, #tpu.memory_space<vmem>>
      %scatter3A_319 = tpu.memref_squeeze %scatter3A_318 : memref<1x128x128xf32, #tpu.memory_space<vmem>> -> memref<128x128xf32, #tpu.memory_space<vmem>>
      tpu.vector_store_idx %scatter3A_319[%add3A_169, %broadcast_in_dim3A_43], %mul3A_255 : memref<128x128xf32, #tpu.memory_space<vmem>>[vector<16xi32>, vector<16xi32>], vector<16xf32>,
      %scatter3A_320 = arith.constant 0 : i32
      %scatter3A_321 = arith.constant 0 : i32
      %scatter3A_322 = arith.constant 0 : i32
      %scatter3A_323 = tpu.memref_slice %arg8[%scatter3A_320, %scatter3A_321, %scatter3A_322] : memref<2x128x7xf32, #tpu.memory_space<vmem>> -> memref<1x128x7xf32, #tpu.memory_space<vmem>>
      %scatter3A_324 = tpu.memref_squeeze %scatter3A_323 : memref<1x128x7xf32, #tpu.memory_space<vmem>> -> memref<128x7xf32, #tpu.memory_space<vmem>>
      tpu.vector_store_idx %scatter3A_324[%add3A_169, %broadcast_in_dim3A_57], %mul3A_255 : memref<128x7xf32, #tpu.memory_space<vmem>>[vector<16xi32>, vector<16xi32>], vector<16xf32>,
      %add3A_325 = arith.constant 16 : i32
      %add3A_326 = vector.broadcast %add3A_325 : i32 to vector<16xi32>
      %add3A_327 = arith.addi %iota3A, %add3A_326 : vector<16xi32>
      %gather3A_328 = arith.constant 0 : i32
      %gather3A_329 = arith.constant 0 : i32
      %gather3A_330 = arith.constant 0 : i32
      %gather3A_331 = tpu.memref_slice %arg6[%gather3A_328, %gather3A_329, %gather3A_330] : memref<2x128x128xf32, #tpu.memory_space<vmem>> -> memref<1x128x128xf32, #tpu.memory_space<vmem>>
      %gather3A_332 = tpu.memref_squeeze %gather3A_331 : memref<1x128x128xf32, #tpu.memory_space<vmem>> -> memref<128x128xf32, #tpu.memory_space<vmem>>
      %gather3A_333 = tpu.vector_load_idx %gather3A_332[%add3A_327, %broadcast_in_dim3A_31] : memref<128x128xf32, #tpu.memory_space<vmem>>[vector<16xi32>, vector<16xi32>], vector<16xf32>,
      %gather3A_334 = arith.constant 0 : i32
      %gather3A_335 = arith.constant 0 : i32
      %gather3A_336 = arith.constant 0 : i32
      %gather3A_337 = tpu.memref_slice %arg6[%gather3A_334, %gather3A_335, %gather3A_336] : memref<2x128x128xf32, #tpu.memory_space<vmem>> -> memref<1x128x128xf32, #tpu.memory_space<vmem>>
      %gather3A_338 = tpu.memref_squeeze %gather3A_337 : memref<1x128x128xf32, #tpu.memory_space<vmem>> -> memref<128x128xf32, #tpu.memory_space<vmem>>
      %gather3A_339 = tpu.vector_load_idx %gather3A_338[%add3A_327, %broadcast_in_dim3A_33] : memref<128x128xf32, #tpu.memory_space<vmem>>[vector<16xi32>, vector<16xi32>], vector<16xf32>,
      %gather3A_340 = arith.constant 0 : i32
      %gather3A_341 = arith.constant 0 : i32
      %gather3A_342 = arith.constant 0 : i32
      %gather3A_343 = tpu.memref_slice %arg6[%gather3A_340, %gather3A_341, %gather3A_342] : memref<2x128x128xf32, #tpu.memory_space<vmem>> -> memref<1x128x128xf32, #tpu.memory_space<vmem>>
      %gather3A_344 = tpu.memref_squeeze %gather3A_343 : memref<1x128x128xf32, #tpu.memory_space<vmem>> -> memref<128x128xf32, #tpu.memory_space<vmem>>
      %gather3A_345 = tpu.vector_load_idx %gather3A_344[%add3A_327, %broadcast_in_dim3A_35] : memref<128x128xf32, #tpu.memory_space<vmem>>[vector<16xi32>, vector<16xi32>], vector<16xf32>,
      %gather3A_346 = arith.constant 0 : i32
      %gather3A_347 = arith.constant 0 : i32
      %gather3A_348 = arith.constant 0 : i32
      %gather3A_349 = tpu.memref_slice %arg6[%gather3A_346, %gather3A_347, %gather3A_348] : memref<2x128x128xf32, #tpu.memory_space<vmem>> -> memref<1x128x128xf32, #tpu.memory_space<vmem>>
      %gather3A_350 = tpu.memref_squeeze %gather3A_349 : memref<1x128x128xf32, #tpu.memory_space<vmem>> -> memref<128x128xf32, #tpu.memory_space<vmem>>
      %gather3A_351 = tpu.vector_load_idx %gather3A_350[%add3A_327, %broadcast_in_dim3A_37] : memref<128x128xf32, #tpu.memory_space<vmem>>[vector<16xi32>, vector<16xi32>], vector<16xf32>,
      %gather3A_352 = arith.constant 0 : i32
      %gather3A_353 = arith.constant 0 : i32
      %gather3A_354 = arith.constant 0 : i32
      %gather3A_355 = tpu.memref_slice %arg6[%gather3A_352, %gather3A_353, %gather3A_354] : memref<2x128x128xf32, #tpu.memory_space<vmem>> -> memref<1x128x128xf32, #tpu.memory_space<vmem>>
      %gather3A_356 = tpu.memref_squeeze %gather3A_355 : memref<1x128x128xf32, #tpu.memory_space<vmem>> -> memref<128x128xf32, #tpu.memory_space<vmem>>
      %gather3A_357 = tpu.vector_load_idx %gather3A_356[%add3A_327, %broadcast_in_dim3A_39] : memref<128x128xf32, #tpu.memory_space<vmem>>[vector<16xi32>, vector<16xi32>], vector<16xf32>,
      %gather3A_358 = arith.constant 0 : i32
      %gather3A_359 = arith.constant 0 : i32
      %gather3A_360 = arith.constant 0 : i32
      %gather3A_361 = tpu.memref_slice %arg6[%gather3A_358, %gather3A_359, %gather3A_360] : memref<2x128x128xf32, #tpu.memory_space<vmem>> -> memref<1x128x128xf32, #tpu.memory_space<vmem>>
      %gather3A_362 = tpu.memref_squeeze %gather3A_361 : memref<1x128x128xf32, #tpu.memory_space<vmem>> -> memref<128x128xf32, #tpu.memory_space<vmem>>
      %gather3A_363 = tpu.vector_load_idx %gather3A_362[%add3A_327, %broadcast_in_dim3A_41] : memref<128x128xf32, #tpu.memory_space<vmem>>[vector<16xi32>, vector<16xi32>], vector<16xf32>,
      %gather3A_364 = arith.constant 0 : i32
      %gather3A_365 = arith.constant 0 : i32
      %gather3A_366 = arith.constant 0 : i32
      %gather3A_367 = tpu.memref_slice %arg6[%gather3A_364, %gather3A_365, %gather3A_366] : memref<2x128x128xf32, #tpu.memory_space<vmem>> -> memref<1x128x128xf32, #tpu.memory_space<vmem>>
      %gather3A_368 = tpu.memref_squeeze %gather3A_367 : memref<1x128x128xf32, #tpu.memory_space<vmem>> -> memref<128x128xf32, #tpu.memory_space<vmem>>
      %gather3A_369 = tpu.vector_load_idx %gather3A_368[%add3A_327, %broadcast_in_dim3A_43] : memref<128x128xf32, #tpu.memory_space<vmem>>[vector<16xi32>, vector<16xi32>], vector<16xf32>,
      %mul3A_370 = arith.constant -1.000000e+00 : f32
      %mul3A_371 = vector.broadcast %mul3A_370 : f32 to vector<16xf32>
      %mul3A_372 = arith.mulf %gather3A_333, %mul3A_371 : vector<16xf32>
      %exp3A_373 = math.exp %mul3A_372 : vector<16xf32>
      %mul3A_374 = arith.constant 1.000000e+00 : f32
      %mul3A_375 = vector.broadcast %mul3A_374 : f32 to vector<16xf32>
      %mul3A_376 = arith.mulf %gather3A_339, %mul3A_375 : vector<16xf32>
      %exp3A_377 = math.exp %mul3A_376 : vector<16xf32>
      %mul3A_378 = arith.constant -1.000000e+00 : f32
      %mul3A_379 = vector.broadcast %mul3A_378 : f32 to vector<16xf32>
      %mul3A_380 = arith.mulf %gather3A_345, %mul3A_379 : vector<16xf32>
      %exp3A_381 = math.exp %mul3A_380 : vector<16xf32>
      %mul3A_382 = arith.constant 1.000000e+00 : f32
      %mul3A_383 = vector.broadcast %mul3A_382 : f32 to vector<16xf32>
      %mul3A_384 = arith.mulf %gather3A_351, %mul3A_383 : vector<16xf32>
      %exp3A_385 = math.exp %mul3A_384 : vector<16xf32>
      %add3A_386 = arith.addf %exp3A_373, %exp3A_377 : vector<16xf32>
      %add3A_387 = arith.addf %exp3A_381, %exp3A_385 : vector<16xf32>
      %add3A_388 = arith.addf %add3A_386, %add3A_387 : vector<16xf32>
      %div3A_389 = arith.divf %min3A_23, %add3A_388 : vector<16xf32>
      %neg3A_390 = arith.constant 0.000000e+00 : f32
      %neg3A_391 = vector.broadcast %neg3A_390 : f32 to vector<16xf32>
      %neg3A_392 = arith.subf %neg3A_391, %div3A_389 : vector<16xf32>
      %mul3A_393 = arith.mulf %exp3A_373, %neg3A_392 : vector<16xf32>
      %mul3A_394 = arith.mulf %exp3A_377, %div3A_389 : vector<16xf32>
      %mul3A_395 = arith.mulf %exp3A_381, %neg3A_392 : vector<16xf32>
      %mul3A_396 = arith.mulf %exp3A_385, %div3A_389 : vector<16xf32>
      %mul3A_397 = arith.constant 1.000000e+00 : f32
      %mul3A_398 = vector.broadcast %mul3A_397 : f32 to vector<16xf32>
      %mul3A_399 = arith.mulf %gather3A_357, %mul3A_398 : vector<16xf32>
      %exp3A_400 = math.exp %mul3A_399 : vector<16xf32>
      %mul3A_401 = arith.constant -1.000000e+00 : f32
      %mul3A_402 = vector.broadcast %mul3A_401 : f32 to vector<16xf32>
      %mul3A_403 = arith.mulf %gather3A_363, %mul3A_402 : vector<16xf32>
      %exp3A_404 = math.exp %mul3A_403 : vector<16xf32>
      %mul3A_405 = arith.constant 1.000000e+00 : f32
      %mul3A_406 = vector.broadcast %mul3A_405 : f32 to vector<16xf32>
      %mul3A_407 = arith.mulf %gather3A_369, %mul3A_406 : vector<16xf32>
      %exp3A_408 = math.exp %mul3A_407 : vector<16xf32>
      %add3A_409 = arith.addf %exp3A_400, %exp3A_404 : vector<16xf32>
      %add3A_410 = arith.addf %add3A_409, %exp3A_408 : vector<16xf32>
      %div3A_411 = arith.divf %min3A_23, %add3A_410 : vector<16xf32>
      %neg3A_412 = arith.constant 0.000000e+00 : f32
      %neg3A_413 = vector.broadcast %neg3A_412 : f32 to vector<16xf32>
      %neg3A_414 = arith.subf %neg3A_413, %div3A_411 : vector<16xf32>
      %mul3A_415 = arith.mulf %exp3A_400, %div3A_411 : vector<16xf32>
      %mul3A_416 = arith.mulf %exp3A_404, %neg3A_414 : vector<16xf32>
      %mul3A_417 = arith.mulf %exp3A_408, %div3A_411 : vector<16xf32>
      %scatter3A_418 = arith.constant 0 : i32
      %scatter3A_419 = arith.constant 0 : i32
      %scatter3A_420 = arith.constant 0 : i32
      %scatter3A_421 = tpu.memref_slice %arg7[%scatter3A_418, %scatter3A_419, %scatter3A_420] : memref<2x128x128xf32, #tpu.memory_space<vmem>> -> memref<1x128x128xf32, #tpu.memory_space<vmem>>
      %scatter3A_422 = tpu.memref_squeeze %scatter3A_421 : memref<1x128x128xf32, #tpu.memory_space<vmem>> -> memref<128x128xf32, #tpu.memory_space<vmem>>
      tpu.vector_store_idx %scatter3A_422[%add3A_327, %broadcast_in_dim3A_31], %mul3A_393 : memref<128x128xf32, #tpu.memory_space<vmem>>[vector<16xi32>, vector<16xi32>], vector<16xf32>,
      %scatter3A_423 = arith.constant 0 : i32
      %scatter3A_424 = arith.constant 0 : i32
      %scatter3A_425 = arith.constant 0 : i32
      %scatter3A_426 = tpu.memref_slice %arg8[%scatter3A_423, %scatter3A_424, %scatter3A_425] : memref<2x128x7xf32, #tpu.memory_space<vmem>> -> memref<1x128x7xf32, #tpu.memory_space<vmem>>
      %scatter3A_427 = tpu.memref_squeeze %scatter3A_426 : memref<1x128x7xf32, #tpu.memory_space<vmem>> -> memref<128x7xf32, #tpu.memory_space<vmem>>
      tpu.vector_store_idx %scatter3A_427[%add3A_327, %broadcast_in_dim3A_45], %mul3A_393 : memref<128x7xf32, #tpu.memory_space<vmem>>[vector<16xi32>, vector<16xi32>], vector<16xf32>,
      %scatter3A_428 = arith.constant 0 : i32
      %scatter3A_429 = arith.constant 0 : i32
      %scatter3A_430 = arith.constant 0 : i32
      %scatter3A_431 = tpu.memref_slice %arg7[%scatter3A_428, %scatter3A_429, %scatter3A_430] : memref<2x128x128xf32, #tpu.memory_space<vmem>> -> memref<1x128x128xf32, #tpu.memory_space<vmem>>
      %scatter3A_432 = tpu.memref_squeeze %scatter3A_431 : memref<1x128x128xf32, #tpu.memory_space<vmem>> -> memref<128x128xf32, #tpu.memory_space<vmem>>
      tpu.vector_store_idx %scatter3A_432[%add3A_327, %broadcast_in_dim3A_33], %mul3A_394 : memref<128x128xf32, #tpu.memory_space<vmem>>[vector<16xi32>, vector<16xi32>], vector<16xf32>,
      %scatter3A_433 = arith.constant 0 : i32
      %scatter3A_434 = arith.constant 0 : i32
      %scatter3A_435 = arith.constant 0 : i32
      %scatter3A_436 = tpu.memref_slice %arg8[%scatter3A_433, %scatter3A_434, %scatter3A_435] : memref<2x128x7xf32, #tpu.memory_space<vmem>> -> memref<1x128x7xf32, #tpu.memory_space<vmem>>
      %scatter3A_437 = tpu.memref_squeeze %scatter3A_436 : memref<1x128x7xf32, #tpu.memory_space<vmem>> -> memref<128x7xf32, #tpu.memory_space<vmem>>
      tpu.vector_store_idx %scatter3A_437[%add3A_327, %broadcast_in_dim3A_47], %mul3A_394 : memref<128x7xf32, #tpu.memory_space<vmem>>[vector<16xi32>, vector<16xi32>], vector<16xf32>,
      %scatter3A_438 = arith.constant 0 : i32
      %scatter3A_439 = arith.constant 0 : i32
      %scatter3A_440 = arith.constant 0 : i32
      %scatter3A_441 = tpu.memref_slice %arg7[%scatter3A_438, %scatter3A_439, %scatter3A_440] : memref<2x128x128xf32, #tpu.memory_space<vmem>> -> memref<1x128x128xf32, #tpu.memory_space<vmem>>
      %scatter3A_442 = tpu.memref_squeeze %scatter3A_441 : memref<1x128x128xf32, #tpu.memory_space<vmem>> -> memref<128x128xf32, #tpu.memory_space<vmem>>
      tpu.vector_store_idx %scatter3A_442[%add3A_327, %broadcast_in_dim3A_35], %mul3A_395 : memref<128x128xf32, #tpu.memory_space<vmem>>[vector<16xi32>, vector<16xi32>], vector<16xf32>,
      %scatter3A_443 = arith.constant 0 : i32
      %scatter3A_444 = arith.constant 0 : i32
      %scatter3A_445 = arith.constant 0 : i32
      %scatter3A_446 = tpu.memref_slice %arg8[%scatter3A_443, %scatter3A_444, %scatter3A_445] : memref<2x128x7xf32, #tpu.memory_space<vmem>> -> memref<1x128x7xf32, #tpu.memory_space<vmem>>
      %scatter3A_447 = tpu.memref_squeeze %scatter3A_446 : memref<1x128x7xf32, #tpu.memory_space<vmem>> -> memref<128x7xf32, #tpu.memory_space<vmem>>
      tpu.vector_store_idx %scatter3A_447[%add3A_327, %broadcast_in_dim3A_49], %mul3A_395 : memref<128x7xf32, #tpu.memory_space<vmem>>[vector<16xi32>, vector<16xi32>], vector<16xf32>,
      %scatter3A_448 = arith.constant 0 : i32
      %scatter3A_449 = arith.constant 0 : i32
      %scatter3A_450 = arith.constant 0 : i32
      %scatter3A_451 = tpu.memref_slice %arg7[%scatter3A_448, %scatter3A_449, %scatter3A_450] : memref<2x128x128xf32, #tpu.memory_space<vmem>> -> memref<1x128x128xf32, #tpu.memory_space<vmem>>
      %scatter3A_452 = tpu.memref_squeeze %scatter3A_451 : memref<1x128x128xf32, #tpu.memory_space<vmem>> -> memref<128x128xf32, #tpu.memory_space<vmem>>
      tpu.vector_store_idx %scatter3A_452[%add3A_327, %broadcast_in_dim3A_37], %mul3A_396 : memref<128x128xf32, #tpu.memory_space<vmem>>[vector<16xi32>, vector<16xi32>], vector<16xf32>,
      %scatter3A_453 = arith.constant 0 : i32
      %scatter3A_454 = arith.constant 0 : i32
      %scatter3A_455 = arith.constant 0 : i32
      %scatter3A_456 = tpu.memref_slice %arg8[%scatter3A_453, %scatter3A_454, %scatter3A_455] : memref<2x128x7xf32, #tpu.memory_space<vmem>> -> memref<1x128x7xf32, #tpu.memory_space<vmem>>
      %scatter3A_457 = tpu.memref_squeeze %scatter3A_456 : memref<1x128x7xf32, #tpu.memory_space<vmem>> -> memref<128x7xf32, #tpu.memory_space<vmem>>
      tpu.vector_store_idx %scatter3A_457[%add3A_327, %broadcast_in_dim3A_51], %mul3A_396 : memref<128x7xf32, #tpu.memory_space<vmem>>[vector<16xi32>, vector<16xi32>], vector<16xf32>,
      %scatter3A_458 = arith.constant 0 : i32
      %scatter3A_459 = arith.constant 0 : i32
      %scatter3A_460 = arith.constant 0 : i32
      %scatter3A_461 = tpu.memref_slice %arg7[%scatter3A_458, %scatter3A_459, %scatter3A_460] : memref<2x128x128xf32, #tpu.memory_space<vmem>> -> memref<1x128x128xf32, #tpu.memory_space<vmem>>
      %scatter3A_462 = tpu.memref_squeeze %scatter3A_461 : memref<1x128x128xf32, #tpu.memory_space<vmem>> -> memref<128x128xf32, #tpu.memory_space<vmem>>
      tpu.vector_store_idx %scatter3A_462[%add3A_327, %broadcast_in_dim3A_39], %mul3A_415 : memref<128x128xf32, #tpu.memory_space<vmem>>[vector<16xi32>, vector<16xi32>], vector<16xf32>,
      %scatter3A_463 = arith.constant 0 : i32
      %scatter3A_464 = arith.constant 0 : i32
      %scatter3A_465 = arith.constant 0 : i32
      %scatter3A_466 = tpu.memref_slice %arg8[%scatter3A_463, %scatter3A_464, %scatter3A_465] : memref<2x128x7xf32, #tpu.memory_space<vmem>> -> memref<1x128x7xf32, #tpu.memory_space<vmem>>
      %scatter3A_467 = tpu.memref_squeeze %scatter3A_466 : memref<1x128x7xf32, #tpu.memory_space<vmem>> -> memref<128x7xf32, #tpu.memory_space<vmem>>
      tpu.vector_store_idx %scatter3A_467[%add3A_327, %broadcast_in_dim3A_53], %mul3A_415 : memref<128x7xf32, #tpu.memory_space<vmem>>[vector<16xi32>, vector<16xi32>], vector<16xf32>,
      %scatter3A_468 = arith.constant 0 : i32
      %scatter3A_469 = arith.constant 0 : i32
      %scatter3A_470 = arith.constant 0 : i32
      %scatter3A_471 = tpu.memref_slice %arg7[%scatter3A_468, %scatter3A_469, %scatter3A_470] : memref<2x128x128xf32, #tpu.memory_space<vmem>> -> memref<1x128x128xf32, #tpu.memory_space<vmem>>
      %scatter3A_472 = tpu.memref_squeeze %scatter3A_471 : memref<1x128x128xf32, #tpu.memory_space<vmem>> -> memref<128x128xf32, #tpu.memory_space<vmem>>
      tpu.vector_store_idx %scatter3A_472[%add3A_327, %broadcast_in_dim3A_41], %mul3A_416 : memref<128x128xf32, #tpu.memory_space<vmem>>[vector<16xi32>, vector<16xi32>], vector<16xf32>,
      %scatter3A_473 = arith.constant 0 : i32
      %scatter3A_474 = arith.constant 0 : i32
      %scatter3A_475 = arith.constant 0 : i32
      %scatter3A_476 = tpu.memref_slice %arg8[%scatter3A_473, %scatter3A_474, %scatter3A_475] : memref<2x128x7xf32, #tpu.memory_space<vmem>> -> memref<1x128x7xf32, #tpu.memory_space<vmem>>
      %scatter3A_477 = tpu.memref_squeeze %scatter3A_476 : memref<1x128x7xf32, #tpu.memory_space<vmem>> -> memref<128x7xf32, #tpu.memory_space<vmem>>
      tpu.vector_store_idx %scatter3A_477[%add3A_327, %broadcast_in_dim3A_55], %mul3A_416 : memref<128x7xf32, #tpu.memory_space<vmem>>[vector<16xi32>, vector<16xi32>], vector<16xf32>,
      %scatter3A_478 = arith.constant 0 : i32
      %scatter3A_479 = arith.constant 0 : i32
      %scatter3A_480 = arith.constant 0 : i32
      %scatter3A_481 = tpu.memref_slice %arg7[%scatter3A_478, %scatter3A_479, %scatter3A_480] : memref<2x128x128xf32, #tpu.memory_space<vmem>> -> memref<1x128x128xf32, #tpu.memory_space<vmem>>
      %scatter3A_482 = tpu.memref_squeeze %scatter3A_481 : memref<1x128x128xf32, #tpu.memory_space<vmem>> -> memref<128x128xf32, #tpu.memory_space<vmem>>
      tpu.vector_store_idx %scatter3A_482[%add3A_327, %broadcast_in_dim3A_43], %mul3A_417 : memref<128x128xf32, #tpu.memory_space<vmem>>[vector<16xi32>, vector<16xi32>], vector<16xf32>,
      %scatter3A_483 = arith.constant 0 : i32
      %scatter3A_484 = arith.constant 0 : i32
      %scatter3A_485 = arith.constant 0 : i32
      %scatter3A_486 = tpu.memref_slice %arg8[%scatter3A_483, %scatter3A_484, %scatter3A_485] : memref<2x128x7xf32, #tpu.memory_space<vmem>> -> memref<1x128x7xf32, #tpu.memory_space<vmem>>
      %scatter3A_487 = tpu.memref_squeeze %scatter3A_486 : memref<1x128x7xf32, #tpu.memory_space<vmem>> -> memref<128x7xf32, #tpu.memory_space<vmem>>
      tpu.vector_store_idx %scatter3A_487[%add3A_327, %broadcast_in_dim3A_57], %mul3A_417 : memref<128x7xf32, #tpu.memory_space<vmem>>[vector<16xi32>, vector<16xi32>], vector<16xf32>,
      %add3A_488 = arith.constant 32 : i32
      %add3A_489 = vector.broadcast %add3A_488 : i32 to vector<16xi32>
      %add3A_490 = arith.addi %iota3A, %add3A_489 : vector<16xi32>
      %gather3A_491 = arith.constant 0 : i32
      %gather3A_492 = arith.constant 0 : i32
      %gather3A_493 = arith.constant 0 : i32
      %gather3A_494 = tpu.memref_slice %arg6[%gather3A_491, %gather3A_492, %gather3A_493] : memref<2x128x128xf32, #tpu.memory_space<vmem>> -> memref<1x128x128xf32, #tpu.memory_space<vmem>>
      %gather3A_495 = tpu.memref_squeeze %gather3A_494 : memref<1x128x128xf32, #tpu.memory_space<vmem>> -> memref<128x128xf32, #tpu.memory_space<vmem>>
      %gather3A_496 = tpu.vector_load_idx %gather3A_495[%add3A_490, %broadcast_in_dim3A_31] : memref<128x128xf32, #tpu.memory_space<vmem>>[vector<16xi32>, vector<16xi32>], vector<16xf32>,
      %gather3A_497 = arith.constant 0 : i32
      %gather3A_498 = arith.constant 0 : i32
      %gather3A_499 = arith.constant 0 : i32
      %gather3A_500 = tpu.memref_slice %arg6[%gather3A_497, %gather3A_498, %gather3A_499] : memref<2x128x128xf32, #tpu.memory_space<vmem>> -> memref<1x128x128xf32, #tpu.memory_space<vmem>>
      %gather3A_501 = tpu.memref_squeeze %gather3A_500 : memref<1x128x128xf32, #tpu.memory_space<vmem>> -> memref<128x128xf32, #tpu.memory_space<vmem>>
      %gather3A_502 = tpu.vector_load_idx %gather3A_501[%add3A_490, %broadcast_in_dim3A_33] : memref<128x128xf32, #tpu.memory_space<vmem>>[vector<16xi32>, vector<16xi32>], vector<16xf32>,
      %gather3A_503 = arith.constant 0 : i32
      %gather3A_504 = arith.constant 0 : i32
      %gather3A_505 = arith.constant 0 : i32
      %gather3A_506 = tpu.memref_slice %arg6[%gather3A_503, %gather3A_504, %gather3A_505] : memref<2x128x128xf32, #tpu.memory_space<vmem>> -> memref<1x128x128xf32, #tpu.memory_space<vmem>>
      %gather3A_507 = tpu.memref_squeeze %gather3A_506 : memref<1x128x128xf32, #tpu.memory_space<vmem>> -> memref<128x128xf32, #tpu.memory_space<vmem>>
      %gather3A_508 = tpu.vector_load_idx %gather3A_507[%add3A_490, %broadcast_in_dim3A_35] : memref<128x128xf32, #tpu.memory_space<vmem>>[vector<16xi32>, vector<16xi32>], vector<16xf32>,
      %gather3A_509 = arith.constant 0 : i32
      %gather3A_510 = arith.constant 0 : i32
      %gather3A_511 = arith.constant 0 : i32
      %gather3A_512 = tpu.memref_slice %arg6[%gather3A_509, %gather3A_510, %gather3A_511] : memref<2x128x128xf32, #tpu.memory_space<vmem>> -> memref<1x128x128xf32, #tpu.memory_space<vmem>>
      %gather3A_513 = tpu.memref_squeeze %gather3A_512 : memref<1x128x128xf32, #tpu.memory_space<vmem>> -> memref<128x128xf32, #tpu.memory_space<vmem>>
      %gather3A_514 = tpu.vector_load_idx %gather3A_513[%add3A_490, %broadcast_in_dim3A_37] : memref<128x128xf32, #tpu.memory_space<vmem>>[vector<16xi32>, vector<16xi32>], vector<16xf32>,
      %gather3A_515 = arith.constant 0 : i32
      %gather3A_516 = arith.constant 0 : i32
      %gather3A_517 = arith.constant 0 : i32
      %gather3A_518 = tpu.memref_slice %arg6[%gather3A_515, %gather3A_516, %gather3A_517] : memref<2x128x128xf32, #tpu.memory_space<vmem>> -> memref<1x128x128xf32, #tpu.memory_space<vmem>>
      %gather3A_519 = tpu.memref_squeeze %gather3A_518 : memref<1x128x128xf32, #tpu.memory_space<vmem>> -> memref<128x128xf32, #tpu.memory_space<vmem>>
      %gather3A_520 = tpu.vector_load_idx %gather3A_519[%add3A_490, %broadcast_in_dim3A_39] : memref<128x128xf32, #tpu.memory_space<vmem>>[vector<16xi32>, vector<16xi32>], vector<16xf32>,
      %gather3A_521 = arith.constant 0 : i32
      %gather3A_522 = arith.constant 0 : i32
      %gather3A_523 = arith.constant 0 : i32
      %gather3A_524 = tpu.memref_slice %arg6[%gather3A_521, %gather3A_522, %gather3A_523] : memref<2x128x128xf32, #tpu.memory_space<vmem>> -> memref<1x128x128xf32, #tpu.memory_space<vmem>>
      %gather3A_525 = tpu.memref_squeeze %gather3A_524 : memref<1x128x128xf32, #tpu.memory_space<vmem>> -> memref<128x128xf32, #tpu.memory_space<vmem>>
      %gather3A_526 = tpu.vector_load_idx %gather3A_525[%add3A_490, %broadcast_in_dim3A_41] : memref<128x128xf32, #tpu.memory_space<vmem>>[vector<16xi32>, vector<16xi32>], vector<16xf32>,
      %gather3A_527 = arith.constant 0 : i32
      %gather3A_528 = arith.constant 0 : i32
      %gather3A_529 = arith.constant 0 : i32
      %gather3A_530 = tpu.memref_slice %arg6[%gather3A_527, %gather3A_528, %gather3A_529] : memref<2x128x128xf32, #tpu.memory_space<vmem>> -> memref<1x128x128xf32, #tpu.memory_space<vmem>>
      %gather3A_531 = tpu.memref_squeeze %gather3A_530 : memref<1x128x128xf32, #tpu.memory_space<vmem>> -> memref<128x128xf32, #tpu.memory_space<vmem>>
      %gather3A_532 = tpu.vector_load_idx %gather3A_531[%add3A_490, %broadcast_in_dim3A_43] : memref<128x128xf32, #tpu.memory_space<vmem>>[vector<16xi32>, vector<16xi32>], vector<16xf32>,
      %mul3A_533 = arith.constant -1.000000e+00 : f32
      %mul3A_534 = vector.broadcast %mul3A_533 : f32 to vector<16xf32>
      %mul3A_535 = arith.mulf %gather3A_496, %mul3A_534 : vector<16xf32>
      %exp3A_536 = math.exp %mul3A_535 : vector<16xf32>
      %mul3A_537 = arith.constant 1.000000e+00 : f32
      %mul3A_538 = vector.broadcast %mul3A_537 : f32 to vector<16xf32>
      %mul3A_539 = arith.mulf %gather3A_502, %mul3A_538 : vector<16xf32>
      %exp3A_540 = math.exp %mul3A_539 : vector<16xf32>
      %mul3A_541 = arith.constant -1.000000e+00 : f32
      %mul3A_542 = vector.broadcast %mul3A_541 : f32 to vector<16xf32>
      %mul3A_543 = arith.mulf %gather3A_508, %mul3A_542 : vector<16xf32>
      %exp3A_544 = math.exp %mul3A_543 : vector<16xf32>
      %mul3A_545 = arith.constant 1.000000e+00 : f32
      %mul3A_546 = vector.broadcast %mul3A_545 : f32 to vector<16xf32>
      %mul3A_547 = arith.mulf %gather3A_514, %mul3A_546 : vector<16xf32>
      %exp3A_548 = math.exp %mul3A_547 : vector<16xf32>
      %add3A_549 = arith.addf %exp3A_536, %exp3A_540 : vector<16xf32>
      %add3A_550 = arith.addf %exp3A_544, %exp3A_548 : vector<16xf32>
      %add3A_551 = arith.addf %add3A_549, %add3A_550 : vector<16xf32>
      %div3A_552 = arith.divf %min3A_23, %add3A_551 : vector<16xf32>
      %neg3A_553 = arith.constant 0.000000e+00 : f32
      %neg3A_554 = vector.broadcast %neg3A_553 : f32 to vector<16xf32>
      %neg3A_555 = arith.subf %neg3A_554, %div3A_552 : vector<16xf32>
      %mul3A_556 = arith.mulf %exp3A_536, %neg3A_555 : vector<16xf32>
      %mul3A_557 = arith.mulf %exp3A_540, %div3A_552 : vector<16xf32>
      %mul3A_558 = arith.mulf %exp3A_544, %neg3A_555 : vector<16xf32>
      %mul3A_559 = arith.mulf %exp3A_548, %div3A_552 : vector<16xf32>
      %mul3A_560 = arith.constant 1.000000e+00 : f32
      %mul3A_561 = vector.broadcast %mul3A_560 : f32 to vector<16xf32>
      %mul3A_562 = arith.mulf %gather3A_520, %mul3A_561 : vector<16xf32>
      %exp3A_563 = math.exp %mul3A_562 : vector<16xf32>
      %mul3A_564 = arith.constant -1.000000e+00 : f32
      %mul3A_565 = vector.broadcast %mul3A_564 : f32 to vector<16xf32>
      %mul3A_566 = arith.mulf %gather3A_526, %mul3A_565 : vector<16xf32>
      %exp3A_567 = math.exp %mul3A_566 : vector<16xf32>
      %mul3A_568 = arith.constant 1.000000e+00 : f32
      %mul3A_569 = vector.broadcast %mul3A_568 : f32 to vector<16xf32>
      %mul3A_570 = arith.mulf %gather3A_532, %mul3A_569 : vector<16xf32>
      %exp3A_571 = math.exp %mul3A_570 : vector<16xf32>
      %add3A_572 = arith.addf %exp3A_563, %exp3A_567 : vector<16xf32>
      %add3A_573 = arith.addf %add3A_572, %exp3A_571 : vector<16xf32>
      %div3A_574 = arith.divf %min3A_23, %add3A_573 : vector<16xf32>
      %neg3A_575 = arith.constant 0.000000e+00 : f32
      %neg3A_576 = vector.broadcast %neg3A_575 : f32 to vector<16xf32>
      %neg3A_577 = arith.subf %neg3A_576, %div3A_574 : vector<16xf32>
      %mul3A_578 = arith.mulf %exp3A_563, %div3A_574 : vector<16xf32>
      %mul3A_579 = arith.mulf %exp3A_567, %neg3A_577 : vector<16xf32>
      %mul3A_580 = arith.mulf %exp3A_571, %div3A_574 : vector<16xf32>
      %scatter3A_581 = arith.constant 0 : i32
      %scatter3A_582 = arith.constant 0 : i32
      %scatter3A_583 = arith.constant 0 : i32
      %scatter3A_584 = tpu.memref_slice %arg7[%scatter3A_581, %scatter3A_582, %scatter3A_583] : memref<2x128x128xf32, #tpu.memory_space<vmem>> -> memref<1x128x128xf32, #tpu.memory_space<vmem>>
      %scatter3A_585 = tpu.memref_squeeze %scatter3A_584 : memref<1x128x128xf32, #tpu.memory_space<vmem>> -> memref<128x128xf32, #tpu.memory_space<vmem>>
      tpu.vector_store_idx %scatter3A_585[%add3A_490, %broadcast_in_dim3A_31], %mul3A_556 : memref<128x128xf32, #tpu.memory_space<vmem>>[vector<16xi32>, vector<16xi32>], vector<16xf32>,
      %scatter3A_586 = arith.constant 0 : i32
      %scatter3A_587 = arith.constant 0 : i32
      %scatter3A_588 = arith.constant 0 : i32
      %scatter3A_589 = tpu.memref_slice %arg8[%scatter3A_586, %scatter3A_587, %scatter3A_588] : memref<2x128x7xf32, #tpu.memory_space<vmem>> -> memref<1x128x7xf32, #tpu.memory_space<vmem>>
      %scatter3A_590 = tpu.memref_squeeze %scatter3A_589 : memref<1x128x7xf32, #tpu.memory_space<vmem>> -> memref<128x7xf32, #tpu.memory_space<vmem>>
      tpu.vector_store_idx %scatter3A_590[%add3A_490, %broadcast_in_dim3A_45], %mul3A_556 : memref<128x7xf32, #tpu.memory_space<vmem>>[vector<16xi32>, vector<16xi32>], vector<16xf32>,
      %scatter3A_591 = arith.constant 0 : i32
      %scatter3A_592 = arith.constant 0 : i32
      %scatter3A_593 = arith.constant 0 : i32
      %scatter3A_594 = tpu.memref_slice %arg7[%scatter3A_591, %scatter3A_592, %scatter3A_593] : memref<2x128x128xf32, #tpu.memory_space<vmem>> -> memref<1x128x128xf32, #tpu.memory_space<vmem>>
      %scatter3A_595 = tpu.memref_squeeze %scatter3A_594 : memref<1x128x128xf32, #tpu.memory_space<vmem>> -> memref<128x128xf32, #tpu.memory_space<vmem>>
      tpu.vector_store_idx %scatter3A_595[%add3A_490, %broadcast_in_dim3A_33], %mul3A_557 : memref<128x128xf32, #tpu.memory_space<vmem>>[vector<16xi32>, vector<16xi32>], vector<16xf32>,
      %scatter3A_596 = arith.constant 0 : i32
      %scatter3A_597 = arith.constant 0 : i32
      %scatter3A_598 = arith.constant 0 : i32
      %scatter3A_599 = tpu.memref_slice %arg8[%scatter3A_596, %scatter3A_597, %scatter3A_598] : memref<2x128x7xf32, #tpu.memory_space<vmem>> -> memref<1x128x7xf32, #tpu.memory_space<vmem>>
      %scatter3A_600 = tpu.memref_squeeze %scatter3A_599 : memref<1x128x7xf32, #tpu.memory_space<vmem>> -> memref<128x7xf32, #tpu.memory_space<vmem>>
      tpu.vector_store_idx %scatter3A_600[%add3A_490, %broadcast_in_dim3A_47], %mul3A_557 : memref<128x7xf32, #tpu.memory_space<vmem>>[vector<16xi32>, vector<16xi32>], vector<16xf32>,
      %scatter3A_601 = arith.constant 0 : i32
      %scatter3A_602 = arith.constant 0 : i32
      %scatter3A_603 = arith.constant 0 : i32
      %scatter3A_604 = tpu.memref_slice %arg7[%scatter3A_601, %scatter3A_602, %scatter3A_603] : memref<2x128x128xf32, #tpu.memory_space<vmem>> -> memref<1x128x128xf32, #tpu.memory_space<vmem>>
      %scatter3A_605 = tpu.memref_squeeze %scatter3A_604 : memref<1x128x128xf32, #tpu.memory_space<vmem>> -> memref<128x128xf32, #tpu.memory_space<vmem>>
      tpu.vector_store_idx %scatter3A_605[%add3A_490, %broadcast_in_dim3A_35], %mul3A_558 : memref<128x128xf32, #tpu.memory_space<vmem>>[vector<16xi32>, vector<16xi32>], vector<16xf32>,
      %scatter3A_606 = arith.constant 0 : i32
      %scatter3A_607 = arith.constant 0 : i32
      %scatter3A_608 = arith.constant 0 : i32
      %scatter3A_609 = tpu.memref_slice %arg8[%scatter3A_606, %scatter3A_607, %scatter3A_608] : memref<2x128x7xf32, #tpu.memory_space<vmem>> -> memref<1x128x7xf32, #tpu.memory_space<vmem>>
      %scatter3A_610 = tpu.memref_squeeze %scatter3A_609 : memref<1x128x7xf32, #tpu.memory_space<vmem>> -> memref<128x7xf32, #tpu.memory_space<vmem>>
      tpu.vector_store_idx %scatter3A_610[%add3A_490, %broadcast_in_dim3A_49], %mul3A_558 : memref<128x7xf32, #tpu.memory_space<vmem>>[vector<16xi32>, vector<16xi32>], vector<16xf32>,
      %scatter3A_611 = arith.constant 0 : i32
      %scatter3A_612 = arith.constant 0 : i32
      %scatter3A_613 = arith.constant 0 : i32
      %scatter3A_614 = tpu.memref_slice %arg7[%scatter3A_611, %scatter3A_612, %scatter3A_613] : memref<2x128x128xf32, #tpu.memory_space<vmem>> -> memref<1x128x128xf32, #tpu.memory_space<vmem>>
      %scatter3A_615 = tpu.memref_squeeze %scatter3A_614 : memref<1x128x128xf32, #tpu.memory_space<vmem>> -> memref<128x128xf32, #tpu.memory_space<vmem>>
      tpu.vector_store_idx %scatter3A_615[%add3A_490, %broadcast_in_dim3A_37], %mul3A_559 : memref<128x128xf32, #tpu.memory_space<vmem>>[vector<16xi32>, vector<16xi32>], vector<16xf32>,
      %scatter3A_616 = arith.constant 0 : i32
      %scatter3A_617 = arith.constant 0 : i32
      %scatter3A_618 = arith.constant 0 : i32
      %scatter3A_619 = tpu.memref_slice %arg8[%scatter3A_616, %scatter3A_617, %scatter3A_618] : memref<2x128x7xf32, #tpu.memory_space<vmem>> -> memref<1x128x7xf32, #tpu.memory_space<vmem>>
      %scatter3A_620 = tpu.memref_squeeze %scatter3A_619 : memref<1x128x7xf32, #tpu.memory_space<vmem>> -> memref<128x7xf32, #tpu.memory_space<vmem>>
      tpu.vector_store_idx %scatter3A_620[%add3A_490, %broadcast_in_dim3A_51], %mul3A_559 : memref<128x7xf32, #tpu.memory_space<vmem>>[vector<16xi32>, vector<16xi32>], vector<16xf32>,
      %scatter3A_621 = arith.constant 0 : i32
      %scatter3A_622 = arith.constant 0 : i32
      %scatter3A_623 = arith.constant 0 : i32
      %scatter3A_624 = tpu.memref_slice %arg7[%scatter3A_621, %scatter3A_622, %scatter3A_623] : memref<2x128x128xf32, #tpu.memory_space<vmem>> -> memref<1x128x128xf32, #tpu.memory_space<vmem>>
      %scatter3A_625 = tpu.memref_squeeze %scatter3A_624 : memref<1x128x128xf32, #tpu.memory_space<vmem>> -> memref<128x128xf32, #tpu.memory_space<vmem>>
      tpu.vector_store_idx %scatter3A_625[%add3A_490, %broadcast_in_dim3A_39], %mul3A_578 : memref<128x128xf32, #tpu.memory_space<vmem>>[vector<16xi32>, vector<16xi32>], vector<16xf32>,
      %scatter3A_626 = arith.constant 0 : i32
      %scatter3A_627 = arith.constant 0 : i32
      %scatter3A_628 = arith.constant 0 : i32
      %scatter3A_629 = tpu.memref_slice %arg8[%scatter3A_626, %scatter3A_627, %scatter3A_628] : memref<2x128x7xf32, #tpu.memory_space<vmem>> -> memref<1x128x7xf32, #tpu.memory_space<vmem>>
      %scatter3A_630 = tpu.memref_squeeze %scatter3A_629 : memref<1x128x7xf32, #tpu.memory_space<vmem>> -> memref<128x7xf32, #tpu.memory_space<vmem>>
      tpu.vector_store_idx %scatter3A_630[%add3A_490, %broadcast_in_dim3A_53], %mul3A_578 : memref<128x7xf32, #tpu.memory_space<vmem>>[vector<16xi32>, vector<16xi32>], vector<16xf32>,
      %scatter3A_631 = arith.constant 0 : i32
      %scatter3A_632 = arith.constant 0 : i32
      %scatter3A_633 = arith.constant 0 : i32
      %scatter3A_634 = tpu.memref_slice %arg7[%scatter3A_631, %scatter3A_632, %scatter3A_633] : memref<2x128x128xf32, #tpu.memory_space<vmem>> -> memref<1x128x128xf32, #tpu.memory_space<vmem>>
      %scatter3A_635 = tpu.memref_squeeze %scatter3A_634 : memref<1x128x128xf32, #tpu.memory_space<vmem>> -> memref<128x128xf32, #tpu.memory_space<vmem>>
      tpu.vector_store_idx %scatter3A_635[%add3A_490, %broadcast_in_dim3A_41], %mul3A_579 : memref<128x128xf32, #tpu.memory_space<vmem>>[vector<16xi32>, vector<16xi32>], vector<16xf32>,
      %scatter3A_636 = arith.constant 0 : i32
      %scatter3A_637 = arith.constant 0 : i32
      %scatter3A_638 = arith.constant 0 : i32
      %scatter3A_639 = tpu.memref_slice %arg8[%scatter3A_636, %scatter3A_637, %scatter3A_638] : memref<2x128x7xf32, #tpu.memory_space<vmem>> -> memref<1x128x7xf32, #tpu.memory_space<vmem>>
      %scatter3A_640 = tpu.memref_squeeze %scatter3A_639 : memref<1x128x7xf32, #tpu.memory_space<vmem>> -> memref<128x7xf32, #tpu.memory_space<vmem>>
      tpu.vector_store_idx %scatter3A_640[%add3A_490, %broadcast_in_dim3A_55], %mul3A_579 : memref<128x7xf32, #tpu.memory_space<vmem>>[vector<16xi32>, vector<16xi32>], vector<16xf32>,
      %scatter3A_641 = arith.constant 0 : i32
      %scatter3A_642 = arith.constant 0 : i32
      %scatter3A_643 = arith.constant 0 : i32
      %scatter3A_644 = tpu.memref_slice %arg7[%scatter3A_641, %scatter3A_642, %scatter3A_643] : memref<2x128x128xf32, #tpu.memory_space<vmem>> -> memref<1x128x128xf32, #tpu.memory_space<vmem>>
      %scatter3A_645 = tpu.memref_squeeze %scatter3A_644 : memref<1x128x128xf32, #tpu.memory_space<vmem>> -> memref<128x128xf32, #tpu.memory_space<vmem>>
      tpu.vector_store_idx %scatter3A_645[%add3A_490, %broadcast_in_dim3A_43], %mul3A_580 : memref<128x128xf32, #tpu.memory_space<vmem>>[vector<16xi32>, vector<16xi32>], vector<16xf32>,
      %scatter3A_646 = arith.constant 0 : i32
      %scatter3A_647 = arith.constant 0 : i32
      %scatter3A_648 = arith.constant 0 : i32
      %scatter3A_649 = tpu.memref_slice %arg8[%scatter3A_646, %scatter3A_647, %scatter3A_648] : memref<2x128x7xf32, #tpu.memory_space<vmem>> -> memref<1x128x7xf32, #tpu.memory_space<vmem>>
      %scatter3A_650 = tpu.memref_squeeze %scatter3A_649 : memref<1x128x7xf32, #tpu.memory_space<vmem>> -> memref<128x7xf32, #tpu.memory_space<vmem>>
      tpu.vector_store_idx %scatter3A_650[%add3A_490, %broadcast_in_dim3A_57], %mul3A_580 : memref<128x7xf32, #tpu.memory_space<vmem>>[vector<16xi32>, vector<16xi32>], vector<16xf32>,
      %add3A_651 = arith.constant 48 : i32
      %add3A_652 = vector.broadcast %add3A_651 : i32 to vector<16xi32>
      %add3A_653 = arith.addi %iota3A, %add3A_652 : vector<16xi32>
      %gather3A_654 = arith.constant 0 : i32
      %gather3A_655 = arith.constant 0 : i32
      %gather3A_656 = arith.constant 0 : i32
      %gather3A_657 = tpu.memref_slice %arg6[%gather3A_654, %gather3A_655, %gather3A_656] : memref<2x128x128xf32, #tpu.memory_space<vmem>> -> memref<1x128x128xf32, #tpu.memory_space<vmem>>
      %gather3A_658 = tpu.memref_squeeze %gather3A_657 : memref<1x128x128xf32, #tpu.memory_space<vmem>> -> memref<128x128xf32, #tpu.memory_space<vmem>>
      %gather3A_659 = tpu.vector_load_idx %gather3A_658[%add3A_653, %broadcast_in_dim3A_31] : memref<128x128xf32, #tpu.memory_space<vmem>>[vector<16xi32>, vector<16xi32>], vector<16xf32>,
      %gather3A_660 = arith.constant 0 : i32
      %gather3A_661 = arith.constant 0 : i32
      %gather3A_662 = arith.constant 0 : i32
      %gather3A_663 = tpu.memref_slice %arg6[%gather3A_660, %gather3A_661, %gather3A_662] : memref<2x128x128xf32, #tpu.memory_space<vmem>> -> memref<1x128x128xf32, #tpu.memory_space<vmem>>
      %gather3A_664 = tpu.memref_squeeze %gather3A_663 : memref<1x128x128xf32, #tpu.memory_space<vmem>> -> memref<128x128xf32, #tpu.memory_space<vmem>>
      %gather3A_665 = tpu.vector_load_idx %gather3A_664[%add3A_653, %broadcast_in_dim3A_33] : memref<128x128xf32, #tpu.memory_space<vmem>>[vector<16xi32>, vector<16xi32>], vector<16xf32>,
      %gather3A_666 = arith.constant 0 : i32
      %gather3A_667 = arith.constant 0 : i32
      %gather3A_668 = arith.constant 0 : i32
      %gather3A_669 = tpu.memref_slice %arg6[%gather3A_666, %gather3A_667, %gather3A_668] : memref<2x128x128xf32, #tpu.memory_space<vmem>> -> memref<1x128x128xf32, #tpu.memory_space<vmem>>
      %gather3A_670 = tpu.memref_squeeze %gather3A_669 : memref<1x128x128xf32, #tpu.memory_space<vmem>> -> memref<128x128xf32, #tpu.memory_space<vmem>>
      %gather3A_671 = tpu.vector_load_idx %gather3A_670[%add3A_653, %broadcast_in_dim3A_35] : memref<128x128xf32, #tpu.memory_space<vmem>>[vector<16xi32>, vector<16xi32>], vector<16xf32>,
      %gather3A_672 = arith.constant 0 : i32
      %gather3A_673 = arith.constant 0 : i32
      %gather3A_674 = arith.constant 0 : i32
      %gather3A_675 = tpu.memref_slice %arg6[%gather3A_672, %gather3A_673, %gather3A_674] : memref<2x128x128xf32, #tpu.memory_space<vmem>> -> memref<1x128x128xf32, #tpu.memory_space<vmem>>
      %gather3A_676 = tpu.memref_squeeze %gather3A_675 : memref<1x128x128xf32, #tpu.memory_space<vmem>> -> memref<128x128xf32, #tpu.memory_space<vmem>>
      %gather3A_677 = tpu.vector_load_idx %gather3A_676[%add3A_653, %broadcast_in_dim3A_37] : memref<128x128xf32, #tpu.memory_space<vmem>>[vector<16xi32>, vector<16xi32>], vector<16xf32>,
      %gather3A_678 = arith.constant 0 : i32
      %gather3A_679 = arith.constant 0 : i32
      %gather3A_680 = arith.constant 0 : i32
      %gather3A_681 = tpu.memref_slice %arg6[%gather3A_678, %gather3A_679, %gather3A_680] : memref<2x128x128xf32, #tpu.memory_space<vmem>> -> memref<1x128x128xf32, #tpu.memory_space<vmem>>
      %gather3A_682 = tpu.memref_squeeze %gather3A_681 : memref<1x128x128xf32, #tpu.memory_space<vmem>> -> memref<128x128xf32, #tpu.memory_space<vmem>>
      %gather3A_683 = tpu.vector_load_idx %gather3A_682[%add3A_653, %broadcast_in_dim3A_39] : memref<128x128xf32, #tpu.memory_space<vmem>>[vector<16xi32>, vector<16xi32>], vector<16xf32>,
      %gather3A_684 = arith.constant 0 : i32
      %gather3A_685 = arith.constant 0 : i32
      %gather3A_686 = arith.constant 0 : i32
      %gather3A_687 = tpu.memref_slice %arg6[%gather3A_684, %gather3A_685, %gather3A_686] : memref<2x128x128xf32, #tpu.memory_space<vmem>> -> memref<1x128x128xf32, #tpu.memory_space<vmem>>
      %gather3A_688 = tpu.memref_squeeze %gather3A_687 : memref<1x128x128xf32, #tpu.memory_space<vmem>> -> memref<128x128xf32, #tpu.memory_space<vmem>>
      %gather3A_689 = tpu.vector_load_idx %gather3A_688[%add3A_653, %broadcast_in_dim3A_41] : memref<128x128xf32, #tpu.memory_space<vmem>>[vector<16xi32>, vector<16xi32>], vector<16xf32>,
      %gather3A_690 = arith.constant 0 : i32
      %gather3A_691 = arith.constant 0 : i32
      %gather3A_692 = arith.constant 0 : i32
      %gather3A_693 = tpu.memref_slice %arg6[%gather3A_690, %gather3A_691, %gather3A_692] : memref<2x128x128xf32, #tpu.memory_space<vmem>> -> memref<1x128x128xf32, #tpu.memory_space<vmem>>
      %gather3A_694 = tpu.memref_squeeze %gather3A_693 : memref<1x128x128xf32, #tpu.memory_space<vmem>> -> memref<128x128xf32, #tpu.memory_space<vmem>>
      %gather3A_695 = tpu.vector_load_idx %gather3A_694[%add3A_653, %broadcast_in_dim3A_43] : memref<128x128xf32, #tpu.memory_space<vmem>>[vector<16xi32>, vector<16xi32>], vector<16xf32>,
      %mul3A_696 = arith.constant -1.000000e+00 : f32
      %mul3A_697 = vector.broadcast %mul3A_696 : f32 to vector<16xf32>
      %mul3A_698 = arith.mulf %gather3A_659, %mul3A_697 : vector<16xf32>
      %exp3A_699 = math.exp %mul3A_698 : vector<16xf32>
      %mul3A_700 = arith.constant 1.000000e+00 : f32
      %mul3A_701 = vector.broadcast %mul3A_700 : f32 to vector<16xf32>
      %mul3A_702 = arith.mulf %gather3A_665, %mul3A_701 : vector<16xf32>
      %exp3A_703 = math.exp %mul3A_702 : vector<16xf32>
      %mul3A_704 = arith.constant -1.000000e+00 : f32
      %mul3A_705 = vector.broadcast %mul3A_704 : f32 to vector<16xf32>
      %mul3A_706 = arith.mulf %gather3A_671, %mul3A_705 : vector<16xf32>
      %exp3A_707 = math.exp %mul3A_706 : vector<16xf32>
      %mul3A_708 = arith.constant 1.000000e+00 : f32
      %mul3A_709 = vector.broadcast %mul3A_708 : f32 to vector<16xf32>
      %mul3A_710 = arith.mulf %gather3A_677, %mul3A_709 : vector<16xf32>
      %exp3A_711 = math.exp %mul3A_710 : vector<16xf32>
      %add3A_712 = arith.addf %exp3A_699, %exp3A_703 : vector<16xf32>
      %add3A_713 = arith.addf %exp3A_707, %exp3A_711 : vector<16xf32>
      %add3A_714 = arith.addf %add3A_712, %add3A_713 : vector<16xf32>
      %div3A_715 = arith.divf %min3A_23, %add3A_714 : vector<16xf32>
      %neg3A_716 = arith.constant 0.000000e+00 : f32
      %neg3A_717 = vector.broadcast %neg3A_716 : f32 to vector<16xf32>
      %neg3A_718 = arith.subf %neg3A_717, %div3A_715 : vector<16xf32>
      %mul3A_719 = arith.mulf %exp3A_699, %neg3A_718 : vector<16xf32>
      %mul3A_720 = arith.mulf %exp3A_703, %div3A_715 : vector<16xf32>
      %mul3A_721 = arith.mulf %exp3A_707, %neg3A_718 : vector<16xf32>
      %mul3A_722 = arith.mulf %exp3A_711, %div3A_715 : vector<16xf32>
      %mul3A_723 = arith.constant 1.000000e+00 : f32
      %mul3A_724 = vector.broadcast %mul3A_723 : f32 to vector<16xf32>
      %mul3A_725 = arith.mulf %gather3A_683, %mul3A_724 : vector<16xf32>
      %exp3A_726 = math.exp %mul3A_725 : vector<16xf32>
      %mul3A_727 = arith.constant -1.000000e+00 : f32
      %mul3A_728 = vector.broadcast %mul3A_727 : f32 to vector<16xf32>
      %mul3A_729 = arith.mulf %gather3A_689, %mul3A_728 : vector<16xf32>
      %exp3A_730 = math.exp %mul3A_729 : vector<16xf32>
      %mul3A_731 = arith.constant 1.000000e+00 : f32
      %mul3A_732 = vector.broadcast %mul3A_731 : f32 to vector<16xf32>
      %mul3A_733 = arith.mulf %gather3A_695, %mul3A_732 : vector<16xf32>
      %exp3A_734 = math.exp %mul3A_733 : vector<16xf32>
      %add3A_735 = arith.addf %exp3A_726, %exp3A_730 : vector<16xf32>
      %add3A_736 = arith.addf %add3A_735, %exp3A_734 : vector<16xf32>
      %div3A_737 = arith.divf %min3A_23, %add3A_736 : vector<16xf32>
      %neg3A_738 = arith.constant 0.000000e+00 : f32
      %neg3A_739 = vector.broadcast %neg3A_738 : f32 to vector<16xf32>
      %neg3A_740 = arith.subf %neg3A_739, %div3A_737 : vector<16xf32>
      %mul3A_741 = arith.mulf %exp3A_726, %div3A_737 : vector<16xf32>
      %mul3A_742 = arith.mulf %exp3A_730, %neg3A_740 : vector<16xf32>
      %mul3A_743 = arith.mulf %exp3A_734, %div3A_737 : vector<16xf32>
      %scatter3A_744 = arith.constant 0 : i32
      %scatter3A_745 = arith.constant 0 : i32
      %scatter3A_746 = arith.constant 0 : i32
      %scatter3A_747 = tpu.memref_slice %arg7[%scatter3A_744, %scatter3A_745, %scatter3A_746] : memref<2x128x128xf32, #tpu.memory_space<vmem>> -> memref<1x128x128xf32, #tpu.memory_space<vmem>>
      %scatter3A_748 = tpu.memref_squeeze %scatter3A_747 : memref<1x128x128xf32, #tpu.memory_space<vmem>> -> memref<128x128xf32, #tpu.memory_space<vmem>>
      tpu.vector_store_idx %scatter3A_748[%add3A_653, %broadcast_in_dim3A_31], %mul3A_719 : memref<128x128xf32, #tpu.memory_space<vmem>>[vector<16xi32>, vector<16xi32>], vector<16xf32>,
      %scatter3A_749 = arith.constant 0 : i32
      %scatter3A_750 = arith.constant 0 : i32
      %scatter3A_751 = arith.constant 0 : i32
      %scatter3A_752 = tpu.memref_slice %arg8[%scatter3A_749, %scatter3A_750, %scatter3A_751] : memref<2x128x7xf32, #tpu.memory_space<vmem>> -> memref<1x128x7xf32, #tpu.memory_space<vmem>>
      %scatter3A_753 = tpu.memref_squeeze %scatter3A_752 : memref<1x128x7xf32, #tpu.memory_space<vmem>> -> memref<128x7xf32, #tpu.memory_space<vmem>>
      tpu.vector_store_idx %scatter3A_753[%add3A_653, %broadcast_in_dim3A_45], %mul3A_719 : memref<128x7xf32, #tpu.memory_space<vmem>>[vector<16xi32>, vector<16xi32>], vector<16xf32>,
      %scatter3A_754 = arith.constant 0 : i32
      %scatter3A_755 = arith.constant 0 : i32
      %scatter3A_756 = arith.constant 0 : i32
      %scatter3A_757 = tpu.memref_slice %arg7[%scatter3A_754, %scatter3A_755, %scatter3A_756] : memref<2x128x128xf32, #tpu.memory_space<vmem>> -> memref<1x128x128xf32, #tpu.memory_space<vmem>>
      %scatter3A_758 = tpu.memref_squeeze %scatter3A_757 : memref<1x128x128xf32, #tpu.memory_space<vmem>> -> memref<128x128xf32, #tpu.memory_space<vmem>>
      tpu.vector_store_idx %scatter3A_758[%add3A_653, %broadcast_in_dim3A_33], %mul3A_720 : memref<128x128xf32, #tpu.memory_space<vmem>>[vector<16xi32>, vector<16xi32>], vector<16xf32>,
      %scatter3A_759 = arith.constant 0 : i32
      %scatter3A_760 = arith.constant 0 : i32
      %scatter3A_761 = arith.constant 0 : i32
      %scatter3A_762 = tpu.memref_slice %arg8[%scatter3A_759, %scatter3A_760, %scatter3A_761] : memref<2x128x7xf32, #tpu.memory_space<vmem>> -> memref<1x128x7xf32, #tpu.memory_space<vmem>>
      %scatter3A_763 = tpu.memref_squeeze %scatter3A_762 : memref<1x128x7xf32, #tpu.memory_space<vmem>> -> memref<128x7xf32, #tpu.memory_space<vmem>>
      tpu.vector_store_idx %scatter3A_763[%add3A_653, %broadcast_in_dim3A_47], %mul3A_720 : memref<128x7xf32, #tpu.memory_space<vmem>>[vector<16xi32>, vector<16xi32>], vector<16xf32>,
      %scatter3A_764 = arith.constant 0 : i32
      %scatter3A_765 = arith.constant 0 : i32
      %scatter3A_766 = arith.constant 0 : i32
      %scatter3A_767 = tpu.memref_slice %arg7[%scatter3A_764, %scatter3A_765, %scatter3A_766] : memref<2x128x128xf32, #tpu.memory_space<vmem>> -> memref<1x128x128xf32, #tpu.memory_space<vmem>>
      %scatter3A_768 = tpu.memref_squeeze %scatter3A_767 : memref<1x128x128xf32, #tpu.memory_space<vmem>> -> memref<128x128xf32, #tpu.memory_space<vmem>>
      tpu.vector_store_idx %scatter3A_768[%add3A_653, %broadcast_in_dim3A_35], %mul3A_721 : memref<128x128xf32, #tpu.memory_space<vmem>>[vector<16xi32>, vector<16xi32>], vector<16xf32>,
      %scatter3A_769 = arith.constant 0 : i32
      %scatter3A_770 = arith.constant 0 : i32
      %scatter3A_771 = arith.constant 0 : i32
      %scatter3A_772 = tpu.memref_slice %arg8[%scatter3A_769, %scatter3A_770, %scatter3A_771] : memref<2x128x7xf32, #tpu.memory_space<vmem>> -> memref<1x128x7xf32, #tpu.memory_space<vmem>>
      %scatter3A_773 = tpu.memref_squeeze %scatter3A_772 : memref<1x128x7xf32, #tpu.memory_space<vmem>> -> memref<128x7xf32, #tpu.memory_space<vmem>>
      tpu.vector_store_idx %scatter3A_773[%add3A_653, %broadcast_in_dim3A_49], %mul3A_721 : memref<128x7xf32, #tpu.memory_space<vmem>>[vector<16xi32>, vector<16xi32>], vector<16xf32>,
      %scatter3A_774 = arith.constant 0 : i32
      %scatter3A_775 = arith.constant 0 : i32
      %scatter3A_776 = arith.constant 0 : i32
      %scatter3A_777 = tpu.memref_slice %arg7[%scatter3A_774, %scatter3A_775, %scatter3A_776] : memref<2x128x128xf32, #tpu.memory_space<vmem>> -> memref<1x128x128xf32, #tpu.memory_space<vmem>>
      %scatter3A_778 = tpu.memref_squeeze %scatter3A_777 : memref<1x128x128xf32, #tpu.memory_space<vmem>> -> memref<128x128xf32, #tpu.memory_space<vmem>>
      tpu.vector_store_idx %scatter3A_778[%add3A_653, %broadcast_in_dim3A_37], %mul3A_722 : memref<128x128xf32, #tpu.memory_space<vmem>>[vector<16xi32>, vector<16xi32>], vector<16xf32>,
      %scatter3A_779 = arith.constant 0 : i32
      %scatter3A_780 = arith.constant 0 : i32
      %scatter3A_781 = arith.constant 0 : i32
      %scatter3A_782 = tpu.memref_slice %arg8[%scatter3A_779, %scatter3A_780, %scatter3A_781] : memref<2x128x7xf32, #tpu.memory_space<vmem>> -> memref<1x128x7xf32, #tpu.memory_space<vmem>>
      %scatter3A_783 = tpu.memref_squeeze %scatter3A_782 : memref<1x128x7xf32, #tpu.memory_space<vmem>> -> memref<128x7xf32, #tpu.memory_space<vmem>>
      tpu.vector_store_idx %scatter3A_783[%add3A_653, %broadcast_in_dim3A_51], %mul3A_722 : memref<128x7xf32, #tpu.memory_space<vmem>>[vector<16xi32>, vector<16xi32>], vector<16xf32>,
      %scatter3A_784 = arith.constant 0 : i32
      %scatter3A_785 = arith.constant 0 : i32
      %scatter3A_786 = arith.constant 0 : i32
      %scatter3A_787 = tpu.memref_slice %arg7[%scatter3A_784, %scatter3A_785, %scatter3A_786] : memref<2x128x128xf32, #tpu.memory_space<vmem>> -> memref<1x128x128xf32, #tpu.memory_space<vmem>>
      %scatter3A_788 = tpu.memref_squeeze %scatter3A_787 : memref<1x128x128xf32, #tpu.memory_space<vmem>> -> memref<128x128xf32, #tpu.memory_space<vmem>>
      tpu.vector_store_idx %scatter3A_788[%add3A_653, %broadcast_in_dim3A_39], %mul3A_741 : memref<128x128xf32, #tpu.memory_space<vmem>>[vector<16xi32>, vector<16xi32>], vector<16xf32>,
      %scatter3A_789 = arith.constant 0 : i32
      %scatter3A_790 = arith.constant 0 : i32
      %scatter3A_791 = arith.constant 0 : i32
      %scatter3A_792 = tpu.memref_slice %arg8[%scatter3A_789, %scatter3A_790, %scatter3A_791] : memref<2x128x7xf32, #tpu.memory_space<vmem>> -> memref<1x128x7xf32, #tpu.memory_space<vmem>>
      %scatter3A_793 = tpu.memref_squeeze %scatter3A_792 : memref<1x128x7xf32, #tpu.memory_space<vmem>> -> memref<128x7xf32, #tpu.memory_space<vmem>>
      tpu.vector_store_idx %scatter3A_793[%add3A_653, %broadcast_in_dim3A_53], %mul3A_741 : memref<128x7xf32, #tpu.memory_space<vmem>>[vector<16xi32>, vector<16xi32>], vector<16xf32>,
      %scatter3A_794 = arith.constant 0 : i32
      %scatter3A_795 = arith.constant 0 : i32
      %scatter3A_796 = arith.constant 0 : i32
      %scatter3A_797 = tpu.memref_slice %arg7[%scatter3A_794, %scatter3A_795, %scatter3A_796] : memref<2x128x128xf32, #tpu.memory_space<vmem>> -> memref<1x128x128xf32, #tpu.memory_space<vmem>>
      %scatter3A_798 = tpu.memref_squeeze %scatter3A_797 : memref<1x128x128xf32, #tpu.memory_space<vmem>> -> memref<128x128xf32, #tpu.memory_space<vmem>>
      tpu.vector_store_idx %scatter3A_798[%add3A_653, %broadcast_in_dim3A_41], %mul3A_742 : memref<128x128xf32, #tpu.memory_space<vmem>>[vector<16xi32>, vector<16xi32>], vector<16xf32>,
      %scatter3A_799 = arith.constant 0 : i32
      %scatter3A_800 = arith.constant 0 : i32
      %scatter3A_801 = arith.constant 0 : i32
      %scatter3A_802 = tpu.memref_slice %arg8[%scatter3A_799, %scatter3A_800, %scatter3A_801] : memref<2x128x7xf32, #tpu.memory_space<vmem>> -> memref<1x128x7xf32, #tpu.memory_space<vmem>>
      %scatter3A_803 = tpu.memref_squeeze %scatter3A_802 : memref<1x128x7xf32, #tpu.memory_space<vmem>> -> memref<128x7xf32, #tpu.memory_space<vmem>>
      tpu.vector_store_idx %scatter3A_803[%add3A_653, %broadcast_in_dim3A_55], %mul3A_742 : memref<128x7xf32, #tpu.memory_space<vmem>>[vector<16xi32>, vector<16xi32>], vector<16xf32>,
      %scatter3A_804 = arith.constant 0 : i32
      %scatter3A_805 = arith.constant 0 : i32
      %scatter3A_806 = arith.constant 0 : i32
      %scatter3A_807 = tpu.memref_slice %arg7[%scatter3A_804, %scatter3A_805, %scatter3A_806] : memref<2x128x128xf32, #tpu.memory_space<vmem>> -> memref<1x128x128xf32, #tpu.memory_space<vmem>>
      %scatter3A_808 = tpu.memref_squeeze %scatter3A_807 : memref<1x128x128xf32, #tpu.memory_space<vmem>> -> memref<128x128xf32, #tpu.memory_space<vmem>>
      tpu.vector_store_idx %scatter3A_808[%add3A_653, %broadcast_in_dim3A_43], %mul3A_743 : memref<128x128xf32, #tpu.memory_space<vmem>>[vector<16xi32>, vector<16xi32>], vector<16xf32>,
      %scatter3A_809 = arith.constant 0 : i32
      %scatter3A_810 = arith.constant 0 : i32
      %scatter3A_811 = arith.constant 0 : i32
      %scatter3A_812 = tpu.memref_slice %arg8[%scatter3A_809, %scatter3A_810, %scatter3A_811] : memref<2x128x7xf32, #tpu.memory_space<vmem>> -> memref<1x128x7xf32, #tpu.memory_space<vmem>>
      %scatter3A_813 = tpu.memref_squeeze %scatter3A_812 : memref<1x128x7xf32, #tpu.memory_space<vmem>> -> memref<128x7xf32, #tpu.memory_space<vmem>>
      tpu.vector_store_idx %scatter3A_813[%add3A_653, %broadcast_in_dim3A_57], %mul3A_743 : memref<128x7xf32, #tpu.memory_space<vmem>>[vector<16xi32>, vector<16xi32>], vector<16xf32>,
      %add3A_814 = arith.constant 64 : i32
      %add3A_815 = vector.broadcast %add3A_814 : i32 to vector<16xi32>
      %add3A_816 = arith.addi %iota3A, %add3A_815 : vector<16xi32>
      %gather3A_817 = arith.constant 0 : i32
      %gather3A_818 = arith.constant 0 : i32
      %gather3A_819 = arith.constant 0 : i32
      %gather3A_820 = tpu.memref_slice %arg6[%gather3A_817, %gather3A_818, %gather3A_819] : memref<2x128x128xf32, #tpu.memory_space<vmem>> -> memref<1x128x128xf32, #tpu.memory_space<vmem>>
      %gather3A_821 = tpu.memref_squeeze %gather3A_820 : memref<1x128x128xf32, #tpu.memory_space<vmem>> -> memref<128x128xf32, #tpu.memory_space<vmem>>
      %gather3A_822 = tpu.vector_load_idx %gather3A_821[%add3A_816, %broadcast_in_dim3A_31] : memref<128x128xf32, #tpu.memory_space<vmem>>[vector<16xi32>, vector<16xi32>], vector<16xf32>,
      %gather3A_823 = arith.constant 0 : i32
      %gather3A_824 = arith.constant 0 : i32
      %gather3A_825 = arith.constant 0 : i32
      %gather3A_826 = tpu.memref_slice %arg6[%gather3A_823, %gather3A_824, %gather3A_825] : memref<2x128x128xf32, #tpu.memory_space<vmem>> -> memref<1x128x128xf32, #tpu.memory_space<vmem>>
      %gather3A_827 = tpu.memref_squeeze %gather3A_826 : memref<1x128x128xf32, #tpu.memory_space<vmem>> -> memref<128x128xf32, #tpu.memory_space<vmem>>
      %gather3A_828 = tpu.vector_load_idx %gather3A_827[%add3A_816, %broadcast_in_dim3A_33] : memref<128x128xf32, #tpu.memory_space<vmem>>[vector<16xi32>, vector<16xi32>], vector<16xf32>,
      %gather3A_829 = arith.constant 0 : i32
      %gather3A_830 = arith.constant 0 : i32
      %gather3A_831 = arith.constant 0 : i32
      %gather3A_832 = tpu.memref_slice %arg6[%gather3A_829, %gather3A_830, %gather3A_831] : memref<2x128x128xf32, #tpu.memory_space<vmem>> -> memref<1x128x128xf32, #tpu.memory_space<vmem>>
      %gather3A_833 = tpu.memref_squeeze %gather3A_832 : memref<1x128x128xf32, #tpu.memory_space<vmem>> -> memref<128x128xf32, #tpu.memory_space<vmem>>
      %gather3A_834 = tpu.vector_load_idx %gather3A_833[%add3A_816, %broadcast_in_dim3A_35] : memref<128x128xf32, #tpu.memory_space<vmem>>[vector<16xi32>, vector<16xi32>], vector<16xf32>,
      %gather3A_835 = arith.constant 0 : i32
      %gather3A_836 = arith.constant 0 : i32
      %gather3A_837 = arith.constant 0 : i32
      %gather3A_838 = tpu.memref_slice %arg6[%gather3A_835, %gather3A_836, %gather3A_837] : memref<2x128x128xf32, #tpu.memory_space<vmem>> -> memref<1x128x128xf32, #tpu.memory_space<vmem>>
      %gather3A_839 = tpu.memref_squeeze %gather3A_838 : memref<1x128x128xf32, #tpu.memory_space<vmem>> -> memref<128x128xf32, #tpu.memory_space<vmem>>
      %gather3A_840 = tpu.vector_load_idx %gather3A_839[%add3A_816, %broadcast_in_dim3A_37] : memref<128x128xf32, #tpu.memory_space<vmem>>[vector<16xi32>, vector<16xi32>], vector<16xf32>,
      %gather3A_841 = arith.constant 0 : i32
      %gather3A_842 = arith.constant 0 : i32
      %gather3A_843 = arith.constant 0 : i32
      %gather3A_844 = tpu.memref_slice %arg6[%gather3A_841, %gather3A_842, %gather3A_843] : memref<2x128x128xf32, #tpu.memory_space<vmem>> -> memref<1x128x128xf32, #tpu.memory_space<vmem>>
      %gather3A_845 = tpu.memref_squeeze %gather3A_844 : memref<1x128x128xf32, #tpu.memory_space<vmem>> -> memref<128x128xf32, #tpu.memory_space<vmem>>
      %gather3A_846 = tpu.vector_load_idx %gather3A_845[%add3A_816, %broadcast_in_dim3A_39] : memref<128x128xf32, #tpu.memory_space<vmem>>[vector<16xi32>, vector<16xi32>], vector<16xf32>,
      %gather3A_847 = arith.constant 0 : i32
      %gather3A_848 = arith.constant 0 : i32
      %gather3A_849 = arith.constant 0 : i32
      %gather3A_850 = tpu.memref_slice %arg6[%gather3A_847, %gather3A_848, %gather3A_849] : memref<2x128x128xf32, #tpu.memory_space<vmem>> -> memref<1x128x128xf32, #tpu.memory_space<vmem>>
      %gather3A_851 = tpu.memref_squeeze %gather3A_850 : memref<1x128x128xf32, #tpu.memory_space<vmem>> -> memref<128x128xf32, #tpu.memory_space<vmem>>
      %gather3A_852 = tpu.vector_load_idx %gather3A_851[%add3A_816, %broadcast_in_dim3A_41] : memref<128x128xf32, #tpu.memory_space<vmem>>[vector<16xi32>, vector<16xi32>], vector<16xf32>,
      %gather3A_853 = arith.constant 0 : i32
      %gather3A_854 = arith.constant 0 : i32
      %gather3A_855 = arith.constant 0 : i32
      %gather3A_856 = tpu.memref_slice %arg6[%gather3A_853, %gather3A_854, %gather3A_855] : memref<2x128x128xf32, #tpu.memory_space<vmem>> -> memref<1x128x128xf32, #tpu.memory_space<vmem>>
      %gather3A_857 = tpu.memref_squeeze %gather3A_856 : memref<1x128x128xf32, #tpu.memory_space<vmem>> -> memref<128x128xf32, #tpu.memory_space<vmem>>
      %gather3A_858 = tpu.vector_load_idx %gather3A_857[%add3A_816, %broadcast_in_dim3A_43] : memref<128x128xf32, #tpu.memory_space<vmem>>[vector<16xi32>, vector<16xi32>], vector<16xf32>,
      %mul3A_859 = arith.constant -1.000000e+00 : f32
      %mul3A_860 = vector.broadcast %mul3A_859 : f32 to vector<16xf32>
      %mul3A_861 = arith.mulf %gather3A_822, %mul3A_860 : vector<16xf32>
      %exp3A_862 = math.exp %mul3A_861 : vector<16xf32>
      %mul3A_863 = arith.constant 1.000000e+00 : f32
      %mul3A_864 = vector.broadcast %mul3A_863 : f32 to vector<16xf32>
      %mul3A_865 = arith.mulf %gather3A_828, %mul3A_864 : vector<16xf32>
      %exp3A_866 = math.exp %mul3A_865 : vector<16xf32>
      %mul3A_867 = arith.constant -1.000000e+00 : f32
      %mul3A_868 = vector.broadcast %mul3A_867 : f32 to vector<16xf32>
      %mul3A_869 = arith.mulf %gather3A_834, %mul3A_868 : vector<16xf32>
      %exp3A_870 = math.exp %mul3A_869 : vector<16xf32>
      %mul3A_871 = arith.constant 1.000000e+00 : f32
      %mul3A_872 = vector.broadcast %mul3A_871 : f32 to vector<16xf32>
      %mul3A_873 = arith.mulf %gather3A_840, %mul3A_872 : vector<16xf32>
      %exp3A_874 = math.exp %mul3A_873 : vector<16xf32>
      %add3A_875 = arith.addf %exp3A_862, %exp3A_866 : vector<16xf32>
      %add3A_876 = arith.addf %exp3A_870, %exp3A_874 : vector<16xf32>
      %add3A_877 = arith.addf %add3A_875, %add3A_876 : vector<16xf32>
      %div3A_878 = arith.divf %min3A_23, %add3A_877 : vector<16xf32>
      %neg3A_879 = arith.constant 0.000000e+00 : f32
      %neg3A_880 = vector.broadcast %neg3A_879 : f32 to vector<16xf32>
      %neg3A_881 = arith.subf %neg3A_880, %div3A_878 : vector<16xf32>
      %mul3A_882 = arith.mulf %exp3A_862, %neg3A_881 : vector<16xf32>
      %mul3A_883 = arith.mulf %exp3A_866, %div3A_878 : vector<16xf32>
      %mul3A_884 = arith.mulf %exp3A_870, %neg3A_881 : vector<16xf32>
      %mul3A_885 = arith.mulf %exp3A_874, %div3A_878 : vector<16xf32>
      %mul3A_886 = arith.constant 1.000000e+00 : f32
      %mul3A_887 = vector.broadcast %mul3A_886 : f32 to vector<16xf32>
      %mul3A_888 = arith.mulf %gather3A_846, %mul3A_887 : vector<16xf32>
      %exp3A_889 = math.exp %mul3A_888 : vector<16xf32>
      %mul3A_890 = arith.constant -1.000000e+00 : f32
      %mul3A_891 = vector.broadcast %mul3A_890 : f32 to vector<16xf32>
      %mul3A_892 = arith.mulf %gather3A_852, %mul3A_891 : vector<16xf32>
      %exp3A_893 = math.exp %mul3A_892 : vector<16xf32>
      %mul3A_894 = arith.constant 1.000000e+00 : f32
      %mul3A_895 = vector.broadcast %mul3A_894 : f32 to vector<16xf32>
      %mul3A_896 = arith.mulf %gather3A_858, %mul3A_895 : vector<16xf32>
      %exp3A_897 = math.exp %mul3A_896 : vector<16xf32>
      %add3A_898 = arith.addf %exp3A_889, %exp3A_893 : vector<16xf32>
      %add3A_899 = arith.addf %add3A_898, %exp3A_897 : vector<16xf32>
      %div3A_900 = arith.divf %min3A_23, %add3A_899 : vector<16xf32>
      %neg3A_901 = arith.constant 0.000000e+00 : f32
      %neg3A_902 = vector.broadcast %neg3A_901 : f32 to vector<16xf32>
      %neg3A_903 = arith.subf %neg3A_902, %div3A_900 : vector<16xf32>
      %mul3A_904 = arith.mulf %exp3A_889, %div3A_900 : vector<16xf32>
      %mul3A_905 = arith.mulf %exp3A_893, %neg3A_903 : vector<16xf32>
      %mul3A_906 = arith.mulf %exp3A_897, %div3A_900 : vector<16xf32>
      %scatter3A_907 = arith.constant 0 : i32
      %scatter3A_908 = arith.constant 0 : i32
      %scatter3A_909 = arith.constant 0 : i32
      %scatter3A_910 = tpu.memref_slice %arg7[%scatter3A_907, %scatter3A_908, %scatter3A_909] : memref<2x128x128xf32, #tpu.memory_space<vmem>> -> memref<1x128x128xf32, #tpu.memory_space<vmem>>
      %scatter3A_911 = tpu.memref_squeeze %scatter3A_910 : memref<1x128x128xf32, #tpu.memory_space<vmem>> -> memref<128x128xf32, #tpu.memory_space<vmem>>
      tpu.vector_store_idx %scatter3A_911[%add3A_816, %broadcast_in_dim3A_31], %mul3A_882 : memref<128x128xf32, #tpu.memory_space<vmem>>[vector<16xi32>, vector<16xi32>], vector<16xf32>,
      %scatter3A_912 = arith.constant 0 : i32
      %scatter3A_913 = arith.constant 0 : i32
      %scatter3A_914 = arith.constant 0 : i32
      %scatter3A_915 = tpu.memref_slice %arg8[%scatter3A_912, %scatter3A_913, %scatter3A_914] : memref<2x128x7xf32, #tpu.memory_space<vmem>> -> memref<1x128x7xf32, #tpu.memory_space<vmem>>
      %scatter3A_916 = tpu.memref_squeeze %scatter3A_915 : memref<1x128x7xf32, #tpu.memory_space<vmem>> -> memref<128x7xf32, #tpu.memory_space<vmem>>
      tpu.vector_store_idx %scatter3A_916[%add3A_816, %broadcast_in_dim3A_45], %mul3A_882 : memref<128x7xf32, #tpu.memory_space<vmem>>[vector<16xi32>, vector<16xi32>], vector<16xf32>,
      %scatter3A_917 = arith.constant 0 : i32
      %scatter3A_918 = arith.constant 0 : i32
      %scatter3A_919 = arith.constant 0 : i32
      %scatter3A_920 = tpu.memref_slice %arg7[%scatter3A_917, %scatter3A_918, %scatter3A_919] : memref<2x128x128xf32, #tpu.memory_space<vmem>> -> memref<1x128x128xf32, #tpu.memory_space<vmem>>
      %scatter3A_921 = tpu.memref_squeeze %scatter3A_920 : memref<1x128x128xf32, #tpu.memory_space<vmem>> -> memref<128x128xf32, #tpu.memory_space<vmem>>
      tpu.vector_store_idx %scatter3A_921[%add3A_816, %broadcast_in_dim3A_33], %mul3A_883 : memref<128x128xf32, #tpu.memory_space<vmem>>[vector<16xi32>, vector<16xi32>], vector<16xf32>,
      %scatter3A_922 = arith.constant 0 : i32
      %scatter3A_923 = arith.constant 0 : i32
      %scatter3A_924 = arith.constant 0 : i32
      %scatter3A_925 = tpu.memref_slice %arg8[%scatter3A_922, %scatter3A_923, %scatter3A_924] : memref<2x128x7xf32, #tpu.memory_space<vmem>> -> memref<1x128x7xf32, #tpu.memory_space<vmem>>
      %scatter3A_926 = tpu.memref_squeeze %scatter3A_925 : memref<1x128x7xf32, #tpu.memory_space<vmem>> -> memref<128x7xf32, #tpu.memory_space<vmem>>
      tpu.vector_store_idx %scatter3A_926[%add3A_816, %broadcast_in_dim3A_47], %mul3A_883 : memref<128x7xf32, #tpu.memory_space<vmem>>[vector<16xi32>, vector<16xi32>], vector<16xf32>,
      %scatter3A_927 = arith.constant 0 : i32
      %scatter3A_928 = arith.constant 0 : i32
      %scatter3A_929 = arith.constant 0 : i32
      %scatter3A_930 = tpu.memref_slice %arg7[%scatter3A_927, %scatter3A_928, %scatter3A_929] : memref<2x128x128xf32, #tpu.memory_space<vmem>> -> memref<1x128x128xf32, #tpu.memory_space<vmem>>
      %scatter3A_931 = tpu.memref_squeeze %scatter3A_930 : memref<1x128x128xf32, #tpu.memory_space<vmem>> -> memref<128x128xf32, #tpu.memory_space<vmem>>
      tpu.vector_store_idx %scatter3A_931[%add3A_816, %broadcast_in_dim3A_35], %mul3A_884 : memref<128x128xf32, #tpu.memory_space<vmem>>[vector<16xi32>, vector<16xi32>], vector<16xf32>,
      %scatter3A_932 = arith.constant 0 : i32
      %scatter3A_933 = arith.constant 0 : i32
      %scatter3A_934 = arith.constant 0 : i32
      %scatter3A_935 = tpu.memref_slice %arg8[%scatter3A_932, %scatter3A_933, %scatter3A_934] : memref<2x128x7xf32, #tpu.memory_space<vmem>> -> memref<1x128x7xf32, #tpu.memory_space<vmem>>
      %scatter3A_936 = tpu.memref_squeeze %scatter3A_935 : memref<1x128x7xf32, #tpu.memory_space<vmem>> -> memref<128x7xf32, #tpu.memory_space<vmem>>
      tpu.vector_store_idx %scatter3A_936[%add3A_816, %broadcast_in_dim3A_49], %mul3A_884 : memref<128x7xf32, #tpu.memory_space<vmem>>[vector<16xi32>, vector<16xi32>], vector<16xf32>,
      %scatter3A_937 = arith.constant 0 : i32
      %scatter3A_938 = arith.constant 0 : i32
      %scatter3A_939 = arith.constant 0 : i32
      %scatter3A_940 = tpu.memref_slice %arg7[%scatter3A_937, %scatter3A_938, %scatter3A_939] : memref<2x128x128xf32, #tpu.memory_space<vmem>> -> memref<1x128x128xf32, #tpu.memory_space<vmem>>
      %scatter3A_941 = tpu.memref_squeeze %scatter3A_940 : memref<1x128x128xf32, #tpu.memory_space<vmem>> -> memref<128x128xf32, #tpu.memory_space<vmem>>
      tpu.vector_store_idx %scatter3A_941[%add3A_816, %broadcast_in_dim3A_37], %mul3A_885 : memref<128x128xf32, #tpu.memory_space<vmem>>[vector<16xi32>, vector<16xi32>], vector<16xf32>,
      %scatter3A_942 = arith.constant 0 : i32
      %scatter3A_943 = arith.constant 0 : i32
      %scatter3A_944 = arith.constant 0 : i32
      %scatter3A_945 = tpu.memref_slice %arg8[%scatter3A_942, %scatter3A_943, %scatter3A_944] : memref<2x128x7xf32, #tpu.memory_space<vmem>> -> memref<1x128x7xf32, #tpu.memory_space<vmem>>
      %scatter3A_946 = tpu.memref_squeeze %scatter3A_945 : memref<1x128x7xf32, #tpu.memory_space<vmem>> -> memref<128x7xf32, #tpu.memory_space<vmem>>
      tpu.vector_store_idx %scatter3A_946[%add3A_816, %broadcast_in_dim3A_51], %mul3A_885 : memref<128x7xf32, #tpu.memory_space<vmem>>[vector<16xi32>, vector<16xi32>], vector<16xf32>,
      %scatter3A_947 = arith.constant 0 : i32
      %scatter3A_948 = arith.constant 0 : i32
      %scatter3A_949 = arith.constant 0 : i32
      %scatter3A_950 = tpu.memref_slice %arg7[%scatter3A_947, %scatter3A_948, %scatter3A_949] : memref<2x128x128xf32, #tpu.memory_space<vmem>> -> memref<1x128x128xf32, #tpu.memory_space<vmem>>
      %scatter3A_951 = tpu.memref_squeeze %scatter3A_950 : memref<1x128x128xf32, #tpu.memory_space<vmem>> -> memref<128x128xf32, #tpu.memory_space<vmem>>
      tpu.vector_store_idx %scatter3A_951[%add3A_816, %broadcast_in_dim3A_39], %mul3A_904 : memref<128x128xf32, #tpu.memory_space<vmem>>[vector<16xi32>, vector<16xi32>], vector<16xf32>,
      %scatter3A_952 = arith.constant 0 : i32
      %scatter3A_953 = arith.constant 0 : i32
      %scatter3A_954 = arith.constant 0 : i32
      %scatter3A_955 = tpu.memref_slice %arg8[%scatter3A_952, %scatter3A_953, %scatter3A_954] : memref<2x128x7xf32, #tpu.memory_space<vmem>> -> memref<1x128x7xf32, #tpu.memory_space<vmem>>
      %scatter3A_956 = tpu.memref_squeeze %scatter3A_955 : memref<1x128x7xf32, #tpu.memory_space<vmem>> -> memref<128x7xf32, #tpu.memory_space<vmem>>
      tpu.vector_store_idx %scatter3A_956[%add3A_816, %broadcast_in_dim3A_53], %mul3A_904 : memref<128x7xf32, #tpu.memory_space<vmem>>[vector<16xi32>, vector<16xi32>], vector<16xf32>,
      %scatter3A_957 = arith.constant 0 : i32
      %scatter3A_958 = arith.constant 0 : i32
      %scatter3A_959 = arith.constant 0 : i32
      %scatter3A_960 = tpu.memref_slice %arg7[%scatter3A_957, %scatter3A_958, %scatter3A_959] : memref<2x128x128xf32, #tpu.memory_space<vmem>> -> memref<1x128x128xf32, #tpu.memory_space<vmem>>
      %scatter3A_961 = tpu.memref_squeeze %scatter3A_960 : memref<1x128x128xf32, #tpu.memory_space<vmem>> -> memref<128x128xf32, #tpu.memory_space<vmem>>
      tpu.vector_store_idx %scatter3A_961[%add3A_816, %broadcast_in_dim3A_41], %mul3A_905 : memref<128x128xf32, #tpu.memory_space<vmem>>[vector<16xi32>, vector<16xi32>], vector<16xf32>,
      %scatter3A_962 = arith.constant 0 : i32
      %scatter3A_963 = arith.constant 0 : i32
      %scatter3A_964 = arith.constant 0 : i32
      %scatter3A_965 = tpu.memref_slice %arg8[%scatter3A_962, %scatter3A_963, %scatter3A_964] : memref<2x128x7xf32, #tpu.memory_space<vmem>> -> memref<1x128x7xf32, #tpu.memory_space<vmem>>
      %scatter3A_966 = tpu.memref_squeeze %scatter3A_965 : memref<1x128x7xf32, #tpu.memory_space<vmem>> -> memref<128x7xf32, #tpu.memory_space<vmem>>
      tpu.vector_store_idx %scatter3A_966[%add3A_816, %broadcast_in_dim3A_55], %mul3A_905 : memref<128x7xf32, #tpu.memory_space<vmem>>[vector<16xi32>, vector<16xi32>], vector<16xf32>,
      %scatter3A_967 = arith.constant 0 : i32
      %scatter3A_968 = arith.constant 0 : i32
      %scatter3A_969 = arith.constant 0 : i32
      %scatter3A_970 = tpu.memref_slice %arg7[%scatter3A_967, %scatter3A_968, %scatter3A_969] : memref<2x128x128xf32, #tpu.memory_space<vmem>> -> memref<1x128x128xf32, #tpu.memory_space<vmem>>
      %scatter3A_971 = tpu.memref_squeeze %scatter3A_970 : memref<1x128x128xf32, #tpu.memory_space<vmem>> -> memref<128x128xf32, #tpu.memory_space<vmem>>
      tpu.vector_store_idx %scatter3A_971[%add3A_816, %broadcast_in_dim3A_43], %mul3A_906 : memref<128x128xf32, #tpu.memory_space<vmem>>[vector<16xi32>, vector<16xi32>], vector<16xf32>,
      %scatter3A_972 = arith.constant 0 : i32
      %scatter3A_973 = arith.constant 0 : i32
      %scatter3A_974 = arith.constant 0 : i32
      %scatter3A_975 = tpu.memref_slice %arg8[%scatter3A_972, %scatter3A_973, %scatter3A_974] : memref<2x128x7xf32, #tpu.memory_space<vmem>> -> memref<1x128x7xf32, #tpu.memory_space<vmem>>
      %scatter3A_976 = tpu.memref_squeeze %scatter3A_975 : memref<1x128x7xf32, #tpu.memory_space<vmem>> -> memref<128x7xf32, #tpu.memory_space<vmem>>
      tpu.vector_store_idx %scatter3A_976[%add3A_816, %broadcast_in_dim3A_57], %mul3A_906 : memref<128x7xf32, #tpu.memory_space<vmem>>[vector<16xi32>, vector<16xi32>], vector<16xf32>,
      %add3A_977 = arith.constant 80 : i32
      %add3A_978 = vector.broadcast %add3A_977 : i32 to vector<16xi32>
      %add3A_979 = arith.addi %iota3A, %add3A_978 : vector<16xi32>
      %gather3A_980 = arith.constant 0 : i32
      %gather3A_981 = arith.constant 0 : i32
      %gather3A_982 = arith.constant 0 : i32
      %gather3A_983 = tpu.memref_slice %arg6[%gather3A_980, %gather3A_981, %gather3A_982] : memref<2x128x128xf32, #tpu.memory_space<vmem>> -> memref<1x128x128xf32, #tpu.memory_space<vmem>>
      %gather3A_984 = tpu.memref_squeeze %gather3A_983 : memref<1x128x128xf32, #tpu.memory_space<vmem>> -> memref<128x128xf32, #tpu.memory_space<vmem>>
      %gather3A_985 = tpu.vector_load_idx %gather3A_984[%add3A_979, %broadcast_in_dim3A_31] : memref<128x128xf32, #tpu.memory_space<vmem>>[vector<16xi32>, vector<16xi32>], vector<16xf32>,
      %gather3A_986 = arith.constant 0 : i32
      %gather3A_987 = arith.constant 0 : i32
      %gather3A_988 = arith.constant 0 : i32
      %gather3A_989 = tpu.memref_slice %arg6[%gather3A_986, %gather3A_987, %gather3A_988] : memref<2x128x128xf32, #tpu.memory_space<vmem>> -> memref<1x128x128xf32, #tpu.memory_space<vmem>>
      %gather3A_990 = tpu.memref_squeeze %gather3A_989 : memref<1x128x128xf32, #tpu.memory_space<vmem>> -> memref<128x128xf32, #tpu.memory_space<vmem>>
      %gather3A_991 = tpu.vector_load_idx %gather3A_990[%add3A_979, %broadcast_in_dim3A_33] : memref<128x128xf32, #tpu.memory_space<vmem>>[vector<16xi32>, vector<16xi32>], vector<16xf32>,
      %gather3A_992 = arith.constant 0 : i32
      %gather3A_993 = arith.constant 0 : i32
      %gather3A_994 = arith.constant 0 : i32
      %gather3A_995 = tpu.memref_slice %arg6[%gather3A_992, %gather3A_993, %gather3A_994] : memref<2x128x128xf32, #tpu.memory_space<vmem>> -> memref<1x128x128xf32, #tpu.memory_space<vmem>>
      %gather3A_996 = tpu.memref_squeeze %gather3A_995 : memref<1x128x128xf32, #tpu.memory_space<vmem>> -> memref<128x128xf32, #tpu.memory_space<vmem>>
      %gather3A_997 = tpu.vector_load_idx %gather3A_996[%add3A_979, %broadcast_in_dim3A_35] : memref<128x128xf32, #tpu.memory_space<vmem>>[vector<16xi32>, vector<16xi32>], vector<16xf32>,
      %gather3A_998 = arith.constant 0 : i32
      %gather3A_999 = arith.constant 0 : i32
      %gather3A_1000 = arith.constant 0 : i32
      %gather3A_1001 = tpu.memref_slice %arg6[%gather3A_998, %gather3A_999, %gather3A_1000] : memref<2x128x128xf32, #tpu.memory_space<vmem>> -> memref<1x128x128xf32, #tpu.memory_space<vmem>>
      %gather3A_1002 = tpu.memref_squeeze %gather3A_1001 : memref<1x128x128xf32, #tpu.memory_space<vmem>> -> memref<128x128xf32, #tpu.memory_space<vmem>>
      %gather3A_1003 = tpu.vector_load_idx %gather3A_1002[%add3A_979, %broadcast_in_dim3A_37] : memref<128x128xf32, #tpu.memory_space<vmem>>[vector<16xi32>, vector<16xi32>], vector<16xf32>,
      %gather3A_1004 = arith.constant 0 : i32
      %gather3A_1005 = arith.constant 0 : i32
      %gather3A_1006 = arith.constant 0 : i32
      %gather3A_1007 = tpu.memref_slice %arg6[%gather3A_1004, %gather3A_1005, %gather3A_1006] : memref<2x128x128xf32, #tpu.memory_space<vmem>> -> memref<1x128x128xf32, #tpu.memory_space<vmem>>
      %gather3A_1008 = tpu.memref_squeeze %gather3A_1007 : memref<1x128x128xf32, #tpu.memory_space<vmem>> -> memref<128x128xf32, #tpu.memory_space<vmem>>
      %gather3A_1009 = tpu.vector_load_idx %gather3A_1008[%add3A_979, %broadcast_in_dim3A_39] : memref<128x128xf32, #tpu.memory_space<vmem>>[vector<16xi32>, vector<16xi32>], vector<16xf32>,
      %gather3A_1010 = arith.constant 0 : i32
      %gather3A_1011 = arith.constant 0 : i32
      %gather3A_1012 = arith.constant 0 : i32
      %gather3A_1013 = tpu.memref_slice %arg6[%gather3A_1010, %gather3A_1011, %gather3A_1012] : memref<2x128x128xf32, #tpu.memory_space<vmem>> -> memref<1x128x128xf32, #tpu.memory_space<vmem>>
      %gather3A_1014 = tpu.memref_squeeze %gather3A_1013 : memref<1x128x128xf32, #tpu.memory_space<vmem>> -> memref<128x128xf32, #tpu.memory_space<vmem>>
      %gather3A_1015 = tpu.vector_load_idx %gather3A_1014[%add3A_979, %broadcast_in_dim3A_41] : memref<128x128xf32, #tpu.memory_space<vmem>>[vector<16xi32>, vector<16xi32>], vector<16xf32>,
      %gather3A_1016 = arith.constant 0 : i32
      %gather3A_1017 = arith.constant 0 : i32
      %gather3A_1018 = arith.constant 0 : i32
      %gather3A_1019 = tpu.memref_slice %arg6[%gather3A_1016, %gather3A_1017, %gather3A_1018] : memref<2x128x128xf32, #tpu.memory_space<vmem>> -> memref<1x128x128xf32, #tpu.memory_space<vmem>>
      %gather3A_1020 = tpu.memref_squeeze %gather3A_1019 : memref<1x128x128xf32, #tpu.memory_space<vmem>> -> memref<128x128xf32, #tpu.memory_space<vmem>>
      %gather3A_1021 = tpu.vector_load_idx %gather3A_1020[%add3A_979, %broadcast_in_dim3A_43] : memref<128x128xf32, #tpu.memory_space<vmem>>[vector<16xi32>, vector<16xi32>], vector<16xf32>,
      %mul3A_1022 = arith.constant -1.000000e+00 : f32
      %mul3A_1023 = vector.broadcast %mul3A_1022 : f32 to vector<16xf32>
      %mul3A_1024 = arith.mulf %gather3A_985, %mul3A_1023 : vector<16xf32>
      %exp3A_1025 = math.exp %mul3A_1024 : vector<16xf32>
      %mul3A_1026 = arith.constant 1.000000e+00 : f32
      %mul3A_1027 = vector.broadcast %mul3A_1026 : f32 to vector<16xf32>
      %mul3A_1028 = arith.mulf %gather3A_991, %mul3A_1027 : vector<16xf32>
      %exp3A_1029 = math.exp %mul3A_1028 : vector<16xf32>
      %mul3A_1030 = arith.constant -1.000000e+00 : f32
      %mul3A_1031 = vector.broadcast %mul3A_1030 : f32 to vector<16xf32>
      %mul3A_1032 = arith.mulf %gather3A_997, %mul3A_1031 : vector<16xf32>
      %exp3A_1033 = math.exp %mul3A_1032 : vector<16xf32>
      %mul3A_1034 = arith.constant 1.000000e+00 : f32
      %mul3A_1035 = vector.broadcast %mul3A_1034 : f32 to vector<16xf32>
      %mul3A_1036 = arith.mulf %gather3A_1003, %mul3A_1035 : vector<16xf32>
      %exp3A_1037 = math.exp %mul3A_1036 : vector<16xf32>
      %add3A_1038 = arith.addf %exp3A_1025, %exp3A_1029 : vector<16xf32>
      %add3A_1039 = arith.addf %exp3A_1033, %exp3A_1037 : vector<16xf32>
      %add3A_1040 = arith.addf %add3A_1038, %add3A_1039 : vector<16xf32>
      %div3A_1041 = arith.divf %min3A_23, %add3A_1040 : vector<16xf32>
      %neg3A_1042 = arith.constant 0.000000e+00 : f32
      %neg3A_1043 = vector.broadcast %neg3A_1042 : f32 to vector<16xf32>
      %neg3A_1044 = arith.subf %neg3A_1043, %div3A_1041 : vector<16xf32>
      %mul3A_1045 = arith.mulf %exp3A_1025, %neg3A_1044 : vector<16xf32>
      %mul3A_1046 = arith.mulf %exp3A_1029, %div3A_1041 : vector<16xf32>
      %mul3A_1047 = arith.mulf %exp3A_1033, %neg3A_1044 : vector<16xf32>
      %mul3A_1048 = arith.mulf %exp3A_1037, %div3A_1041 : vector<16xf32>
      %mul3A_1049 = arith.constant 1.000000e+00 : f32
      %mul3A_1050 = vector.broadcast %mul3A_1049 : f32 to vector<16xf32>
      %mul3A_1051 = arith.mulf %gather3A_1009, %mul3A_1050 : vector<16xf32>
      %exp3A_1052 = math.exp %mul3A_1051 : vector<16xf32>
      %mul3A_1053 = arith.constant -1.000000e+00 : f32
      %mul3A_1054 = vector.broadcast %mul3A_1053 : f32 to vector<16xf32>
      %mul3A_1055 = arith.mulf %gather3A_1015, %mul3A_1054 : vector<16xf32>
      %exp3A_1056 = math.exp %mul3A_1055 : vector<16xf32>
      %mul3A_1057 = arith.constant 1.000000e+00 : f32
      %mul3A_1058 = vector.broadcast %mul3A_1057 : f32 to vector<16xf32>
      %mul3A_1059 = arith.mulf %gather3A_1021, %mul3A_1058 : vector<16xf32>
      %exp3A_1060 = math.exp %mul3A_1059 : vector<16xf32>
      %add3A_1061 = arith.addf %exp3A_1052, %exp3A_1056 : vector<16xf32>
      %add3A_1062 = arith.addf %add3A_1061, %exp3A_1060 : vector<16xf32>
      %div3A_1063 = arith.divf %min3A_23, %add3A_1062 : vector<16xf32>
      %neg3A_1064 = arith.constant 0.000000e+00 : f32
      %neg3A_1065 = vector.broadcast %neg3A_1064 : f32 to vector<16xf32>
      %neg3A_1066 = arith.subf %neg3A_1065, %div3A_1063 : vector<16xf32>
      %mul3A_1067 = arith.mulf %exp3A_1052, %div3A_1063 : vector<16xf32>
      %mul3A_1068 = arith.mulf %exp3A_1056, %neg3A_1066 : vector<16xf32>
      %mul3A_1069 = arith.mulf %exp3A_1060, %div3A_1063 : vector<16xf32>
      %scatter3A_1070 = arith.constant 0 : i32
      %scatter3A_1071 = arith.constant 0 : i32
      %scatter3A_1072 = arith.constant 0 : i32
      %scatter3A_1073 = tpu.memref_slice %arg7[%scatter3A_1070, %scatter3A_1071, %scatter3A_1072] : memref<2x128x128xf32, #tpu.memory_space<vmem>> -> memref<1x128x128xf32, #tpu.memory_space<vmem>>
      %scatter3A_1074 = tpu.memref_squeeze %scatter3A_1073 : memref<1x128x128xf32, #tpu.memory_space<vmem>> -> memref<128x128xf32, #tpu.memory_space<vmem>>
      tpu.vector_store_idx %scatter3A_1074[%add3A_979, %broadcast_in_dim3A_31], %mul3A_1045 : memref<128x128xf32, #tpu.memory_space<vmem>>[vector<16xi32>, vector<16xi32>], vector<16xf32>,
      %scatter3A_1075 = arith.constant 0 : i32
      %scatter3A_1076 = arith.constant 0 : i32
      %scatter3A_1077 = arith.constant 0 : i32
      %scatter3A_1078 = tpu.memref_slice %arg8[%scatter3A_1075, %scatter3A_1076, %scatter3A_1077] : memref<2x128x7xf32, #tpu.memory_space<vmem>> -> memref<1x128x7xf32, #tpu.memory_space<vmem>>
      %scatter3A_1079 = tpu.memref_squeeze %scatter3A_1078 : memref<1x128x7xf32, #tpu.memory_space<vmem>> -> memref<128x7xf32, #tpu.memory_space<vmem>>
      tpu.vector_store_idx %scatter3A_1079[%add3A_979, %broadcast_in_dim3A_45], %mul3A_1045 : memref<128x7xf32, #tpu.memory_space<vmem>>[vector<16xi32>, vector<16xi32>], vector<16xf32>,
      %scatter3A_1080 = arith.constant 0 : i32
      %scatter3A_1081 = arith.constant 0 : i32
      %scatter3A_1082 = arith.constant 0 : i32
      %scatter3A_1083 = tpu.memref_slice %arg7[%scatter3A_1080, %scatter3A_1081, %scatter3A_1082] : memref<2x128x128xf32, #tpu.memory_space<vmem>> -> memref<1x128x128xf32, #tpu.memory_space<vmem>>
      %scatter3A_1084 = tpu.memref_squeeze %scatter3A_1083 : memref<1x128x128xf32, #tpu.memory_space<vmem>> -> memref<128x128xf32, #tpu.memory_space<vmem>>
      tpu.vector_store_idx %scatter3A_1084[%add3A_979, %broadcast_in_dim3A_33], %mul3A_1046 : memref<128x128xf32, #tpu.memory_space<vmem>>[vector<16xi32>, vector<16xi32>], vector<16xf32>,
      %scatter3A_1085 = arith.constant 0 : i32
      %scatter3A_1086 = arith.constant 0 : i32
      %scatter3A_1087 = arith.constant 0 : i32
      %scatter3A_1088 = tpu.memref_slice %arg8[%scatter3A_1085, %scatter3A_1086, %scatter3A_1087] : memref<2x128x7xf32, #tpu.memory_space<vmem>> -> memref<1x128x7xf32, #tpu.memory_space<vmem>>
      %scatter3A_1089 = tpu.memref_squeeze %scatter3A_1088 : memref<1x128x7xf32, #tpu.memory_space<vmem>> -> memref<128x7xf32, #tpu.memory_space<vmem>>
      tpu.vector_store_idx %scatter3A_1089[%add3A_979, %broadcast_in_dim3A_47], %mul3A_1046 : memref<128x7xf32, #tpu.memory_space<vmem>>[vector<16xi32>, vector<16xi32>], vector<16xf32>,
      %scatter3A_1090 = arith.constant 0 : i32
      %scatter3A_1091 = arith.constant 0 : i32
      %scatter3A_1092 = arith.constant 0 : i32
      %scatter3A_1093 = tpu.memref_slice %arg7[%scatter3A_1090, %scatter3A_1091, %scatter3A_1092] : memref<2x128x128xf32, #tpu.memory_space<vmem>> -> memref<1x128x128xf32, #tpu.memory_space<vmem>>
      %scatter3A_1094 = tpu.memref_squeeze %scatter3A_1093 : memref<1x128x128xf32, #tpu.memory_space<vmem>> -> memref<128x128xf32, #tpu.memory_space<vmem>>
      tpu.vector_store_idx %scatter3A_1094[%add3A_979, %broadcast_in_dim3A_35], %mul3A_1047 : memref<128x128xf32, #tpu.memory_space<vmem>>[vector<16xi32>, vector<16xi32>], vector<16xf32>,
      %scatter3A_1095 = arith.constant 0 : i32
      %scatter3A_1096 = arith.constant 0 : i32
      %scatter3A_1097 = arith.constant 0 : i32
      %scatter3A_1098 = tpu.memref_slice %arg8[%scatter3A_1095, %scatter3A_1096, %scatter3A_1097] : memref<2x128x7xf32, #tpu.memory_space<vmem>> -> memref<1x128x7xf32, #tpu.memory_space<vmem>>
      %scatter3A_1099 = tpu.memref_squeeze %scatter3A_1098 : memref<1x128x7xf32, #tpu.memory_space<vmem>> -> memref<128x7xf32, #tpu.memory_space<vmem>>
      tpu.vector_store_idx %scatter3A_1099[%add3A_979, %broadcast_in_dim3A_49], %mul3A_1047 : memref<128x7xf32, #tpu.memory_space<vmem>>[vector<16xi32>, vector<16xi32>], vector<16xf32>,
      %scatter3A_1100 = arith.constant 0 : i32
      %scatter3A_1101 = arith.constant 0 : i32
      %scatter3A_1102 = arith.constant 0 : i32
      %scatter3A_1103 = tpu.memref_slice %arg7[%scatter3A_1100, %scatter3A_1101, %scatter3A_1102] : memref<2x128x128xf32, #tpu.memory_space<vmem>> -> memref<1x128x128xf32, #tpu.memory_space<vmem>>
      %scatter3A_1104 = tpu.memref_squeeze %scatter3A_1103 : memref<1x128x128xf32, #tpu.memory_space<vmem>> -> memref<128x128xf32, #tpu.memory_space<vmem>>
      tpu.vector_store_idx %scatter3A_1104[%add3A_979, %broadcast_in_dim3A_37], %mul3A_1048 : memref<128x128xf32, #tpu.memory_space<vmem>>[vector<16xi32>, vector<16xi32>], vector<16xf32>,
      %scatter3A_1105 = arith.constant 0 : i32
      %scatter3A_1106 = arith.constant 0 : i32
      %scatter3A_1107 = arith.constant 0 : i32
      %scatter3A_1108 = tpu.memref_slice %arg8[%scatter3A_1105, %scatter3A_1106, %scatter3A_1107] : memref<2x128x7xf32, #tpu.memory_space<vmem>> -> memref<1x128x7xf32, #tpu.memory_space<vmem>>
      %scatter3A_1109 = tpu.memref_squeeze %scatter3A_1108 : memref<1x128x7xf32, #tpu.memory_space<vmem>> -> memref<128x7xf32, #tpu.memory_space<vmem>>
      tpu.vector_store_idx %scatter3A_1109[%add3A_979, %broadcast_in_dim3A_51], %mul3A_1048 : memref<128x7xf32, #tpu.memory_space<vmem>>[vector<16xi32>, vector<16xi32>], vector<16xf32>,
      %scatter3A_1110 = arith.constant 0 : i32
      %scatter3A_1111 = arith.constant 0 : i32
      %scatter3A_1112 = arith.constant 0 : i32
      %scatter3A_1113 = tpu.memref_slice %arg7[%scatter3A_1110, %scatter3A_1111, %scatter3A_1112] : memref<2x128x128xf32, #tpu.memory_space<vmem>> -> memref<1x128x128xf32, #tpu.memory_space<vmem>>
      %scatter3A_1114 = tpu.memref_squeeze %scatter3A_1113 : memref<1x128x128xf32, #tpu.memory_space<vmem>> -> memref<128x128xf32, #tpu.memory_space<vmem>>
      tpu.vector_store_idx %scatter3A_1114[%add3A_979, %broadcast_in_dim3A_39], %mul3A_1067 : memref<128x128xf32, #tpu.memory_space<vmem>>[vector<16xi32>, vector<16xi32>], vector<16xf32>,
      %scatter3A_1115 = arith.constant 0 : i32
      %scatter3A_1116 = arith.constant 0 : i32
      %scatter3A_1117 = arith.constant 0 : i32
      %scatter3A_1118 = tpu.memref_slice %arg8[%scatter3A_1115, %scatter3A_1116, %scatter3A_1117] : memref<2x128x7xf32, #tpu.memory_space<vmem>> -> memref<1x128x7xf32, #tpu.memory_space<vmem>>
      %scatter3A_1119 = tpu.memref_squeeze %scatter3A_1118 : memref<1x128x7xf32, #tpu.memory_space<vmem>> -> memref<128x7xf32, #tpu.memory_space<vmem>>
      tpu.vector_store_idx %scatter3A_1119[%add3A_979, %broadcast_in_dim3A_53], %mul3A_1067 : memref<128x7xf32, #tpu.memory_space<vmem>>[vector<16xi32>, vector<16xi32>], vector<16xf32>,
      %scatter3A_1120 = arith.constant 0 : i32
      %scatter3A_1121 = arith.constant 0 : i32
      %scatter3A_1122 = arith.constant 0 : i32
      %scatter3A_1123 = tpu.memref_slice %arg7[%scatter3A_1120, %scatter3A_1121, %scatter3A_1122] : memref<2x128x128xf32, #tpu.memory_space<vmem>> -> memref<1x128x128xf32, #tpu.memory_space<vmem>>
      %scatter3A_1124 = tpu.memref_squeeze %scatter3A_1123 : memref<1x128x128xf32, #tpu.memory_space<vmem>> -> memref<128x128xf32, #tpu.memory_space<vmem>>
      tpu.vector_store_idx %scatter3A_1124[%add3A_979, %broadcast_in_dim3A_41], %mul3A_1068 : memref<128x128xf32, #tpu.memory_space<vmem>>[vector<16xi32>, vector<16xi32>], vector<16xf32>,
      %scatter3A_1125 = arith.constant 0 : i32
      %scatter3A_1126 = arith.constant 0 : i32
      %scatter3A_1127 = arith.constant 0 : i32
      %scatter3A_1128 = tpu.memref_slice %arg8[%scatter3A_1125, %scatter3A_1126, %scatter3A_1127] : memref<2x128x7xf32, #tpu.memory_space<vmem>> -> memref<1x128x7xf32, #tpu.memory_space<vmem>>
      %scatter3A_1129 = tpu.memref_squeeze %scatter3A_1128 : memref<1x128x7xf32, #tpu.memory_space<vmem>> -> memref<128x7xf32, #tpu.memory_space<vmem>>
      tpu.vector_store_idx %scatter3A_1129[%add3A_979, %broadcast_in_dim3A_55], %mul3A_1068 : memref<128x7xf32, #tpu.memory_space<vmem>>[vector<16xi32>, vector<16xi32>], vector<16xf32>,
      %scatter3A_1130 = arith.constant 0 : i32
      %scatter3A_1131 = arith.constant 0 : i32
      %scatter3A_1132 = arith.constant 0 : i32
      %scatter3A_1133 = tpu.memref_slice %arg7[%scatter3A_1130, %scatter3A_1131, %scatter3A_1132] : memref<2x128x128xf32, #tpu.memory_space<vmem>> -> memref<1x128x128xf32, #tpu.memory_space<vmem>>
      %scatter3A_1134 = tpu.memref_squeeze %scatter3A_1133 : memref<1x128x128xf32, #tpu.memory_space<vmem>> -> memref<128x128xf32, #tpu.memory_space<vmem>>
      tpu.vector_store_idx %scatter3A_1134[%add3A_979, %broadcast_in_dim3A_43], %mul3A_1069 : memref<128x128xf32, #tpu.memory_space<vmem>>[vector<16xi32>, vector<16xi32>], vector<16xf32>,
      %scatter3A_1135 = arith.constant 0 : i32
      %scatter3A_1136 = arith.constant 0 : i32
      %scatter3A_1137 = arith.constant 0 : i32
      %scatter3A_1138 = tpu.memref_slice %arg8[%scatter3A_1135, %scatter3A_1136, %scatter3A_1137] : memref<2x128x7xf32, #tpu.memory_space<vmem>> -> memref<1x128x7xf32, #tpu.memory_space<vmem>>
      %scatter3A_1139 = tpu.memref_squeeze %scatter3A_1138 : memref<1x128x7xf32, #tpu.memory_space<vmem>> -> memref<128x7xf32, #tpu.memory_space<vmem>>
      tpu.vector_store_idx %scatter3A_1139[%add3A_979, %broadcast_in_dim3A_57], %mul3A_1069 : memref<128x7xf32, #tpu.memory_space<vmem>>[vector<16xi32>, vector<16xi32>], vector<16xf32>,
      %add3A_1140 = arith.constant 96 : i32
      %add3A_1141 = vector.broadcast %add3A_1140 : i32 to vector<16xi32>
      %add3A_1142 = arith.addi %iota3A, %add3A_1141 : vector<16xi32>
      %gather3A_1143 = arith.constant 0 : i32
      %gather3A_1144 = arith.constant 0 : i32
      %gather3A_1145 = arith.constant 0 : i32
      %gather3A_1146 = tpu.memref_slice %arg6[%gather3A_1143, %gather3A_1144, %gather3A_1145] : memref<2x128x128xf32, #tpu.memory_space<vmem>> -> memref<1x128x128xf32, #tpu.memory_space<vmem>>
      %gather3A_1147 = tpu.memref_squeeze %gather3A_1146 : memref<1x128x128xf32, #tpu.memory_space<vmem>> -> memref<128x128xf32, #tpu.memory_space<vmem>>
      %gather3A_1148 = tpu.vector_load_idx %gather3A_1147[%add3A_1142, %broadcast_in_dim3A_31] : memref<128x128xf32, #tpu.memory_space<vmem>>[vector<16xi32>, vector<16xi32>], vector<16xf32>,
      %gather3A_1149 = arith.constant 0 : i32
      %gather3A_1150 = arith.constant 0 : i32
      %gather3A_1151 = arith.constant 0 : i32
      %gather3A_1152 = tpu.memref_slice %arg6[%gather3A_1149, %gather3A_1150, %gather3A_1151] : memref<2x128x128xf32, #tpu.memory_space<vmem>> -> memref<1x128x128xf32, #tpu.memory_space<vmem>>
      %gather3A_1153 = tpu.memref_squeeze %gather3A_1152 : memref<1x128x128xf32, #tpu.memory_space<vmem>> -> memref<128x128xf32, #tpu.memory_space<vmem>>
      %gather3A_1154 = tpu.vector_load_idx %gather3A_1153[%add3A_1142, %broadcast_in_dim3A_33] : memref<128x128xf32, #tpu.memory_space<vmem>>[vector<16xi32>, vector<16xi32>], vector<16xf32>,
      %gather3A_1155 = arith.constant 0 : i32
      %gather3A_1156 = arith.constant 0 : i32
      %gather3A_1157 = arith.constant 0 : i32
      %gather3A_1158 = tpu.memref_slice %arg6[%gather3A_1155, %gather3A_1156, %gather3A_1157] : memref<2x128x128xf32, #tpu.memory_space<vmem>> -> memref<1x128x128xf32, #tpu.memory_space<vmem>>
      %gather3A_1159 = tpu.memref_squeeze %gather3A_1158 : memref<1x128x128xf32, #tpu.memory_space<vmem>> -> memref<128x128xf32, #tpu.memory_space<vmem>>
      %gather3A_1160 = tpu.vector_load_idx %gather3A_1159[%add3A_1142, %broadcast_in_dim3A_35] : memref<128x128xf32, #tpu.memory_space<vmem>>[vector<16xi32>, vector<16xi32>], vector<16xf32>,
      %gather3A_1161 = arith.constant 0 : i32
      %gather3A_1162 = arith.constant 0 : i32
      %gather3A_1163 = arith.constant 0 : i32
      %gather3A_1164 = tpu.memref_slice %arg6[%gather3A_1161, %gather3A_1162, %gather3A_1163] : memref<2x128x128xf32, #tpu.memory_space<vmem>> -> memref<1x128x128xf32, #tpu.memory_space<vmem>>
      %gather3A_1165 = tpu.memref_squeeze %gather3A_1164 : memref<1x128x128xf32, #tpu.memory_space<vmem>> -> memref<128x128xf32, #tpu.memory_space<vmem>>
      %gather3A_1166 = tpu.vector_load_idx %gather3A_1165[%add3A_1142, %broadcast_in_dim3A_37] : memref<128x128xf32, #tpu.memory_space<vmem>>[vector<16xi32>, vector<16xi32>], vector<16xf32>,
      %gather3A_1167 = arith.constant 0 : i32
      %gather3A_1168 = arith.constant 0 : i32
      %gather3A_1169 = arith.constant 0 : i32
      %gather3A_1170 = tpu.memref_slice %arg6[%gather3A_1167, %gather3A_1168, %gather3A_1169] : memref<2x128x128xf32, #tpu.memory_space<vmem>> -> memref<1x128x128xf32, #tpu.memory_space<vmem>>
      %gather3A_1171 = tpu.memref_squeeze %gather3A_1170 : memref<1x128x128xf32, #tpu.memory_space<vmem>> -> memref<128x128xf32, #tpu.memory_space<vmem>>
      %gather3A_1172 = tpu.vector_load_idx %gather3A_1171[%add3A_1142, %broadcast_in_dim3A_39] : memref<128x128xf32, #tpu.memory_space<vmem>>[vector<16xi32>, vector<16xi32>], vector<16xf32>,
      %gather3A_1173 = arith.constant 0 : i32
      %gather3A_1174 = arith.constant 0 : i32
      %gather3A_1175 = arith.constant 0 : i32
      %gather3A_1176 = tpu.memref_slice %arg6[%gather3A_1173, %gather3A_1174, %gather3A_1175] : memref<2x128x128xf32, #tpu.memory_space<vmem>> -> memref<1x128x128xf32, #tpu.memory_space<vmem>>
      %gather3A_1177 = tpu.memref_squeeze %gather3A_1176 : memref<1x128x128xf32, #tpu.memory_space<vmem>> -> memref<128x128xf32, #tpu.memory_space<vmem>>
      %gather3A_1178 = tpu.vector_load_idx %gather3A_1177[%add3A_1142, %broadcast_in_dim3A_41] : memref<128x128xf32, #tpu.memory_space<vmem>>[vector<16xi32>, vector<16xi32>], vector<16xf32>,
      %gather3A_1179 = arith.constant 0 : i32
      %gather3A_1180 = arith.constant 0 : i32
      %gather3A_1181 = arith.constant 0 : i32
      %gather3A_1182 = tpu.memref_slice %arg6[%gather3A_1179, %gather3A_1180, %gather3A_1181] : memref<2x128x128xf32, #tpu.memory_space<vmem>> -> memref<1x128x128xf32, #tpu.memory_space<vmem>>
      %gather3A_1183 = tpu.memref_squeeze %gather3A_1182 : memref<1x128x128xf32, #tpu.memory_space<vmem>> -> memref<128x128xf32, #tpu.memory_space<vmem>>
      %gather3A_1184 = tpu.vector_load_idx %gather3A_1183[%add3A_1142, %broadcast_in_dim3A_43] : memref<128x128xf32, #tpu.memory_space<vmem>>[vector<16xi32>, vector<16xi32>], vector<16xf32>,
      %mul3A_1185 = arith.constant -1.000000e+00 : f32
      %mul3A_1186 = vector.broadcast %mul3A_1185 : f32 to vector<16xf32>
      %mul3A_1187 = arith.mulf %gather3A_1148, %mul3A_1186 : vector<16xf32>
      %exp3A_1188 = math.exp %mul3A_1187 : vector<16xf32>
      %mul3A_1189 = arith.constant 1.000000e+00 : f32
      %mul3A_1190 = vector.broadcast %mul3A_1189 : f32 to vector<16xf32>
      %mul3A_1191 = arith.mulf %gather3A_1154, %mul3A_1190 : vector<16xf32>
      %exp3A_1192 = math.exp %mul3A_1191 : vector<16xf32>
      %mul3A_1193 = arith.constant -1.000000e+00 : f32
      %mul3A_1194 = vector.broadcast %mul3A_1193 : f32 to vector<16xf32>
      %mul3A_1195 = arith.mulf %gather3A_1160, %mul3A_1194 : vector<16xf32>
      %exp3A_1196 = math.exp %mul3A_1195 : vector<16xf32>
      %mul3A_1197 = arith.constant 1.000000e+00 : f32
      %mul3A_1198 = vector.broadcast %mul3A_1197 : f32 to vector<16xf32>
      %mul3A_1199 = arith.mulf %gather3A_1166, %mul3A_1198 : vector<16xf32>
      %exp3A_1200 = math.exp %mul3A_1199 : vector<16xf32>
      %add3A_1201 = arith.addf %exp3A_1188, %exp3A_1192 : vector<16xf32>
      %add3A_1202 = arith.addf %exp3A_1196, %exp3A_1200 : vector<16xf32>
      %add3A_1203 = arith.addf %add3A_1201, %add3A_1202 : vector<16xf32>
      %div3A_1204 = arith.divf %min3A_23, %add3A_1203 : vector<16xf32>
      %neg3A_1205 = arith.constant 0.000000e+00 : f32
      %neg3A_1206 = vector.broadcast %neg3A_1205 : f32 to vector<16xf32>
      %neg3A_1207 = arith.subf %neg3A_1206, %div3A_1204 : vector<16xf32>
      %mul3A_1208 = arith.mulf %exp3A_1188, %neg3A_1207 : vector<16xf32>
      %mul3A_1209 = arith.mulf %exp3A_1192, %div3A_1204 : vector<16xf32>
      %mul3A_1210 = arith.mulf %exp3A_1196, %neg3A_1207 : vector<16xf32>
      %mul3A_1211 = arith.mulf %exp3A_1200, %div3A_1204 : vector<16xf32>
      %mul3A_1212 = arith.constant 1.000000e+00 : f32
      %mul3A_1213 = vector.broadcast %mul3A_1212 : f32 to vector<16xf32>
      %mul3A_1214 = arith.mulf %gather3A_1172, %mul3A_1213 : vector<16xf32>
      %exp3A_1215 = math.exp %mul3A_1214 : vector<16xf32>
      %mul3A_1216 = arith.constant -1.000000e+00 : f32
      %mul3A_1217 = vector.broadcast %mul3A_1216 : f32 to vector<16xf32>
      %mul3A_1218 = arith.mulf %gather3A_1178, %mul3A_1217 : vector<16xf32>
      %exp3A_1219 = math.exp %mul3A_1218 : vector<16xf32>
      %mul3A_1220 = arith.constant 1.000000e+00 : f32
      %mul3A_1221 = vector.broadcast %mul3A_1220 : f32 to vector<16xf32>
      %mul3A_1222 = arith.mulf %gather3A_1184, %mul3A_1221 : vector<16xf32>
      %exp3A_1223 = math.exp %mul3A_1222 : vector<16xf32>
      %add3A_1224 = arith.addf %exp3A_1215, %exp3A_1219 : vector<16xf32>
      %add3A_1225 = arith.addf %add3A_1224, %exp3A_1223 : vector<16xf32>
      %div3A_1226 = arith.divf %min3A_23, %add3A_1225 : vector<16xf32>
      %neg3A_1227 = arith.constant 0.000000e+00 : f32
      %neg3A_1228 = vector.broadcast %neg3A_1227 : f32 to vector<16xf32>
      %neg3A_1229 = arith.subf %neg3A_1228, %div3A_1226 : vector<16xf32>
      %mul3A_1230 = arith.mulf %exp3A_1215, %div3A_1226 : vector<16xf32>
      %mul3A_1231 = arith.mulf %exp3A_1219, %neg3A_1229 : vector<16xf32>
      %mul3A_1232 = arith.mulf %exp3A_1223, %div3A_1226 : vector<16xf32>
      %scatter3A_1233 = arith.constant 0 : i32
      %scatter3A_1234 = arith.constant 0 : i32
      %scatter3A_1235 = arith.constant 0 : i32
      %scatter3A_1236 = tpu.memref_slice %arg7[%scatter3A_1233, %scatter3A_1234, %scatter3A_1235] : memref<2x128x128xf32, #tpu.memory_space<vmem>> -> memref<1x128x128xf32, #tpu.memory_space<vmem>>
      %scatter3A_1237 = tpu.memref_squeeze %scatter3A_1236 : memref<1x128x128xf32, #tpu.memory_space<vmem>> -> memref<128x128xf32, #tpu.memory_space<vmem>>
      tpu.vector_store_idx %scatter3A_1237[%add3A_1142, %broadcast_in_dim3A_31], %mul3A_1208 : memref<128x128xf32, #tpu.memory_space<vmem>>[vector<16xi32>, vector<16xi32>], vector<16xf32>,
      %scatter3A_1238 = arith.constant 0 : i32
      %scatter3A_1239 = arith.constant 0 : i32
      %scatter3A_1240 = arith.constant 0 : i32
      %scatter3A_1241 = tpu.memref_slice %arg8[%scatter3A_1238, %scatter3A_1239, %scatter3A_1240] : memref<2x128x7xf32, #tpu.memory_space<vmem>> -> memref<1x128x7xf32, #tpu.memory_space<vmem>>
      %scatter3A_1242 = tpu.memref_squeeze %scatter3A_1241 : memref<1x128x7xf32, #tpu.memory_space<vmem>> -> memref<128x7xf32, #tpu.memory_space<vmem>>
      tpu.vector_store_idx %scatter3A_1242[%add3A_1142, %broadcast_in_dim3A_45], %mul3A_1208 : memref<128x7xf32, #tpu.memory_space<vmem>>[vector<16xi32>, vector<16xi32>], vector<16xf32>,
      %scatter3A_1243 = arith.constant 0 : i32
      %scatter3A_1244 = arith.constant 0 : i32
      %scatter3A_1245 = arith.constant 0 : i32
      %scatter3A_1246 = tpu.memref_slice %arg7[%scatter3A_1243, %scatter3A_1244, %scatter3A_1245] : memref<2x128x128xf32, #tpu.memory_space<vmem>> -> memref<1x128x128xf32, #tpu.memory_space<vmem>>
      %scatter3A_1247 = tpu.memref_squeeze %scatter3A_1246 : memref<1x128x128xf32, #tpu.memory_space<vmem>> -> memref<128x128xf32, #tpu.memory_space<vmem>>
      tpu.vector_store_idx %scatter3A_1247[%add3A_1142, %broadcast_in_dim3A_33], %mul3A_1209 : memref<128x128xf32, #tpu.memory_space<vmem>>[vector<16xi32>, vector<16xi32>], vector<16xf32>,
      %scatter3A_1248 = arith.constant 0 : i32
      %scatter3A_1249 = arith.constant 0 : i32
      %scatter3A_1250 = arith.constant 0 : i32
      %scatter3A_1251 = tpu.memref_slice %arg8[%scatter3A_1248, %scatter3A_1249, %scatter3A_1250] : memref<2x128x7xf32, #tpu.memory_space<vmem>> -> memref<1x128x7xf32, #tpu.memory_space<vmem>>
      %scatter3A_1252 = tpu.memref_squeeze %scatter3A_1251 : memref<1x128x7xf32, #tpu.memory_space<vmem>> -> memref<128x7xf32, #tpu.memory_space<vmem>>
      tpu.vector_store_idx %scatter3A_1252[%add3A_1142, %broadcast_in_dim3A_47], %mul3A_1209 : memref<128x7xf32, #tpu.memory_space<vmem>>[vector<16xi32>, vector<16xi32>], vector<16xf32>,
      %scatter3A_1253 = arith.constant 0 : i32
      %scatter3A_1254 = arith.constant 0 : i32
      %scatter3A_1255 = arith.constant 0 : i32
      %scatter3A_1256 = tpu.memref_slice %arg7[%scatter3A_1253, %scatter3A_1254, %scatter3A_1255] : memref<2x128x128xf32, #tpu.memory_space<vmem>> -> memref<1x128x128xf32, #tpu.memory_space<vmem>>
      %scatter3A_1257 = tpu.memref_squeeze %scatter3A_1256 : memref<1x128x128xf32, #tpu.memory_space<vmem>> -> memref<128x128xf32, #tpu.memory_space<vmem>>
      tpu.vector_store_idx %scatter3A_1257[%add3A_1142, %broadcast_in_dim3A_35], %mul3A_1210 : memref<128x128xf32, #tpu.memory_space<vmem>>[vector<16xi32>, vector<16xi32>], vector<16xf32>,
      %scatter3A_1258 = arith.constant 0 : i32
      %scatter3A_1259 = arith.constant 0 : i32
      %scatter3A_1260 = arith.constant 0 : i32
      %scatter3A_1261 = tpu.memref_slice %arg8[%scatter3A_1258, %scatter3A_1259, %scatter3A_1260] : memref<2x128x7xf32, #tpu.memory_space<vmem>> -> memref<1x128x7xf32, #tpu.memory_space<vmem>>
      %scatter3A_1262 = tpu.memref_squeeze %scatter3A_1261 : memref<1x128x7xf32, #tpu.memory_space<vmem>> -> memref<128x7xf32, #tpu.memory_space<vmem>>
      tpu.vector_store_idx %scatter3A_1262[%add3A_1142, %broadcast_in_dim3A_49], %mul3A_1210 : memref<128x7xf32, #tpu.memory_space<vmem>>[vector<16xi32>, vector<16xi32>], vector<16xf32>,
      %scatter3A_1263 = arith.constant 0 : i32
      %scatter3A_1264 = arith.constant 0 : i32
      %scatter3A_1265 = arith.constant 0 : i32
      %scatter3A_1266 = tpu.memref_slice %arg7[%scatter3A_1263, %scatter3A_1264, %scatter3A_1265] : memref<2x128x128xf32, #tpu.memory_space<vmem>> -> memref<1x128x128xf32, #tpu.memory_space<vmem>>
      %scatter3A_1267 = tpu.memref_squeeze %scatter3A_1266 : memref<1x128x128xf32, #tpu.memory_space<vmem>> -> memref<128x128xf32, #tpu.memory_space<vmem>>
      tpu.vector_store_idx %scatter3A_1267[%add3A_1142, %broadcast_in_dim3A_37], %mul3A_1211 : memref<128x128xf32, #tpu.memory_space<vmem>>[vector<16xi32>, vector<16xi32>], vector<16xf32>,
      %scatter3A_1268 = arith.constant 0 : i32
      %scatter3A_1269 = arith.constant 0 : i32
      %scatter3A_1270 = arith.constant 0 : i32
      %scatter3A_1271 = tpu.memref_slice %arg8[%scatter3A_1268, %scatter3A_1269, %scatter3A_1270] : memref<2x128x7xf32, #tpu.memory_space<vmem>> -> memref<1x128x7xf32, #tpu.memory_space<vmem>>
      %scatter3A_1272 = tpu.memref_squeeze %scatter3A_1271 : memref<1x128x7xf32, #tpu.memory_space<vmem>> -> memref<128x7xf32, #tpu.memory_space<vmem>>
      tpu.vector_store_idx %scatter3A_1272[%add3A_1142, %broadcast_in_dim3A_51], %mul3A_1211 : memref<128x7xf32, #tpu.memory_space<vmem>>[vector<16xi32>, vector<16xi32>], vector<16xf32>,
      %scatter3A_1273 = arith.constant 0 : i32
      %scatter3A_1274 = arith.constant 0 : i32
      %scatter3A_1275 = arith.constant 0 : i32
      %scatter3A_1276 = tpu.memref_slice %arg7[%scatter3A_1273, %scatter3A_1274, %scatter3A_1275] : memref<2x128x128xf32, #tpu.memory_space<vmem>> -> memref<1x128x128xf32, #tpu.memory_space<vmem>>
      %scatter3A_1277 = tpu.memref_squeeze %scatter3A_1276 : memref<1x128x128xf32, #tpu.memory_space<vmem>> -> memref<128x128xf32, #tpu.memory_space<vmem>>
      tpu.vector_store_idx %scatter3A_1277[%add3A_1142, %broadcast_in_dim3A_39], %mul3A_1230 : memref<128x128xf32, #tpu.memory_space<vmem>>[vector<16xi32>, vector<16xi32>], vector<16xf32>,
      %scatter3A_1278 = arith.constant 0 : i32
      %scatter3A_1279 = arith.constant 0 : i32
      %scatter3A_1280 = arith.constant 0 : i32
      %scatter3A_1281 = tpu.memref_slice %arg8[%scatter3A_1278, %scatter3A_1279, %scatter3A_1280] : memref<2x128x7xf32, #tpu.memory_space<vmem>> -> memref<1x128x7xf32, #tpu.memory_space<vmem>>
      %scatter3A_1282 = tpu.memref_squeeze %scatter3A_1281 : memref<1x128x7xf32, #tpu.memory_space<vmem>> -> memref<128x7xf32, #tpu.memory_space<vmem>>
      tpu.vector_store_idx %scatter3A_1282[%add3A_1142, %broadcast_in_dim3A_53], %mul3A_1230 : memref<128x7xf32, #tpu.memory_space<vmem>>[vector<16xi32>, vector<16xi32>], vector<16xf32>,
      %scatter3A_1283 = arith.constant 0 : i32
      %scatter3A_1284 = arith.constant 0 : i32
      %scatter3A_1285 = arith.constant 0 : i32
      %scatter3A_1286 = tpu.memref_slice %arg7[%scatter3A_1283, %scatter3A_1284, %scatter3A_1285] : memref<2x128x128xf32, #tpu.memory_space<vmem>> -> memref<1x128x128xf32, #tpu.memory_space<vmem>>
      %scatter3A_1287 = tpu.memref_squeeze %scatter3A_1286 : memref<1x128x128xf32, #tpu.memory_space<vmem>> -> memref<128x128xf32, #tpu.memory_space<vmem>>
      tpu.vector_store_idx %scatter3A_1287[%add3A_1142, %broadcast_in_dim3A_41], %mul3A_1231 : memref<128x128xf32, #tpu.memory_space<vmem>>[vector<16xi32>, vector<16xi32>], vector<16xf32>,
      %scatter3A_1288 = arith.constant 0 : i32
      %scatter3A_1289 = arith.constant 0 : i32
      %scatter3A_1290 = arith.constant 0 : i32
      %scatter3A_1291 = tpu.memref_slice %arg8[%scatter3A_1288, %scatter3A_1289, %scatter3A_1290] : memref<2x128x7xf32, #tpu.memory_space<vmem>> -> memref<1x128x7xf32, #tpu.memory_space<vmem>>
      %scatter3A_1292 = tpu.memref_squeeze %scatter3A_1291 : memref<1x128x7xf32, #tpu.memory_space<vmem>> -> memref<128x7xf32, #tpu.memory_space<vmem>>
      tpu.vector_store_idx %scatter3A_1292[%add3A_1142, %broadcast_in_dim3A_55], %mul3A_1231 : memref<128x7xf32, #tpu.memory_space<vmem>>[vector<16xi32>, vector<16xi32>], vector<16xf32>,
      %scatter3A_1293 = arith.constant 0 : i32
      %scatter3A_1294 = arith.constant 0 : i32
      %scatter3A_1295 = arith.constant 0 : i32
      %scatter3A_1296 = tpu.memref_slice %arg7[%scatter3A_1293, %scatter3A_1294, %scatter3A_1295] : memref<2x128x128xf32, #tpu.memory_space<vmem>> -> memref<1x128x128xf32, #tpu.memory_space<vmem>>
      %scatter3A_1297 = tpu.memref_squeeze %scatter3A_1296 : memref<1x128x128xf32, #tpu.memory_space<vmem>> -> memref<128x128xf32, #tpu.memory_space<vmem>>
      tpu.vector_store_idx %scatter3A_1297[%add3A_1142, %broadcast_in_dim3A_43], %mul3A_1232 : memref<128x128xf32, #tpu.memory_space<vmem>>[vector<16xi32>, vector<16xi32>], vector<16xf32>,
      %scatter3A_1298 = arith.constant 0 : i32
      %scatter3A_1299 = arith.constant 0 : i32
      %scatter3A_1300 = arith.constant 0 : i32
      %scatter3A_1301 = tpu.memref_slice %arg8[%scatter3A_1298, %scatter3A_1299, %scatter3A_1300] : memref<2x128x7xf32, #tpu.memory_space<vmem>> -> memref<1x128x7xf32, #tpu.memory_space<vmem>>
      %scatter3A_1302 = tpu.memref_squeeze %scatter3A_1301 : memref<1x128x7xf32, #tpu.memory_space<vmem>> -> memref<128x7xf32, #tpu.memory_space<vmem>>
      tpu.vector_store_idx %scatter3A_1302[%add3A_1142, %broadcast_in_dim3A_57], %mul3A_1232 : memref<128x7xf32, #tpu.memory_space<vmem>>[vector<16xi32>, vector<16xi32>], vector<16xf32>,
      %add3A_1303 = arith.constant 112 : i32
      %add3A_1304 = vector.broadcast %add3A_1303 : i32 to vector<16xi32>
      %add3A_1305 = arith.addi %iota3A, %add3A_1304 : vector<16xi32>
      %gather3A_1306 = arith.constant 0 : i32
      %gather3A_1307 = arith.constant 0 : i32
      %gather3A_1308 = arith.constant 0 : i32
      %gather3A_1309 = tpu.memref_slice %arg6[%gather3A_1306, %gather3A_1307, %gather3A_1308] : memref<2x128x128xf32, #tpu.memory_space<vmem>> -> memref<1x128x128xf32, #tpu.memory_space<vmem>>
      %gather3A_1310 = tpu.memref_squeeze %gather3A_1309 : memref<1x128x128xf32, #tpu.memory_space<vmem>> -> memref<128x128xf32, #tpu.memory_space<vmem>>
      %gather3A_1311 = tpu.vector_load_idx %gather3A_1310[%add3A_1305, %broadcast_in_dim3A_31] : memref<128x128xf32, #tpu.memory_space<vmem>>[vector<16xi32>, vector<16xi32>], vector<16xf32>,
      %gather3A_1312 = arith.constant 0 : i32
      %gather3A_1313 = arith.constant 0 : i32
      %gather3A_1314 = arith.constant 0 : i32
      %gather3A_1315 = tpu.memref_slice %arg6[%gather3A_1312, %gather3A_1313, %gather3A_1314] : memref<2x128x128xf32, #tpu.memory_space<vmem>> -> memref<1x128x128xf32, #tpu.memory_space<vmem>>
      %gather3A_1316 = tpu.memref_squeeze %gather3A_1315 : memref<1x128x128xf32, #tpu.memory_space<vmem>> -> memref<128x128xf32, #tpu.memory_space<vmem>>
      %gather3A_1317 = tpu.vector_load_idx %gather3A_1316[%add3A_1305, %broadcast_in_dim3A_33] : memref<128x128xf32, #tpu.memory_space<vmem>>[vector<16xi32>, vector<16xi32>], vector<16xf32>,
      %gather3A_1318 = arith.constant 0 : i32
      %gather3A_1319 = arith.constant 0 : i32
      %gather3A_1320 = arith.constant 0 : i32
      %gather3A_1321 = tpu.memref_slice %arg6[%gather3A_1318, %gather3A_1319, %gather3A_1320] : memref<2x128x128xf32, #tpu.memory_space<vmem>> -> memref<1x128x128xf32, #tpu.memory_space<vmem>>
      %gather3A_1322 = tpu.memref_squeeze %gather3A_1321 : memref<1x128x128xf32, #tpu.memory_space<vmem>> -> memref<128x128xf32, #tpu.memory_space<vmem>>
      %gather3A_1323 = tpu.vector_load_idx %gather3A_1322[%add3A_1305, %broadcast_in_dim3A_35] : memref<128x128xf32, #tpu.memory_space<vmem>>[vector<16xi32>, vector<16xi32>], vector<16xf32>,
      %gather3A_1324 = arith.constant 0 : i32
      %gather3A_1325 = arith.constant 0 : i32
      %gather3A_1326 = arith.constant 0 : i32
      %gather3A_1327 = tpu.memref_slice %arg6[%gather3A_1324, %gather3A_1325, %gather3A_1326] : memref<2x128x128xf32, #tpu.memory_space<vmem>> -> memref<1x128x128xf32, #tpu.memory_space<vmem>>
      %gather3A_1328 = tpu.memref_squeeze %gather3A_1327 : memref<1x128x128xf32, #tpu.memory_space<vmem>> -> memref<128x128xf32, #tpu.memory_space<vmem>>
      %gather3A_1329 = tpu.vector_load_idx %gather3A_1328[%add3A_1305, %broadcast_in_dim3A_37] : memref<128x128xf32, #tpu.memory_space<vmem>>[vector<16xi32>, vector<16xi32>], vector<16xf32>,
      %gather3A_1330 = arith.constant 0 : i32
      %gather3A_1331 = arith.constant 0 : i32
      %gather3A_1332 = arith.constant 0 : i32
      %gather3A_1333 = tpu.memref_slice %arg6[%gather3A_1330, %gather3A_1331, %gather3A_1332] : memref<2x128x128xf32, #tpu.memory_space<vmem>> -> memref<1x128x128xf32, #tpu.memory_space<vmem>>
      %gather3A_1334 = tpu.memref_squeeze %gather3A_1333 : memref<1x128x128xf32, #tpu.memory_space<vmem>> -> memref<128x128xf32, #tpu.memory_space<vmem>>
      %gather3A_1335 = tpu.vector_load_idx %gather3A_1334[%add3A_1305, %broadcast_in_dim3A_39] : memref<128x128xf32, #tpu.memory_space<vmem>>[vector<16xi32>, vector<16xi32>], vector<16xf32>,
      %gather3A_1336 = arith.constant 0 : i32
      %gather3A_1337 = arith.constant 0 : i32
      %gather3A_1338 = arith.constant 0 : i32
      %gather3A_1339 = tpu.memref_slice %arg6[%gather3A_1336, %gather3A_1337, %gather3A_1338] : memref<2x128x128xf32, #tpu.memory_space<vmem>> -> memref<1x128x128xf32, #tpu.memory_space<vmem>>
      %gather3A_1340 = tpu.memref_squeeze %gather3A_1339 : memref<1x128x128xf32, #tpu.memory_space<vmem>> -> memref<128x128xf32, #tpu.memory_space<vmem>>
      %gather3A_1341 = tpu.vector_load_idx %gather3A_1340[%add3A_1305, %broadcast_in_dim3A_41] : memref<128x128xf32, #tpu.memory_space<vmem>>[vector<16xi32>, vector<16xi32>], vector<16xf32>,
      %gather3A_1342 = arith.constant 0 : i32
      %gather3A_1343 = arith.constant 0 : i32
      %gather3A_1344 = arith.constant 0 : i32
      %gather3A_1345 = tpu.memref_slice %arg6[%gather3A_1342, %gather3A_1343, %gather3A_1344] : memref<2x128x128xf32, #tpu.memory_space<vmem>> -> memref<1x128x128xf32, #tpu.memory_space<vmem>>
      %gather3A_1346 = tpu.memref_squeeze %gather3A_1345 : memref<1x128x128xf32, #tpu.memory_space<vmem>> -> memref<128x128xf32, #tpu.memory_space<vmem>>
      %gather3A_1347 = tpu.vector_load_idx %gather3A_1346[%add3A_1305, %broadcast_in_dim3A_43] : memref<128x128xf32, #tpu.memory_space<vmem>>[vector<16xi32>, vector<16xi32>], vector<16xf32>,
      %mul3A_1348 = arith.constant -1.000000e+00 : f32
      %mul3A_1349 = vector.broadcast %mul3A_1348 : f32 to vector<16xf32>
      %mul3A_1350 = arith.mulf %gather3A_1311, %mul3A_1349 : vector<16xf32>
      %exp3A_1351 = math.exp %mul3A_1350 : vector<16xf32>
      %mul3A_1352 = arith.constant 1.000000e+00 : f32
      %mul3A_1353 = vector.broadcast %mul3A_1352 : f32 to vector<16xf32>
      %mul3A_1354 = arith.mulf %gather3A_1317, %mul3A_1353 : vector<16xf32>
      %exp3A_1355 = math.exp %mul3A_1354 : vector<16xf32>
      %mul3A_1356 = arith.constant -1.000000e+00 : f32
      %mul3A_1357 = vector.broadcast %mul3A_1356 : f32 to vector<16xf32>
      %mul3A_1358 = arith.mulf %gather3A_1323, %mul3A_1357 : vector<16xf32>
      %exp3A_1359 = math.exp %mul3A_1358 : vector<16xf32>
      %mul3A_1360 = arith.constant 1.000000e+00 : f32
      %mul3A_1361 = vector.broadcast %mul3A_1360 : f32 to vector<16xf32>
      %mul3A_1362 = arith.mulf %gather3A_1329, %mul3A_1361 : vector<16xf32>
      %exp3A_1363 = math.exp %mul3A_1362 : vector<16xf32>
      %add3A_1364 = arith.addf %exp3A_1351, %exp3A_1355 : vector<16xf32>
      %add3A_1365 = arith.addf %exp3A_1359, %exp3A_1363 : vector<16xf32>
      %add3A_1366 = arith.addf %add3A_1364, %add3A_1365 : vector<16xf32>
      %div3A_1367 = arith.divf %min3A_23, %add3A_1366 : vector<16xf32>
      %neg3A_1368 = arith.constant 0.000000e+00 : f32
      %neg3A_1369 = vector.broadcast %neg3A_1368 : f32 to vector<16xf32>
      %neg3A_1370 = arith.subf %neg3A_1369, %div3A_1367 : vector<16xf32>
      %mul3A_1371 = arith.mulf %exp3A_1351, %neg3A_1370 : vector<16xf32>
      %mul3A_1372 = arith.mulf %exp3A_1355, %div3A_1367 : vector<16xf32>
      %mul3A_1373 = arith.mulf %exp3A_1359, %neg3A_1370 : vector<16xf32>
      %mul3A_1374 = arith.mulf %exp3A_1363, %div3A_1367 : vector<16xf32>
      %mul3A_1375 = arith.constant 1.000000e+00 : f32
      %mul3A_1376 = vector.broadcast %mul3A_1375 : f32 to vector<16xf32>
      %mul3A_1377 = arith.mulf %gather3A_1335, %mul3A_1376 : vector<16xf32>
      %exp3A_1378 = math.exp %mul3A_1377 : vector<16xf32>
      %mul3A_1379 = arith.constant -1.000000e+00 : f32
      %mul3A_1380 = vector.broadcast %mul3A_1379 : f32 to vector<16xf32>
      %mul3A_1381 = arith.mulf %gather3A_1341, %mul3A_1380 : vector<16xf32>
      %exp3A_1382 = math.exp %mul3A_1381 : vector<16xf32>
      %mul3A_1383 = arith.constant 1.000000e+00 : f32
      %mul3A_1384 = vector.broadcast %mul3A_1383 : f32 to vector<16xf32>
      %mul3A_1385 = arith.mulf %gather3A_1347, %mul3A_1384 : vector<16xf32>
      %exp3A_1386 = math.exp %mul3A_1385 : vector<16xf32>
      %add3A_1387 = arith.addf %exp3A_1378, %exp3A_1382 : vector<16xf32>
      %add3A_1388 = arith.addf %add3A_1387, %exp3A_1386 : vector<16xf32>
      %div3A_1389 = arith.divf %min3A_23, %add3A_1388 : vector<16xf32>
      %neg3A_1390 = arith.constant 0.000000e+00 : f32
      %neg3A_1391 = vector.broadcast %neg3A_1390 : f32 to vector<16xf32>
      %neg3A_1392 = arith.subf %neg3A_1391, %div3A_1389 : vector<16xf32>
      %mul3A_1393 = arith.mulf %exp3A_1378, %div3A_1389 : vector<16xf32>
      %mul3A_1394 = arith.mulf %exp3A_1382, %neg3A_1392 : vector<16xf32>
      %mul3A_1395 = arith.mulf %exp3A_1386, %div3A_1389 : vector<16xf32>
      %scatter3A_1396 = arith.constant 0 : i32
      %scatter3A_1397 = arith.constant 0 : i32
      %scatter3A_1398 = arith.constant 0 : i32
      %scatter3A_1399 = tpu.memref_slice %arg7[%scatter3A_1396, %scatter3A_1397, %scatter3A_1398] : memref<2x128x128xf32, #tpu.memory_space<vmem>> -> memref<1x128x128xf32, #tpu.memory_space<vmem>>
      %scatter3A_1400 = tpu.memref_squeeze %scatter3A_1399 : memref<1x128x128xf32, #tpu.memory_space<vmem>> -> memref<128x128xf32, #tpu.memory_space<vmem>>
      tpu.vector_store_idx %scatter3A_1400[%add3A_1305, %broadcast_in_dim3A_31], %mul3A_1371 : memref<128x128xf32, #tpu.memory_space<vmem>>[vector<16xi32>, vector<16xi32>], vector<16xf32>,
      %scatter3A_1401 = arith.constant 0 : i32
      %scatter3A_1402 = arith.constant 0 : i32
      %scatter3A_1403 = arith.constant 0 : i32
      %scatter3A_1404 = tpu.memref_slice %arg8[%scatter3A_1401, %scatter3A_1402, %scatter3A_1403] : memref<2x128x7xf32, #tpu.memory_space<vmem>> -> memref<1x128x7xf32, #tpu.memory_space<vmem>>
      %scatter3A_1405 = tpu.memref_squeeze %scatter3A_1404 : memref<1x128x7xf32, #tpu.memory_space<vmem>> -> memref<128x7xf32, #tpu.memory_space<vmem>>
      tpu.vector_store_idx %scatter3A_1405[%add3A_1305, %broadcast_in_dim3A_45], %mul3A_1371 : memref<128x7xf32, #tpu.memory_space<vmem>>[vector<16xi32>, vector<16xi32>], vector<16xf32>,
      %scatter3A_1406 = arith.constant 0 : i32
      %scatter3A_1407 = arith.constant 0 : i32
      %scatter3A_1408 = arith.constant 0 : i32
      %scatter3A_1409 = tpu.memref_slice %arg7[%scatter3A_1406, %scatter3A_1407, %scatter3A_1408] : memref<2x128x128xf32, #tpu.memory_space<vmem>> -> memref<1x128x128xf32, #tpu.memory_space<vmem>>
      %scatter3A_1410 = tpu.memref_squeeze %scatter3A_1409 : memref<1x128x128xf32, #tpu.memory_space<vmem>> -> memref<128x128xf32, #tpu.memory_space<vmem>>
      tpu.vector_store_idx %scatter3A_1410[%add3A_1305, %broadcast_in_dim3A_33], %mul3A_1372 : memref<128x128xf32, #tpu.memory_space<vmem>>[vector<16xi32>, vector<16xi32>], vector<16xf32>,
      %scatter3A_1411 = arith.constant 0 : i32
      %scatter3A_1412 = arith.constant 0 : i32
      %scatter3A_1413 = arith.constant 0 : i32
      %scatter3A_1414 = tpu.memref_slice %arg8[%scatter3A_1411, %scatter3A_1412, %scatter3A_1413] : memref<2x128x7xf32, #tpu.memory_space<vmem>> -> memref<1x128x7xf32, #tpu.memory_space<vmem>>
      %scatter3A_1415 = tpu.memref_squeeze %scatter3A_1414 : memref<1x128x7xf32, #tpu.memory_space<vmem>> -> memref<128x7xf32, #tpu.memory_space<vmem>>
      tpu.vector_store_idx %scatter3A_1415[%add3A_1305, %broadcast_in_dim3A_47], %mul3A_1372 : memref<128x7xf32, #tpu.memory_space<vmem>>[vector<16xi32>, vector<16xi32>], vector<16xf32>,
      %scatter3A_1416 = arith.constant 0 : i32
      %scatter3A_1417 = arith.constant 0 : i32
      %scatter3A_1418 = arith.constant 0 : i32
      %scatter3A_1419 = tpu.memref_slice %arg7[%scatter3A_1416, %scatter3A_1417, %scatter3A_1418] : memref<2x128x128xf32, #tpu.memory_space<vmem>> -> memref<1x128x128xf32, #tpu.memory_space<vmem>>
      %scatter3A_1420 = tpu.memref_squeeze %scatter3A_1419 : memref<1x128x128xf32, #tpu.memory_space<vmem>> -> memref<128x128xf32, #tpu.memory_space<vmem>>
      tpu.vector_store_idx %scatter3A_1420[%add3A_1305, %broadcast_in_dim3A_35], %mul3A_1373 : memref<128x128xf32, #tpu.memory_space<vmem>>[vector<16xi32>, vector<16xi32>], vector<16xf32>,
      %scatter3A_1421 = arith.constant 0 : i32
      %scatter3A_1422 = arith.constant 0 : i32
      %scatter3A_1423 = arith.constant 0 : i32
      %scatter3A_1424 = tpu.memref_slice %arg8[%scatter3A_1421, %scatter3A_1422, %scatter3A_1423] : memref<2x128x7xf32, #tpu.memory_space<vmem>> -> memref<1x128x7xf32, #tpu.memory_space<vmem>>
      %scatter3A_1425 = tpu.memref_squeeze %scatter3A_1424 : memref<1x128x7xf32, #tpu.memory_space<vmem>> -> memref<128x7xf32, #tpu.memory_space<vmem>>
      tpu.vector_store_idx %scatter3A_1425[%add3A_1305, %broadcast_in_dim3A_49], %mul3A_1373 : memref<128x7xf32, #tpu.memory_space<vmem>>[vector<16xi32>, vector<16xi32>], vector<16xf32>,
      %scatter3A_1426 = arith.constant 0 : i32
      %scatter3A_1427 = arith.constant 0 : i32
      %scatter3A_1428 = arith.constant 0 : i32
      %scatter3A_1429 = tpu.memref_slice %arg7[%scatter3A_1426, %scatter3A_1427, %scatter3A_1428] : memref<2x128x128xf32, #tpu.memory_space<vmem>> -> memref<1x128x128xf32, #tpu.memory_space<vmem>>
      %scatter3A_1430 = tpu.memref_squeeze %scatter3A_1429 : memref<1x128x128xf32, #tpu.memory_space<vmem>> -> memref<128x128xf32, #tpu.memory_space<vmem>>
      tpu.vector_store_idx %scatter3A_1430[%add3A_1305, %broadcast_in_dim3A_37], %mul3A_1374 : memref<128x128xf32, #tpu.memory_space<vmem>>[vector<16xi32>, vector<16xi32>], vector<16xf32>,
      %scatter3A_1431 = arith.constant 0 : i32
      %scatter3A_1432 = arith.constant 0 : i32
      %scatter3A_1433 = arith.constant 0 : i32
      %scatter3A_1434 = tpu.memref_slice %arg8[%scatter3A_1431, %scatter3A_1432, %scatter3A_1433] : memref<2x128x7xf32, #tpu.memory_space<vmem>> -> memref<1x128x7xf32, #tpu.memory_space<vmem>>
      %scatter3A_1435 = tpu.memref_squeeze %scatter3A_1434 : memref<1x128x7xf32, #tpu.memory_space<vmem>> -> memref<128x7xf32, #tpu.memory_space<vmem>>
      tpu.vector_store_idx %scatter3A_1435[%add3A_1305, %broadcast_in_dim3A_51], %mul3A_1374 : memref<128x7xf32, #tpu.memory_space<vmem>>[vector<16xi32>, vector<16xi32>], vector<16xf32>,
      %scatter3A_1436 = arith.constant 0 : i32
      %scatter3A_1437 = arith.constant 0 : i32
      %scatter3A_1438 = arith.constant 0 : i32
      %scatter3A_1439 = tpu.memref_slice %arg7[%scatter3A_1436, %scatter3A_1437, %scatter3A_1438] : memref<2x128x128xf32, #tpu.memory_space<vmem>> -> memref<1x128x128xf32, #tpu.memory_space<vmem>>
      %scatter3A_1440 = tpu.memref_squeeze %scatter3A_1439 : memref<1x128x128xf32, #tpu.memory_space<vmem>> -> memref<128x128xf32, #tpu.memory_space<vmem>>
      tpu.vector_store_idx %scatter3A_1440[%add3A_1305, %broadcast_in_dim3A_39], %mul3A_1393 : memref<128x128xf32, #tpu.memory_space<vmem>>[vector<16xi32>, vector<16xi32>], vector<16xf32>,
      %scatter3A_1441 = arith.constant 0 : i32
      %scatter3A_1442 = arith.constant 0 : i32
      %scatter3A_1443 = arith.constant 0 : i32
      %scatter3A_1444 = tpu.memref_slice %arg8[%scatter3A_1441, %scatter3A_1442, %scatter3A_1443] : memref<2x128x7xf32, #tpu.memory_space<vmem>> -> memref<1x128x7xf32, #tpu.memory_space<vmem>>
      %scatter3A_1445 = tpu.memref_squeeze %scatter3A_1444 : memref<1x128x7xf32, #tpu.memory_space<vmem>> -> memref<128x7xf32, #tpu.memory_space<vmem>>
      tpu.vector_store_idx %scatter3A_1445[%add3A_1305, %broadcast_in_dim3A_53], %mul3A_1393 : memref<128x7xf32, #tpu.memory_space<vmem>>[vector<16xi32>, vector<16xi32>], vector<16xf32>,
      %scatter3A_1446 = arith.constant 0 : i32
      %scatter3A_1447 = arith.constant 0 : i32
      %scatter3A_1448 = arith.constant 0 : i32
      %scatter3A_1449 = tpu.memref_slice %arg7[%scatter3A_1446, %scatter3A_1447, %scatter3A_1448] : memref<2x128x128xf32, #tpu.memory_space<vmem>> -> memref<1x128x128xf32, #tpu.memory_space<vmem>>
      %scatter3A_1450 = tpu.memref_squeeze %scatter3A_1449 : memref<1x128x128xf32, #tpu.memory_space<vmem>> -> memref<128x128xf32, #tpu.memory_space<vmem>>
      tpu.vector_store_idx %scatter3A_1450[%add3A_1305, %broadcast_in_dim3A_41], %mul3A_1394 : memref<128x128xf32, #tpu.memory_space<vmem>>[vector<16xi32>, vector<16xi32>], vector<16xf32>,
      %scatter3A_1451 = arith.constant 0 : i32
      %scatter3A_1452 = arith.constant 0 : i32
      %scatter3A_1453 = arith.constant 0 : i32
      %scatter3A_1454 = tpu.memref_slice %arg8[%scatter3A_1451, %scatter3A_1452, %scatter3A_1453] : memref<2x128x7xf32, #tpu.memory_space<vmem>> -> memref<1x128x7xf32, #tpu.memory_space<vmem>>
      %scatter3A_1455 = tpu.memref_squeeze %scatter3A_1454 : memref<1x128x7xf32, #tpu.memory_space<vmem>> -> memref<128x7xf32, #tpu.memory_space<vmem>>
      tpu.vector_store_idx %scatter3A_1455[%add3A_1305, %broadcast_in_dim3A_55], %mul3A_1394 : memref<128x7xf32, #tpu.memory_space<vmem>>[vector<16xi32>, vector<16xi32>], vector<16xf32>,
      %scatter3A_1456 = arith.constant 0 : i32
      %scatter3A_1457 = arith.constant 0 : i32
      %scatter3A_1458 = arith.constant 0 : i32
      %scatter3A_1459 = tpu.memref_slice %arg7[%scatter3A_1456, %scatter3A_1457, %scatter3A_1458] : memref<2x128x128xf32, #tpu.memory_space<vmem>> -> memref<1x128x128xf32, #tpu.memory_space<vmem>>
      %scatter3A_1460 = tpu.memref_squeeze %scatter3A_1459 : memref<1x128x128xf32, #tpu.memory_space<vmem>> -> memref<128x128xf32, #tpu.memory_space<vmem>>
      tpu.vector_store_idx %scatter3A_1460[%add3A_1305, %broadcast_in_dim3A_43], %mul3A_1395 : memref<128x128xf32, #tpu.memory_space<vmem>>[vector<16xi32>, vector<16xi32>], vector<16xf32>,
      %scatter3A_1461 = arith.constant 0 : i32
      %scatter3A_1462 = arith.constant 0 : i32
      %scatter3A_1463 = arith.constant 0 : i32
      %scatter3A_1464 = tpu.memref_slice %arg8[%scatter3A_1461, %scatter3A_1462, %scatter3A_1463] : memref<2x128x7xf32, #tpu.memory_space<vmem>> -> memref<1x128x7xf32, #tpu.memory_space<vmem>>
      %scatter3A_1465 = tpu.memref_squeeze %scatter3A_1464 : memref<1x128x7xf32, #tpu.memory_space<vmem>> -> memref<128x7xf32, #tpu.memory_space<vmem>>
      tpu.vector_store_idx %scatter3A_1465[%add3A_1305, %broadcast_in_dim3A_57], %mul3A_1395 : memref<128x7xf32, #tpu.memory_space<vmem>>[vector<16xi32>, vector<16xi32>], vector<16xf32>,
      %mul3A_1466 = arith.constant 128 : i32
      %mul3A_1467 = arith.muli %add3A_139, %mul3A_1466 : i32
      %add3A_1468 = arith.addi %mul3A_2, %mul3A_1467 : i32
      %dma_start3A_1469 = arith.constant 0 : i32
      %dma_start3A_1470 = arith.constant 0 : i32
      %dma_start3A_1471 = arith.constant 0 : i32
      %dma_start3A_1472 = arith.constant 0 : i32
      %dma_start3A_1473 = tpu.memref_slice %arg7[%dma_start3A_1469, %dma_start3A_1471, %dma_start3A_1472] : memref<2x128x128xf32, #tpu.memory_space<vmem>> -> memref<1x128x128xf32, #tpu.memory_space<vmem>>
      %dma_start3A_1474 = tpu.memref_squeeze %dma_start3A_1473 : memref<1x128x128xf32, #tpu.memory_space<vmem>> -> memref<128x128xf32, #tpu.memory_space<vmem>>
      %dma_start3A_1475 = arith.constant 0 : i32
      %dma_start3A_1476 = tpu.memref_slice %arg4[%add3A_1468, %dma_start3A_1475] : memref<65536x128xf32, #tpu.memory_space<hbm>> -> memref<128x128xf32, #tpu.memory_space<hbm>>
      %dma_start3A_1477 = tpu.memref_slice %arg11[%dma_start3A_1470] : memref<2x!tpu.dma_semaphore, #tpu.memory_space<semaphore_mem>> -> memref<1x!tpu.dma_semaphore, #tpu.memory_space<semaphore_mem>>
      %dma_start3A_1478 = tpu.memref_squeeze %dma_start3A_1477 : memref<1x!tpu.dma_semaphore, #tpu.memory_space<semaphore_mem>> -> memref<!tpu.dma_semaphore, #tpu.memory_space<semaphore_mem>>
      %dma_start3A_1479 = arith.constant 0 : i32
      %dma_start3A_1480 = tpu.memref_slice %arg4[%add3A_1468, %dma_start3A_1479] : memref<65536x128xf32, #tpu.memory_space<hbm>> -> memref<128x128xf32, #tpu.memory_space<hbm>>
      %dma_start3A_1481 = arith.constant 0 : i32
      %dma_start3A_1482 = arith.constant 0 : i32
      %dma_start3A_1483 = tpu.memref_slice %arg7[%dma_start3A_1469, %dma_start3A_1481, %dma_start3A_1482] : memref<2x128x128xf32, #tpu.memory_space<vmem>> -> memref<1x128x128xf32, #tpu.memory_space<vmem>>
      %dma_start3A_1484 = tpu.memref_squeeze %dma_start3A_1483 : memref<1x128x128xf32, #tpu.memory_space<vmem>> -> memref<128x128xf32, #tpu.memory_space<vmem>>
      tpu.enqueue_dma source(%dma_start3A_1484 : memref<128x128xf32, #tpu.memory_space<vmem>>) target(%dma_start3A_1480 : memref<128x128xf32, #tpu.memory_space<hbm>>) target_semaphore(%dma_start3A_1478 : memref<!tpu.dma_semaphore, #tpu.memory_space<semaphore_mem>>)
      %mul3A_1485 = arith.constant 128 : i32
      %mul3A_1486 = arith.muli %add3A_139, %mul3A_1485 : i32
      %add3A_1487 = arith.addi %mul3A_2, %mul3A_1486 : i32
      %dma_start3A_1488 = arith.constant 0 : i32
      %dma_start3A_1489 = arith.constant 0 : i32
      %dma_start3A_1490 = arith.constant 0 : i32
      %dma_start3A_1491 = arith.constant 0 : i32
      %dma_start3A_1492 = tpu.memref_slice %arg8[%dma_start3A_1488, %dma_start3A_1490, %dma_start3A_1491] : memref<2x128x7xf32, #tpu.memory_space<vmem>> -> memref<1x128x7xf32, #tpu.memory_space<vmem>>
      %dma_start3A_1493 = tpu.memref_squeeze %dma_start3A_1492 : memref<1x128x7xf32, #tpu.memory_space<vmem>> -> memref<128x7xf32, #tpu.memory_space<vmem>>
      %dma_start3A_1494 = arith.constant 0 : i32
      %dma_start3A_1495 = tpu.memref_slice %arg5[%add3A_1487, %dma_start3A_1494] : memref<65536x7xf32, #tpu.memory_space<hbm>> -> memref<128x7xf32, #tpu.memory_space<hbm>>
      %dma_start3A_1496 = tpu.memref_slice %arg12[%dma_start3A_1489] : memref<2x!tpu.dma_semaphore, #tpu.memory_space<semaphore_mem>> -> memref<1x!tpu.dma_semaphore, #tpu.memory_space<semaphore_mem>>
      %dma_start3A_1497 = tpu.memref_squeeze %dma_start3A_1496 : memref<1x!tpu.dma_semaphore, #tpu.memory_space<semaphore_mem>> -> memref<!tpu.dma_semaphore, #tpu.memory_space<semaphore_mem>>
      %dma_start3A_1498 = arith.constant 0 : i32
      %dma_start3A_1499 = tpu.memref_slice %arg5[%add3A_1487, %dma_start3A_1498] : memref<65536x7xf32, #tpu.memory_space<hbm>> -> memref<128x7xf32, #tpu.memory_space<hbm>>
      %dma_start3A_1500 = arith.constant 0 : i32
      %dma_start3A_1501 = arith.constant 0 : i32
      %dma_start3A_1502 = tpu.memref_slice %arg8[%dma_start3A_1488, %dma_start3A_1500, %dma_start3A_1501] : memref<2x128x7xf32, #tpu.memory_space<vmem>> -> memref<1x128x7xf32, #tpu.memory_space<vmem>>
      %dma_start3A_1503 = tpu.memref_squeeze %dma_start3A_1502 : memref<1x128x7xf32, #tpu.memory_space<vmem>> -> memref<128x7xf32, #tpu.memory_space<vmem>>
      tpu.enqueue_dma source(%dma_start3A_1503 : memref<128x7xf32, #tpu.memory_space<vmem>>) target(%dma_start3A_1499 : memref<128x7xf32, #tpu.memory_space<hbm>>) target_semaphore(%dma_start3A_1497 : memref<!tpu.dma_semaphore, #tpu.memory_space<semaphore_mem>>)
      %mul3A_1504 = arith.constant 2 : i32
      %mul3A_1505 = arith.muli %scan3A_135, %mul3A_1504 : i32
      %add3A_1506 = arith.constant 1 : i32
      %add3A_1507 = arith.addi %mul3A_1505, %add3A_1506 : i32
      %add3A_1508 = arith.constant 1 : i32
      %add3A_1509 = arith.addi %add3A_1507, %add3A_1508 : i32
      %lt3A_1510 = arith.constant 16 : i32
      %lt3A_1511 = arith.cmpi slt, %add3A_1509, %lt3A_1510 : i32
      %convert_element_type3A_1512 = arith.extui %lt3A_1511 : i1 to i32
      %cond3A_1513 = arith.constant 0 : i32
      %cond3A_1514 = arith.cmpi ne, %convert_element_type3A_1512, %cond3A_1513 : i32
      scf.if %cond3A_1514 {
        %add3A_2881 = arith.constant 1 : i32
        %add3A_2882 = arith.addi %add3A_1507, %add3A_2881 : i32
        %mul3A_2883 = arith.constant 128 : i32
        %mul3A_2884 = arith.muli %add3A_2882, %mul3A_2883 : i32
        %add3A_2885 = arith.addi %mul3A_2, %mul3A_2884 : i32
        %dma_start3A_2886 = arith.constant 0 : i32
        %dma_start3A_2887 = arith.constant 0 : i32
        %dma_start3A_2888 = arith.constant 0 : i32
        %dma_start3A_2889 = arith.constant 0 : i32
        %dma_start3A_2890 = tpu.memref_slice %arg6[%dma_start3A_2886, %dma_start3A_2888, %dma_start3A_2889] : memref<2x128x128xf32, #tpu.memory_space<vmem>> -> memref<1x128x128xf32, #tpu.memory_space<vmem>>
        %dma_start3A_2891 = tpu.memref_squeeze %dma_start3A_2890 : memref<1x128x128xf32, #tpu.memory_space<vmem>> -> memref<128x128xf32, #tpu.memory_space<vmem>>
        %dma_start3A_2892 = arith.constant 0 : i32
        %dma_start3A_2893 = tpu.memref_slice %arg2[%add3A_2885, %dma_start3A_2892] : memref<65536x128xf32, #tpu.memory_space<hbm>> -> memref<128x128xf32, #tpu.memory_space<hbm>>
        %dma_start3A_2894 = tpu.memref_slice %arg10[%dma_start3A_2887] : memref<2x!tpu.dma_semaphore, #tpu.memory_space<semaphore_mem>> -> memref<1x!tpu.dma_semaphore, #tpu.memory_space<semaphore_mem>>
        %dma_start3A_2895 = tpu.memref_squeeze %dma_start3A_2894 : memref<1x!tpu.dma_semaphore, #tpu.memory_space<semaphore_mem>> -> memref<!tpu.dma_semaphore, #tpu.memory_space<semaphore_mem>>
        %dma_start3A_2896 = arith.constant 0 : i32
        %dma_start3A_2897 = arith.constant 0 : i32
        %dma_start3A_2898 = tpu.memref_slice %arg6[%dma_start3A_2886, %dma_start3A_2896, %dma_start3A_2897] : memref<2x128x128xf32, #tpu.memory_space<vmem>> -> memref<1x128x128xf32, #tpu.memory_space<vmem>>
        %dma_start3A_2899 = tpu.memref_squeeze %dma_start3A_2898 : memref<1x128x128xf32, #tpu.memory_space<vmem>> -> memref<128x128xf32, #tpu.memory_space<vmem>>
        %dma_start3A_2900 = arith.constant 0 : i32
        %dma_start3A_2901 = tpu.memref_slice %arg2[%add3A_2885, %dma_start3A_2900] : memref<65536x128xf32, #tpu.memory_space<hbm>> -> memref<128x128xf32, #tpu.memory_space<hbm>>
        tpu.enqueue_dma source(%dma_start3A_2901 : memref<128x128xf32, #tpu.memory_space<hbm>>) target(%dma_start3A_2899 : memref<128x128xf32, #tpu.memory_space<vmem>>) target_semaphore(%dma_start3A_2895 : memref<!tpu.dma_semaphore, #tpu.memory_space<semaphore_mem>>)
      } else {
      }
      %mul3A_1515 = arith.constant 128 : i32
      %mul3A_1516 = arith.muli %add3A_1507, %mul3A_1515 : i32
      %add3A_1517 = arith.addi %mul3A_2, %mul3A_1516 : i32
      %dma_wait3A_1518 = arith.constant 1 : i32
      %dma_wait3A_1519 = arith.constant 1 : i32
      %dma_wait3A_1520 = arith.constant 0 : i32
      %dma_wait3A_1521 = arith.constant 0 : i32
      %dma_wait3A_1522 = tpu.memref_slice %arg6[%dma_wait3A_1518, %dma_wait3A_1520, %dma_wait3A_1521] : memref<2x128x128xf32, #tpu.memory_space<vmem>> -> memref<1x128x128xf32, #tpu.memory_space<vmem>>
      %dma_wait3A_1523 = tpu.memref_squeeze %dma_wait3A_1522 : memref<1x128x128xf32, #tpu.memory_space<vmem>> -> memref<128x128xf32, #tpu.memory_space<vmem>>
      %dma_wait3A_1524 = arith.constant 0 : i32
      %dma_wait3A_1525 = tpu.memref_slice %arg2[%add3A_1517, %dma_wait3A_1524] : memref<65536x128xf32, #tpu.memory_space<hbm>> -> memref<128x128xf32, #tpu.memory_space<hbm>>
      %dma_wait3A_1526 = tpu.memref_slice %arg10[%dma_wait3A_1519] : memref<2x!tpu.dma_semaphore, #tpu.memory_space<semaphore_mem>> -> memref<1x!tpu.dma_semaphore, #tpu.memory_space<semaphore_mem>>
      %dma_wait3A_1527 = tpu.memref_squeeze %dma_wait3A_1526 : memref<1x!tpu.dma_semaphore, #tpu.memory_space<semaphore_mem>> -> memref<!tpu.dma_semaphore, #tpu.memory_space<semaphore_mem>>
      %dma_wait3A_1528 = arith.constant 0 : i32
      %dma_wait3A_1529 = arith.constant 0 : i32
      %dma_wait3A_1530 = tpu.memref_slice %arg6[%dma_wait3A_1518, %dma_wait3A_1528, %dma_wait3A_1529] : memref<2x128x128xf32, #tpu.memory_space<vmem>> -> memref<1x128x128xf32, #tpu.memory_space<vmem>>
      %dma_wait3A_1531 = tpu.memref_squeeze %dma_wait3A_1530 : memref<1x128x128xf32, #tpu.memory_space<vmem>> -> memref<128x128xf32, #tpu.memory_space<vmem>>
      %dma_wait3A_1532 = arith.constant 0 : i32
      %dma_wait3A_1533 = tpu.memref_slice %arg2[%add3A_1517, %dma_wait3A_1532] : memref<65536x128xf32, #tpu.memory_space<hbm>> -> memref<128x128xf32, #tpu.memory_space<hbm>>
      tpu.wait_dma2 semaphore(%dma_wait3A_1527 : memref<!tpu.dma_semaphore, #tpu.memory_space<semaphore_mem>>) src(%dma_wait3A_1533 : memref<128x128xf32, #tpu.memory_space<hbm>>) dst(%dma_wait3A_1531 : memref<128x128xf32, #tpu.memory_space<vmem>>)
      %ge3A_1534 = arith.constant 2 : i32
      %ge3A_1535 = arith.cmpi sge, %add3A_1507, %ge3A_1534 : i32
      %convert_element_type3A_1536 = arith.extui %ge3A_1535 : i1 to i32
      %cond3A_1537 = arith.constant 0 : i32
      %cond3A_1538 = arith.cmpi ne, %convert_element_type3A_1536, %cond3A_1537 : i32
      scf.if %cond3A_1538 {
        %sub3A = arith.constant 2 : i32
        %sub3A_2881 = arith.subi %add3A_1507, %sub3A : i32
        %mul3A_2882 = arith.constant 128 : i32
        %mul3A_2883 = arith.muli %sub3A_2881, %mul3A_2882 : i32
        %add3A_2884 = arith.addi %mul3A_2, %mul3A_2883 : i32
        %dma_wait3A_2885 = arith.constant 1 : i32
        %dma_wait3A_2886 = arith.constant 1 : i32
        %dma_wait3A_2887 = arith.constant 0 : i32
        %dma_wait3A_2888 = arith.constant 0 : i32
        %dma_wait3A_2889 = tpu.memref_slice %arg7[%dma_wait3A_2885, %dma_wait3A_2887, %dma_wait3A_2888] : memref<2x128x128xf32, #tpu.memory_space<vmem>> -> memref<1x128x128xf32, #tpu.memory_space<vmem>>
        %dma_wait3A_2890 = tpu.memref_squeeze %dma_wait3A_2889 : memref<1x128x128xf32, #tpu.memory_space<vmem>> -> memref<128x128xf32, #tpu.memory_space<vmem>>
        %dma_wait3A_2891 = arith.constant 0 : i32
        %dma_wait3A_2892 = tpu.memref_slice %arg4[%add3A_2884, %dma_wait3A_2891] : memref<65536x128xf32, #tpu.memory_space<hbm>> -> memref<128x128xf32, #tpu.memory_space<hbm>>
        %dma_wait3A_2893 = tpu.memref_slice %arg11[%dma_wait3A_2886] : memref<2x!tpu.dma_semaphore, #tpu.memory_space<semaphore_mem>> -> memref<1x!tpu.dma_semaphore, #tpu.memory_space<semaphore_mem>>
        %dma_wait3A_2894 = tpu.memref_squeeze %dma_wait3A_2893 : memref<1x!tpu.dma_semaphore, #tpu.memory_space<semaphore_mem>> -> memref<!tpu.dma_semaphore, #tpu.memory_space<semaphore_mem>>
        %dma_wait3A_2895 = arith.constant 0 : i32
        %dma_wait3A_2896 = tpu.memref_slice %arg4[%add3A_2884, %dma_wait3A_2895] : memref<65536x128xf32, #tpu.memory_space<hbm>> -> memref<128x128xf32, #tpu.memory_space<hbm>>
        %dma_wait3A_2897 = arith.constant 0 : i32
        %dma_wait3A_2898 = arith.constant 0 : i32
        %dma_wait3A_2899 = tpu.memref_slice %arg7[%dma_wait3A_2885, %dma_wait3A_2897, %dma_wait3A_2898] : memref<2x128x128xf32, #tpu.memory_space<vmem>> -> memref<1x128x128xf32, #tpu.memory_space<vmem>>
        %dma_wait3A_2900 = tpu.memref_squeeze %dma_wait3A_2899 : memref<1x128x128xf32, #tpu.memory_space<vmem>> -> memref<128x128xf32, #tpu.memory_space<vmem>>
        tpu.wait_dma2 semaphore(%dma_wait3A_2894 : memref<!tpu.dma_semaphore, #tpu.memory_space<semaphore_mem>>) src(%dma_wait3A_2900 : memref<128x128xf32, #tpu.memory_space<vmem>>) dst(%dma_wait3A_2896 : memref<128x128xf32, #tpu.memory_space<hbm>>)
        %sub3A_2901 = arith.constant 2 : i32
        %sub3A_2902 = arith.subi %add3A_1507, %sub3A_2901 : i32
        %mul3A_2903 = arith.constant 128 : i32
        %mul3A_2904 = arith.muli %sub3A_2902, %mul3A_2903 : i32
        %add3A_2905 = arith.addi %mul3A_2, %mul3A_2904 : i32
        %dma_wait3A_2906 = arith.constant 1 : i32
        %dma_wait3A_2907 = arith.constant 1 : i32
        %dma_wait3A_2908 = arith.constant 0 : i32
        %dma_wait3A_2909 = arith.constant 0 : i32
        %dma_wait3A_2910 = tpu.memref_slice %arg8[%dma_wait3A_2906, %dma_wait3A_2908, %dma_wait3A_2909] : memref<2x128x7xf32, #tpu.memory_space<vmem>> -> memref<1x128x7xf32, #tpu.memory_space<vmem>>
        %dma_wait3A_2911 = tpu.memref_squeeze %dma_wait3A_2910 : memref<1x128x7xf32, #tpu.memory_space<vmem>> -> memref<128x7xf32, #tpu.memory_space<vmem>>
        %dma_wait3A_2912 = arith.constant 0 : i32
        %dma_wait3A_2913 = tpu.memref_slice %arg5[%add3A_2905, %dma_wait3A_2912] : memref<65536x7xf32, #tpu.memory_space<hbm>> -> memref<128x7xf32, #tpu.memory_space<hbm>>
        %dma_wait3A_2914 = tpu.memref_slice %arg12[%dma_wait3A_2907] : memref<2x!tpu.dma_semaphore, #tpu.memory_space<semaphore_mem>> -> memref<1x!tpu.dma_semaphore, #tpu.memory_space<semaphore_mem>>
        %dma_wait3A_2915 = tpu.memref_squeeze %dma_wait3A_2914 : memref<1x!tpu.dma_semaphore, #tpu.memory_space<semaphore_mem>> -> memref<!tpu.dma_semaphore, #tpu.memory_space<semaphore_mem>>
        %dma_wait3A_2916 = arith.constant 0 : i32
        %dma_wait3A_2917 = tpu.memref_slice %arg5[%add3A_2905, %dma_wait3A_2916] : memref<65536x7xf32, #tpu.memory_space<hbm>> -> memref<128x7xf32, #tpu.memory_space<hbm>>
        %dma_wait3A_2918 = arith.constant 0 : i32
        %dma_wait3A_2919 = arith.constant 0 : i32
        %dma_wait3A_2920 = tpu.memref_slice %arg8[%dma_wait3A_2906, %dma_wait3A_2918, %dma_wait3A_2919] : memref<2x128x7xf32, #tpu.memory_space<vmem>> -> memref<1x128x7xf32, #tpu.memory_space<vmem>>
        %dma_wait3A_2921 = tpu.memref_squeeze %dma_wait3A_2920 : memref<1x128x7xf32, #tpu.memory_space<vmem>> -> memref<128x7xf32, #tpu.memory_space<vmem>>
        tpu.wait_dma2 semaphore(%dma_wait3A_2915 : memref<!tpu.dma_semaphore, #tpu.memory_space<semaphore_mem>>) src(%dma_wait3A_2921 : memref<128x7xf32, #tpu.memory_space<vmem>>) dst(%dma_wait3A_2917 : memref<128x7xf32, #tpu.memory_space<hbm>>)
      } else {
      }
      %add3A_1539 = arith.constant 0 : i32
      %add3A_1540 = vector.broadcast %add3A_1539 : i32 to vector<16xi32>
      %add3A_1541 = arith.addi %iota3A, %add3A_1540 : vector<16xi32>
      %gather3A_1542 = arith.constant 1 : i32
      %gather3A_1543 = arith.constant 0 : i32
      %gather3A_1544 = arith.constant 0 : i32
      %gather3A_1545 = tpu.memref_slice %arg6[%gather3A_1542, %gather3A_1543, %gather3A_1544] : memref<2x128x128xf32, #tpu.memory_space<vmem>> -> memref<1x128x128xf32, #tpu.memory_space<vmem>>
      %gather3A_1546 = tpu.memref_squeeze %gather3A_1545 : memref<1x128x128xf32, #tpu.memory_space<vmem>> -> memref<128x128xf32, #tpu.memory_space<vmem>>
      %gather3A_1547 = tpu.vector_load_idx %gather3A_1546[%add3A_1541, %broadcast_in_dim3A_31] : memref<128x128xf32, #tpu.memory_space<vmem>>[vector<16xi32>, vector<16xi32>], vector<16xf32>,
      %gather3A_1548 = arith.constant 1 : i32
      %gather3A_1549 = arith.constant 0 : i32
      %gather3A_1550 = arith.constant 0 : i32
      %gather3A_1551 = tpu.memref_slice %arg6[%gather3A_1548, %gather3A_1549, %gather3A_1550] : memref<2x128x128xf32, #tpu.memory_space<vmem>> -> memref<1x128x128xf32, #tpu.memory_space<vmem>>
      %gather3A_1552 = tpu.memref_squeeze %gather3A_1551 : memref<1x128x128xf32, #tpu.memory_space<vmem>> -> memref<128x128xf32, #tpu.memory_space<vmem>>
      %gather3A_1553 = tpu.vector_load_idx %gather3A_1552[%add3A_1541, %broadcast_in_dim3A_33] : memref<128x128xf32, #tpu.memory_space<vmem>>[vector<16xi32>, vector<16xi32>], vector<16xf32>,
      %gather3A_1554 = arith.constant 1 : i32
      %gather3A_1555 = arith.constant 0 : i32
      %gather3A_1556 = arith.constant 0 : i32
      %gather3A_1557 = tpu.memref_slice %arg6[%gather3A_1554, %gather3A_1555, %gather3A_1556] : memref<2x128x128xf32, #tpu.memory_space<vmem>> -> memref<1x128x128xf32, #tpu.memory_space<vmem>>
      %gather3A_1558 = tpu.memref_squeeze %gather3A_1557 : memref<1x128x128xf32, #tpu.memory_space<vmem>> -> memref<128x128xf32, #tpu.memory_space<vmem>>
      %gather3A_1559 = tpu.vector_load_idx %gather3A_1558[%add3A_1541, %broadcast_in_dim3A_35] : memref<128x128xf32, #tpu.memory_space<vmem>>[vector<16xi32>, vector<16xi32>], vector<16xf32>,
      %gather3A_1560 = arith.constant 1 : i32
      %gather3A_1561 = arith.constant 0 : i32
      %gather3A_1562 = arith.constant 0 : i32
      %gather3A_1563 = tpu.memref_slice %arg6[%gather3A_1560, %gather3A_1561, %gather3A_1562] : memref<2x128x128xf32, #tpu.memory_space<vmem>> -> memref<1x128x128xf32, #tpu.memory_space<vmem>>
      %gather3A_1564 = tpu.memref_squeeze %gather3A_1563 : memref<1x128x128xf32, #tpu.memory_space<vmem>> -> memref<128x128xf32, #tpu.memory_space<vmem>>
      %gather3A_1565 = tpu.vector_load_idx %gather3A_1564[%add3A_1541, %broadcast_in_dim3A_37] : memref<128x128xf32, #tpu.memory_space<vmem>>[vector<16xi32>, vector<16xi32>], vector<16xf32>,
      %gather3A_1566 = arith.constant 1 : i32
      %gather3A_1567 = arith.constant 0 : i32
      %gather3A_1568 = arith.constant 0 : i32
      %gather3A_1569 = tpu.memref_slice %arg6[%gather3A_1566, %gather3A_1567, %gather3A_1568] : memref<2x128x128xf32, #tpu.memory_space<vmem>> -> memref<1x128x128xf32, #tpu.memory_space<vmem>>
      %gather3A_1570 = tpu.memref_squeeze %gather3A_1569 : memref<1x128x128xf32, #tpu.memory_space<vmem>> -> memref<128x128xf32, #tpu.memory_space<vmem>>
      %gather3A_1571 = tpu.vector_load_idx %gather3A_1570[%add3A_1541, %broadcast_in_dim3A_39] : memref<128x128xf32, #tpu.memory_space<vmem>>[vector<16xi32>, vector<16xi32>], vector<16xf32>,
      %gather3A_1572 = arith.constant 1 : i32
      %gather3A_1573 = arith.constant 0 : i32
      %gather3A_1574 = arith.constant 0 : i32
      %gather3A_1575 = tpu.memref_slice %arg6[%gather3A_1572, %gather3A_1573, %gather3A_1574] : memref<2x128x128xf32, #tpu.memory_space<vmem>> -> memref<1x128x128xf32, #tpu.memory_space<vmem>>
      %gather3A_1576 = tpu.memref_squeeze %gather3A_1575 : memref<1x128x128xf32, #tpu.memory_space<vmem>> -> memref<128x128xf32, #tpu.memory_space<vmem>>
      %gather3A_1577 = tpu.vector_load_idx %gather3A_1576[%add3A_1541, %broadcast_in_dim3A_41] : memref<128x128xf32, #tpu.memory_space<vmem>>[vector<16xi32>, vector<16xi32>], vector<16xf32>,
      %gather3A_1578 = arith.constant 1 : i32
      %gather3A_1579 = arith.constant 0 : i32
      %gather3A_1580 = arith.constant 0 : i32
      %gather3A_1581 = tpu.memref_slice %arg6[%gather3A_1578, %gather3A_1579, %gather3A_1580] : memref<2x128x128xf32, #tpu.memory_space<vmem>> -> memref<1x128x128xf32, #tpu.memory_space<vmem>>
      %gather3A_1582 = tpu.memref_squeeze %gather3A_1581 : memref<1x128x128xf32, #tpu.memory_space<vmem>> -> memref<128x128xf32, #tpu.memory_space<vmem>>
      %gather3A_1583 = tpu.vector_load_idx %gather3A_1582[%add3A_1541, %broadcast_in_dim3A_43] : memref<128x128xf32, #tpu.memory_space<vmem>>[vector<16xi32>, vector<16xi32>], vector<16xf32>,
      %mul3A_1584 = arith.constant -1.000000e+00 : f32
      %mul3A_1585 = vector.broadcast %mul3A_1584 : f32 to vector<16xf32>
      %mul3A_1586 = arith.mulf %gather3A_1547, %mul3A_1585 : vector<16xf32>
      %exp3A_1587 = math.exp %mul3A_1586 : vector<16xf32>
      %mul3A_1588 = arith.constant 1.000000e+00 : f32
      %mul3A_1589 = vector.broadcast %mul3A_1588 : f32 to vector<16xf32>
      %mul3A_1590 = arith.mulf %gather3A_1553, %mul3A_1589 : vector<16xf32>
      %exp3A_1591 = math.exp %mul3A_1590 : vector<16xf32>
      %mul3A_1592 = arith.constant -1.000000e+00 : f32
      %mul3A_1593 = vector.broadcast %mul3A_1592 : f32 to vector<16xf32>
      %mul3A_1594 = arith.mulf %gather3A_1559, %mul3A_1593 : vector<16xf32>
      %exp3A_1595 = math.exp %mul3A_1594 : vector<16xf32>
      %mul3A_1596 = arith.constant 1.000000e+00 : f32
      %mul3A_1597 = vector.broadcast %mul3A_1596 : f32 to vector<16xf32>
      %mul3A_1598 = arith.mulf %gather3A_1565, %mul3A_1597 : vector<16xf32>
      %exp3A_1599 = math.exp %mul3A_1598 : vector<16xf32>
      %add3A_1600 = arith.addf %exp3A_1587, %exp3A_1591 : vector<16xf32>
      %add3A_1601 = arith.addf %exp3A_1595, %exp3A_1599 : vector<16xf32>
      %add3A_1602 = arith.addf %add3A_1600, %add3A_1601 : vector<16xf32>
      %div3A_1603 = arith.divf %min3A_23, %add3A_1602 : vector<16xf32>
      %neg3A_1604 = arith.constant 0.000000e+00 : f32
      %neg3A_1605 = vector.broadcast %neg3A_1604 : f32 to vector<16xf32>
      %neg3A_1606 = arith.subf %neg3A_1605, %div3A_1603 : vector<16xf32>
      %mul3A_1607 = arith.mulf %exp3A_1587, %neg3A_1606 : vector<16xf32>
      %mul3A_1608 = arith.mulf %exp3A_1591, %div3A_1603 : vector<16xf32>
      %mul3A_1609 = arith.mulf %exp3A_1595, %neg3A_1606 : vector<16xf32>
      %mul3A_1610 = arith.mulf %exp3A_1599, %div3A_1603 : vector<16xf32>
      %mul3A_1611 = arith.constant 1.000000e+00 : f32
      %mul3A_1612 = vector.broadcast %mul3A_1611 : f32 to vector<16xf32>
      %mul3A_1613 = arith.mulf %gather3A_1571, %mul3A_1612 : vector<16xf32>
      %exp3A_1614 = math.exp %mul3A_1613 : vector<16xf32>
      %mul3A_1615 = arith.constant -1.000000e+00 : f32
      %mul3A_1616 = vector.broadcast %mul3A_1615 : f32 to vector<16xf32>
      %mul3A_1617 = arith.mulf %gather3A_1577, %mul3A_1616 : vector<16xf32>
      %exp3A_1618 = math.exp %mul3A_1617 : vector<16xf32>
      %mul3A_1619 = arith.constant 1.000000e+00 : f32
      %mul3A_1620 = vector.broadcast %mul3A_1619 : f32 to vector<16xf32>
      %mul3A_1621 = arith.mulf %gather3A_1583, %mul3A_1620 : vector<16xf32>
      %exp3A_1622 = math.exp %mul3A_1621 : vector<16xf32>
      %add3A_1623 = arith.addf %exp3A_1614, %exp3A_1618 : vector<16xf32>
      %add3A_1624 = arith.addf %add3A_1623, %exp3A_1622 : vector<16xf32>
      %div3A_1625 = arith.divf %min3A_23, %add3A_1624 : vector<16xf32>
      %neg3A_1626 = arith.constant 0.000000e+00 : f32
      %neg3A_1627 = vector.broadcast %neg3A_1626 : f32 to vector<16xf32>
      %neg3A_1628 = arith.subf %neg3A_1627, %div3A_1625 : vector<16xf32>
      %mul3A_1629 = arith.mulf %exp3A_1614, %div3A_1625 : vector<16xf32>
      %mul3A_1630 = arith.mulf %exp3A_1618, %neg3A_1628 : vector<16xf32>
      %mul3A_1631 = arith.mulf %exp3A_1622, %div3A_1625 : vector<16xf32>
      %scatter3A_1632 = arith.constant 1 : i32
      %scatter3A_1633 = arith.constant 0 : i32
      %scatter3A_1634 = arith.constant 0 : i32
      %scatter3A_1635 = tpu.memref_slice %arg7[%scatter3A_1632, %scatter3A_1633, %scatter3A_1634] : memref<2x128x128xf32, #tpu.memory_space<vmem>> -> memref<1x128x128xf32, #tpu.memory_space<vmem>>
      %scatter3A_1636 = tpu.memref_squeeze %scatter3A_1635 : memref<1x128x128xf32, #tpu.memory_space<vmem>> -> memref<128x128xf32, #tpu.memory_space<vmem>>
      tpu.vector_store_idx %scatter3A_1636[%add3A_1541, %broadcast_in_dim3A_31], %mul3A_1607 : memref<128x128xf32, #tpu.memory_space<vmem>>[vector<16xi32>, vector<16xi32>], vector<16xf32>,
      %scatter3A_1637 = arith.constant 1 : i32
      %scatter3A_1638 = arith.constant 0 : i32
      %scatter3A_1639 = arith.constant 0 : i32
      %scatter3A_1640 = tpu.memref_slice %arg8[%scatter3A_1637, %scatter3A_1638, %scatter3A_1639] : memref<2x128x7xf32, #tpu.memory_space<vmem>> -> memref<1x128x7xf32, #tpu.memory_space<vmem>>
      %scatter3A_1641 = tpu.memref_squeeze %scatter3A_1640 : memref<1x128x7xf32, #tpu.memory_space<vmem>> -> memref<128x7xf32, #tpu.memory_space<vmem>>
      tpu.vector_store_idx %scatter3A_1641[%add3A_1541, %broadcast_in_dim3A_45], %mul3A_1607 : memref<128x7xf32, #tpu.memory_space<vmem>>[vector<16xi32>, vector<16xi32>], vector<16xf32>,
      %scatter3A_1642 = arith.constant 1 : i32
      %scatter3A_1643 = arith.constant 0 : i32
      %scatter3A_1644 = arith.constant 0 : i32
      %scatter3A_1645 = tpu.memref_slice %arg7[%scatter3A_1642, %scatter3A_1643, %scatter3A_1644] : memref<2x128x128xf32, #tpu.memory_space<vmem>> -> memref<1x128x128xf32, #tpu.memory_space<vmem>>
      %scatter3A_1646 = tpu.memref_squeeze %scatter3A_1645 : memref<1x128x128xf32, #tpu.memory_space<vmem>> -> memref<128x128xf32, #tpu.memory_space<vmem>>
      tpu.vector_store_idx %scatter3A_1646[%add3A_1541, %broadcast_in_dim3A_33], %mul3A_1608 : memref<128x128xf32, #tpu.memory_space<vmem>>[vector<16xi32>, vector<16xi32>], vector<16xf32>,
      %scatter3A_1647 = arith.constant 1 : i32
      %scatter3A_1648 = arith.constant 0 : i32
      %scatter3A_1649 = arith.constant 0 : i32
      %scatter3A_1650 = tpu.memref_slice %arg8[%scatter3A_1647, %scatter3A_1648, %scatter3A_1649] : memref<2x128x7xf32, #tpu.memory_space<vmem>> -> memref<1x128x7xf32, #tpu.memory_space<vmem>>
      %scatter3A_1651 = tpu.memref_squeeze %scatter3A_1650 : memref<1x128x7xf32, #tpu.memory_space<vmem>> -> memref<128x7xf32, #tpu.memory_space<vmem>>
      tpu.vector_store_idx %scatter3A_1651[%add3A_1541, %broadcast_in_dim3A_47], %mul3A_1608 : memref<128x7xf32, #tpu.memory_space<vmem>>[vector<16xi32>, vector<16xi32>], vector<16xf32>,
      %scatter3A_1652 = arith.constant 1 : i32
      %scatter3A_1653 = arith.constant 0 : i32
      %scatter3A_1654 = arith.constant 0 : i32
      %scatter3A_1655 = tpu.memref_slice %arg7[%scatter3A_1652, %scatter3A_1653, %scatter3A_1654] : memref<2x128x128xf32, #tpu.memory_space<vmem>> -> memref<1x128x128xf32, #tpu.memory_space<vmem>>
      %scatter3A_1656 = tpu.memref_squeeze %scatter3A_1655 : memref<1x128x128xf32, #tpu.memory_space<vmem>> -> memref<128x128xf32, #tpu.memory_space<vmem>>
      tpu.vector_store_idx %scatter3A_1656[%add3A_1541, %broadcast_in_dim3A_35], %mul3A_1609 : memref<128x128xf32, #tpu.memory_space<vmem>>[vector<16xi32>, vector<16xi32>], vector<16xf32>,
      %scatter3A_1657 = arith.constant 1 : i32
      %scatter3A_1658 = arith.constant 0 : i32
      %scatter3A_1659 = arith.constant 0 : i32
      %scatter3A_1660 = tpu.memref_slice %arg8[%scatter3A_1657, %scatter3A_1658, %scatter3A_1659] : memref<2x128x7xf32, #tpu.memory_space<vmem>> -> memref<1x128x7xf32, #tpu.memory_space<vmem>>
      %scatter3A_1661 = tpu.memref_squeeze %scatter3A_1660 : memref<1x128x7xf32, #tpu.memory_space<vmem>> -> memref<128x7xf32, #tpu.memory_space<vmem>>
      tpu.vector_store_idx %scatter3A_1661[%add3A_1541, %broadcast_in_dim3A_49], %mul3A_1609 : memref<128x7xf32, #tpu.memory_space<vmem>>[vector<16xi32>, vector<16xi32>], vector<16xf32>,
      %scatter3A_1662 = arith.constant 1 : i32
      %scatter3A_1663 = arith.constant 0 : i32
      %scatter3A_1664 = arith.constant 0 : i32
      %scatter3A_1665 = tpu.memref_slice %arg7[%scatter3A_1662, %scatter3A_1663, %scatter3A_1664] : memref<2x128x128xf32, #tpu.memory_space<vmem>> -> memref<1x128x128xf32, #tpu.memory_space<vmem>>
      %scatter3A_1666 = tpu.memref_squeeze %scatter3A_1665 : memref<1x128x128xf32, #tpu.memory_space<vmem>> -> memref<128x128xf32, #tpu.memory_space<vmem>>
      tpu.vector_store_idx %scatter3A_1666[%add3A_1541, %broadcast_in_dim3A_37], %mul3A_1610 : memref<128x128xf32, #tpu.memory_space<vmem>>[vector<16xi32>, vector<16xi32>], vector<16xf32>,
      %scatter3A_1667 = arith.constant 1 : i32
      %scatter3A_1668 = arith.constant 0 : i32
      %scatter3A_1669 = arith.constant 0 : i32
      %scatter3A_1670 = tpu.memref_slice %arg8[%scatter3A_1667, %scatter3A_1668, %scatter3A_1669] : memref<2x128x7xf32, #tpu.memory_space<vmem>> -> memref<1x128x7xf32, #tpu.memory_space<vmem>>
      %scatter3A_1671 = tpu.memref_squeeze %scatter3A_1670 : memref<1x128x7xf32, #tpu.memory_space<vmem>> -> memref<128x7xf32, #tpu.memory_space<vmem>>
      tpu.vector_store_idx %scatter3A_1671[%add3A_1541, %broadcast_in_dim3A_51], %mul3A_1610 : memref<128x7xf32, #tpu.memory_space<vmem>>[vector<16xi32>, vector<16xi32>], vector<16xf32>,
      %scatter3A_1672 = arith.constant 1 : i32
      %scatter3A_1673 = arith.constant 0 : i32
      %scatter3A_1674 = arith.constant 0 : i32
      %scatter3A_1675 = tpu.memref_slice %arg7[%scatter3A_1672, %scatter3A_1673, %scatter3A_1674] : memref<2x128x128xf32, #tpu.memory_space<vmem>> -> memref<1x128x128xf32, #tpu.memory_space<vmem>>
      %scatter3A_1676 = tpu.memref_squeeze %scatter3A_1675 : memref<1x128x128xf32, #tpu.memory_space<vmem>> -> memref<128x128xf32, #tpu.memory_space<vmem>>
      tpu.vector_store_idx %scatter3A_1676[%add3A_1541, %broadcast_in_dim3A_39], %mul3A_1629 : memref<128x128xf32, #tpu.memory_space<vmem>>[vector<16xi32>, vector<16xi32>], vector<16xf32>,
      %scatter3A_1677 = arith.constant 1 : i32
      %scatter3A_1678 = arith.constant 0 : i32
      %scatter3A_1679 = arith.constant 0 : i32
      %scatter3A_1680 = tpu.memref_slice %arg8[%scatter3A_1677, %scatter3A_1678, %scatter3A_1679] : memref<2x128x7xf32, #tpu.memory_space<vmem>> -> memref<1x128x7xf32, #tpu.memory_space<vmem>>
      %scatter3A_1681 = tpu.memref_squeeze %scatter3A_1680 : memref<1x128x7xf32, #tpu.memory_space<vmem>> -> memref<128x7xf32, #tpu.memory_space<vmem>>
      tpu.vector_store_idx %scatter3A_1681[%add3A_1541, %broadcast_in_dim3A_53], %mul3A_1629 : memref<128x7xf32, #tpu.memory_space<vmem>>[vector<16xi32>, vector<16xi32>], vector<16xf32>,
      %scatter3A_1682 = arith.constant 1 : i32
      %scatter3A_1683 = arith.constant 0 : i32
      %scatter3A_1684 = arith.constant 0 : i32
      %scatter3A_1685 = tpu.memref_slice %arg7[%scatter3A_1682, %scatter3A_1683, %scatter3A_1684] : memref<2x128x128xf32, #tpu.memory_space<vmem>> -> memref<1x128x128xf32, #tpu.memory_space<vmem>>
      %scatter3A_1686 = tpu.memref_squeeze %scatter3A_1685 : memref<1x128x128xf32, #tpu.memory_space<vmem>> -> memref<128x128xf32, #tpu.memory_space<vmem>>
      tpu.vector_store_idx %scatter3A_1686[%add3A_1541, %broadcast_in_dim3A_41], %mul3A_1630 : memref<128x128xf32, #tpu.memory_space<vmem>>[vector<16xi32>, vector<16xi32>], vector<16xf32>,
      %scatter3A_1687 = arith.constant 1 : i32
      %scatter3A_1688 = arith.constant 0 : i32
      %scatter3A_1689 = arith.constant 0 : i32
      %scatter3A_1690 = tpu.memref_slice %arg8[%scatter3A_1687, %scatter3A_1688, %scatter3A_1689] : memref<2x128x7xf32, #tpu.memory_space<vmem>> -> memref<1x128x7xf32, #tpu.memory_space<vmem>>
      %scatter3A_1691 = tpu.memref_squeeze %scatter3A_1690 : memref<1x128x7xf32, #tpu.memory_space<vmem>> -> memref<128x7xf32, #tpu.memory_space<vmem>>
      tpu.vector_store_idx %scatter3A_1691[%add3A_1541, %broadcast_in_dim3A_55], %mul3A_1630 : memref<128x7xf32, #tpu.memory_space<vmem>>[vector<16xi32>, vector<16xi32>], vector<16xf32>,
      %scatter3A_1692 = arith.constant 1 : i32
      %scatter3A_1693 = arith.constant 0 : i32
      %scatter3A_1694 = arith.constant 0 : i32
      %scatter3A_1695 = tpu.memref_slice %arg7[%scatter3A_1692, %scatter3A_1693, %scatter3A_1694] : memref<2x128x128xf32, #tpu.memory_space<vmem>> -> memref<1x128x128xf32, #tpu.memory_space<vmem>>
      %scatter3A_1696 = tpu.memref_squeeze %scatter3A_1695 : memref<1x128x128xf32, #tpu.memory_space<vmem>> -> memref<128x128xf32, #tpu.memory_space<vmem>>
      tpu.vector_store_idx %scatter3A_1696[%add3A_1541, %broadcast_in_dim3A_43], %mul3A_1631 : memref<128x128xf32, #tpu.memory_space<vmem>>[vector<16xi32>, vector<16xi32>], vector<16xf32>,
      %scatter3A_1697 = arith.constant 1 : i32
      %scatter3A_1698 = arith.constant 0 : i32
      %scatter3A_1699 = arith.constant 0 : i32
      %scatter3A_1700 = tpu.memref_slice %arg8[%scatter3A_1697, %scatter3A_1698, %scatter3A_1699] : memref<2x128x7xf32, #tpu.memory_space<vmem>> -> memref<1x128x7xf32, #tpu.memory_space<vmem>>
      %scatter3A_1701 = tpu.memref_squeeze %scatter3A_1700 : memref<1x128x7xf32, #tpu.memory_space<vmem>> -> memref<128x7xf32, #tpu.memory_space<vmem>>
      tpu.vector_store_idx %scatter3A_1701[%add3A_1541, %broadcast_in_dim3A_57], %mul3A_1631 : memref<128x7xf32, #tpu.memory_space<vmem>>[vector<16xi32>, vector<16xi32>], vector<16xf32>,
      %add3A_1702 = arith.constant 16 : i32
      %add3A_1703 = vector.broadcast %add3A_1702 : i32 to vector<16xi32>
      %add3A_1704 = arith.addi %iota3A, %add3A_1703 : vector<16xi32>
      %gather3A_1705 = arith.constant 1 : i32
      %gather3A_1706 = arith.constant 0 : i32
      %gather3A_1707 = arith.constant 0 : i32
      %gather3A_1708 = tpu.memref_slice %arg6[%gather3A_1705, %gather3A_1706, %gather3A_1707] : memref<2x128x128xf32, #tpu.memory_space<vmem>> -> memref<1x128x128xf32, #tpu.memory_space<vmem>>
      %gather3A_1709 = tpu.memref_squeeze %gather3A_1708 : memref<1x128x128xf32, #tpu.memory_space<vmem>> -> memref<128x128xf32, #tpu.memory_space<vmem>>
      %gather3A_1710 = tpu.vector_load_idx %gather3A_1709[%add3A_1704, %broadcast_in_dim3A_31] : memref<128x128xf32, #tpu.memory_space<vmem>>[vector<16xi32>, vector<16xi32>], vector<16xf32>,
      %gather3A_1711 = arith.constant 1 : i32
      %gather3A_1712 = arith.constant 0 : i32
      %gather3A_1713 = arith.constant 0 : i32
      %gather3A_1714 = tpu.memref_slice %arg6[%gather3A_1711, %gather3A_1712, %gather3A_1713] : memref<2x128x128xf32, #tpu.memory_space<vmem>> -> memref<1x128x128xf32, #tpu.memory_space<vmem>>
      %gather3A_1715 = tpu.memref_squeeze %gather3A_1714 : memref<1x128x128xf32, #tpu.memory_space<vmem>> -> memref<128x128xf32, #tpu.memory_space<vmem>>
      %gather3A_1716 = tpu.vector_load_idx %gather3A_1715[%add3A_1704, %broadcast_in_dim3A_33] : memref<128x128xf32, #tpu.memory_space<vmem>>[vector<16xi32>, vector<16xi32>], vector<16xf32>,
      %gather3A_1717 = arith.constant 1 : i32
      %gather3A_1718 = arith.constant 0 : i32
      %gather3A_1719 = arith.constant 0 : i32
      %gather3A_1720 = tpu.memref_slice %arg6[%gather3A_1717, %gather3A_1718, %gather3A_1719] : memref<2x128x128xf32, #tpu.memory_space<vmem>> -> memref<1x128x128xf32, #tpu.memory_space<vmem>>
      %gather3A_1721 = tpu.memref_squeeze %gather3A_1720 : memref<1x128x128xf32, #tpu.memory_space<vmem>> -> memref<128x128xf32, #tpu.memory_space<vmem>>
      %gather3A_1722 = tpu.vector_load_idx %gather3A_1721[%add3A_1704, %broadcast_in_dim3A_35] : memref<128x128xf32, #tpu.memory_space<vmem>>[vector<16xi32>, vector<16xi32>], vector<16xf32>,
      %gather3A_1723 = arith.constant 1 : i32
      %gather3A_1724 = arith.constant 0 : i32
      %gather3A_1725 = arith.constant 0 : i32
      %gather3A_1726 = tpu.memref_slice %arg6[%gather3A_1723, %gather3A_1724, %gather3A_1725] : memref<2x128x128xf32, #tpu.memory_space<vmem>> -> memref<1x128x128xf32, #tpu.memory_space<vmem>>
      %gather3A_1727 = tpu.memref_squeeze %gather3A_1726 : memref<1x128x128xf32, #tpu.memory_space<vmem>> -> memref<128x128xf32, #tpu.memory_space<vmem>>
      %gather3A_1728 = tpu.vector_load_idx %gather3A_1727[%add3A_1704, %broadcast_in_dim3A_37] : memref<128x128xf32, #tpu.memory_space<vmem>>[vector<16xi32>, vector<16xi32>], vector<16xf32>,
      %gather3A_1729 = arith.constant 1 : i32
      %gather3A_1730 = arith.constant 0 : i32
      %gather3A_1731 = arith.constant 0 : i32
      %gather3A_1732 = tpu.memref_slice %arg6[%gather3A_1729, %gather3A_1730, %gather3A_1731] : memref<2x128x128xf32, #tpu.memory_space<vmem>> -> memref<1x128x128xf32, #tpu.memory_space<vmem>>
      %gather3A_1733 = tpu.memref_squeeze %gather3A_1732 : memref<1x128x128xf32, #tpu.memory_space<vmem>> -> memref<128x128xf32, #tpu.memory_space<vmem>>
      %gather3A_1734 = tpu.vector_load_idx %gather3A_1733[%add3A_1704, %broadcast_in_dim3A_39] : memref<128x128xf32, #tpu.memory_space<vmem>>[vector<16xi32>, vector<16xi32>], vector<16xf32>,
      %gather3A_1735 = arith.constant 1 : i32
      %gather3A_1736 = arith.constant 0 : i32
      %gather3A_1737 = arith.constant 0 : i32
      %gather3A_1738 = tpu.memref_slice %arg6[%gather3A_1735, %gather3A_1736, %gather3A_1737] : memref<2x128x128xf32, #tpu.memory_space<vmem>> -> memref<1x128x128xf32, #tpu.memory_space<vmem>>
      %gather3A_1739 = tpu.memref_squeeze %gather3A_1738 : memref<1x128x128xf32, #tpu.memory_space<vmem>> -> memref<128x128xf32, #tpu.memory_space<vmem>>
      %gather3A_1740 = tpu.vector_load_idx %gather3A_1739[%add3A_1704, %broadcast_in_dim3A_41] : memref<128x128xf32, #tpu.memory_space<vmem>>[vector<16xi32>, vector<16xi32>], vector<16xf32>,
      %gather3A_1741 = arith.constant 1 : i32
      %gather3A_1742 = arith.constant 0 : i32
      %gather3A_1743 = arith.constant 0 : i32
      %gather3A_1744 = tpu.memref_slice %arg6[%gather3A_1741, %gather3A_1742, %gather3A_1743] : memref<2x128x128xf32, #tpu.memory_space<vmem>> -> memref<1x128x128xf32, #tpu.memory_space<vmem>>
      %gather3A_1745 = tpu.memref_squeeze %gather3A_1744 : memref<1x128x128xf32, #tpu.memory_space<vmem>> -> memref<128x128xf32, #tpu.memory_space<vmem>>
      %gather3A_1746 = tpu.vector_load_idx %gather3A_1745[%add3A_1704, %broadcast_in_dim3A_43] : memref<128x128xf32, #tpu.memory_space<vmem>>[vector<16xi32>, vector<16xi32>], vector<16xf32>,
      %mul3A_1747 = arith.constant -1.000000e+00 : f32
      %mul3A_1748 = vector.broadcast %mul3A_1747 : f32 to vector<16xf32>
      %mul3A_1749 = arith.mulf %gather3A_1710, %mul3A_1748 : vector<16xf32>
      %exp3A_1750 = math.exp %mul3A_1749 : vector<16xf32>
      %mul3A_1751 = arith.constant 1.000000e+00 : f32
      %mul3A_1752 = vector.broadcast %mul3A_1751 : f32 to vector<16xf32>
      %mul3A_1753 = arith.mulf %gather3A_1716, %mul3A_1752 : vector<16xf32>
      %exp3A_1754 = math.exp %mul3A_1753 : vector<16xf32>
      %mul3A_1755 = arith.constant -1.000000e+00 : f32
      %mul3A_1756 = vector.broadcast %mul3A_1755 : f32 to vector<16xf32>
      %mul3A_1757 = arith.mulf %gather3A_1722, %mul3A_1756 : vector<16xf32>
      %exp3A_1758 = math.exp %mul3A_1757 : vector<16xf32>
      %mul3A_1759 = arith.constant 1.000000e+00 : f32
      %mul3A_1760 = vector.broadcast %mul3A_1759 : f32 to vector<16xf32>
      %mul3A_1761 = arith.mulf %gather3A_1728, %mul3A_1760 : vector<16xf32>
      %exp3A_1762 = math.exp %mul3A_1761 : vector<16xf32>
      %add3A_1763 = arith.addf %exp3A_1750, %exp3A_1754 : vector<16xf32>
      %add3A_1764 = arith.addf %exp3A_1758, %exp3A_1762 : vector<16xf32>
      %add3A_1765 = arith.addf %add3A_1763, %add3A_1764 : vector<16xf32>
      %div3A_1766 = arith.divf %min3A_23, %add3A_1765 : vector<16xf32>
      %neg3A_1767 = arith.constant 0.000000e+00 : f32
      %neg3A_1768 = vector.broadcast %neg3A_1767 : f32 to vector<16xf32>
      %neg3A_1769 = arith.subf %neg3A_1768, %div3A_1766 : vector<16xf32>
      %mul3A_1770 = arith.mulf %exp3A_1750, %neg3A_1769 : vector<16xf32>
      %mul3A_1771 = arith.mulf %exp3A_1754, %div3A_1766 : vector<16xf32>
      %mul3A_1772 = arith.mulf %exp3A_1758, %neg3A_1769 : vector<16xf32>
      %mul3A_1773 = arith.mulf %exp3A_1762, %div3A_1766 : vector<16xf32>
      %mul3A_1774 = arith.constant 1.000000e+00 : f32
      %mul3A_1775 = vector.broadcast %mul3A_1774 : f32 to vector<16xf32>
      %mul3A_1776 = arith.mulf %gather3A_1734, %mul3A_1775 : vector<16xf32>
      %exp3A_1777 = math.exp %mul3A_1776 : vector<16xf32>
      %mul3A_1778 = arith.constant -1.000000e+00 : f32
      %mul3A_1779 = vector.broadcast %mul3A_1778 : f32 to vector<16xf32>
      %mul3A_1780 = arith.mulf %gather3A_1740, %mul3A_1779 : vector<16xf32>
      %exp3A_1781 = math.exp %mul3A_1780 : vector<16xf32>
      %mul3A_1782 = arith.constant 1.000000e+00 : f32
      %mul3A_1783 = vector.broadcast %mul3A_1782 : f32 to vector<16xf32>
      %mul3A_1784 = arith.mulf %gather3A_1746, %mul3A_1783 : vector<16xf32>
      %exp3A_1785 = math.exp %mul3A_1784 : vector<16xf32>
      %add3A_1786 = arith.addf %exp3A_1777, %exp3A_1781 : vector<16xf32>
      %add3A_1787 = arith.addf %add3A_1786, %exp3A_1785 : vector<16xf32>
      %div3A_1788 = arith.divf %min3A_23, %add3A_1787 : vector<16xf32>
      %neg3A_1789 = arith.constant 0.000000e+00 : f32
      %neg3A_1790 = vector.broadcast %neg3A_1789 : f32 to vector<16xf32>
      %neg3A_1791 = arith.subf %neg3A_1790, %div3A_1788 : vector<16xf32>
      %mul3A_1792 = arith.mulf %exp3A_1777, %div3A_1788 : vector<16xf32>
      %mul3A_1793 = arith.mulf %exp3A_1781, %neg3A_1791 : vector<16xf32>
      %mul3A_1794 = arith.mulf %exp3A_1785, %div3A_1788 : vector<16xf32>
      %scatter3A_1795 = arith.constant 1 : i32
      %scatter3A_1796 = arith.constant 0 : i32
      %scatter3A_1797 = arith.constant 0 : i32
      %scatter3A_1798 = tpu.memref_slice %arg7[%scatter3A_1795, %scatter3A_1796, %scatter3A_1797] : memref<2x128x128xf32, #tpu.memory_space<vmem>> -> memref<1x128x128xf32, #tpu.memory_space<vmem>>
      %scatter3A_1799 = tpu.memref_squeeze %scatter3A_1798 : memref<1x128x128xf32, #tpu.memory_space<vmem>> -> memref<128x128xf32, #tpu.memory_space<vmem>>
      tpu.vector_store_idx %scatter3A_1799[%add3A_1704, %broadcast_in_dim3A_31], %mul3A_1770 : memref<128x128xf32, #tpu.memory_space<vmem>>[vector<16xi32>, vector<16xi32>], vector<16xf32>,
      %scatter3A_1800 = arith.constant 1 : i32
      %scatter3A_1801 = arith.constant 0 : i32
      %scatter3A_1802 = arith.constant 0 : i32
      %scatter3A_1803 = tpu.memref_slice %arg8[%scatter3A_1800, %scatter3A_1801, %scatter3A_1802] : memref<2x128x7xf32, #tpu.memory_space<vmem>> -> memref<1x128x7xf32, #tpu.memory_space<vmem>>
      %scatter3A_1804 = tpu.memref_squeeze %scatter3A_1803 : memref<1x128x7xf32, #tpu.memory_space<vmem>> -> memref<128x7xf32, #tpu.memory_space<vmem>>
      tpu.vector_store_idx %scatter3A_1804[%add3A_1704, %broadcast_in_dim3A_45], %mul3A_1770 : memref<128x7xf32, #tpu.memory_space<vmem>>[vector<16xi32>, vector<16xi32>], vector<16xf32>,
      %scatter3A_1805 = arith.constant 1 : i32
      %scatter3A_1806 = arith.constant 0 : i32
      %scatter3A_1807 = arith.constant 0 : i32
      %scatter3A_1808 = tpu.memref_slice %arg7[%scatter3A_1805, %scatter3A_1806, %scatter3A_1807] : memref<2x128x128xf32, #tpu.memory_space<vmem>> -> memref<1x128x128xf32, #tpu.memory_space<vmem>>
      %scatter3A_1809 = tpu.memref_squeeze %scatter3A_1808 : memref<1x128x128xf32, #tpu.memory_space<vmem>> -> memref<128x128xf32, #tpu.memory_space<vmem>>
      tpu.vector_store_idx %scatter3A_1809[%add3A_1704, %broadcast_in_dim3A_33], %mul3A_1771 : memref<128x128xf32, #tpu.memory_space<vmem>>[vector<16xi32>, vector<16xi32>], vector<16xf32>,
      %scatter3A_1810 = arith.constant 1 : i32
      %scatter3A_1811 = arith.constant 0 : i32
      %scatter3A_1812 = arith.constant 0 : i32
      %scatter3A_1813 = tpu.memref_slice %arg8[%scatter3A_1810, %scatter3A_1811, %scatter3A_1812] : memref<2x128x7xf32, #tpu.memory_space<vmem>> -> memref<1x128x7xf32, #tpu.memory_space<vmem>>
      %scatter3A_1814 = tpu.memref_squeeze %scatter3A_1813 : memref<1x128x7xf32, #tpu.memory_space<vmem>> -> memref<128x7xf32, #tpu.memory_space<vmem>>
      tpu.vector_store_idx %scatter3A_1814[%add3A_1704, %broadcast_in_dim3A_47], %mul3A_1771 : memref<128x7xf32, #tpu.memory_space<vmem>>[vector<16xi32>, vector<16xi32>], vector<16xf32>,
      %scatter3A_1815 = arith.constant 1 : i32
      %scatter3A_1816 = arith.constant 0 : i32
      %scatter3A_1817 = arith.constant 0 : i32
      %scatter3A_1818 = tpu.memref_slice %arg7[%scatter3A_1815, %scatter3A_1816, %scatter3A_1817] : memref<2x128x128xf32, #tpu.memory_space<vmem>> -> memref<1x128x128xf32, #tpu.memory_space<vmem>>
      %scatter3A_1819 = tpu.memref_squeeze %scatter3A_1818 : memref<1x128x128xf32, #tpu.memory_space<vmem>> -> memref<128x128xf32, #tpu.memory_space<vmem>>
      tpu.vector_store_idx %scatter3A_1819[%add3A_1704, %broadcast_in_dim3A_35], %mul3A_1772 : memref<128x128xf32, #tpu.memory_space<vmem>>[vector<16xi32>, vector<16xi32>], vector<16xf32>,
      %scatter3A_1820 = arith.constant 1 : i32
      %scatter3A_1821 = arith.constant 0 : i32
      %scatter3A_1822 = arith.constant 0 : i32
      %scatter3A_1823 = tpu.memref_slice %arg8[%scatter3A_1820, %scatter3A_1821, %scatter3A_1822] : memref<2x128x7xf32, #tpu.memory_space<vmem>> -> memref<1x128x7xf32, #tpu.memory_space<vmem>>
      %scatter3A_1824 = tpu.memref_squeeze %scatter3A_1823 : memref<1x128x7xf32, #tpu.memory_space<vmem>> -> memref<128x7xf32, #tpu.memory_space<vmem>>
      tpu.vector_store_idx %scatter3A_1824[%add3A_1704, %broadcast_in_dim3A_49], %mul3A_1772 : memref<128x7xf32, #tpu.memory_space<vmem>>[vector<16xi32>, vector<16xi32>], vector<16xf32>,
      %scatter3A_1825 = arith.constant 1 : i32
      %scatter3A_1826 = arith.constant 0 : i32
      %scatter3A_1827 = arith.constant 0 : i32
      %scatter3A_1828 = tpu.memref_slice %arg7[%scatter3A_1825, %scatter3A_1826, %scatter3A_1827] : memref<2x128x128xf32, #tpu.memory_space<vmem>> -> memref<1x128x128xf32, #tpu.memory_space<vmem>>
      %scatter3A_1829 = tpu.memref_squeeze %scatter3A_1828 : memref<1x128x128xf32, #tpu.memory_space<vmem>> -> memref<128x128xf32, #tpu.memory_space<vmem>>
      tpu.vector_store_idx %scatter3A_1829[%add3A_1704, %broadcast_in_dim3A_37], %mul3A_1773 : memref<128x128xf32, #tpu.memory_space<vmem>>[vector<16xi32>, vector<16xi32>], vector<16xf32>,
      %scatter3A_1830 = arith.constant 1 : i32
      %scatter3A_1831 = arith.constant 0 : i32
      %scatter3A_1832 = arith.constant 0 : i32
      %scatter3A_1833 = tpu.memref_slice %arg8[%scatter3A_1830, %scatter3A_1831, %scatter3A_1832] : memref<2x128x7xf32, #tpu.memory_space<vmem>> -> memref<1x128x7xf32, #tpu.memory_space<vmem>>
      %scatter3A_1834 = tpu.memref_squeeze %scatter3A_1833 : memref<1x128x7xf32, #tpu.memory_space<vmem>> -> memref<128x7xf32, #tpu.memory_space<vmem>>
      tpu.vector_store_idx %scatter3A_1834[%add3A_1704, %broadcast_in_dim3A_51], %mul3A_1773 : memref<128x7xf32, #tpu.memory_space<vmem>>[vector<16xi32>, vector<16xi32>], vector<16xf32>,
      %scatter3A_1835 = arith.constant 1 : i32
      %scatter3A_1836 = arith.constant 0 : i32
      %scatter3A_1837 = arith.constant 0 : i32
      %scatter3A_1838 = tpu.memref_slice %arg7[%scatter3A_1835, %scatter3A_1836, %scatter3A_1837] : memref<2x128x128xf32, #tpu.memory_space<vmem>> -> memref<1x128x128xf32, #tpu.memory_space<vmem>>
      %scatter3A_1839 = tpu.memref_squeeze %scatter3A_1838 : memref<1x128x128xf32, #tpu.memory_space<vmem>> -> memref<128x128xf32, #tpu.memory_space<vmem>>
      tpu.vector_store_idx %scatter3A_1839[%add3A_1704, %broadcast_in_dim3A_39], %mul3A_1792 : memref<128x128xf32, #tpu.memory_space<vmem>>[vector<16xi32>, vector<16xi32>], vector<16xf32>,
      %scatter3A_1840 = arith.constant 1 : i32
      %scatter3A_1841 = arith.constant 0 : i32
      %scatter3A_1842 = arith.constant 0 : i32
      %scatter3A_1843 = tpu.memref_slice %arg8[%scatter3A_1840, %scatter3A_1841, %scatter3A_1842] : memref<2x128x7xf32, #tpu.memory_space<vmem>> -> memref<1x128x7xf32, #tpu.memory_space<vmem>>
      %scatter3A_1844 = tpu.memref_squeeze %scatter3A_1843 : memref<1x128x7xf32, #tpu.memory_space<vmem>> -> memref<128x7xf32, #tpu.memory_space<vmem>>
      tpu.vector_store_idx %scatter3A_1844[%add3A_1704, %broadcast_in_dim3A_53], %mul3A_1792 : memref<128x7xf32, #tpu.memory_space<vmem>>[vector<16xi32>, vector<16xi32>], vector<16xf32>,
      %scatter3A_1845 = arith.constant 1 : i32
      %scatter3A_1846 = arith.constant 0 : i32
      %scatter3A_1847 = arith.constant 0 : i32
      %scatter3A_1848 = tpu.memref_slice %arg7[%scatter3A_1845, %scatter3A_1846, %scatter3A_1847] : memref<2x128x128xf32, #tpu.memory_space<vmem>> -> memref<1x128x128xf32, #tpu.memory_space<vmem>>
      %scatter3A_1849 = tpu.memref_squeeze %scatter3A_1848 : memref<1x128x128xf32, #tpu.memory_space<vmem>> -> memref<128x128xf32, #tpu.memory_space<vmem>>
      tpu.vector_store_idx %scatter3A_1849[%add3A_1704, %broadcast_in_dim3A_41], %mul3A_1793 : memref<128x128xf32, #tpu.memory_space<vmem>>[vector<16xi32>, vector<16xi32>], vector<16xf32>,
      %scatter3A_1850 = arith.constant 1 : i32
      %scatter3A_1851 = arith.constant 0 : i32
      %scatter3A_1852 = arith.constant 0 : i32
      %scatter3A_1853 = tpu.memref_slice %arg8[%scatter3A_1850, %scatter3A_1851, %scatter3A_1852] : memref<2x128x7xf32, #tpu.memory_space<vmem>> -> memref<1x128x7xf32, #tpu.memory_space<vmem>>
      %scatter3A_1854 = tpu.memref_squeeze %scatter3A_1853 : memref<1x128x7xf32, #tpu.memory_space<vmem>> -> memref<128x7xf32, #tpu.memory_space<vmem>>
      tpu.vector_store_idx %scatter3A_1854[%add3A_1704, %broadcast_in_dim3A_55], %mul3A_1793 : memref<128x7xf32, #tpu.memory_space<vmem>>[vector<16xi32>, vector<16xi32>], vector<16xf32>,
      %scatter3A_1855 = arith.constant 1 : i32
      %scatter3A_1856 = arith.constant 0 : i32
      %scatter3A_1857 = arith.constant 0 : i32
      %scatter3A_1858 = tpu.memref_slice %arg7[%scatter3A_1855, %scatter3A_1856, %scatter3A_1857] : memref<2x128x128xf32, #tpu.memory_space<vmem>> -> memref<1x128x128xf32, #tpu.memory_space<vmem>>
      %scatter3A_1859 = tpu.memref_squeeze %scatter3A_1858 : memref<1x128x128xf32, #tpu.memory_space<vmem>> -> memref<128x128xf32, #tpu.memory_space<vmem>>
      tpu.vector_store_idx %scatter3A_1859[%add3A_1704, %broadcast_in_dim3A_43], %mul3A_1794 : memref<128x128xf32, #tpu.memory_space<vmem>>[vector<16xi32>, vector<16xi32>], vector<16xf32>,
      %scatter3A_1860 = arith.constant 1 : i32
      %scatter3A_1861 = arith.constant 0 : i32
      %scatter3A_1862 = arith.constant 0 : i32
      %scatter3A_1863 = tpu.memref_slice %arg8[%scatter3A_1860, %scatter3A_1861, %scatter3A_1862] : memref<2x128x7xf32, #tpu.memory_space<vmem>> -> memref<1x128x7xf32, #tpu.memory_space<vmem>>
      %scatter3A_1864 = tpu.memref_squeeze %scatter3A_1863 : memref<1x128x7xf32, #tpu.memory_space<vmem>> -> memref<128x7xf32, #tpu.memory_space<vmem>>
      tpu.vector_store_idx %scatter3A_1864[%add3A_1704, %broadcast_in_dim3A_57], %mul3A_1794 : memref<128x7xf32, #tpu.memory_space<vmem>>[vector<16xi32>, vector<16xi32>], vector<16xf32>,
      %add3A_1865 = arith.constant 32 : i32
      %add3A_1866 = vector.broadcast %add3A_1865 : i32 to vector<16xi32>
      %add3A_1867 = arith.addi %iota3A, %add3A_1866 : vector<16xi32>
      %gather3A_1868 = arith.constant 1 : i32
      %gather3A_1869 = arith.constant 0 : i32
      %gather3A_1870 = arith.constant 0 : i32
      %gather3A_1871 = tpu.memref_slice %arg6[%gather3A_1868, %gather3A_1869, %gather3A_1870] : memref<2x128x128xf32, #tpu.memory_space<vmem>> -> memref<1x128x128xf32, #tpu.memory_space<vmem>>
      %gather3A_1872 = tpu.memref_squeeze %gather3A_1871 : memref<1x128x128xf32, #tpu.memory_space<vmem>> -> memref<128x128xf32, #tpu.memory_space<vmem>>
      %gather3A_1873 = tpu.vector_load_idx %gather3A_1872[%add3A_1867, %broadcast_in_dim3A_31] : memref<128x128xf32, #tpu.memory_space<vmem>>[vector<16xi32>, vector<16xi32>], vector<16xf32>,
      %gather3A_1874 = arith.constant 1 : i32
      %gather3A_1875 = arith.constant 0 : i32
      %gather3A_1876 = arith.constant 0 : i32
      %gather3A_1877 = tpu.memref_slice %arg6[%gather3A_1874, %gather3A_1875, %gather3A_1876] : memref<2x128x128xf32, #tpu.memory_space<vmem>> -> memref<1x128x128xf32, #tpu.memory_space<vmem>>
      %gather3A_1878 = tpu.memref_squeeze %gather3A_1877 : memref<1x128x128xf32, #tpu.memory_space<vmem>> -> memref<128x128xf32, #tpu.memory_space<vmem>>
      %gather3A_1879 = tpu.vector_load_idx %gather3A_1878[%add3A_1867, %broadcast_in_dim3A_33] : memref<128x128xf32, #tpu.memory_space<vmem>>[vector<16xi32>, vector<16xi32>], vector<16xf32>,
      %gather3A_1880 = arith.constant 1 : i32
      %gather3A_1881 = arith.constant 0 : i32
      %gather3A_1882 = arith.constant 0 : i32
      %gather3A_1883 = tpu.memref_slice %arg6[%gather3A_1880, %gather3A_1881, %gather3A_1882] : memref<2x128x128xf32, #tpu.memory_space<vmem>> -> memref<1x128x128xf32, #tpu.memory_space<vmem>>
      %gather3A_1884 = tpu.memref_squeeze %gather3A_1883 : memref<1x128x128xf32, #tpu.memory_space<vmem>> -> memref<128x128xf32, #tpu.memory_space<vmem>>
      %gather3A_1885 = tpu.vector_load_idx %gather3A_1884[%add3A_1867, %broadcast_in_dim3A_35] : memref<128x128xf32, #tpu.memory_space<vmem>>[vector<16xi32>, vector<16xi32>], vector<16xf32>,
      %gather3A_1886 = arith.constant 1 : i32
      %gather3A_1887 = arith.constant 0 : i32
      %gather3A_1888 = arith.constant 0 : i32
      %gather3A_1889 = tpu.memref_slice %arg6[%gather3A_1886, %gather3A_1887, %gather3A_1888] : memref<2x128x128xf32, #tpu.memory_space<vmem>> -> memref<1x128x128xf32, #tpu.memory_space<vmem>>
      %gather3A_1890 = tpu.memref_squeeze %gather3A_1889 : memref<1x128x128xf32, #tpu.memory_space<vmem>> -> memref<128x128xf32, #tpu.memory_space<vmem>>
      %gather3A_1891 = tpu.vector_load_idx %gather3A_1890[%add3A_1867, %broadcast_in_dim3A_37] : memref<128x128xf32, #tpu.memory_space<vmem>>[vector<16xi32>, vector<16xi32>], vector<16xf32>,
      %gather3A_1892 = arith.constant 1 : i32
      %gather3A_1893 = arith.constant 0 : i32
      %gather3A_1894 = arith.constant 0 : i32
      %gather3A_1895 = tpu.memref_slice %arg6[%gather3A_1892, %gather3A_1893, %gather3A_1894] : memref<2x128x128xf32, #tpu.memory_space<vmem>> -> memref<1x128x128xf32, #tpu.memory_space<vmem>>
      %gather3A_1896 = tpu.memref_squeeze %gather3A_1895 : memref<1x128x128xf32, #tpu.memory_space<vmem>> -> memref<128x128xf32, #tpu.memory_space<vmem>>
      %gather3A_1897 = tpu.vector_load_idx %gather3A_1896[%add3A_1867, %broadcast_in_dim3A_39] : memref<128x128xf32, #tpu.memory_space<vmem>>[vector<16xi32>, vector<16xi32>], vector<16xf32>,
      %gather3A_1898 = arith.constant 1 : i32
      %gather3A_1899 = arith.constant 0 : i32
      %gather3A_1900 = arith.constant 0 : i32
      %gather3A_1901 = tpu.memref_slice %arg6[%gather3A_1898, %gather3A_1899, %gather3A_1900] : memref<2x128x128xf32, #tpu.memory_space<vmem>> -> memref<1x128x128xf32, #tpu.memory_space<vmem>>
      %gather3A_1902 = tpu.memref_squeeze %gather3A_1901 : memref<1x128x128xf32, #tpu.memory_space<vmem>> -> memref<128x128xf32, #tpu.memory_space<vmem>>
      %gather3A_1903 = tpu.vector_load_idx %gather3A_1902[%add3A_1867, %broadcast_in_dim3A_41] : memref<128x128xf32, #tpu.memory_space<vmem>>[vector<16xi32>, vector<16xi32>], vector<16xf32>,
      %gather3A_1904 = arith.constant 1 : i32
      %gather3A_1905 = arith.constant 0 : i32
      %gather3A_1906 = arith.constant 0 : i32
      %gather3A_1907 = tpu.memref_slice %arg6[%gather3A_1904, %gather3A_1905, %gather3A_1906] : memref<2x128x128xf32, #tpu.memory_space<vmem>> -> memref<1x128x128xf32, #tpu.memory_space<vmem>>
      %gather3A_1908 = tpu.memref_squeeze %gather3A_1907 : memref<1x128x128xf32, #tpu.memory_space<vmem>> -> memref<128x128xf32, #tpu.memory_space<vmem>>
      %gather3A_1909 = tpu.vector_load_idx %gather3A_1908[%add3A_1867, %broadcast_in_dim3A_43] : memref<128x128xf32, #tpu.memory_space<vmem>>[vector<16xi32>, vector<16xi32>], vector<16xf32>,
      %mul3A_1910 = arith.constant -1.000000e+00 : f32
      %mul3A_1911 = vector.broadcast %mul3A_1910 : f32 to vector<16xf32>
      %mul3A_1912 = arith.mulf %gather3A_1873, %mul3A_1911 : vector<16xf32>
      %exp3A_1913 = math.exp %mul3A_1912 : vector<16xf32>
      %mul3A_1914 = arith.constant 1.000000e+00 : f32
      %mul3A_1915 = vector.broadcast %mul3A_1914 : f32 to vector<16xf32>
      %mul3A_1916 = arith.mulf %gather3A_1879, %mul3A_1915 : vector<16xf32>
      %exp3A_1917 = math.exp %mul3A_1916 : vector<16xf32>
      %mul3A_1918 = arith.constant -1.000000e+00 : f32
      %mul3A_1919 = vector.broadcast %mul3A_1918 : f32 to vector<16xf32>
      %mul3A_1920 = arith.mulf %gather3A_1885, %mul3A_1919 : vector<16xf32>
      %exp3A_1921 = math.exp %mul3A_1920 : vector<16xf32>
      %mul3A_1922 = arith.constant 1.000000e+00 : f32
      %mul3A_1923 = vector.broadcast %mul3A_1922 : f32 to vector<16xf32>
      %mul3A_1924 = arith.mulf %gather3A_1891, %mul3A_1923 : vector<16xf32>
      %exp3A_1925 = math.exp %mul3A_1924 : vector<16xf32>
      %add3A_1926 = arith.addf %exp3A_1913, %exp3A_1917 : vector<16xf32>
      %add3A_1927 = arith.addf %exp3A_1921, %exp3A_1925 : vector<16xf32>
      %add3A_1928 = arith.addf %add3A_1926, %add3A_1927 : vector<16xf32>
      %div3A_1929 = arith.divf %min3A_23, %add3A_1928 : vector<16xf32>
      %neg3A_1930 = arith.constant 0.000000e+00 : f32
      %neg3A_1931 = vector.broadcast %neg3A_1930 : f32 to vector<16xf32>
      %neg3A_1932 = arith.subf %neg3A_1931, %div3A_1929 : vector<16xf32>
      %mul3A_1933 = arith.mulf %exp3A_1913, %neg3A_1932 : vector<16xf32>
      %mul3A_1934 = arith.mulf %exp3A_1917, %div3A_1929 : vector<16xf32>
      %mul3A_1935 = arith.mulf %exp3A_1921, %neg3A_1932 : vector<16xf32>
      %mul3A_1936 = arith.mulf %exp3A_1925, %div3A_1929 : vector<16xf32>
      %mul3A_1937 = arith.constant 1.000000e+00 : f32
      %mul3A_1938 = vector.broadcast %mul3A_1937 : f32 to vector<16xf32>
      %mul3A_1939 = arith.mulf %gather3A_1897, %mul3A_1938 : vector<16xf32>
      %exp3A_1940 = math.exp %mul3A_1939 : vector<16xf32>
      %mul3A_1941 = arith.constant -1.000000e+00 : f32
      %mul3A_1942 = vector.broadcast %mul3A_1941 : f32 to vector<16xf32>
      %mul3A_1943 = arith.mulf %gather3A_1903, %mul3A_1942 : vector<16xf32>
      %exp3A_1944 = math.exp %mul3A_1943 : vector<16xf32>
      %mul3A_1945 = arith.constant 1.000000e+00 : f32
      %mul3A_1946 = vector.broadcast %mul3A_1945 : f32 to vector<16xf32>
      %mul3A_1947 = arith.mulf %gather3A_1909, %mul3A_1946 : vector<16xf32>
      %exp3A_1948 = math.exp %mul3A_1947 : vector<16xf32>
      %add3A_1949 = arith.addf %exp3A_1940, %exp3A_1944 : vector<16xf32>
      %add3A_1950 = arith.addf %add3A_1949, %exp3A_1948 : vector<16xf32>
      %div3A_1951 = arith.divf %min3A_23, %add3A_1950 : vector<16xf32>
      %neg3A_1952 = arith.constant 0.000000e+00 : f32
      %neg3A_1953 = vector.broadcast %neg3A_1952 : f32 to vector<16xf32>
      %neg3A_1954 = arith.subf %neg3A_1953, %div3A_1951 : vector<16xf32>
      %mul3A_1955 = arith.mulf %exp3A_1940, %div3A_1951 : vector<16xf32>
      %mul3A_1956 = arith.mulf %exp3A_1944, %neg3A_1954 : vector<16xf32>
      %mul3A_1957 = arith.mulf %exp3A_1948, %div3A_1951 : vector<16xf32>
      %scatter3A_1958 = arith.constant 1 : i32
      %scatter3A_1959 = arith.constant 0 : i32
      %scatter3A_1960 = arith.constant 0 : i32
      %scatter3A_1961 = tpu.memref_slice %arg7[%scatter3A_1958, %scatter3A_1959, %scatter3A_1960] : memref<2x128x128xf32, #tpu.memory_space<vmem>> -> memref<1x128x128xf32, #tpu.memory_space<vmem>>
      %scatter3A_1962 = tpu.memref_squeeze %scatter3A_1961 : memref<1x128x128xf32, #tpu.memory_space<vmem>> -> memref<128x128xf32, #tpu.memory_space<vmem>>
      tpu.vector_store_idx %scatter3A_1962[%add3A_1867, %broadcast_in_dim3A_31], %mul3A_1933 : memref<128x128xf32, #tpu.memory_space<vmem>>[vector<16xi32>, vector<16xi32>], vector<16xf32>,
      %scatter3A_1963 = arith.constant 1 : i32
      %scatter3A_1964 = arith.constant 0 : i32
      %scatter3A_1965 = arith.constant 0 : i32
      %scatter3A_1966 = tpu.memref_slice %arg8[%scatter3A_1963, %scatter3A_1964, %scatter3A_1965] : memref<2x128x7xf32, #tpu.memory_space<vmem>> -> memref<1x128x7xf32, #tpu.memory_space<vmem>>
      %scatter3A_1967 = tpu.memref_squeeze %scatter3A_1966 : memref<1x128x7xf32, #tpu.memory_space<vmem>> -> memref<128x7xf32, #tpu.memory_space<vmem>>
      tpu.vector_store_idx %scatter3A_1967[%add3A_1867, %broadcast_in_dim3A_45], %mul3A_1933 : memref<128x7xf32, #tpu.memory_space<vmem>>[vector<16xi32>, vector<16xi32>], vector<16xf32>,
      %scatter3A_1968 = arith.constant 1 : i32
      %scatter3A_1969 = arith.constant 0 : i32
      %scatter3A_1970 = arith.constant 0 : i32
      %scatter3A_1971 = tpu.memref_slice %arg7[%scatter3A_1968, %scatter3A_1969, %scatter3A_1970] : memref<2x128x128xf32, #tpu.memory_space<vmem>> -> memref<1x128x128xf32, #tpu.memory_space<vmem>>
      %scatter3A_1972 = tpu.memref_squeeze %scatter3A_1971 : memref<1x128x128xf32, #tpu.memory_space<vmem>> -> memref<128x128xf32, #tpu.memory_space<vmem>>
      tpu.vector_store_idx %scatter3A_1972[%add3A_1867, %broadcast_in_dim3A_33], %mul3A_1934 : memref<128x128xf32, #tpu.memory_space<vmem>>[vector<16xi32>, vector<16xi32>], vector<16xf32>,
      %scatter3A_1973 = arith.constant 1 : i32
      %scatter3A_1974 = arith.constant 0 : i32
      %scatter3A_1975 = arith.constant 0 : i32
      %scatter3A_1976 = tpu.memref_slice %arg8[%scatter3A_1973, %scatter3A_1974, %scatter3A_1975] : memref<2x128x7xf32, #tpu.memory_space<vmem>> -> memref<1x128x7xf32, #tpu.memory_space<vmem>>
      %scatter3A_1977 = tpu.memref_squeeze %scatter3A_1976 : memref<1x128x7xf32, #tpu.memory_space<vmem>> -> memref<128x7xf32, #tpu.memory_space<vmem>>
      tpu.vector_store_idx %scatter3A_1977[%add3A_1867, %broadcast_in_dim3A_47], %mul3A_1934 : memref<128x7xf32, #tpu.memory_space<vmem>>[vector<16xi32>, vector<16xi32>], vector<16xf32>,
      %scatter3A_1978 = arith.constant 1 : i32
      %scatter3A_1979 = arith.constant 0 : i32
      %scatter3A_1980 = arith.constant 0 : i32
      %scatter3A_1981 = tpu.memref_slice %arg7[%scatter3A_1978, %scatter3A_1979, %scatter3A_1980] : memref<2x128x128xf32, #tpu.memory_space<vmem>> -> memref<1x128x128xf32, #tpu.memory_space<vmem>>
      %scatter3A_1982 = tpu.memref_squeeze %scatter3A_1981 : memref<1x128x128xf32, #tpu.memory_space<vmem>> -> memref<128x128xf32, #tpu.memory_space<vmem>>
      tpu.vector_store_idx %scatter3A_1982[%add3A_1867, %broadcast_in_dim3A_35], %mul3A_1935 : memref<128x128xf32, #tpu.memory_space<vmem>>[vector<16xi32>, vector<16xi32>], vector<16xf32>,
      %scatter3A_1983 = arith.constant 1 : i32
      %scatter3A_1984 = arith.constant 0 : i32
      %scatter3A_1985 = arith.constant 0 : i32
      %scatter3A_1986 = tpu.memref_slice %arg8[%scatter3A_1983, %scatter3A_1984, %scatter3A_1985] : memref<2x128x7xf32, #tpu.memory_space<vmem>> -> memref<1x128x7xf32, #tpu.memory_space<vmem>>
      %scatter3A_1987 = tpu.memref_squeeze %scatter3A_1986 : memref<1x128x7xf32, #tpu.memory_space<vmem>> -> memref<128x7xf32, #tpu.memory_space<vmem>>
      tpu.vector_store_idx %scatter3A_1987[%add3A_1867, %broadcast_in_dim3A_49], %mul3A_1935 : memref<128x7xf32, #tpu.memory_space<vmem>>[vector<16xi32>, vector<16xi32>], vector<16xf32>,
      %scatter3A_1988 = arith.constant 1 : i32
      %scatter3A_1989 = arith.constant 0 : i32
      %scatter3A_1990 = arith.constant 0 : i32
      %scatter3A_1991 = tpu.memref_slice %arg7[%scatter3A_1988, %scatter3A_1989, %scatter3A_1990] : memref<2x128x128xf32, #tpu.memory_space<vmem>> -> memref<1x128x128xf32, #tpu.memory_space<vmem>>
      %scatter3A_1992 = tpu.memref_squeeze %scatter3A_1991 : memref<1x128x128xf32, #tpu.memory_space<vmem>> -> memref<128x128xf32, #tpu.memory_space<vmem>>
      tpu.vector_store_idx %scatter3A_1992[%add3A_1867, %broadcast_in_dim3A_37], %mul3A_1936 : memref<128x128xf32, #tpu.memory_space<vmem>>[vector<16xi32>, vector<16xi32>], vector<16xf32>,
      %scatter3A_1993 = arith.constant 1 : i32
      %scatter3A_1994 = arith.constant 0 : i32
      %scatter3A_1995 = arith.constant 0 : i32
      %scatter3A_1996 = tpu.memref_slice %arg8[%scatter3A_1993, %scatter3A_1994, %scatter3A_1995] : memref<2x128x7xf32, #tpu.memory_space<vmem>> -> memref<1x128x7xf32, #tpu.memory_space<vmem>>
      %scatter3A_1997 = tpu.memref_squeeze %scatter3A_1996 : memref<1x128x7xf32, #tpu.memory_space<vmem>> -> memref<128x7xf32, #tpu.memory_space<vmem>>
      tpu.vector_store_idx %scatter3A_1997[%add3A_1867, %broadcast_in_dim3A_51], %mul3A_1936 : memref<128x7xf32, #tpu.memory_space<vmem>>[vector<16xi32>, vector<16xi32>], vector<16xf32>,
      %scatter3A_1998 = arith.constant 1 : i32
      %scatter3A_1999 = arith.constant 0 : i32
      %scatter3A_2000 = arith.constant 0 : i32
      %scatter3A_2001 = tpu.memref_slice %arg7[%scatter3A_1998, %scatter3A_1999, %scatter3A_2000] : memref<2x128x128xf32, #tpu.memory_space<vmem>> -> memref<1x128x128xf32, #tpu.memory_space<vmem>>
      %scatter3A_2002 = tpu.memref_squeeze %scatter3A_2001 : memref<1x128x128xf32, #tpu.memory_space<vmem>> -> memref<128x128xf32, #tpu.memory_space<vmem>>
      tpu.vector_store_idx %scatter3A_2002[%add3A_1867, %broadcast_in_dim3A_39], %mul3A_1955 : memref<128x128xf32, #tpu.memory_space<vmem>>[vector<16xi32>, vector<16xi32>], vector<16xf32>,
      %scatter3A_2003 = arith.constant 1 : i32
      %scatter3A_2004 = arith.constant 0 : i32
      %scatter3A_2005 = arith.constant 0 : i32
      %scatter3A_2006 = tpu.memref_slice %arg8[%scatter3A_2003, %scatter3A_2004, %scatter3A_2005] : memref<2x128x7xf32, #tpu.memory_space<vmem>> -> memref<1x128x7xf32, #tpu.memory_space<vmem>>
      %scatter3A_2007 = tpu.memref_squeeze %scatter3A_2006 : memref<1x128x7xf32, #tpu.memory_space<vmem>> -> memref<128x7xf32, #tpu.memory_space<vmem>>
      tpu.vector_store_idx %scatter3A_2007[%add3A_1867, %broadcast_in_dim3A_53], %mul3A_1955 : memref<128x7xf32, #tpu.memory_space<vmem>>[vector<16xi32>, vector<16xi32>], vector<16xf32>,
      %scatter3A_2008 = arith.constant 1 : i32
      %scatter3A_2009 = arith.constant 0 : i32
      %scatter3A_2010 = arith.constant 0 : i32
      %scatter3A_2011 = tpu.memref_slice %arg7[%scatter3A_2008, %scatter3A_2009, %scatter3A_2010] : memref<2x128x128xf32, #tpu.memory_space<vmem>> -> memref<1x128x128xf32, #tpu.memory_space<vmem>>
      %scatter3A_2012 = tpu.memref_squeeze %scatter3A_2011 : memref<1x128x128xf32, #tpu.memory_space<vmem>> -> memref<128x128xf32, #tpu.memory_space<vmem>>
      tpu.vector_store_idx %scatter3A_2012[%add3A_1867, %broadcast_in_dim3A_41], %mul3A_1956 : memref<128x128xf32, #tpu.memory_space<vmem>>[vector<16xi32>, vector<16xi32>], vector<16xf32>,
      %scatter3A_2013 = arith.constant 1 : i32
      %scatter3A_2014 = arith.constant 0 : i32
      %scatter3A_2015 = arith.constant 0 : i32
      %scatter3A_2016 = tpu.memref_slice %arg8[%scatter3A_2013, %scatter3A_2014, %scatter3A_2015] : memref<2x128x7xf32, #tpu.memory_space<vmem>> -> memref<1x128x7xf32, #tpu.memory_space<vmem>>
      %scatter3A_2017 = tpu.memref_squeeze %scatter3A_2016 : memref<1x128x7xf32, #tpu.memory_space<vmem>> -> memref<128x7xf32, #tpu.memory_space<vmem>>
      tpu.vector_store_idx %scatter3A_2017[%add3A_1867, %broadcast_in_dim3A_55], %mul3A_1956 : memref<128x7xf32, #tpu.memory_space<vmem>>[vector<16xi32>, vector<16xi32>], vector<16xf32>,
      %scatter3A_2018 = arith.constant 1 : i32
      %scatter3A_2019 = arith.constant 0 : i32
      %scatter3A_2020 = arith.constant 0 : i32
      %scatter3A_2021 = tpu.memref_slice %arg7[%scatter3A_2018, %scatter3A_2019, %scatter3A_2020] : memref<2x128x128xf32, #tpu.memory_space<vmem>> -> memref<1x128x128xf32, #tpu.memory_space<vmem>>
      %scatter3A_2022 = tpu.memref_squeeze %scatter3A_2021 : memref<1x128x128xf32, #tpu.memory_space<vmem>> -> memref<128x128xf32, #tpu.memory_space<vmem>>
      tpu.vector_store_idx %scatter3A_2022[%add3A_1867, %broadcast_in_dim3A_43], %mul3A_1957 : memref<128x128xf32, #tpu.memory_space<vmem>>[vector<16xi32>, vector<16xi32>], vector<16xf32>,
      %scatter3A_2023 = arith.constant 1 : i32
      %scatter3A_2024 = arith.constant 0 : i32
      %scatter3A_2025 = arith.constant 0 : i32
      %scatter3A_2026 = tpu.memref_slice %arg8[%scatter3A_2023, %scatter3A_2024, %scatter3A_2025] : memref<2x128x7xf32, #tpu.memory_space<vmem>> -> memref<1x128x7xf32, #tpu.memory_space<vmem>>
      %scatter3A_2027 = tpu.memref_squeeze %scatter3A_2026 : memref<1x128x7xf32, #tpu.memory_space<vmem>> -> memref<128x7xf32, #tpu.memory_space<vmem>>
      tpu.vector_store_idx %scatter3A_2027[%add3A_1867, %broadcast_in_dim3A_57], %mul3A_1957 : memref<128x7xf32, #tpu.memory_space<vmem>>[vector<16xi32>, vector<16xi32>], vector<16xf32>,
      %add3A_2028 = arith.constant 48 : i32
      %add3A_2029 = vector.broadcast %add3A_2028 : i32 to vector<16xi32>
      %add3A_2030 = arith.addi %iota3A, %add3A_2029 : vector<16xi32>
      %gather3A_2031 = arith.constant 1 : i32
      %gather3A_2032 = arith.constant 0 : i32
      %gather3A_2033 = arith.constant 0 : i32
      %gather3A_2034 = tpu.memref_slice %arg6[%gather3A_2031, %gather3A_2032, %gather3A_2033] : memref<2x128x128xf32, #tpu.memory_space<vmem>> -> memref<1x128x128xf32, #tpu.memory_space<vmem>>
      %gather3A_2035 = tpu.memref_squeeze %gather3A_2034 : memref<1x128x128xf32, #tpu.memory_space<vmem>> -> memref<128x128xf32, #tpu.memory_space<vmem>>
      %gather3A_2036 = tpu.vector_load_idx %gather3A_2035[%add3A_2030, %broadcast_in_dim3A_31] : memref<128x128xf32, #tpu.memory_space<vmem>>[vector<16xi32>, vector<16xi32>], vector<16xf32>,
      %gather3A_2037 = arith.constant 1 : i32
      %gather3A_2038 = arith.constant 0 : i32
      %gather3A_2039 = arith.constant 0 : i32
      %gather3A_2040 = tpu.memref_slice %arg6[%gather3A_2037, %gather3A_2038, %gather3A_2039] : memref<2x128x128xf32, #tpu.memory_space<vmem>> -> memref<1x128x128xf32, #tpu.memory_space<vmem>>
      %gather3A_2041 = tpu.memref_squeeze %gather3A_2040 : memref<1x128x128xf32, #tpu.memory_space<vmem>> -> memref<128x128xf32, #tpu.memory_space<vmem>>
      %gather3A_2042 = tpu.vector_load_idx %gather3A_2041[%add3A_2030, %broadcast_in_dim3A_33] : memref<128x128xf32, #tpu.memory_space<vmem>>[vector<16xi32>, vector<16xi32>], vector<16xf32>,
      %gather3A_2043 = arith.constant 1 : i32
      %gather3A_2044 = arith.constant 0 : i32
      %gather3A_2045 = arith.constant 0 : i32
      %gather3A_2046 = tpu.memref_slice %arg6[%gather3A_2043, %gather3A_2044, %gather3A_2045] : memref<2x128x128xf32, #tpu.memory_space<vmem>> -> memref<1x128x128xf32, #tpu.memory_space<vmem>>
      %gather3A_2047 = tpu.memref_squeeze %gather3A_2046 : memref<1x128x128xf32, #tpu.memory_space<vmem>> -> memref<128x128xf32, #tpu.memory_space<vmem>>
      %gather3A_2048 = tpu.vector_load_idx %gather3A_2047[%add3A_2030, %broadcast_in_dim3A_35] : memref<128x128xf32, #tpu.memory_space<vmem>>[vector<16xi32>, vector<16xi32>], vector<16xf32>,
      %gather3A_2049 = arith.constant 1 : i32
      %gather3A_2050 = arith.constant 0 : i32
      %gather3A_2051 = arith.constant 0 : i32
      %gather3A_2052 = tpu.memref_slice %arg6[%gather3A_2049, %gather3A_2050, %gather3A_2051] : memref<2x128x128xf32, #tpu.memory_space<vmem>> -> memref<1x128x128xf32, #tpu.memory_space<vmem>>
      %gather3A_2053 = tpu.memref_squeeze %gather3A_2052 : memref<1x128x128xf32, #tpu.memory_space<vmem>> -> memref<128x128xf32, #tpu.memory_space<vmem>>
      %gather3A_2054 = tpu.vector_load_idx %gather3A_2053[%add3A_2030, %broadcast_in_dim3A_37] : memref<128x128xf32, #tpu.memory_space<vmem>>[vector<16xi32>, vector<16xi32>], vector<16xf32>,
      %gather3A_2055 = arith.constant 1 : i32
      %gather3A_2056 = arith.constant 0 : i32
      %gather3A_2057 = arith.constant 0 : i32
      %gather3A_2058 = tpu.memref_slice %arg6[%gather3A_2055, %gather3A_2056, %gather3A_2057] : memref<2x128x128xf32, #tpu.memory_space<vmem>> -> memref<1x128x128xf32, #tpu.memory_space<vmem>>
      %gather3A_2059 = tpu.memref_squeeze %gather3A_2058 : memref<1x128x128xf32, #tpu.memory_space<vmem>> -> memref<128x128xf32, #tpu.memory_space<vmem>>
      %gather3A_2060 = tpu.vector_load_idx %gather3A_2059[%add3A_2030, %broadcast_in_dim3A_39] : memref<128x128xf32, #tpu.memory_space<vmem>>[vector<16xi32>, vector<16xi32>], vector<16xf32>,
      %gather3A_2061 = arith.constant 1 : i32
      %gather3A_2062 = arith.constant 0 : i32
      %gather3A_2063 = arith.constant 0 : i32
      %gather3A_2064 = tpu.memref_slice %arg6[%gather3A_2061, %gather3A_2062, %gather3A_2063] : memref<2x128x128xf32, #tpu.memory_space<vmem>> -> memref<1x128x128xf32, #tpu.memory_space<vmem>>
      %gather3A_2065 = tpu.memref_squeeze %gather3A_2064 : memref<1x128x128xf32, #tpu.memory_space<vmem>> -> memref<128x128xf32, #tpu.memory_space<vmem>>
      %gather3A_2066 = tpu.vector_load_idx %gather3A_2065[%add3A_2030, %broadcast_in_dim3A_41] : memref<128x128xf32, #tpu.memory_space<vmem>>[vector<16xi32>, vector<16xi32>], vector<16xf32>,
      %gather3A_2067 = arith.constant 1 : i32
      %gather3A_2068 = arith.constant 0 : i32
      %gather3A_2069 = arith.constant 0 : i32
      %gather3A_2070 = tpu.memref_slice %arg6[%gather3A_2067, %gather3A_2068, %gather3A_2069] : memref<2x128x128xf32, #tpu.memory_space<vmem>> -> memref<1x128x128xf32, #tpu.memory_space<vmem>>
      %gather3A_2071 = tpu.memref_squeeze %gather3A_2070 : memref<1x128x128xf32, #tpu.memory_space<vmem>> -> memref<128x128xf32, #tpu.memory_space<vmem>>
      %gather3A_2072 = tpu.vector_load_idx %gather3A_2071[%add3A_2030, %broadcast_in_dim3A_43] : memref<128x128xf32, #tpu.memory_space<vmem>>[vector<16xi32>, vector<16xi32>], vector<16xf32>,
      %mul3A_2073 = arith.constant -1.000000e+00 : f32
      %mul3A_2074 = vector.broadcast %mul3A_2073 : f32 to vector<16xf32>
      %mul3A_2075 = arith.mulf %gather3A_2036, %mul3A_2074 : vector<16xf32>
      %exp3A_2076 = math.exp %mul3A_2075 : vector<16xf32>
      %mul3A_2077 = arith.constant 1.000000e+00 : f32
      %mul3A_2078 = vector.broadcast %mul3A_2077 : f32 to vector<16xf32>
      %mul3A_2079 = arith.mulf %gather3A_2042, %mul3A_2078 : vector<16xf32>
      %exp3A_2080 = math.exp %mul3A_2079 : vector<16xf32>
      %mul3A_2081 = arith.constant -1.000000e+00 : f32
      %mul3A_2082 = vector.broadcast %mul3A_2081 : f32 to vector<16xf32>
      %mul3A_2083 = arith.mulf %gather3A_2048, %mul3A_2082 : vector<16xf32>
      %exp3A_2084 = math.exp %mul3A_2083 : vector<16xf32>
      %mul3A_2085 = arith.constant 1.000000e+00 : f32
      %mul3A_2086 = vector.broadcast %mul3A_2085 : f32 to vector<16xf32>
      %mul3A_2087 = arith.mulf %gather3A_2054, %mul3A_2086 : vector<16xf32>
      %exp3A_2088 = math.exp %mul3A_2087 : vector<16xf32>
      %add3A_2089 = arith.addf %exp3A_2076, %exp3A_2080 : vector<16xf32>
      %add3A_2090 = arith.addf %exp3A_2084, %exp3A_2088 : vector<16xf32>
      %add3A_2091 = arith.addf %add3A_2089, %add3A_2090 : vector<16xf32>
      %div3A_2092 = arith.divf %min3A_23, %add3A_2091 : vector<16xf32>
      %neg3A_2093 = arith.constant 0.000000e+00 : f32
      %neg3A_2094 = vector.broadcast %neg3A_2093 : f32 to vector<16xf32>
      %neg3A_2095 = arith.subf %neg3A_2094, %div3A_2092 : vector<16xf32>
      %mul3A_2096 = arith.mulf %exp3A_2076, %neg3A_2095 : vector<16xf32>
      %mul3A_2097 = arith.mulf %exp3A_2080, %div3A_2092 : vector<16xf32>
      %mul3A_2098 = arith.mulf %exp3A_2084, %neg3A_2095 : vector<16xf32>
      %mul3A_2099 = arith.mulf %exp3A_2088, %div3A_2092 : vector<16xf32>
      %mul3A_2100 = arith.constant 1.000000e+00 : f32
      %mul3A_2101 = vector.broadcast %mul3A_2100 : f32 to vector<16xf32>
      %mul3A_2102 = arith.mulf %gather3A_2060, %mul3A_2101 : vector<16xf32>
      %exp3A_2103 = math.exp %mul3A_2102 : vector<16xf32>
      %mul3A_2104 = arith.constant -1.000000e+00 : f32
      %mul3A_2105 = vector.broadcast %mul3A_2104 : f32 to vector<16xf32>
      %mul3A_2106 = arith.mulf %gather3A_2066, %mul3A_2105 : vector<16xf32>
      %exp3A_2107 = math.exp %mul3A_2106 : vector<16xf32>
      %mul3A_2108 = arith.constant 1.000000e+00 : f32
      %mul3A_2109 = vector.broadcast %mul3A_2108 : f32 to vector<16xf32>
      %mul3A_2110 = arith.mulf %gather3A_2072, %mul3A_2109 : vector<16xf32>
      %exp3A_2111 = math.exp %mul3A_2110 : vector<16xf32>
      %add3A_2112 = arith.addf %exp3A_2103, %exp3A_2107 : vector<16xf32>
      %add3A_2113 = arith.addf %add3A_2112, %exp3A_2111 : vector<16xf32>
      %div3A_2114 = arith.divf %min3A_23, %add3A_2113 : vector<16xf32>
      %neg3A_2115 = arith.constant 0.000000e+00 : f32
      %neg3A_2116 = vector.broadcast %neg3A_2115 : f32 to vector<16xf32>
      %neg3A_2117 = arith.subf %neg3A_2116, %div3A_2114 : vector<16xf32>
      %mul3A_2118 = arith.mulf %exp3A_2103, %div3A_2114 : vector<16xf32>
      %mul3A_2119 = arith.mulf %exp3A_2107, %neg3A_2117 : vector<16xf32>
      %mul3A_2120 = arith.mulf %exp3A_2111, %div3A_2114 : vector<16xf32>
      %scatter3A_2121 = arith.constant 1 : i32
      %scatter3A_2122 = arith.constant 0 : i32
      %scatter3A_2123 = arith.constant 0 : i32
      %scatter3A_2124 = tpu.memref_slice %arg7[%scatter3A_2121, %scatter3A_2122, %scatter3A_2123] : memref<2x128x128xf32, #tpu.memory_space<vmem>> -> memref<1x128x128xf32, #tpu.memory_space<vmem>>
      %scatter3A_2125 = tpu.memref_squeeze %scatter3A_2124 : memref<1x128x128xf32, #tpu.memory_space<vmem>> -> memref<128x128xf32, #tpu.memory_space<vmem>>
      tpu.vector_store_idx %scatter3A_2125[%add3A_2030, %broadcast_in_dim3A_31], %mul3A_2096 : memref<128x128xf32, #tpu.memory_space<vmem>>[vector<16xi32>, vector<16xi32>], vector<16xf32>,
      %scatter3A_2126 = arith.constant 1 : i32
      %scatter3A_2127 = arith.constant 0 : i32
      %scatter3A_2128 = arith.constant 0 : i32
      %scatter3A_2129 = tpu.memref_slice %arg8[%scatter3A_2126, %scatter3A_2127, %scatter3A_2128] : memref<2x128x7xf32, #tpu.memory_space<vmem>> -> memref<1x128x7xf32, #tpu.memory_space<vmem>>
      %scatter3A_2130 = tpu.memref_squeeze %scatter3A_2129 : memref<1x128x7xf32, #tpu.memory_space<vmem>> -> memref<128x7xf32, #tpu.memory_space<vmem>>
      tpu.vector_store_idx %scatter3A_2130[%add3A_2030, %broadcast_in_dim3A_45], %mul3A_2096 : memref<128x7xf32, #tpu.memory_space<vmem>>[vector<16xi32>, vector<16xi32>], vector<16xf32>,
      %scatter3A_2131 = arith.constant 1 : i32
      %scatter3A_2132 = arith.constant 0 : i32
      %scatter3A_2133 = arith.constant 0 : i32
      %scatter3A_2134 = tpu.memref_slice %arg7[%scatter3A_2131, %scatter3A_2132, %scatter3A_2133] : memref<2x128x128xf32, #tpu.memory_space<vmem>> -> memref<1x128x128xf32, #tpu.memory_space<vmem>>
      %scatter3A_2135 = tpu.memref_squeeze %scatter3A_2134 : memref<1x128x128xf32, #tpu.memory_space<vmem>> -> memref<128x128xf32, #tpu.memory_space<vmem>>
      tpu.vector_store_idx %scatter3A_2135[%add3A_2030, %broadcast_in_dim3A_33], %mul3A_2097 : memref<128x128xf32, #tpu.memory_space<vmem>>[vector<16xi32>, vector<16xi32>], vector<16xf32>,
      %scatter3A_2136 = arith.constant 1 : i32
      %scatter3A_2137 = arith.constant 0 : i32
      %scatter3A_2138 = arith.constant 0 : i32
      %scatter3A_2139 = tpu.memref_slice %arg8[%scatter3A_2136, %scatter3A_2137, %scatter3A_2138] : memref<2x128x7xf32, #tpu.memory_space<vmem>> -> memref<1x128x7xf32, #tpu.memory_space<vmem>>
      %scatter3A_2140 = tpu.memref_squeeze %scatter3A_2139 : memref<1x128x7xf32, #tpu.memory_space<vmem>> -> memref<128x7xf32, #tpu.memory_space<vmem>>
      tpu.vector_store_idx %scatter3A_2140[%add3A_2030, %broadcast_in_dim3A_47], %mul3A_2097 : memref<128x7xf32, #tpu.memory_space<vmem>>[vector<16xi32>, vector<16xi32>], vector<16xf32>,
      %scatter3A_2141 = arith.constant 1 : i32
      %scatter3A_2142 = arith.constant 0 : i32
      %scatter3A_2143 = arith.constant 0 : i32
      %scatter3A_2144 = tpu.memref_slice %arg7[%scatter3A_2141, %scatter3A_2142, %scatter3A_2143] : memref<2x128x128xf32, #tpu.memory_space<vmem>> -> memref<1x128x128xf32, #tpu.memory_space<vmem>>
      %scatter3A_2145 = tpu.memref_squeeze %scatter3A_2144 : memref<1x128x128xf32, #tpu.memory_space<vmem>> -> memref<128x128xf32, #tpu.memory_space<vmem>>
      tpu.vector_store_idx %scatter3A_2145[%add3A_2030, %broadcast_in_dim3A_35], %mul3A_2098 : memref<128x128xf32, #tpu.memory_space<vmem>>[vector<16xi32>, vector<16xi32>], vector<16xf32>,
      %scatter3A_2146 = arith.constant 1 : i32
      %scatter3A_2147 = arith.constant 0 : i32
      %scatter3A_2148 = arith.constant 0 : i32
      %scatter3A_2149 = tpu.memref_slice %arg8[%scatter3A_2146, %scatter3A_2147, %scatter3A_2148] : memref<2x128x7xf32, #tpu.memory_space<vmem>> -> memref<1x128x7xf32, #tpu.memory_space<vmem>>
      %scatter3A_2150 = tpu.memref_squeeze %scatter3A_2149 : memref<1x128x7xf32, #tpu.memory_space<vmem>> -> memref<128x7xf32, #tpu.memory_space<vmem>>
      tpu.vector_store_idx %scatter3A_2150[%add3A_2030, %broadcast_in_dim3A_49], %mul3A_2098 : memref<128x7xf32, #tpu.memory_space<vmem>>[vector<16xi32>, vector<16xi32>], vector<16xf32>,
      %scatter3A_2151 = arith.constant 1 : i32
      %scatter3A_2152 = arith.constant 0 : i32
      %scatter3A_2153 = arith.constant 0 : i32
      %scatter3A_2154 = tpu.memref_slice %arg7[%scatter3A_2151, %scatter3A_2152, %scatter3A_2153] : memref<2x128x128xf32, #tpu.memory_space<vmem>> -> memref<1x128x128xf32, #tpu.memory_space<vmem>>
      %scatter3A_2155 = tpu.memref_squeeze %scatter3A_2154 : memref<1x128x128xf32, #tpu.memory_space<vmem>> -> memref<128x128xf32, #tpu.memory_space<vmem>>
      tpu.vector_store_idx %scatter3A_2155[%add3A_2030, %broadcast_in_dim3A_37], %mul3A_2099 : memref<128x128xf32, #tpu.memory_space<vmem>>[vector<16xi32>, vector<16xi32>], vector<16xf32>,
      %scatter3A_2156 = arith.constant 1 : i32
      %scatter3A_2157 = arith.constant 0 : i32
      %scatter3A_2158 = arith.constant 0 : i32
      %scatter3A_2159 = tpu.memref_slice %arg8[%scatter3A_2156, %scatter3A_2157, %scatter3A_2158] : memref<2x128x7xf32, #tpu.memory_space<vmem>> -> memref<1x128x7xf32, #tpu.memory_space<vmem>>
      %scatter3A_2160 = tpu.memref_squeeze %scatter3A_2159 : memref<1x128x7xf32, #tpu.memory_space<vmem>> -> memref<128x7xf32, #tpu.memory_space<vmem>>
      tpu.vector_store_idx %scatter3A_2160[%add3A_2030, %broadcast_in_dim3A_51], %mul3A_2099 : memref<128x7xf32, #tpu.memory_space<vmem>>[vector<16xi32>, vector<16xi32>], vector<16xf32>,
      %scatter3A_2161 = arith.constant 1 : i32
      %scatter3A_2162 = arith.constant 0 : i32
      %scatter3A_2163 = arith.constant 0 : i32
      %scatter3A_2164 = tpu.memref_slice %arg7[%scatter3A_2161, %scatter3A_2162, %scatter3A_2163] : memref<2x128x128xf32, #tpu.memory_space<vmem>> -> memref<1x128x128xf32, #tpu.memory_space<vmem>>
      %scatter3A_2165 = tpu.memref_squeeze %scatter3A_2164 : memref<1x128x128xf32, #tpu.memory_space<vmem>> -> memref<128x128xf32, #tpu.memory_space<vmem>>
      tpu.vector_store_idx %scatter3A_2165[%add3A_2030, %broadcast_in_dim3A_39], %mul3A_2118 : memref<128x128xf32, #tpu.memory_space<vmem>>[vector<16xi32>, vector<16xi32>], vector<16xf32>,
      %scatter3A_2166 = arith.constant 1 : i32
      %scatter3A_2167 = arith.constant 0 : i32
      %scatter3A_2168 = arith.constant 0 : i32
      %scatter3A_2169 = tpu.memref_slice %arg8[%scatter3A_2166, %scatter3A_2167, %scatter3A_2168] : memref<2x128x7xf32, #tpu.memory_space<vmem>> -> memref<1x128x7xf32, #tpu.memory_space<vmem>>
      %scatter3A_2170 = tpu.memref_squeeze %scatter3A_2169 : memref<1x128x7xf32, #tpu.memory_space<vmem>> -> memref<128x7xf32, #tpu.memory_space<vmem>>
      tpu.vector_store_idx %scatter3A_2170[%add3A_2030, %broadcast_in_dim3A_53], %mul3A_2118 : memref<128x7xf32, #tpu.memory_space<vmem>>[vector<16xi32>, vector<16xi32>], vector<16xf32>,
      %scatter3A_2171 = arith.constant 1 : i32
      %scatter3A_2172 = arith.constant 0 : i32
      %scatter3A_2173 = arith.constant 0 : i32
      %scatter3A_2174 = tpu.memref_slice %arg7[%scatter3A_2171, %scatter3A_2172, %scatter3A_2173] : memref<2x128x128xf32, #tpu.memory_space<vmem>> -> memref<1x128x128xf32, #tpu.memory_space<vmem>>
      %scatter3A_2175 = tpu.memref_squeeze %scatter3A_2174 : memref<1x128x128xf32, #tpu.memory_space<vmem>> -> memref<128x128xf32, #tpu.memory_space<vmem>>
      tpu.vector_store_idx %scatter3A_2175[%add3A_2030, %broadcast_in_dim3A_41], %mul3A_2119 : memref<128x128xf32, #tpu.memory_space<vmem>>[vector<16xi32>, vector<16xi32>], vector<16xf32>,
      %scatter3A_2176 = arith.constant 1 : i32
      %scatter3A_2177 = arith.constant 0 : i32
      %scatter3A_2178 = arith.constant 0 : i32
      %scatter3A_2179 = tpu.memref_slice %arg8[%scatter3A_2176, %scatter3A_2177, %scatter3A_2178] : memref<2x128x7xf32, #tpu.memory_space<vmem>> -> memref<1x128x7xf32, #tpu.memory_space<vmem>>
      %scatter3A_2180 = tpu.memref_squeeze %scatter3A_2179 : memref<1x128x7xf32, #tpu.memory_space<vmem>> -> memref<128x7xf32, #tpu.memory_space<vmem>>
      tpu.vector_store_idx %scatter3A_2180[%add3A_2030, %broadcast_in_dim3A_55], %mul3A_2119 : memref<128x7xf32, #tpu.memory_space<vmem>>[vector<16xi32>, vector<16xi32>], vector<16xf32>,
      %scatter3A_2181 = arith.constant 1 : i32
      %scatter3A_2182 = arith.constant 0 : i32
      %scatter3A_2183 = arith.constant 0 : i32
      %scatter3A_2184 = tpu.memref_slice %arg7[%scatter3A_2181, %scatter3A_2182, %scatter3A_2183] : memref<2x128x128xf32, #tpu.memory_space<vmem>> -> memref<1x128x128xf32, #tpu.memory_space<vmem>>
      %scatter3A_2185 = tpu.memref_squeeze %scatter3A_2184 : memref<1x128x128xf32, #tpu.memory_space<vmem>> -> memref<128x128xf32, #tpu.memory_space<vmem>>
      tpu.vector_store_idx %scatter3A_2185[%add3A_2030, %broadcast_in_dim3A_43], %mul3A_2120 : memref<128x128xf32, #tpu.memory_space<vmem>>[vector<16xi32>, vector<16xi32>], vector<16xf32>,
      %scatter3A_2186 = arith.constant 1 : i32
      %scatter3A_2187 = arith.constant 0 : i32
      %scatter3A_2188 = arith.constant 0 : i32
      %scatter3A_2189 = tpu.memref_slice %arg8[%scatter3A_2186, %scatter3A_2187, %scatter3A_2188] : memref<2x128x7xf32, #tpu.memory_space<vmem>> -> memref<1x128x7xf32, #tpu.memory_space<vmem>>
      %scatter3A_2190 = tpu.memref_squeeze %scatter3A_2189 : memref<1x128x7xf32, #tpu.memory_space<vmem>> -> memref<128x7xf32, #tpu.memory_space<vmem>>
      tpu.vector_store_idx %scatter3A_2190[%add3A_2030, %broadcast_in_dim3A_57], %mul3A_2120 : memref<128x7xf32, #tpu.memory_space<vmem>>[vector<16xi32>, vector<16xi32>], vector<16xf32>,
      %add3A_2191 = arith.constant 64 : i32
      %add3A_2192 = vector.broadcast %add3A_2191 : i32 to vector<16xi32>
      %add3A_2193 = arith.addi %iota3A, %add3A_2192 : vector<16xi32>
      %gather3A_2194 = arith.constant 1 : i32
      %gather3A_2195 = arith.constant 0 : i32
      %gather3A_2196 = arith.constant 0 : i32
      %gather3A_2197 = tpu.memref_slice %arg6[%gather3A_2194, %gather3A_2195, %gather3A_2196] : memref<2x128x128xf32, #tpu.memory_space<vmem>> -> memref<1x128x128xf32, #tpu.memory_space<vmem>>
      %gather3A_2198 = tpu.memref_squeeze %gather3A_2197 : memref<1x128x128xf32, #tpu.memory_space<vmem>> -> memref<128x128xf32, #tpu.memory_space<vmem>>
      %gather3A_2199 = tpu.vector_load_idx %gather3A_2198[%add3A_2193, %broadcast_in_dim3A_31] : memref<128x128xf32, #tpu.memory_space<vmem>>[vector<16xi32>, vector<16xi32>], vector<16xf32>,
      %gather3A_2200 = arith.constant 1 : i32
      %gather3A_2201 = arith.constant 0 : i32
      %gather3A_2202 = arith.constant 0 : i32
      %gather3A_2203 = tpu.memref_slice %arg6[%gather3A_2200, %gather3A_2201, %gather3A_2202] : memref<2x128x128xf32, #tpu.memory_space<vmem>> -> memref<1x128x128xf32, #tpu.memory_space<vmem>>
      %gather3A_2204 = tpu.memref_squeeze %gather3A_2203 : memref<1x128x128xf32, #tpu.memory_space<vmem>> -> memref<128x128xf32, #tpu.memory_space<vmem>>
      %gather3A_2205 = tpu.vector_load_idx %gather3A_2204[%add3A_2193, %broadcast_in_dim3A_33] : memref<128x128xf32, #tpu.memory_space<vmem>>[vector<16xi32>, vector<16xi32>], vector<16xf32>,
      %gather3A_2206 = arith.constant 1 : i32
      %gather3A_2207 = arith.constant 0 : i32
      %gather3A_2208 = arith.constant 0 : i32
      %gather3A_2209 = tpu.memref_slice %arg6[%gather3A_2206, %gather3A_2207, %gather3A_2208] : memref<2x128x128xf32, #tpu.memory_space<vmem>> -> memref<1x128x128xf32, #tpu.memory_space<vmem>>
      %gather3A_2210 = tpu.memref_squeeze %gather3A_2209 : memref<1x128x128xf32, #tpu.memory_space<vmem>> -> memref<128x128xf32, #tpu.memory_space<vmem>>
      %gather3A_2211 = tpu.vector_load_idx %gather3A_2210[%add3A_2193, %broadcast_in_dim3A_35] : memref<128x128xf32, #tpu.memory_space<vmem>>[vector<16xi32>, vector<16xi32>], vector<16xf32>,
      %gather3A_2212 = arith.constant 1 : i32
      %gather3A_2213 = arith.constant 0 : i32
      %gather3A_2214 = arith.constant 0 : i32
      %gather3A_2215 = tpu.memref_slice %arg6[%gather3A_2212, %gather3A_2213, %gather3A_2214] : memref<2x128x128xf32, #tpu.memory_space<vmem>> -> memref<1x128x128xf32, #tpu.memory_space<vmem>>
      %gather3A_2216 = tpu.memref_squeeze %gather3A_2215 : memref<1x128x128xf32, #tpu.memory_space<vmem>> -> memref<128x128xf32, #tpu.memory_space<vmem>>
      %gather3A_2217 = tpu.vector_load_idx %gather3A_2216[%add3A_2193, %broadcast_in_dim3A_37] : memref<128x128xf32, #tpu.memory_space<vmem>>[vector<16xi32>, vector<16xi32>], vector<16xf32>,
      %gather3A_2218 = arith.constant 1 : i32
      %gather3A_2219 = arith.constant 0 : i32
      %gather3A_2220 = arith.constant 0 : i32
      %gather3A_2221 = tpu.memref_slice %arg6[%gather3A_2218, %gather3A_2219, %gather3A_2220] : memref<2x128x128xf32, #tpu.memory_space<vmem>> -> memref<1x128x128xf32, #tpu.memory_space<vmem>>
      %gather3A_2222 = tpu.memref_squeeze %gather3A_2221 : memref<1x128x128xf32, #tpu.memory_space<vmem>> -> memref<128x128xf32, #tpu.memory_space<vmem>>
      %gather3A_2223 = tpu.vector_load_idx %gather3A_2222[%add3A_2193, %broadcast_in_dim3A_39] : memref<128x128xf32, #tpu.memory_space<vmem>>[vector<16xi32>, vector<16xi32>], vector<16xf32>,
      %gather3A_2224 = arith.constant 1 : i32
      %gather3A_2225 = arith.constant 0 : i32
      %gather3A_2226 = arith.constant 0 : i32
      %gather3A_2227 = tpu.memref_slice %arg6[%gather3A_2224, %gather3A_2225, %gather3A_2226] : memref<2x128x128xf32, #tpu.memory_space<vmem>> -> memref<1x128x128xf32, #tpu.memory_space<vmem>>
      %gather3A_2228 = tpu.memref_squeeze %gather3A_2227 : memref<1x128x128xf32, #tpu.memory_space<vmem>> -> memref<128x128xf32, #tpu.memory_space<vmem>>
      %gather3A_2229 = tpu.vector_load_idx %gather3A_2228[%add3A_2193, %broadcast_in_dim3A_41] : memref<128x128xf32, #tpu.memory_space<vmem>>[vector<16xi32>, vector<16xi32>], vector<16xf32>,
      %gather3A_2230 = arith.constant 1 : i32
      %gather3A_2231 = arith.constant 0 : i32
      %gather3A_2232 = arith.constant 0 : i32
      %gather3A_2233 = tpu.memref_slice %arg6[%gather3A_2230, %gather3A_2231, %gather3A_2232] : memref<2x128x128xf32, #tpu.memory_space<vmem>> -> memref<1x128x128xf32, #tpu.memory_space<vmem>>
      %gather3A_2234 = tpu.memref_squeeze %gather3A_2233 : memref<1x128x128xf32, #tpu.memory_space<vmem>> -> memref<128x128xf32, #tpu.memory_space<vmem>>
      %gather3A_2235 = tpu.vector_load_idx %gather3A_2234[%add3A_2193, %broadcast_in_dim3A_43] : memref<128x128xf32, #tpu.memory_space<vmem>>[vector<16xi32>, vector<16xi32>], vector<16xf32>,
      %mul3A_2236 = arith.constant -1.000000e+00 : f32
      %mul3A_2237 = vector.broadcast %mul3A_2236 : f32 to vector<16xf32>
      %mul3A_2238 = arith.mulf %gather3A_2199, %mul3A_2237 : vector<16xf32>
      %exp3A_2239 = math.exp %mul3A_2238 : vector<16xf32>
      %mul3A_2240 = arith.constant 1.000000e+00 : f32
      %mul3A_2241 = vector.broadcast %mul3A_2240 : f32 to vector<16xf32>
      %mul3A_2242 = arith.mulf %gather3A_2205, %mul3A_2241 : vector<16xf32>
      %exp3A_2243 = math.exp %mul3A_2242 : vector<16xf32>
      %mul3A_2244 = arith.constant -1.000000e+00 : f32
      %mul3A_2245 = vector.broadcast %mul3A_2244 : f32 to vector<16xf32>
      %mul3A_2246 = arith.mulf %gather3A_2211, %mul3A_2245 : vector<16xf32>
      %exp3A_2247 = math.exp %mul3A_2246 : vector<16xf32>
      %mul3A_2248 = arith.constant 1.000000e+00 : f32
      %mul3A_2249 = vector.broadcast %mul3A_2248 : f32 to vector<16xf32>
      %mul3A_2250 = arith.mulf %gather3A_2217, %mul3A_2249 : vector<16xf32>
      %exp3A_2251 = math.exp %mul3A_2250 : vector<16xf32>
      %add3A_2252 = arith.addf %exp3A_2239, %exp3A_2243 : vector<16xf32>
      %add3A_2253 = arith.addf %exp3A_2247, %exp3A_2251 : vector<16xf32>
      %add3A_2254 = arith.addf %add3A_2252, %add3A_2253 : vector<16xf32>
      %div3A_2255 = arith.divf %min3A_23, %add3A_2254 : vector<16xf32>
      %neg3A_2256 = arith.constant 0.000000e+00 : f32
      %neg3A_2257 = vector.broadcast %neg3A_2256 : f32 to vector<16xf32>
      %neg3A_2258 = arith.subf %neg3A_2257, %div3A_2255 : vector<16xf32>
      %mul3A_2259 = arith.mulf %exp3A_2239, %neg3A_2258 : vector<16xf32>
      %mul3A_2260 = arith.mulf %exp3A_2243, %div3A_2255 : vector<16xf32>
      %mul3A_2261 = arith.mulf %exp3A_2247, %neg3A_2258 : vector<16xf32>
      %mul3A_2262 = arith.mulf %exp3A_2251, %div3A_2255 : vector<16xf32>
      %mul3A_2263 = arith.constant 1.000000e+00 : f32
      %mul3A_2264 = vector.broadcast %mul3A_2263 : f32 to vector<16xf32>
      %mul3A_2265 = arith.mulf %gather3A_2223, %mul3A_2264 : vector<16xf32>
      %exp3A_2266 = math.exp %mul3A_2265 : vector<16xf32>
      %mul3A_2267 = arith.constant -1.000000e+00 : f32
      %mul3A_2268 = vector.broadcast %mul3A_2267 : f32 to vector<16xf32>
      %mul3A_2269 = arith.mulf %gather3A_2229, %mul3A_2268 : vector<16xf32>
      %exp3A_2270 = math.exp %mul3A_2269 : vector<16xf32>
      %mul3A_2271 = arith.constant 1.000000e+00 : f32
      %mul3A_2272 = vector.broadcast %mul3A_2271 : f32 to vector<16xf32>
      %mul3A_2273 = arith.mulf %gather3A_2235, %mul3A_2272 : vector<16xf32>
      %exp3A_2274 = math.exp %mul3A_2273 : vector<16xf32>
      %add3A_2275 = arith.addf %exp3A_2266, %exp3A_2270 : vector<16xf32>
      %add3A_2276 = arith.addf %add3A_2275, %exp3A_2274 : vector<16xf32>
      %div3A_2277 = arith.divf %min3A_23, %add3A_2276 : vector<16xf32>
      %neg3A_2278 = arith.constant 0.000000e+00 : f32
      %neg3A_2279 = vector.broadcast %neg3A_2278 : f32 to vector<16xf32>
      %neg3A_2280 = arith.subf %neg3A_2279, %div3A_2277 : vector<16xf32>
      %mul3A_2281 = arith.mulf %exp3A_2266, %div3A_2277 : vector<16xf32>
      %mul3A_2282 = arith.mulf %exp3A_2270, %neg3A_2280 : vector<16xf32>
      %mul3A_2283 = arith.mulf %exp3A_2274, %div3A_2277 : vector<16xf32>
      %scatter3A_2284 = arith.constant 1 : i32
      %scatter3A_2285 = arith.constant 0 : i32
      %scatter3A_2286 = arith.constant 0 : i32
      %scatter3A_2287 = tpu.memref_slice %arg7[%scatter3A_2284, %scatter3A_2285, %scatter3A_2286] : memref<2x128x128xf32, #tpu.memory_space<vmem>> -> memref<1x128x128xf32, #tpu.memory_space<vmem>>
      %scatter3A_2288 = tpu.memref_squeeze %scatter3A_2287 : memref<1x128x128xf32, #tpu.memory_space<vmem>> -> memref<128x128xf32, #tpu.memory_space<vmem>>
      tpu.vector_store_idx %scatter3A_2288[%add3A_2193, %broadcast_in_dim3A_31], %mul3A_2259 : memref<128x128xf32, #tpu.memory_space<vmem>>[vector<16xi32>, vector<16xi32>], vector<16xf32>,
      %scatter3A_2289 = arith.constant 1 : i32
      %scatter3A_2290 = arith.constant 0 : i32
      %scatter3A_2291 = arith.constant 0 : i32
      %scatter3A_2292 = tpu.memref_slice %arg8[%scatter3A_2289, %scatter3A_2290, %scatter3A_2291] : memref<2x128x7xf32, #tpu.memory_space<vmem>> -> memref<1x128x7xf32, #tpu.memory_space<vmem>>
      %scatter3A_2293 = tpu.memref_squeeze %scatter3A_2292 : memref<1x128x7xf32, #tpu.memory_space<vmem>> -> memref<128x7xf32, #tpu.memory_space<vmem>>
      tpu.vector_store_idx %scatter3A_2293[%add3A_2193, %broadcast_in_dim3A_45], %mul3A_2259 : memref<128x7xf32, #tpu.memory_space<vmem>>[vector<16xi32>, vector<16xi32>], vector<16xf32>,
      %scatter3A_2294 = arith.constant 1 : i32
      %scatter3A_2295 = arith.constant 0 : i32
      %scatter3A_2296 = arith.constant 0 : i32
      %scatter3A_2297 = tpu.memref_slice %arg7[%scatter3A_2294, %scatter3A_2295, %scatter3A_2296] : memref<2x128x128xf32, #tpu.memory_space<vmem>> -> memref<1x128x128xf32, #tpu.memory_space<vmem>>
      %scatter3A_2298 = tpu.memref_squeeze %scatter3A_2297 : memref<1x128x128xf32, #tpu.memory_space<vmem>> -> memref<128x128xf32, #tpu.memory_space<vmem>>
      tpu.vector_store_idx %scatter3A_2298[%add3A_2193, %broadcast_in_dim3A_33], %mul3A_2260 : memref<128x128xf32, #tpu.memory_space<vmem>>[vector<16xi32>, vector<16xi32>], vector<16xf32>,
      %scatter3A_2299 = arith.constant 1 : i32
      %scatter3A_2300 = arith.constant 0 : i32
      %scatter3A_2301 = arith.constant 0 : i32
      %scatter3A_2302 = tpu.memref_slice %arg8[%scatter3A_2299, %scatter3A_2300, %scatter3A_2301] : memref<2x128x7xf32, #tpu.memory_space<vmem>> -> memref<1x128x7xf32, #tpu.memory_space<vmem>>
      %scatter3A_2303 = tpu.memref_squeeze %scatter3A_2302 : memref<1x128x7xf32, #tpu.memory_space<vmem>> -> memref<128x7xf32, #tpu.memory_space<vmem>>
      tpu.vector_store_idx %scatter3A_2303[%add3A_2193, %broadcast_in_dim3A_47], %mul3A_2260 : memref<128x7xf32, #tpu.memory_space<vmem>>[vector<16xi32>, vector<16xi32>], vector<16xf32>,
      %scatter3A_2304 = arith.constant 1 : i32
      %scatter3A_2305 = arith.constant 0 : i32
      %scatter3A_2306 = arith.constant 0 : i32
      %scatter3A_2307 = tpu.memref_slice %arg7[%scatter3A_2304, %scatter3A_2305, %scatter3A_2306] : memref<2x128x128xf32, #tpu.memory_space<vmem>> -> memref<1x128x128xf32, #tpu.memory_space<vmem>>
      %scatter3A_2308 = tpu.memref_squeeze %scatter3A_2307 : memref<1x128x128xf32, #tpu.memory_space<vmem>> -> memref<128x128xf32, #tpu.memory_space<vmem>>
      tpu.vector_store_idx %scatter3A_2308[%add3A_2193, %broadcast_in_dim3A_35], %mul3A_2261 : memref<128x128xf32, #tpu.memory_space<vmem>>[vector<16xi32>, vector<16xi32>], vector<16xf32>,
      %scatter3A_2309 = arith.constant 1 : i32
      %scatter3A_2310 = arith.constant 0 : i32
      %scatter3A_2311 = arith.constant 0 : i32
      %scatter3A_2312 = tpu.memref_slice %arg8[%scatter3A_2309, %scatter3A_2310, %scatter3A_2311] : memref<2x128x7xf32, #tpu.memory_space<vmem>> -> memref<1x128x7xf32, #tpu.memory_space<vmem>>
      %scatter3A_2313 = tpu.memref_squeeze %scatter3A_2312 : memref<1x128x7xf32, #tpu.memory_space<vmem>> -> memref<128x7xf32, #tpu.memory_space<vmem>>
      tpu.vector_store_idx %scatter3A_2313[%add3A_2193, %broadcast_in_dim3A_49], %mul3A_2261 : memref<128x7xf32, #tpu.memory_space<vmem>>[vector<16xi32>, vector<16xi32>], vector<16xf32>,
      %scatter3A_2314 = arith.constant 1 : i32
      %scatter3A_2315 = arith.constant 0 : i32
      %scatter3A_2316 = arith.constant 0 : i32
      %scatter3A_2317 = tpu.memref_slice %arg7[%scatter3A_2314, %scatter3A_2315, %scatter3A_2316] : memref<2x128x128xf32, #tpu.memory_space<vmem>> -> memref<1x128x128xf32, #tpu.memory_space<vmem>>
      %scatter3A_2318 = tpu.memref_squeeze %scatter3A_2317 : memref<1x128x128xf32, #tpu.memory_space<vmem>> -> memref<128x128xf32, #tpu.memory_space<vmem>>
      tpu.vector_store_idx %scatter3A_2318[%add3A_2193, %broadcast_in_dim3A_37], %mul3A_2262 : memref<128x128xf32, #tpu.memory_space<vmem>>[vector<16xi32>, vector<16xi32>], vector<16xf32>,
      %scatter3A_2319 = arith.constant 1 : i32
      %scatter3A_2320 = arith.constant 0 : i32
      %scatter3A_2321 = arith.constant 0 : i32
      %scatter3A_2322 = tpu.memref_slice %arg8[%scatter3A_2319, %scatter3A_2320, %scatter3A_2321] : memref<2x128x7xf32, #tpu.memory_space<vmem>> -> memref<1x128x7xf32, #tpu.memory_space<vmem>>
      %scatter3A_2323 = tpu.memref_squeeze %scatter3A_2322 : memref<1x128x7xf32, #tpu.memory_space<vmem>> -> memref<128x7xf32, #tpu.memory_space<vmem>>
      tpu.vector_store_idx %scatter3A_2323[%add3A_2193, %broadcast_in_dim3A_51], %mul3A_2262 : memref<128x7xf32, #tpu.memory_space<vmem>>[vector<16xi32>, vector<16xi32>], vector<16xf32>,
      %scatter3A_2324 = arith.constant 1 : i32
      %scatter3A_2325 = arith.constant 0 : i32
      %scatter3A_2326 = arith.constant 0 : i32
      %scatter3A_2327 = tpu.memref_slice %arg7[%scatter3A_2324, %scatter3A_2325, %scatter3A_2326] : memref<2x128x128xf32, #tpu.memory_space<vmem>> -> memref<1x128x128xf32, #tpu.memory_space<vmem>>
      %scatter3A_2328 = tpu.memref_squeeze %scatter3A_2327 : memref<1x128x128xf32, #tpu.memory_space<vmem>> -> memref<128x128xf32, #tpu.memory_space<vmem>>
      tpu.vector_store_idx %scatter3A_2328[%add3A_2193, %broadcast_in_dim3A_39], %mul3A_2281 : memref<128x128xf32, #tpu.memory_space<vmem>>[vector<16xi32>, vector<16xi32>], vector<16xf32>,
      %scatter3A_2329 = arith.constant 1 : i32
      %scatter3A_2330 = arith.constant 0 : i32
      %scatter3A_2331 = arith.constant 0 : i32
      %scatter3A_2332 = tpu.memref_slice %arg8[%scatter3A_2329, %scatter3A_2330, %scatter3A_2331] : memref<2x128x7xf32, #tpu.memory_space<vmem>> -> memref<1x128x7xf32, #tpu.memory_space<vmem>>
      %scatter3A_2333 = tpu.memref_squeeze %scatter3A_2332 : memref<1x128x7xf32, #tpu.memory_space<vmem>> -> memref<128x7xf32, #tpu.memory_space<vmem>>
      tpu.vector_store_idx %scatter3A_2333[%add3A_2193, %broadcast_in_dim3A_53], %mul3A_2281 : memref<128x7xf32, #tpu.memory_space<vmem>>[vector<16xi32>, vector<16xi32>], vector<16xf32>,
      %scatter3A_2334 = arith.constant 1 : i32
      %scatter3A_2335 = arith.constant 0 : i32
      %scatter3A_2336 = arith.constant 0 : i32
      %scatter3A_2337 = tpu.memref_slice %arg7[%scatter3A_2334, %scatter3A_2335, %scatter3A_2336] : memref<2x128x128xf32, #tpu.memory_space<vmem>> -> memref<1x128x128xf32, #tpu.memory_space<vmem>>
      %scatter3A_2338 = tpu.memref_squeeze %scatter3A_2337 : memref<1x128x128xf32, #tpu.memory_space<vmem>> -> memref<128x128xf32, #tpu.memory_space<vmem>>
      tpu.vector_store_idx %scatter3A_2338[%add3A_2193, %broadcast_in_dim3A_41], %mul3A_2282 : memref<128x128xf32, #tpu.memory_space<vmem>>[vector<16xi32>, vector<16xi32>], vector<16xf32>,
      %scatter3A_2339 = arith.constant 1 : i32
      %scatter3A_2340 = arith.constant 0 : i32
      %scatter3A_2341 = arith.constant 0 : i32
      %scatter3A_2342 = tpu.memref_slice %arg8[%scatter3A_2339, %scatter3A_2340, %scatter3A_2341] : memref<2x128x7xf32, #tpu.memory_space<vmem>> -> memref<1x128x7xf32, #tpu.memory_space<vmem>>
      %scatter3A_2343 = tpu.memref_squeeze %scatter3A_2342 : memref<1x128x7xf32, #tpu.memory_space<vmem>> -> memref<128x7xf32, #tpu.memory_space<vmem>>
      tpu.vector_store_idx %scatter3A_2343[%add3A_2193, %broadcast_in_dim3A_55], %mul3A_2282 : memref<128x7xf32, #tpu.memory_space<vmem>>[vector<16xi32>, vector<16xi32>], vector<16xf32>,
      %scatter3A_2344 = arith.constant 1 : i32
      %scatter3A_2345 = arith.constant 0 : i32
      %scatter3A_2346 = arith.constant 0 : i32
      %scatter3A_2347 = tpu.memref_slice %arg7[%scatter3A_2344, %scatter3A_2345, %scatter3A_2346] : memref<2x128x128xf32, #tpu.memory_space<vmem>> -> memref<1x128x128xf32, #tpu.memory_space<vmem>>
      %scatter3A_2348 = tpu.memref_squeeze %scatter3A_2347 : memref<1x128x128xf32, #tpu.memory_space<vmem>> -> memref<128x128xf32, #tpu.memory_space<vmem>>
      tpu.vector_store_idx %scatter3A_2348[%add3A_2193, %broadcast_in_dim3A_43], %mul3A_2283 : memref<128x128xf32, #tpu.memory_space<vmem>>[vector<16xi32>, vector<16xi32>], vector<16xf32>,
      %scatter3A_2349 = arith.constant 1 : i32
      %scatter3A_2350 = arith.constant 0 : i32
      %scatter3A_2351 = arith.constant 0 : i32
      %scatter3A_2352 = tpu.memref_slice %arg8[%scatter3A_2349, %scatter3A_2350, %scatter3A_2351] : memref<2x128x7xf32, #tpu.memory_space<vmem>> -> memref<1x128x7xf32, #tpu.memory_space<vmem>>
      %scatter3A_2353 = tpu.memref_squeeze %scatter3A_2352 : memref<1x128x7xf32, #tpu.memory_space<vmem>> -> memref<128x7xf32, #tpu.memory_space<vmem>>
      tpu.vector_store_idx %scatter3A_2353[%add3A_2193, %broadcast_in_dim3A_57], %mul3A_2283 : memref<128x7xf32, #tpu.memory_space<vmem>>[vector<16xi32>, vector<16xi32>], vector<16xf32>,
      %add3A_2354 = arith.constant 80 : i32
      %add3A_2355 = vector.broadcast %add3A_2354 : i32 to vector<16xi32>
      %add3A_2356 = arith.addi %iota3A, %add3A_2355 : vector<16xi32>
      %gather3A_2357 = arith.constant 1 : i32
      %gather3A_2358 = arith.constant 0 : i32
      %gather3A_2359 = arith.constant 0 : i32
      %gather3A_2360 = tpu.memref_slice %arg6[%gather3A_2357, %gather3A_2358, %gather3A_2359] : memref<2x128x128xf32, #tpu.memory_space<vmem>> -> memref<1x128x128xf32, #tpu.memory_space<vmem>>
      %gather3A_2361 = tpu.memref_squeeze %gather3A_2360 : memref<1x128x128xf32, #tpu.memory_space<vmem>> -> memref<128x128xf32, #tpu.memory_space<vmem>>
      %gather3A_2362 = tpu.vector_load_idx %gather3A_2361[%add3A_2356, %broadcast_in_dim3A_31] : memref<128x128xf32, #tpu.memory_space<vmem>>[vector<16xi32>, vector<16xi32>], vector<16xf32>,
      %gather3A_2363 = arith.constant 1 : i32
      %gather3A_2364 = arith.constant 0 : i32
      %gather3A_2365 = arith.constant 0 : i32
      %gather3A_2366 = tpu.memref_slice %arg6[%gather3A_2363, %gather3A_2364, %gather3A_2365] : memref<2x128x128xf32, #tpu.memory_space<vmem>> -> memref<1x128x128xf32, #tpu.memory_space<vmem>>
      %gather3A_2367 = tpu.memref_squeeze %gather3A_2366 : memref<1x128x128xf32, #tpu.memory_space<vmem>> -> memref<128x128xf32, #tpu.memory_space<vmem>>
      %gather3A_2368 = tpu.vector_load_idx %gather3A_2367[%add3A_2356, %broadcast_in_dim3A_33] : memref<128x128xf32, #tpu.memory_space<vmem>>[vector<16xi32>, vector<16xi32>], vector<16xf32>,
      %gather3A_2369 = arith.constant 1 : i32
      %gather3A_2370 = arith.constant 0 : i32
      %gather3A_2371 = arith.constant 0 : i32
      %gather3A_2372 = tpu.memref_slice %arg6[%gather3A_2369, %gather3A_2370, %gather3A_2371] : memref<2x128x128xf32, #tpu.memory_space<vmem>> -> memref<1x128x128xf32, #tpu.memory_space<vmem>>
      %gather3A_2373 = tpu.memref_squeeze %gather3A_2372 : memref<1x128x128xf32, #tpu.memory_space<vmem>> -> memref<128x128xf32, #tpu.memory_space<vmem>>
      %gather3A_2374 = tpu.vector_load_idx %gather3A_2373[%add3A_2356, %broadcast_in_dim3A_35] : memref<128x128xf32, #tpu.memory_space<vmem>>[vector<16xi32>, vector<16xi32>], vector<16xf32>,
      %gather3A_2375 = arith.constant 1 : i32
      %gather3A_2376 = arith.constant 0 : i32
      %gather3A_2377 = arith.constant 0 : i32
      %gather3A_2378 = tpu.memref_slice %arg6[%gather3A_2375, %gather3A_2376, %gather3A_2377] : memref<2x128x128xf32, #tpu.memory_space<vmem>> -> memref<1x128x128xf32, #tpu.memory_space<vmem>>
      %gather3A_2379 = tpu.memref_squeeze %gather3A_2378 : memref<1x128x128xf32, #tpu.memory_space<vmem>> -> memref<128x128xf32, #tpu.memory_space<vmem>>
      %gather3A_2380 = tpu.vector_load_idx %gather3A_2379[%add3A_2356, %broadcast_in_dim3A_37] : memref<128x128xf32, #tpu.memory_space<vmem>>[vector<16xi32>, vector<16xi32>], vector<16xf32>,
      %gather3A_2381 = arith.constant 1 : i32
      %gather3A_2382 = arith.constant 0 : i32
      %gather3A_2383 = arith.constant 0 : i32
      %gather3A_2384 = tpu.memref_slice %arg6[%gather3A_2381, %gather3A_2382, %gather3A_2383] : memref<2x128x128xf32, #tpu.memory_space<vmem>> -> memref<1x128x128xf32, #tpu.memory_space<vmem>>
      %gather3A_2385 = tpu.memref_squeeze %gather3A_2384 : memref<1x128x128xf32, #tpu.memory_space<vmem>> -> memref<128x128xf32, #tpu.memory_space<vmem>>
      %gather3A_2386 = tpu.vector_load_idx %gather3A_2385[%add3A_2356, %broadcast_in_dim3A_39] : memref<128x128xf32, #tpu.memory_space<vmem>>[vector<16xi32>, vector<16xi32>], vector<16xf32>,
      %gather3A_2387 = arith.constant 1 : i32
      %gather3A_2388 = arith.constant 0 : i32
      %gather3A_2389 = arith.constant 0 : i32
      %gather3A_2390 = tpu.memref_slice %arg6[%gather3A_2387, %gather3A_2388, %gather3A_2389] : memref<2x128x128xf32, #tpu.memory_space<vmem>> -> memref<1x128x128xf32, #tpu.memory_space<vmem>>
      %gather3A_2391 = tpu.memref_squeeze %gather3A_2390 : memref<1x128x128xf32, #tpu.memory_space<vmem>> -> memref<128x128xf32, #tpu.memory_space<vmem>>
      %gather3A_2392 = tpu.vector_load_idx %gather3A_2391[%add3A_2356, %broadcast_in_dim3A_41] : memref<128x128xf32, #tpu.memory_space<vmem>>[vector<16xi32>, vector<16xi32>], vector<16xf32>,
      %gather3A_2393 = arith.constant 1 : i32
      %gather3A_2394 = arith.constant 0 : i32
      %gather3A_2395 = arith.constant 0 : i32
      %gather3A_2396 = tpu.memref_slice %arg6[%gather3A_2393, %gather3A_2394, %gather3A_2395] : memref<2x128x128xf32, #tpu.memory_space<vmem>> -> memref<1x128x128xf32, #tpu.memory_space<vmem>>
      %gather3A_2397 = tpu.memref_squeeze %gather3A_2396 : memref<1x128x128xf32, #tpu.memory_space<vmem>> -> memref<128x128xf32, #tpu.memory_space<vmem>>
      %gather3A_2398 = tpu.vector_load_idx %gather3A_2397[%add3A_2356, %broadcast_in_dim3A_43] : memref<128x128xf32, #tpu.memory_space<vmem>>[vector<16xi32>, vector<16xi32>], vector<16xf32>,
      %mul3A_2399 = arith.constant -1.000000e+00 : f32
      %mul3A_2400 = vector.broadcast %mul3A_2399 : f32 to vector<16xf32>
      %mul3A_2401 = arith.mulf %gather3A_2362, %mul3A_2400 : vector<16xf32>
      %exp3A_2402 = math.exp %mul3A_2401 : vector<16xf32>
      %mul3A_2403 = arith.constant 1.000000e+00 : f32
      %mul3A_2404 = vector.broadcast %mul3A_2403 : f32 to vector<16xf32>
      %mul3A_2405 = arith.mulf %gather3A_2368, %mul3A_2404 : vector<16xf32>
      %exp3A_2406 = math.exp %mul3A_2405 : vector<16xf32>
      %mul3A_2407 = arith.constant -1.000000e+00 : f32
      %mul3A_2408 = vector.broadcast %mul3A_2407 : f32 to vector<16xf32>
      %mul3A_2409 = arith.mulf %gather3A_2374, %mul3A_2408 : vector<16xf32>
      %exp3A_2410 = math.exp %mul3A_2409 : vector<16xf32>
      %mul3A_2411 = arith.constant 1.000000e+00 : f32
      %mul3A_2412 = vector.broadcast %mul3A_2411 : f32 to vector<16xf32>
      %mul3A_2413 = arith.mulf %gather3A_2380, %mul3A_2412 : vector<16xf32>
      %exp3A_2414 = math.exp %mul3A_2413 : vector<16xf32>
      %add3A_2415 = arith.addf %exp3A_2402, %exp3A_2406 : vector<16xf32>
      %add3A_2416 = arith.addf %exp3A_2410, %exp3A_2414 : vector<16xf32>
      %add3A_2417 = arith.addf %add3A_2415, %add3A_2416 : vector<16xf32>
      %div3A_2418 = arith.divf %min3A_23, %add3A_2417 : vector<16xf32>
      %neg3A_2419 = arith.constant 0.000000e+00 : f32
      %neg3A_2420 = vector.broadcast %neg3A_2419 : f32 to vector<16xf32>
      %neg3A_2421 = arith.subf %neg3A_2420, %div3A_2418 : vector<16xf32>
      %mul3A_2422 = arith.mulf %exp3A_2402, %neg3A_2421 : vector<16xf32>
      %mul3A_2423 = arith.mulf %exp3A_2406, %div3A_2418 : vector<16xf32>
      %mul3A_2424 = arith.mulf %exp3A_2410, %neg3A_2421 : vector<16xf32>
      %mul3A_2425 = arith.mulf %exp3A_2414, %div3A_2418 : vector<16xf32>
      %mul3A_2426 = arith.constant 1.000000e+00 : f32
      %mul3A_2427 = vector.broadcast %mul3A_2426 : f32 to vector<16xf32>
      %mul3A_2428 = arith.mulf %gather3A_2386, %mul3A_2427 : vector<16xf32>
      %exp3A_2429 = math.exp %mul3A_2428 : vector<16xf32>
      %mul3A_2430 = arith.constant -1.000000e+00 : f32
      %mul3A_2431 = vector.broadcast %mul3A_2430 : f32 to vector<16xf32>
      %mul3A_2432 = arith.mulf %gather3A_2392, %mul3A_2431 : vector<16xf32>
      %exp3A_2433 = math.exp %mul3A_2432 : vector<16xf32>
      %mul3A_2434 = arith.constant 1.000000e+00 : f32
      %mul3A_2435 = vector.broadcast %mul3A_2434 : f32 to vector<16xf32>
      %mul3A_2436 = arith.mulf %gather3A_2398, %mul3A_2435 : vector<16xf32>
      %exp3A_2437 = math.exp %mul3A_2436 : vector<16xf32>
      %add3A_2438 = arith.addf %exp3A_2429, %exp3A_2433 : vector<16xf32>
      %add3A_2439 = arith.addf %add3A_2438, %exp3A_2437 : vector<16xf32>
      %div3A_2440 = arith.divf %min3A_23, %add3A_2439 : vector<16xf32>
      %neg3A_2441 = arith.constant 0.000000e+00 : f32
      %neg3A_2442 = vector.broadcast %neg3A_2441 : f32 to vector<16xf32>
      %neg3A_2443 = arith.subf %neg3A_2442, %div3A_2440 : vector<16xf32>
      %mul3A_2444 = arith.mulf %exp3A_2429, %div3A_2440 : vector<16xf32>
      %mul3A_2445 = arith.mulf %exp3A_2433, %neg3A_2443 : vector<16xf32>
      %mul3A_2446 = arith.mulf %exp3A_2437, %div3A_2440 : vector<16xf32>
      %scatter3A_2447 = arith.constant 1 : i32
      %scatter3A_2448 = arith.constant 0 : i32
      %scatter3A_2449 = arith.constant 0 : i32
      %scatter3A_2450 = tpu.memref_slice %arg7[%scatter3A_2447, %scatter3A_2448, %scatter3A_2449] : memref<2x128x128xf32, #tpu.memory_space<vmem>> -> memref<1x128x128xf32, #tpu.memory_space<vmem>>
      %scatter3A_2451 = tpu.memref_squeeze %scatter3A_2450 : memref<1x128x128xf32, #tpu.memory_space<vmem>> -> memref<128x128xf32, #tpu.memory_space<vmem>>
      tpu.vector_store_idx %scatter3A_2451[%add3A_2356, %broadcast_in_dim3A_31], %mul3A_2422 : memref<128x128xf32, #tpu.memory_space<vmem>>[vector<16xi32>, vector<16xi32>], vector<16xf32>,
      %scatter3A_2452 = arith.constant 1 : i32
      %scatter3A_2453 = arith.constant 0 : i32
      %scatter3A_2454 = arith.constant 0 : i32
      %scatter3A_2455 = tpu.memref_slice %arg8[%scatter3A_2452, %scatter3A_2453, %scatter3A_2454] : memref<2x128x7xf32, #tpu.memory_space<vmem>> -> memref<1x128x7xf32, #tpu.memory_space<vmem>>
      %scatter3A_2456 = tpu.memref_squeeze %scatter3A_2455 : memref<1x128x7xf32, #tpu.memory_space<vmem>> -> memref<128x7xf32, #tpu.memory_space<vmem>>
      tpu.vector_store_idx %scatter3A_2456[%add3A_2356, %broadcast_in_dim3A_45], %mul3A_2422 : memref<128x7xf32, #tpu.memory_space<vmem>>[vector<16xi32>, vector<16xi32>], vector<16xf32>,
      %scatter3A_2457 = arith.constant 1 : i32
      %scatter3A_2458 = arith.constant 0 : i32
      %scatter3A_2459 = arith.constant 0 : i32
      %scatter3A_2460 = tpu.memref_slice %arg7[%scatter3A_2457, %scatter3A_2458, %scatter3A_2459] : memref<2x128x128xf32, #tpu.memory_space<vmem>> -> memref<1x128x128xf32, #tpu.memory_space<vmem>>
      %scatter3A_2461 = tpu.memref_squeeze %scatter3A_2460 : memref<1x128x128xf32, #tpu.memory_space<vmem>> -> memref<128x128xf32, #tpu.memory_space<vmem>>
      tpu.vector_store_idx %scatter3A_2461[%add3A_2356, %broadcast_in_dim3A_33], %mul3A_2423 : memref<128x128xf32, #tpu.memory_space<vmem>>[vector<16xi32>, vector<16xi32>], vector<16xf32>,
      %scatter3A_2462 = arith.constant 1 : i32
      %scatter3A_2463 = arith.constant 0 : i32
      %scatter3A_2464 = arith.constant 0 : i32
      %scatter3A_2465 = tpu.memref_slice %arg8[%scatter3A_2462, %scatter3A_2463, %scatter3A_2464] : memref<2x128x7xf32, #tpu.memory_space<vmem>> -> memref<1x128x7xf32, #tpu.memory_space<vmem>>
      %scatter3A_2466 = tpu.memref_squeeze %scatter3A_2465 : memref<1x128x7xf32, #tpu.memory_space<vmem>> -> memref<128x7xf32, #tpu.memory_space<vmem>>
      tpu.vector_store_idx %scatter3A_2466[%add3A_2356, %broadcast_in_dim3A_47], %mul3A_2423 : memref<128x7xf32, #tpu.memory_space<vmem>>[vector<16xi32>, vector<16xi32>], vector<16xf32>,
      %scatter3A_2467 = arith.constant 1 : i32
      %scatter3A_2468 = arith.constant 0 : i32
      %scatter3A_2469 = arith.constant 0 : i32
      %scatter3A_2470 = tpu.memref_slice %arg7[%scatter3A_2467, %scatter3A_2468, %scatter3A_2469] : memref<2x128x128xf32, #tpu.memory_space<vmem>> -> memref<1x128x128xf32, #tpu.memory_space<vmem>>
      %scatter3A_2471 = tpu.memref_squeeze %scatter3A_2470 : memref<1x128x128xf32, #tpu.memory_space<vmem>> -> memref<128x128xf32, #tpu.memory_space<vmem>>
      tpu.vector_store_idx %scatter3A_2471[%add3A_2356, %broadcast_in_dim3A_35], %mul3A_2424 : memref<128x128xf32, #tpu.memory_space<vmem>>[vector<16xi32>, vector<16xi32>], vector<16xf32>,
      %scatter3A_2472 = arith.constant 1 : i32
      %scatter3A_2473 = arith.constant 0 : i32
      %scatter3A_2474 = arith.constant 0 : i32
      %scatter3A_2475 = tpu.memref_slice %arg8[%scatter3A_2472, %scatter3A_2473, %scatter3A_2474] : memref<2x128x7xf32, #tpu.memory_space<vmem>> -> memref<1x128x7xf32, #tpu.memory_space<vmem>>
      %scatter3A_2476 = tpu.memref_squeeze %scatter3A_2475 : memref<1x128x7xf32, #tpu.memory_space<vmem>> -> memref<128x7xf32, #tpu.memory_space<vmem>>
      tpu.vector_store_idx %scatter3A_2476[%add3A_2356, %broadcast_in_dim3A_49], %mul3A_2424 : memref<128x7xf32, #tpu.memory_space<vmem>>[vector<16xi32>, vector<16xi32>], vector<16xf32>,
      %scatter3A_2477 = arith.constant 1 : i32
      %scatter3A_2478 = arith.constant 0 : i32
      %scatter3A_2479 = arith.constant 0 : i32
      %scatter3A_2480 = tpu.memref_slice %arg7[%scatter3A_2477, %scatter3A_2478, %scatter3A_2479] : memref<2x128x128xf32, #tpu.memory_space<vmem>> -> memref<1x128x128xf32, #tpu.memory_space<vmem>>
      %scatter3A_2481 = tpu.memref_squeeze %scatter3A_2480 : memref<1x128x128xf32, #tpu.memory_space<vmem>> -> memref<128x128xf32, #tpu.memory_space<vmem>>
      tpu.vector_store_idx %scatter3A_2481[%add3A_2356, %broadcast_in_dim3A_37], %mul3A_2425 : memref<128x128xf32, #tpu.memory_space<vmem>>[vector<16xi32>, vector<16xi32>], vector<16xf32>,
      %scatter3A_2482 = arith.constant 1 : i32
      %scatter3A_2483 = arith.constant 0 : i32
      %scatter3A_2484 = arith.constant 0 : i32
      %scatter3A_2485 = tpu.memref_slice %arg8[%scatter3A_2482, %scatter3A_2483, %scatter3A_2484] : memref<2x128x7xf32, #tpu.memory_space<vmem>> -> memref<1x128x7xf32, #tpu.memory_space<vmem>>
      %scatter3A_2486 = tpu.memref_squeeze %scatter3A_2485 : memref<1x128x7xf32, #tpu.memory_space<vmem>> -> memref<128x7xf32, #tpu.memory_space<vmem>>
      tpu.vector_store_idx %scatter3A_2486[%add3A_2356, %broadcast_in_dim3A_51], %mul3A_2425 : memref<128x7xf32, #tpu.memory_space<vmem>>[vector<16xi32>, vector<16xi32>], vector<16xf32>,
      %scatter3A_2487 = arith.constant 1 : i32
      %scatter3A_2488 = arith.constant 0 : i32
      %scatter3A_2489 = arith.constant 0 : i32
      %scatter3A_2490 = tpu.memref_slice %arg7[%scatter3A_2487, %scatter3A_2488, %scatter3A_2489] : memref<2x128x128xf32, #tpu.memory_space<vmem>> -> memref<1x128x128xf32, #tpu.memory_space<vmem>>
      %scatter3A_2491 = tpu.memref_squeeze %scatter3A_2490 : memref<1x128x128xf32, #tpu.memory_space<vmem>> -> memref<128x128xf32, #tpu.memory_space<vmem>>
      tpu.vector_store_idx %scatter3A_2491[%add3A_2356, %broadcast_in_dim3A_39], %mul3A_2444 : memref<128x128xf32, #tpu.memory_space<vmem>>[vector<16xi32>, vector<16xi32>], vector<16xf32>,
      %scatter3A_2492 = arith.constant 1 : i32
      %scatter3A_2493 = arith.constant 0 : i32
      %scatter3A_2494 = arith.constant 0 : i32
      %scatter3A_2495 = tpu.memref_slice %arg8[%scatter3A_2492, %scatter3A_2493, %scatter3A_2494] : memref<2x128x7xf32, #tpu.memory_space<vmem>> -> memref<1x128x7xf32, #tpu.memory_space<vmem>>
      %scatter3A_2496 = tpu.memref_squeeze %scatter3A_2495 : memref<1x128x7xf32, #tpu.memory_space<vmem>> -> memref<128x7xf32, #tpu.memory_space<vmem>>
      tpu.vector_store_idx %scatter3A_2496[%add3A_2356, %broadcast_in_dim3A_53], %mul3A_2444 : memref<128x7xf32, #tpu.memory_space<vmem>>[vector<16xi32>, vector<16xi32>], vector<16xf32>,
      %scatter3A_2497 = arith.constant 1 : i32
      %scatter3A_2498 = arith.constant 0 : i32
      %scatter3A_2499 = arith.constant 0 : i32
      %scatter3A_2500 = tpu.memref_slice %arg7[%scatter3A_2497, %scatter3A_2498, %scatter3A_2499] : memref<2x128x128xf32, #tpu.memory_space<vmem>> -> memref<1x128x128xf32, #tpu.memory_space<vmem>>
      %scatter3A_2501 = tpu.memref_squeeze %scatter3A_2500 : memref<1x128x128xf32, #tpu.memory_space<vmem>> -> memref<128x128xf32, #tpu.memory_space<vmem>>
      tpu.vector_store_idx %scatter3A_2501[%add3A_2356, %broadcast_in_dim3A_41], %mul3A_2445 : memref<128x128xf32, #tpu.memory_space<vmem>>[vector<16xi32>, vector<16xi32>], vector<16xf32>,
      %scatter3A_2502 = arith.constant 1 : i32
      %scatter3A_2503 = arith.constant 0 : i32
      %scatter3A_2504 = arith.constant 0 : i32
      %scatter3A_2505 = tpu.memref_slice %arg8[%scatter3A_2502, %scatter3A_2503, %scatter3A_2504] : memref<2x128x7xf32, #tpu.memory_space<vmem>> -> memref<1x128x7xf32, #tpu.memory_space<vmem>>
      %scatter3A_2506 = tpu.memref_squeeze %scatter3A_2505 : memref<1x128x7xf32, #tpu.memory_space<vmem>> -> memref<128x7xf32, #tpu.memory_space<vmem>>
      tpu.vector_store_idx %scatter3A_2506[%add3A_2356, %broadcast_in_dim3A_55], %mul3A_2445 : memref<128x7xf32, #tpu.memory_space<vmem>>[vector<16xi32>, vector<16xi32>], vector<16xf32>,
      %scatter3A_2507 = arith.constant 1 : i32
      %scatter3A_2508 = arith.constant 0 : i32
      %scatter3A_2509 = arith.constant 0 : i32
      %scatter3A_2510 = tpu.memref_slice %arg7[%scatter3A_2507, %scatter3A_2508, %scatter3A_2509] : memref<2x128x128xf32, #tpu.memory_space<vmem>> -> memref<1x128x128xf32, #tpu.memory_space<vmem>>
      %scatter3A_2511 = tpu.memref_squeeze %scatter3A_2510 : memref<1x128x128xf32, #tpu.memory_space<vmem>> -> memref<128x128xf32, #tpu.memory_space<vmem>>
      tpu.vector_store_idx %scatter3A_2511[%add3A_2356, %broadcast_in_dim3A_43], %mul3A_2446 : memref<128x128xf32, #tpu.memory_space<vmem>>[vector<16xi32>, vector<16xi32>], vector<16xf32>,
      %scatter3A_2512 = arith.constant 1 : i32
      %scatter3A_2513 = arith.constant 0 : i32
      %scatter3A_2514 = arith.constant 0 : i32
      %scatter3A_2515 = tpu.memref_slice %arg8[%scatter3A_2512, %scatter3A_2513, %scatter3A_2514] : memref<2x128x7xf32, #tpu.memory_space<vmem>> -> memref<1x128x7xf32, #tpu.memory_space<vmem>>
      %scatter3A_2516 = tpu.memref_squeeze %scatter3A_2515 : memref<1x128x7xf32, #tpu.memory_space<vmem>> -> memref<128x7xf32, #tpu.memory_space<vmem>>
      tpu.vector_store_idx %scatter3A_2516[%add3A_2356, %broadcast_in_dim3A_57], %mul3A_2446 : memref<128x7xf32, #tpu.memory_space<vmem>>[vector<16xi32>, vector<16xi32>], vector<16xf32>,
      %add3A_2517 = arith.constant 96 : i32
      %add3A_2518 = vector.broadcast %add3A_2517 : i32 to vector<16xi32>
      %add3A_2519 = arith.addi %iota3A, %add3A_2518 : vector<16xi32>
      %gather3A_2520 = arith.constant 1 : i32
      %gather3A_2521 = arith.constant 0 : i32
      %gather3A_2522 = arith.constant 0 : i32
      %gather3A_2523 = tpu.memref_slice %arg6[%gather3A_2520, %gather3A_2521, %gather3A_2522] : memref<2x128x128xf32, #tpu.memory_space<vmem>> -> memref<1x128x128xf32, #tpu.memory_space<vmem>>
      %gather3A_2524 = tpu.memref_squeeze %gather3A_2523 : memref<1x128x128xf32, #tpu.memory_space<vmem>> -> memref<128x128xf32, #tpu.memory_space<vmem>>
      %gather3A_2525 = tpu.vector_load_idx %gather3A_2524[%add3A_2519, %broadcast_in_dim3A_31] : memref<128x128xf32, #tpu.memory_space<vmem>>[vector<16xi32>, vector<16xi32>], vector<16xf32>,
      %gather3A_2526 = arith.constant 1 : i32
      %gather3A_2527 = arith.constant 0 : i32
      %gather3A_2528 = arith.constant 0 : i32
      %gather3A_2529 = tpu.memref_slice %arg6[%gather3A_2526, %gather3A_2527, %gather3A_2528] : memref<2x128x128xf32, #tpu.memory_space<vmem>> -> memref<1x128x128xf32, #tpu.memory_space<vmem>>
      %gather3A_2530 = tpu.memref_squeeze %gather3A_2529 : memref<1x128x128xf32, #tpu.memory_space<vmem>> -> memref<128x128xf32, #tpu.memory_space<vmem>>
      %gather3A_2531 = tpu.vector_load_idx %gather3A_2530[%add3A_2519, %broadcast_in_dim3A_33] : memref<128x128xf32, #tpu.memory_space<vmem>>[vector<16xi32>, vector<16xi32>], vector<16xf32>,
      %gather3A_2532 = arith.constant 1 : i32
      %gather3A_2533 = arith.constant 0 : i32
      %gather3A_2534 = arith.constant 0 : i32
      %gather3A_2535 = tpu.memref_slice %arg6[%gather3A_2532, %gather3A_2533, %gather3A_2534] : memref<2x128x128xf32, #tpu.memory_space<vmem>> -> memref<1x128x128xf32, #tpu.memory_space<vmem>>
      %gather3A_2536 = tpu.memref_squeeze %gather3A_2535 : memref<1x128x128xf32, #tpu.memory_space<vmem>> -> memref<128x128xf32, #tpu.memory_space<vmem>>
      %gather3A_2537 = tpu.vector_load_idx %gather3A_2536[%add3A_2519, %broadcast_in_dim3A_35] : memref<128x128xf32, #tpu.memory_space<vmem>>[vector<16xi32>, vector<16xi32>], vector<16xf32>,
      %gather3A_2538 = arith.constant 1 : i32
      %gather3A_2539 = arith.constant 0 : i32
      %gather3A_2540 = arith.constant 0 : i32
      %gather3A_2541 = tpu.memref_slice %arg6[%gather3A_2538, %gather3A_2539, %gather3A_2540] : memref<2x128x128xf32, #tpu.memory_space<vmem>> -> memref<1x128x128xf32, #tpu.memory_space<vmem>>
      %gather3A_2542 = tpu.memref_squeeze %gather3A_2541 : memref<1x128x128xf32, #tpu.memory_space<vmem>> -> memref<128x128xf32, #tpu.memory_space<vmem>>
      %gather3A_2543 = tpu.vector_load_idx %gather3A_2542[%add3A_2519, %broadcast_in_dim3A_37] : memref<128x128xf32, #tpu.memory_space<vmem>>[vector<16xi32>, vector<16xi32>], vector<16xf32>,
      %gather3A_2544 = arith.constant 1 : i32
      %gather3A_2545 = arith.constant 0 : i32
      %gather3A_2546 = arith.constant 0 : i32
      %gather3A_2547 = tpu.memref_slice %arg6[%gather3A_2544, %gather3A_2545, %gather3A_2546] : memref<2x128x128xf32, #tpu.memory_space<vmem>> -> memref<1x128x128xf32, #tpu.memory_space<vmem>>
      %gather3A_2548 = tpu.memref_squeeze %gather3A_2547 : memref<1x128x128xf32, #tpu.memory_space<vmem>> -> memref<128x128xf32, #tpu.memory_space<vmem>>
      %gather3A_2549 = tpu.vector_load_idx %gather3A_2548[%add3A_2519, %broadcast_in_dim3A_39] : memref<128x128xf32, #tpu.memory_space<vmem>>[vector<16xi32>, vector<16xi32>], vector<16xf32>,
      %gather3A_2550 = arith.constant 1 : i32
      %gather3A_2551 = arith.constant 0 : i32
      %gather3A_2552 = arith.constant 0 : i32
      %gather3A_2553 = tpu.memref_slice %arg6[%gather3A_2550, %gather3A_2551, %gather3A_2552] : memref<2x128x128xf32, #tpu.memory_space<vmem>> -> memref<1x128x128xf32, #tpu.memory_space<vmem>>
      %gather3A_2554 = tpu.memref_squeeze %gather3A_2553 : memref<1x128x128xf32, #tpu.memory_space<vmem>> -> memref<128x128xf32, #tpu.memory_space<vmem>>
      %gather3A_2555 = tpu.vector_load_idx %gather3A_2554[%add3A_2519, %broadcast_in_dim3A_41] : memref<128x128xf32, #tpu.memory_space<vmem>>[vector<16xi32>, vector<16xi32>], vector<16xf32>,
      %gather3A_2556 = arith.constant 1 : i32
      %gather3A_2557 = arith.constant 0 : i32
      %gather3A_2558 = arith.constant 0 : i32
      %gather3A_2559 = tpu.memref_slice %arg6[%gather3A_2556, %gather3A_2557, %gather3A_2558] : memref<2x128x128xf32, #tpu.memory_space<vmem>> -> memref<1x128x128xf32, #tpu.memory_space<vmem>>
      %gather3A_2560 = tpu.memref_squeeze %gather3A_2559 : memref<1x128x128xf32, #tpu.memory_space<vmem>> -> memref<128x128xf32, #tpu.memory_space<vmem>>
      %gather3A_2561 = tpu.vector_load_idx %gather3A_2560[%add3A_2519, %broadcast_in_dim3A_43] : memref<128x128xf32, #tpu.memory_space<vmem>>[vector<16xi32>, vector<16xi32>], vector<16xf32>,
      %mul3A_2562 = arith.constant -1.000000e+00 : f32
      %mul3A_2563 = vector.broadcast %mul3A_2562 : f32 to vector<16xf32>
      %mul3A_2564 = arith.mulf %gather3A_2525, %mul3A_2563 : vector<16xf32>
      %exp3A_2565 = math.exp %mul3A_2564 : vector<16xf32>
      %mul3A_2566 = arith.constant 1.000000e+00 : f32
      %mul3A_2567 = vector.broadcast %mul3A_2566 : f32 to vector<16xf32>
      %mul3A_2568 = arith.mulf %gather3A_2531, %mul3A_2567 : vector<16xf32>
      %exp3A_2569 = math.exp %mul3A_2568 : vector<16xf32>
      %mul3A_2570 = arith.constant -1.000000e+00 : f32
      %mul3A_2571 = vector.broadcast %mul3A_2570 : f32 to vector<16xf32>
      %mul3A_2572 = arith.mulf %gather3A_2537, %mul3A_2571 : vector<16xf32>
      %exp3A_2573 = math.exp %mul3A_2572 : vector<16xf32>
      %mul3A_2574 = arith.constant 1.000000e+00 : f32
      %mul3A_2575 = vector.broadcast %mul3A_2574 : f32 to vector<16xf32>
      %mul3A_2576 = arith.mulf %gather3A_2543, %mul3A_2575 : vector<16xf32>
      %exp3A_2577 = math.exp %mul3A_2576 : vector<16xf32>
      %add3A_2578 = arith.addf %exp3A_2565, %exp3A_2569 : vector<16xf32>
      %add3A_2579 = arith.addf %exp3A_2573, %exp3A_2577 : vector<16xf32>
      %add3A_2580 = arith.addf %add3A_2578, %add3A_2579 : vector<16xf32>
      %div3A_2581 = arith.divf %min3A_23, %add3A_2580 : vector<16xf32>
      %neg3A_2582 = arith.constant 0.000000e+00 : f32
      %neg3A_2583 = vector.broadcast %neg3A_2582 : f32 to vector<16xf32>
      %neg3A_2584 = arith.subf %neg3A_2583, %div3A_2581 : vector<16xf32>
      %mul3A_2585 = arith.mulf %exp3A_2565, %neg3A_2584 : vector<16xf32>
      %mul3A_2586 = arith.mulf %exp3A_2569, %div3A_2581 : vector<16xf32>
      %mul3A_2587 = arith.mulf %exp3A_2573, %neg3A_2584 : vector<16xf32>
      %mul3A_2588 = arith.mulf %exp3A_2577, %div3A_2581 : vector<16xf32>
      %mul3A_2589 = arith.constant 1.000000e+00 : f32
      %mul3A_2590 = vector.broadcast %mul3A_2589 : f32 to vector<16xf32>
      %mul3A_2591 = arith.mulf %gather3A_2549, %mul3A_2590 : vector<16xf32>
      %exp3A_2592 = math.exp %mul3A_2591 : vector<16xf32>
      %mul3A_2593 = arith.constant -1.000000e+00 : f32
      %mul3A_2594 = vector.broadcast %mul3A_2593 : f32 to vector<16xf32>
      %mul3A_2595 = arith.mulf %gather3A_2555, %mul3A_2594 : vector<16xf32>
      %exp3A_2596 = math.exp %mul3A_2595 : vector<16xf32>
      %mul3A_2597 = arith.constant 1.000000e+00 : f32
      %mul3A_2598 = vector.broadcast %mul3A_2597 : f32 to vector<16xf32>
      %mul3A_2599 = arith.mulf %gather3A_2561, %mul3A_2598 : vector<16xf32>
      %exp3A_2600 = math.exp %mul3A_2599 : vector<16xf32>
      %add3A_2601 = arith.addf %exp3A_2592, %exp3A_2596 : vector<16xf32>
      %add3A_2602 = arith.addf %add3A_2601, %exp3A_2600 : vector<16xf32>
      %div3A_2603 = arith.divf %min3A_23, %add3A_2602 : vector<16xf32>
      %neg3A_2604 = arith.constant 0.000000e+00 : f32
      %neg3A_2605 = vector.broadcast %neg3A_2604 : f32 to vector<16xf32>
      %neg3A_2606 = arith.subf %neg3A_2605, %div3A_2603 : vector<16xf32>
      %mul3A_2607 = arith.mulf %exp3A_2592, %div3A_2603 : vector<16xf32>
      %mul3A_2608 = arith.mulf %exp3A_2596, %neg3A_2606 : vector<16xf32>
      %mul3A_2609 = arith.mulf %exp3A_2600, %div3A_2603 : vector<16xf32>
      %scatter3A_2610 = arith.constant 1 : i32
      %scatter3A_2611 = arith.constant 0 : i32
      %scatter3A_2612 = arith.constant 0 : i32
      %scatter3A_2613 = tpu.memref_slice %arg7[%scatter3A_2610, %scatter3A_2611, %scatter3A_2612] : memref<2x128x128xf32, #tpu.memory_space<vmem>> -> memref<1x128x128xf32, #tpu.memory_space<vmem>>
      %scatter3A_2614 = tpu.memref_squeeze %scatter3A_2613 : memref<1x128x128xf32, #tpu.memory_space<vmem>> -> memref<128x128xf32, #tpu.memory_space<vmem>>
      tpu.vector_store_idx %scatter3A_2614[%add3A_2519, %broadcast_in_dim3A_31], %mul3A_2585 : memref<128x128xf32, #tpu.memory_space<vmem>>[vector<16xi32>, vector<16xi32>], vector<16xf32>,
      %scatter3A_2615 = arith.constant 1 : i32
      %scatter3A_2616 = arith.constant 0 : i32
      %scatter3A_2617 = arith.constant 0 : i32
      %scatter3A_2618 = tpu.memref_slice %arg8[%scatter3A_2615, %scatter3A_2616, %scatter3A_2617] : memref<2x128x7xf32, #tpu.memory_space<vmem>> -> memref<1x128x7xf32, #tpu.memory_space<vmem>>
      %scatter3A_2619 = tpu.memref_squeeze %scatter3A_2618 : memref<1x128x7xf32, #tpu.memory_space<vmem>> -> memref<128x7xf32, #tpu.memory_space<vmem>>
      tpu.vector_store_idx %scatter3A_2619[%add3A_2519, %broadcast_in_dim3A_45], %mul3A_2585 : memref<128x7xf32, #tpu.memory_space<vmem>>[vector<16xi32>, vector<16xi32>], vector<16xf32>,
      %scatter3A_2620 = arith.constant 1 : i32
      %scatter3A_2621 = arith.constant 0 : i32
      %scatter3A_2622 = arith.constant 0 : i32
      %scatter3A_2623 = tpu.memref_slice %arg7[%scatter3A_2620, %scatter3A_2621, %scatter3A_2622] : memref<2x128x128xf32, #tpu.memory_space<vmem>> -> memref<1x128x128xf32, #tpu.memory_space<vmem>>
      %scatter3A_2624 = tpu.memref_squeeze %scatter3A_2623 : memref<1x128x128xf32, #tpu.memory_space<vmem>> -> memref<128x128xf32, #tpu.memory_space<vmem>>
      tpu.vector_store_idx %scatter3A_2624[%add3A_2519, %broadcast_in_dim3A_33], %mul3A_2586 : memref<128x128xf32, #tpu.memory_space<vmem>>[vector<16xi32>, vector<16xi32>], vector<16xf32>,
      %scatter3A_2625 = arith.constant 1 : i32
      %scatter3A_2626 = arith.constant 0 : i32
      %scatter3A_2627 = arith.constant 0 : i32
      %scatter3A_2628 = tpu.memref_slice %arg8[%scatter3A_2625, %scatter3A_2626, %scatter3A_2627] : memref<2x128x7xf32, #tpu.memory_space<vmem>> -> memref<1x128x7xf32, #tpu.memory_space<vmem>>
      %scatter3A_2629 = tpu.memref_squeeze %scatter3A_2628 : memref<1x128x7xf32, #tpu.memory_space<vmem>> -> memref<128x7xf32, #tpu.memory_space<vmem>>
      tpu.vector_store_idx %scatter3A_2629[%add3A_2519, %broadcast_in_dim3A_47], %mul3A_2586 : memref<128x7xf32, #tpu.memory_space<vmem>>[vector<16xi32>, vector<16xi32>], vector<16xf32>,
      %scatter3A_2630 = arith.constant 1 : i32
      %scatter3A_2631 = arith.constant 0 : i32
      %scatter3A_2632 = arith.constant 0 : i32
      %scatter3A_2633 = tpu.memref_slice %arg7[%scatter3A_2630, %scatter3A_2631, %scatter3A_2632] : memref<2x128x128xf32, #tpu.memory_space<vmem>> -> memref<1x128x128xf32, #tpu.memory_space<vmem>>
      %scatter3A_2634 = tpu.memref_squeeze %scatter3A_2633 : memref<1x128x128xf32, #tpu.memory_space<vmem>> -> memref<128x128xf32, #tpu.memory_space<vmem>>
      tpu.vector_store_idx %scatter3A_2634[%add3A_2519, %broadcast_in_dim3A_35], %mul3A_2587 : memref<128x128xf32, #tpu.memory_space<vmem>>[vector<16xi32>, vector<16xi32>], vector<16xf32>,
      %scatter3A_2635 = arith.constant 1 : i32
      %scatter3A_2636 = arith.constant 0 : i32
      %scatter3A_2637 = arith.constant 0 : i32
      %scatter3A_2638 = tpu.memref_slice %arg8[%scatter3A_2635, %scatter3A_2636, %scatter3A_2637] : memref<2x128x7xf32, #tpu.memory_space<vmem>> -> memref<1x128x7xf32, #tpu.memory_space<vmem>>
      %scatter3A_2639 = tpu.memref_squeeze %scatter3A_2638 : memref<1x128x7xf32, #tpu.memory_space<vmem>> -> memref<128x7xf32, #tpu.memory_space<vmem>>
      tpu.vector_store_idx %scatter3A_2639[%add3A_2519, %broadcast_in_dim3A_49], %mul3A_2587 : memref<128x7xf32, #tpu.memory_space<vmem>>[vector<16xi32>, vector<16xi32>], vector<16xf32>,
      %scatter3A_2640 = arith.constant 1 : i32
      %scatter3A_2641 = arith.constant 0 : i32
      %scatter3A_2642 = arith.constant 0 : i32
      %scatter3A_2643 = tpu.memref_slice %arg7[%scatter3A_2640, %scatter3A_2641, %scatter3A_2642] : memref<2x128x128xf32, #tpu.memory_space<vmem>> -> memref<1x128x128xf32, #tpu.memory_space<vmem>>
      %scatter3A_2644 = tpu.memref_squeeze %scatter3A_2643 : memref<1x128x128xf32, #tpu.memory_space<vmem>> -> memref<128x128xf32, #tpu.memory_space<vmem>>
      tpu.vector_store_idx %scatter3A_2644[%add3A_2519, %broadcast_in_dim3A_37], %mul3A_2588 : memref<128x128xf32, #tpu.memory_space<vmem>>[vector<16xi32>, vector<16xi32>], vector<16xf32>,
      %scatter3A_2645 = arith.constant 1 : i32
      %scatter3A_2646 = arith.constant 0 : i32
      %scatter3A_2647 = arith.constant 0 : i32
      %scatter3A_2648 = tpu.memref_slice %arg8[%scatter3A_2645, %scatter3A_2646, %scatter3A_2647] : memref<2x128x7xf32, #tpu.memory_space<vmem>> -> memref<1x128x7xf32, #tpu.memory_space<vmem>>
      %scatter3A_2649 = tpu.memref_squeeze %scatter3A_2648 : memref<1x128x7xf32, #tpu.memory_space<vmem>> -> memref<128x7xf32, #tpu.memory_space<vmem>>
      tpu.vector_store_idx %scatter3A_2649[%add3A_2519, %broadcast_in_dim3A_51], %mul3A_2588 : memref<128x7xf32, #tpu.memory_space<vmem>>[vector<16xi32>, vector<16xi32>], vector<16xf32>,
      %scatter3A_2650 = arith.constant 1 : i32
      %scatter3A_2651 = arith.constant 0 : i32
      %scatter3A_2652 = arith.constant 0 : i32
      %scatter3A_2653 = tpu.memref_slice %arg7[%scatter3A_2650, %scatter3A_2651, %scatter3A_2652] : memref<2x128x128xf32, #tpu.memory_space<vmem>> -> memref<1x128x128xf32, #tpu.memory_space<vmem>>
      %scatter3A_2654 = tpu.memref_squeeze %scatter3A_2653 : memref<1x128x128xf32, #tpu.memory_space<vmem>> -> memref<128x128xf32, #tpu.memory_space<vmem>>
      tpu.vector_store_idx %scatter3A_2654[%add3A_2519, %broadcast_in_dim3A_39], %mul3A_2607 : memref<128x128xf32, #tpu.memory_space<vmem>>[vector<16xi32>, vector<16xi32>], vector<16xf32>,
      %scatter3A_2655 = arith.constant 1 : i32
      %scatter3A_2656 = arith.constant 0 : i32
      %scatter3A_2657 = arith.constant 0 : i32
      %scatter3A_2658 = tpu.memref_slice %arg8[%scatter3A_2655, %scatter3A_2656, %scatter3A_2657] : memref<2x128x7xf32, #tpu.memory_space<vmem>> -> memref<1x128x7xf32, #tpu.memory_space<vmem>>
      %scatter3A_2659 = tpu.memref_squeeze %scatter3A_2658 : memref<1x128x7xf32, #tpu.memory_space<vmem>> -> memref<128x7xf32, #tpu.memory_space<vmem>>
      tpu.vector_store_idx %scatter3A_2659[%add3A_2519, %broadcast_in_dim3A_53], %mul3A_2607 : memref<128x7xf32, #tpu.memory_space<vmem>>[vector<16xi32>, vector<16xi32>], vector<16xf32>,
      %scatter3A_2660 = arith.constant 1 : i32
      %scatter3A_2661 = arith.constant 0 : i32
      %scatter3A_2662 = arith.constant 0 : i32
      %scatter3A_2663 = tpu.memref_slice %arg7[%scatter3A_2660, %scatter3A_2661, %scatter3A_2662] : memref<2x128x128xf32, #tpu.memory_space<vmem>> -> memref<1x128x128xf32, #tpu.memory_space<vmem>>
      %scatter3A_2664 = tpu.memref_squeeze %scatter3A_2663 : memref<1x128x128xf32, #tpu.memory_space<vmem>> -> memref<128x128xf32, #tpu.memory_space<vmem>>
      tpu.vector_store_idx %scatter3A_2664[%add3A_2519, %broadcast_in_dim3A_41], %mul3A_2608 : memref<128x128xf32, #tpu.memory_space<vmem>>[vector<16xi32>, vector<16xi32>], vector<16xf32>,
      %scatter3A_2665 = arith.constant 1 : i32
      %scatter3A_2666 = arith.constant 0 : i32
      %scatter3A_2667 = arith.constant 0 : i32
      %scatter3A_2668 = tpu.memref_slice %arg8[%scatter3A_2665, %scatter3A_2666, %scatter3A_2667] : memref<2x128x7xf32, #tpu.memory_space<vmem>> -> memref<1x128x7xf32, #tpu.memory_space<vmem>>
      %scatter3A_2669 = tpu.memref_squeeze %scatter3A_2668 : memref<1x128x7xf32, #tpu.memory_space<vmem>> -> memref<128x7xf32, #tpu.memory_space<vmem>>
      tpu.vector_store_idx %scatter3A_2669[%add3A_2519, %broadcast_in_dim3A_55], %mul3A_2608 : memref<128x7xf32, #tpu.memory_space<vmem>>[vector<16xi32>, vector<16xi32>], vector<16xf32>,
      %scatter3A_2670 = arith.constant 1 : i32
      %scatter3A_2671 = arith.constant 0 : i32
      %scatter3A_2672 = arith.constant 0 : i32
      %scatter3A_2673 = tpu.memref_slice %arg7[%scatter3A_2670, %scatter3A_2671, %scatter3A_2672] : memref<2x128x128xf32, #tpu.memory_space<vmem>> -> memref<1x128x128xf32, #tpu.memory_space<vmem>>
      %scatter3A_2674 = tpu.memref_squeeze %scatter3A_2673 : memref<1x128x128xf32, #tpu.memory_space<vmem>> -> memref<128x128xf32, #tpu.memory_space<vmem>>
      tpu.vector_store_idx %scatter3A_2674[%add3A_2519, %broadcast_in_dim3A_43], %mul3A_2609 : memref<128x128xf32, #tpu.memory_space<vmem>>[vector<16xi32>, vector<16xi32>], vector<16xf32>,
      %scatter3A_2675 = arith.constant 1 : i32
      %scatter3A_2676 = arith.constant 0 : i32
      %scatter3A_2677 = arith.constant 0 : i32
      %scatter3A_2678 = tpu.memref_slice %arg8[%scatter3A_2675, %scatter3A_2676, %scatter3A_2677] : memref<2x128x7xf32, #tpu.memory_space<vmem>> -> memref<1x128x7xf32, #tpu.memory_space<vmem>>
      %scatter3A_2679 = tpu.memref_squeeze %scatter3A_2678 : memref<1x128x7xf32, #tpu.memory_space<vmem>> -> memref<128x7xf32, #tpu.memory_space<vmem>>
      tpu.vector_store_idx %scatter3A_2679[%add3A_2519, %broadcast_in_dim3A_57], %mul3A_2609 : memref<128x7xf32, #tpu.memory_space<vmem>>[vector<16xi32>, vector<16xi32>], vector<16xf32>,
      %add3A_2680 = arith.constant 112 : i32
      %add3A_2681 = vector.broadcast %add3A_2680 : i32 to vector<16xi32>
      %add3A_2682 = arith.addi %iota3A, %add3A_2681 : vector<16xi32>
      %gather3A_2683 = arith.constant 1 : i32
      %gather3A_2684 = arith.constant 0 : i32
      %gather3A_2685 = arith.constant 0 : i32
      %gather3A_2686 = tpu.memref_slice %arg6[%gather3A_2683, %gather3A_2684, %gather3A_2685] : memref<2x128x128xf32, #tpu.memory_space<vmem>> -> memref<1x128x128xf32, #tpu.memory_space<vmem>>
      %gather3A_2687 = tpu.memref_squeeze %gather3A_2686 : memref<1x128x128xf32, #tpu.memory_space<vmem>> -> memref<128x128xf32, #tpu.memory_space<vmem>>
      %gather3A_2688 = tpu.vector_load_idx %gather3A_2687[%add3A_2682, %broadcast_in_dim3A_31] : memref<128x128xf32, #tpu.memory_space<vmem>>[vector<16xi32>, vector<16xi32>], vector<16xf32>,
      %gather3A_2689 = arith.constant 1 : i32
      %gather3A_2690 = arith.constant 0 : i32
      %gather3A_2691 = arith.constant 0 : i32
      %gather3A_2692 = tpu.memref_slice %arg6[%gather3A_2689, %gather3A_2690, %gather3A_2691] : memref<2x128x128xf32, #tpu.memory_space<vmem>> -> memref<1x128x128xf32, #tpu.memory_space<vmem>>
      %gather3A_2693 = tpu.memref_squeeze %gather3A_2692 : memref<1x128x128xf32, #tpu.memory_space<vmem>> -> memref<128x128xf32, #tpu.memory_space<vmem>>
      %gather3A_2694 = tpu.vector_load_idx %gather3A_2693[%add3A_2682, %broadcast_in_dim3A_33] : memref<128x128xf32, #tpu.memory_space<vmem>>[vector<16xi32>, vector<16xi32>], vector<16xf32>,
      %gather3A_2695 = arith.constant 1 : i32
      %gather3A_2696 = arith.constant 0 : i32
      %gather3A_2697 = arith.constant 0 : i32
      %gather3A_2698 = tpu.memref_slice %arg6[%gather3A_2695, %gather3A_2696, %gather3A_2697] : memref<2x128x128xf32, #tpu.memory_space<vmem>> -> memref<1x128x128xf32, #tpu.memory_space<vmem>>
      %gather3A_2699 = tpu.memref_squeeze %gather3A_2698 : memref<1x128x128xf32, #tpu.memory_space<vmem>> -> memref<128x128xf32, #tpu.memory_space<vmem>>
      %gather3A_2700 = tpu.vector_load_idx %gather3A_2699[%add3A_2682, %broadcast_in_dim3A_35] : memref<128x128xf32, #tpu.memory_space<vmem>>[vector<16xi32>, vector<16xi32>], vector<16xf32>,
      %gather3A_2701 = arith.constant 1 : i32
      %gather3A_2702 = arith.constant 0 : i32
      %gather3A_2703 = arith.constant 0 : i32
      %gather3A_2704 = tpu.memref_slice %arg6[%gather3A_2701, %gather3A_2702, %gather3A_2703] : memref<2x128x128xf32, #tpu.memory_space<vmem>> -> memref<1x128x128xf32, #tpu.memory_space<vmem>>
      %gather3A_2705 = tpu.memref_squeeze %gather3A_2704 : memref<1x128x128xf32, #tpu.memory_space<vmem>> -> memref<128x128xf32, #tpu.memory_space<vmem>>
      %gather3A_2706 = tpu.vector_load_idx %gather3A_2705[%add3A_2682, %broadcast_in_dim3A_37] : memref<128x128xf32, #tpu.memory_space<vmem>>[vector<16xi32>, vector<16xi32>], vector<16xf32>,
      %gather3A_2707 = arith.constant 1 : i32
      %gather3A_2708 = arith.constant 0 : i32
      %gather3A_2709 = arith.constant 0 : i32
      %gather3A_2710 = tpu.memref_slice %arg6[%gather3A_2707, %gather3A_2708, %gather3A_2709] : memref<2x128x128xf32, #tpu.memory_space<vmem>> -> memref<1x128x128xf32, #tpu.memory_space<vmem>>
      %gather3A_2711 = tpu.memref_squeeze %gather3A_2710 : memref<1x128x128xf32, #tpu.memory_space<vmem>> -> memref<128x128xf32, #tpu.memory_space<vmem>>
      %gather3A_2712 = tpu.vector_load_idx %gather3A_2711[%add3A_2682, %broadcast_in_dim3A_39] : memref<128x128xf32, #tpu.memory_space<vmem>>[vector<16xi32>, vector<16xi32>], vector<16xf32>,
      %gather3A_2713 = arith.constant 1 : i32
      %gather3A_2714 = arith.constant 0 : i32
      %gather3A_2715 = arith.constant 0 : i32
      %gather3A_2716 = tpu.memref_slice %arg6[%gather3A_2713, %gather3A_2714, %gather3A_2715] : memref<2x128x128xf32, #tpu.memory_space<vmem>> -> memref<1x128x128xf32, #tpu.memory_space<vmem>>
      %gather3A_2717 = tpu.memref_squeeze %gather3A_2716 : memref<1x128x128xf32, #tpu.memory_space<vmem>> -> memref<128x128xf32, #tpu.memory_space<vmem>>
      %gather3A_2718 = tpu.vector_load_idx %gather3A_2717[%add3A_2682, %broadcast_in_dim3A_41] : memref<128x128xf32, #tpu.memory_space<vmem>>[vector<16xi32>, vector<16xi32>], vector<16xf32>,
      %gather3A_2719 = arith.constant 1 : i32
      %gather3A_2720 = arith.constant 0 : i32
      %gather3A_2721 = arith.constant 0 : i32
      %gather3A_2722 = tpu.memref_slice %arg6[%gather3A_2719, %gather3A_2720, %gather3A_2721] : memref<2x128x128xf32, #tpu.memory_space<vmem>> -> memref<1x128x128xf32, #tpu.memory_space<vmem>>
      %gather3A_2723 = tpu.memref_squeeze %gather3A_2722 : memref<1x128x128xf32, #tpu.memory_space<vmem>> -> memref<128x128xf32, #tpu.memory_space<vmem>>
      %gather3A_2724 = tpu.vector_load_idx %gather3A_2723[%add3A_2682, %broadcast_in_dim3A_43] : memref<128x128xf32, #tpu.memory_space<vmem>>[vector<16xi32>, vector<16xi32>], vector<16xf32>,
      %mul3A_2725 = arith.constant -1.000000e+00 : f32
      %mul3A_2726 = vector.broadcast %mul3A_2725 : f32 to vector<16xf32>
      %mul3A_2727 = arith.mulf %gather3A_2688, %mul3A_2726 : vector<16xf32>
      %exp3A_2728 = math.exp %mul3A_2727 : vector<16xf32>
      %mul3A_2729 = arith.constant 1.000000e+00 : f32
      %mul3A_2730 = vector.broadcast %mul3A_2729 : f32 to vector<16xf32>
      %mul3A_2731 = arith.mulf %gather3A_2694, %mul3A_2730 : vector<16xf32>
      %exp3A_2732 = math.exp %mul3A_2731 : vector<16xf32>
      %mul3A_2733 = arith.constant -1.000000e+00 : f32
      %mul3A_2734 = vector.broadcast %mul3A_2733 : f32 to vector<16xf32>
      %mul3A_2735 = arith.mulf %gather3A_2700, %mul3A_2734 : vector<16xf32>
      %exp3A_2736 = math.exp %mul3A_2735 : vector<16xf32>
      %mul3A_2737 = arith.constant 1.000000e+00 : f32
      %mul3A_2738 = vector.broadcast %mul3A_2737 : f32 to vector<16xf32>
      %mul3A_2739 = arith.mulf %gather3A_2706, %mul3A_2738 : vector<16xf32>
      %exp3A_2740 = math.exp %mul3A_2739 : vector<16xf32>
      %add3A_2741 = arith.addf %exp3A_2728, %exp3A_2732 : vector<16xf32>
      %add3A_2742 = arith.addf %exp3A_2736, %exp3A_2740 : vector<16xf32>
      %add3A_2743 = arith.addf %add3A_2741, %add3A_2742 : vector<16xf32>
      %div3A_2744 = arith.divf %min3A_23, %add3A_2743 : vector<16xf32>
      %neg3A_2745 = arith.constant 0.000000e+00 : f32
      %neg3A_2746 = vector.broadcast %neg3A_2745 : f32 to vector<16xf32>
      %neg3A_2747 = arith.subf %neg3A_2746, %div3A_2744 : vector<16xf32>
      %mul3A_2748 = arith.mulf %exp3A_2728, %neg3A_2747 : vector<16xf32>
      %mul3A_2749 = arith.mulf %exp3A_2732, %div3A_2744 : vector<16xf32>
      %mul3A_2750 = arith.mulf %exp3A_2736, %neg3A_2747 : vector<16xf32>
      %mul3A_2751 = arith.mulf %exp3A_2740, %div3A_2744 : vector<16xf32>
      %mul3A_2752 = arith.constant 1.000000e+00 : f32
      %mul3A_2753 = vector.broadcast %mul3A_2752 : f32 to vector<16xf32>
      %mul3A_2754 = arith.mulf %gather3A_2712, %mul3A_2753 : vector<16xf32>
      %exp3A_2755 = math.exp %mul3A_2754 : vector<16xf32>
      %mul3A_2756 = arith.constant -1.000000e+00 : f32
      %mul3A_2757 = vector.broadcast %mul3A_2756 : f32 to vector<16xf32>
      %mul3A_2758 = arith.mulf %gather3A_2718, %mul3A_2757 : vector<16xf32>
      %exp3A_2759 = math.exp %mul3A_2758 : vector<16xf32>
      %mul3A_2760 = arith.constant 1.000000e+00 : f32
      %mul3A_2761 = vector.broadcast %mul3A_2760 : f32 to vector<16xf32>
      %mul3A_2762 = arith.mulf %gather3A_2724, %mul3A_2761 : vector<16xf32>
      %exp3A_2763 = math.exp %mul3A_2762 : vector<16xf32>
      %add3A_2764 = arith.addf %exp3A_2755, %exp3A_2759 : vector<16xf32>
      %add3A_2765 = arith.addf %add3A_2764, %exp3A_2763 : vector<16xf32>
      %div3A_2766 = arith.divf %min3A_23, %add3A_2765 : vector<16xf32>
      %neg3A_2767 = arith.constant 0.000000e+00 : f32
      %neg3A_2768 = vector.broadcast %neg3A_2767 : f32 to vector<16xf32>
      %neg3A_2769 = arith.subf %neg3A_2768, %div3A_2766 : vector<16xf32>
      %mul3A_2770 = arith.mulf %exp3A_2755, %div3A_2766 : vector<16xf32>
      %mul3A_2771 = arith.mulf %exp3A_2759, %neg3A_2769 : vector<16xf32>
      %mul3A_2772 = arith.mulf %exp3A_2763, %div3A_2766 : vector<16xf32>
      %scatter3A_2773 = arith.constant 1 : i32
      %scatter3A_2774 = arith.constant 0 : i32
      %scatter3A_2775 = arith.constant 0 : i32
      %scatter3A_2776 = tpu.memref_slice %arg7[%scatter3A_2773, %scatter3A_2774, %scatter3A_2775] : memref<2x128x128xf32, #tpu.memory_space<vmem>> -> memref<1x128x128xf32, #tpu.memory_space<vmem>>
      %scatter3A_2777 = tpu.memref_squeeze %scatter3A_2776 : memref<1x128x128xf32, #tpu.memory_space<vmem>> -> memref<128x128xf32, #tpu.memory_space<vmem>>
      tpu.vector_store_idx %scatter3A_2777[%add3A_2682, %broadcast_in_dim3A_31], %mul3A_2748 : memref<128x128xf32, #tpu.memory_space<vmem>>[vector<16xi32>, vector<16xi32>], vector<16xf32>,
      %scatter3A_2778 = arith.constant 1 : i32
      %scatter3A_2779 = arith.constant 0 : i32
      %scatter3A_2780 = arith.constant 0 : i32
      %scatter3A_2781 = tpu.memref_slice %arg8[%scatter3A_2778, %scatter3A_2779, %scatter3A_2780] : memref<2x128x7xf32, #tpu.memory_space<vmem>> -> memref<1x128x7xf32, #tpu.memory_space<vmem>>
      %scatter3A_2782 = tpu.memref_squeeze %scatter3A_2781 : memref<1x128x7xf32, #tpu.memory_space<vmem>> -> memref<128x7xf32, #tpu.memory_space<vmem>>
      tpu.vector_store_idx %scatter3A_2782[%add3A_2682, %broadcast_in_dim3A_45], %mul3A_2748 : memref<128x7xf32, #tpu.memory_space<vmem>>[vector<16xi32>, vector<16xi32>], vector<16xf32>,
      %scatter3A_2783 = arith.constant 1 : i32
      %scatter3A_2784 = arith.constant 0 : i32
      %scatter3A_2785 = arith.constant 0 : i32
      %scatter3A_2786 = tpu.memref_slice %arg7[%scatter3A_2783, %scatter3A_2784, %scatter3A_2785] : memref<2x128x128xf32, #tpu.memory_space<vmem>> -> memref<1x128x128xf32, #tpu.memory_space<vmem>>
      %scatter3A_2787 = tpu.memref_squeeze %scatter3A_2786 : memref<1x128x128xf32, #tpu.memory_space<vmem>> -> memref<128x128xf32, #tpu.memory_space<vmem>>
      tpu.vector_store_idx %scatter3A_2787[%add3A_2682, %broadcast_in_dim3A_33], %mul3A_2749 : memref<128x128xf32, #tpu.memory_space<vmem>>[vector<16xi32>, vector<16xi32>], vector<16xf32>,
      %scatter3A_2788 = arith.constant 1 : i32
      %scatter3A_2789 = arith.constant 0 : i32
      %scatter3A_2790 = arith.constant 0 : i32
      %scatter3A_2791 = tpu.memref_slice %arg8[%scatter3A_2788, %scatter3A_2789, %scatter3A_2790] : memref<2x128x7xf32, #tpu.memory_space<vmem>> -> memref<1x128x7xf32, #tpu.memory_space<vmem>>
      %scatter3A_2792 = tpu.memref_squeeze %scatter3A_2791 : memref<1x128x7xf32, #tpu.memory_space<vmem>> -> memref<128x7xf32, #tpu.memory_space<vmem>>
      tpu.vector_store_idx %scatter3A_2792[%add3A_2682, %broadcast_in_dim3A_47], %mul3A_2749 : memref<128x7xf32, #tpu.memory_space<vmem>>[vector<16xi32>, vector<16xi32>], vector<16xf32>,
      %scatter3A_2793 = arith.constant 1 : i32
      %scatter3A_2794 = arith.constant 0 : i32
      %scatter3A_2795 = arith.constant 0 : i32
      %scatter3A_2796 = tpu.memref_slice %arg7[%scatter3A_2793, %scatter3A_2794, %scatter3A_2795] : memref<2x128x128xf32, #tpu.memory_space<vmem>> -> memref<1x128x128xf32, #tpu.memory_space<vmem>>
      %scatter3A_2797 = tpu.memref_squeeze %scatter3A_2796 : memref<1x128x128xf32, #tpu.memory_space<vmem>> -> memref<128x128xf32, #tpu.memory_space<vmem>>
      tpu.vector_store_idx %scatter3A_2797[%add3A_2682, %broadcast_in_dim3A_35], %mul3A_2750 : memref<128x128xf32, #tpu.memory_space<vmem>>[vector<16xi32>, vector<16xi32>], vector<16xf32>,
      %scatter3A_2798 = arith.constant 1 : i32
      %scatter3A_2799 = arith.constant 0 : i32
      %scatter3A_2800 = arith.constant 0 : i32
      %scatter3A_2801 = tpu.memref_slice %arg8[%scatter3A_2798, %scatter3A_2799, %scatter3A_2800] : memref<2x128x7xf32, #tpu.memory_space<vmem>> -> memref<1x128x7xf32, #tpu.memory_space<vmem>>
      %scatter3A_2802 = tpu.memref_squeeze %scatter3A_2801 : memref<1x128x7xf32, #tpu.memory_space<vmem>> -> memref<128x7xf32, #tpu.memory_space<vmem>>
      tpu.vector_store_idx %scatter3A_2802[%add3A_2682, %broadcast_in_dim3A_49], %mul3A_2750 : memref<128x7xf32, #tpu.memory_space<vmem>>[vector<16xi32>, vector<16xi32>], vector<16xf32>,
      %scatter3A_2803 = arith.constant 1 : i32
      %scatter3A_2804 = arith.constant 0 : i32
      %scatter3A_2805 = arith.constant 0 : i32
      %scatter3A_2806 = tpu.memref_slice %arg7[%scatter3A_2803, %scatter3A_2804, %scatter3A_2805] : memref<2x128x128xf32, #tpu.memory_space<vmem>> -> memref<1x128x128xf32, #tpu.memory_space<vmem>>
      %scatter3A_2807 = tpu.memref_squeeze %scatter3A_2806 : memref<1x128x128xf32, #tpu.memory_space<vmem>> -> memref<128x128xf32, #tpu.memory_space<vmem>>
      tpu.vector_store_idx %scatter3A_2807[%add3A_2682, %broadcast_in_dim3A_37], %mul3A_2751 : memref<128x128xf32, #tpu.memory_space<vmem>>[vector<16xi32>, vector<16xi32>], vector<16xf32>,
      %scatter3A_2808 = arith.constant 1 : i32
      %scatter3A_2809 = arith.constant 0 : i32
      %scatter3A_2810 = arith.constant 0 : i32
      %scatter3A_2811 = tpu.memref_slice %arg8[%scatter3A_2808, %scatter3A_2809, %scatter3A_2810] : memref<2x128x7xf32, #tpu.memory_space<vmem>> -> memref<1x128x7xf32, #tpu.memory_space<vmem>>
      %scatter3A_2812 = tpu.memref_squeeze %scatter3A_2811 : memref<1x128x7xf32, #tpu.memory_space<vmem>> -> memref<128x7xf32, #tpu.memory_space<vmem>>
      tpu.vector_store_idx %scatter3A_2812[%add3A_2682, %broadcast_in_dim3A_51], %mul3A_2751 : memref<128x7xf32, #tpu.memory_space<vmem>>[vector<16xi32>, vector<16xi32>], vector<16xf32>,
      %scatter3A_2813 = arith.constant 1 : i32
      %scatter3A_2814 = arith.constant 0 : i32
      %scatter3A_2815 = arith.constant 0 : i32
      %scatter3A_2816 = tpu.memref_slice %arg7[%scatter3A_2813, %scatter3A_2814, %scatter3A_2815] : memref<2x128x128xf32, #tpu.memory_space<vmem>> -> memref<1x128x128xf32, #tpu.memory_space<vmem>>
      %scatter3A_2817 = tpu.memref_squeeze %scatter3A_2816 : memref<1x128x128xf32, #tpu.memory_space<vmem>> -> memref<128x128xf32, #tpu.memory_space<vmem>>
      tpu.vector_store_idx %scatter3A_2817[%add3A_2682, %broadcast_in_dim3A_39], %mul3A_2770 : memref<128x128xf32, #tpu.memory_space<vmem>>[vector<16xi32>, vector<16xi32>], vector<16xf32>,
      %scatter3A_2818 = arith.constant 1 : i32
      %scatter3A_2819 = arith.constant 0 : i32
      %scatter3A_2820 = arith.constant 0 : i32
      %scatter3A_2821 = tpu.memref_slice %arg8[%scatter3A_2818, %scatter3A_2819, %scatter3A_2820] : memref<2x128x7xf32, #tpu.memory_space<vmem>> -> memref<1x128x7xf32, #tpu.memory_space<vmem>>
      %scatter3A_2822 = tpu.memref_squeeze %scatter3A_2821 : memref<1x128x7xf32, #tpu.memory_space<vmem>> -> memref<128x7xf32, #tpu.memory_space<vmem>>
      tpu.vector_store_idx %scatter3A_2822[%add3A_2682, %broadcast_in_dim3A_53], %mul3A_2770 : memref<128x7xf32, #tpu.memory_space<vmem>>[vector<16xi32>, vector<16xi32>], vector<16xf32>,
      %scatter3A_2823 = arith.constant 1 : i32
      %scatter3A_2824 = arith.constant 0 : i32
      %scatter3A_2825 = arith.constant 0 : i32
      %scatter3A_2826 = tpu.memref_slice %arg7[%scatter3A_2823, %scatter3A_2824, %scatter3A_2825] : memref<2x128x128xf32, #tpu.memory_space<vmem>> -> memref<1x128x128xf32, #tpu.memory_space<vmem>>
      %scatter3A_2827 = tpu.memref_squeeze %scatter3A_2826 : memref<1x128x128xf32, #tpu.memory_space<vmem>> -> memref<128x128xf32, #tpu.memory_space<vmem>>
      tpu.vector_store_idx %scatter3A_2827[%add3A_2682, %broadcast_in_dim3A_41], %mul3A_2771 : memref<128x128xf32, #tpu.memory_space<vmem>>[vector<16xi32>, vector<16xi32>], vector<16xf32>,
      %scatter3A_2828 = arith.constant 1 : i32
      %scatter3A_2829 = arith.constant 0 : i32
      %scatter3A_2830 = arith.constant 0 : i32
      %scatter3A_2831 = tpu.memref_slice %arg8[%scatter3A_2828, %scatter3A_2829, %scatter3A_2830] : memref<2x128x7xf32, #tpu.memory_space<vmem>> -> memref<1x128x7xf32, #tpu.memory_space<vmem>>
      %scatter3A_2832 = tpu.memref_squeeze %scatter3A_2831 : memref<1x128x7xf32, #tpu.memory_space<vmem>> -> memref<128x7xf32, #tpu.memory_space<vmem>>
      tpu.vector_store_idx %scatter3A_2832[%add3A_2682, %broadcast_in_dim3A_55], %mul3A_2771 : memref<128x7xf32, #tpu.memory_space<vmem>>[vector<16xi32>, vector<16xi32>], vector<16xf32>,
      %scatter3A_2833 = arith.constant 1 : i32
      %scatter3A_2834 = arith.constant 0 : i32
      %scatter3A_2835 = arith.constant 0 : i32
      %scatter3A_2836 = tpu.memref_slice %arg7[%scatter3A_2833, %scatter3A_2834, %scatter3A_2835] : memref<2x128x128xf32, #tpu.memory_space<vmem>> -> memref<1x128x128xf32, #tpu.memory_space<vmem>>
      %scatter3A_2837 = tpu.memref_squeeze %scatter3A_2836 : memref<1x128x128xf32, #tpu.memory_space<vmem>> -> memref<128x128xf32, #tpu.memory_space<vmem>>
      tpu.vector_store_idx %scatter3A_2837[%add3A_2682, %broadcast_in_dim3A_43], %mul3A_2772 : memref<128x128xf32, #tpu.memory_space<vmem>>[vector<16xi32>, vector<16xi32>], vector<16xf32>,
      %scatter3A_2838 = arith.constant 1 : i32
      %scatter3A_2839 = arith.constant 0 : i32
      %scatter3A_2840 = arith.constant 0 : i32
      %scatter3A_2841 = tpu.memref_slice %arg8[%scatter3A_2838, %scatter3A_2839, %scatter3A_2840] : memref<2x128x7xf32, #tpu.memory_space<vmem>> -> memref<1x128x7xf32, #tpu.memory_space<vmem>>
      %scatter3A_2842 = tpu.memref_squeeze %scatter3A_2841 : memref<1x128x7xf32, #tpu.memory_space<vmem>> -> memref<128x7xf32, #tpu.memory_space<vmem>>
      tpu.vector_store_idx %scatter3A_2842[%add3A_2682, %broadcast_in_dim3A_57], %mul3A_2772 : memref<128x7xf32, #tpu.memory_space<vmem>>[vector<16xi32>, vector<16xi32>], vector<16xf32>,
      %mul3A_2843 = arith.constant 128 : i32
      %mul3A_2844 = arith.muli %add3A_1507, %mul3A_2843 : i32
      %add3A_2845 = arith.addi %mul3A_2, %mul3A_2844 : i32
      %dma_start3A_2846 = arith.constant 1 : i32
      %dma_start3A_2847 = arith.constant 1 : i32
      %dma_start3A_2848 = arith.constant 0 : i32
      %dma_start3A_2849 = arith.constant 0 : i32
      %dma_start3A_2850 = tpu.memref_slice %arg7[%dma_start3A_2846, %dma_start3A_2848, %dma_start3A_2849] : memref<2x128x128xf32, #tpu.memory_space<vmem>> -> memref<1x128x128xf32, #tpu.memory_space<vmem>>
      %dma_start3A_2851 = tpu.memref_squeeze %dma_start3A_2850 : memref<1x128x128xf32, #tpu.memory_space<vmem>> -> memref<128x128xf32, #tpu.memory_space<vmem>>
      %dma_start3A_2852 = arith.constant 0 : i32
      %dma_start3A_2853 = tpu.memref_slice %arg4[%add3A_2845, %dma_start3A_2852] : memref<65536x128xf32, #tpu.memory_space<hbm>> -> memref<128x128xf32, #tpu.memory_space<hbm>>
      %dma_start3A_2854 = tpu.memref_slice %arg11[%dma_start3A_2847] : memref<2x!tpu.dma_semaphore, #tpu.memory_space<semaphore_mem>> -> memref<1x!tpu.dma_semaphore, #tpu.memory_space<semaphore_mem>>
      %dma_start3A_2855 = tpu.memref_squeeze %dma_start3A_2854 : memref<1x!tpu.dma_semaphore, #tpu.memory_space<semaphore_mem>> -> memref<!tpu.dma_semaphore, #tpu.memory_space<semaphore_mem>>
      %dma_start3A_2856 = arith.constant 0 : i32
      %dma_start3A_2857 = tpu.memref_slice %arg4[%add3A_2845, %dma_start3A_2856] : memref<65536x128xf32, #tpu.memory_space<hbm>> -> memref<128x128xf32, #tpu.memory_space<hbm>>
      %dma_start3A_2858 = arith.constant 0 : i32
      %dma_start3A_2859 = arith.constant 0 : i32
      %dma_start3A_2860 = tpu.memref_slice %arg7[%dma_start3A_2846, %dma_start3A_2858, %dma_start3A_2859] : memref<2x128x128xf32, #tpu.memory_space<vmem>> -> memref<1x128x128xf32, #tpu.memory_space<vmem>>
      %dma_start3A_2861 = tpu.memref_squeeze %dma_start3A_2860 : memref<1x128x128xf32, #tpu.memory_space<vmem>> -> memref<128x128xf32, #tpu.memory_space<vmem>>
      tpu.enqueue_dma source(%dma_start3A_2861 : memref<128x128xf32, #tpu.memory_space<vmem>>) target(%dma_start3A_2857 : memref<128x128xf32, #tpu.memory_space<hbm>>) target_semaphore(%dma_start3A_2855 : memref<!tpu.dma_semaphore, #tpu.memory_space<semaphore_mem>>)
      %mul3A_2862 = arith.constant 128 : i32
      %mul3A_2863 = arith.muli %add3A_1507, %mul3A_2862 : i32
      %add3A_2864 = arith.addi %mul3A_2, %mul3A_2863 : i32
      %dma_start3A_2865 = arith.constant 1 : i32
      %dma_start3A_2866 = arith.constant 1 : i32
      %dma_start3A_2867 = arith.constant 0 : i32
      %dma_start3A_2868 = arith.constant 0 : i32
      %dma_start3A_2869 = tpu.memref_slice %arg8[%dma_start3A_2865, %dma_start3A_2867, %dma_start3A_2868] : memref<2x128x7xf32, #tpu.memory_space<vmem>> -> memref<1x128x7xf32, #tpu.memory_space<vmem>>
      %dma_start3A_2870 = tpu.memref_squeeze %dma_start3A_2869 : memref<1x128x7xf32, #tpu.memory_space<vmem>> -> memref<128x7xf32, #tpu.memory_space<vmem>>
      %dma_start3A_2871 = arith.constant 0 : i32
      %dma_start3A_2872 = tpu.memref_slice %arg5[%add3A_2864, %dma_start3A_2871] : memref<65536x7xf32, #tpu.memory_space<hbm>> -> memref<128x7xf32, #tpu.memory_space<hbm>>
      %dma_start3A_2873 = tpu.memref_slice %arg12[%dma_start3A_2866] : memref<2x!tpu.dma_semaphore, #tpu.memory_space<semaphore_mem>> -> memref<1x!tpu.dma_semaphore, #tpu.memory_space<semaphore_mem>>
      %dma_start3A_2874 = tpu.memref_squeeze %dma_start3A_2873 : memref<1x!tpu.dma_semaphore, #tpu.memory_space<semaphore_mem>> -> memref<!tpu.dma_semaphore, #tpu.memory_space<semaphore_mem>>
      %dma_start3A_2875 = arith.constant 0 : i32
      %dma_start3A_2876 = tpu.memref_slice %arg5[%add3A_2864, %dma_start3A_2875] : memref<65536x7xf32, #tpu.memory_space<hbm>> -> memref<128x7xf32, #tpu.memory_space<hbm>>
      %dma_start3A_2877 = arith.constant 0 : i32
      %dma_start3A_2878 = arith.constant 0 : i32
      %dma_start3A_2879 = tpu.memref_slice %arg8[%dma_start3A_2865, %dma_start3A_2877, %dma_start3A_2878] : memref<2x128x7xf32, #tpu.memory_space<vmem>> -> memref<1x128x7xf32, #tpu.memory_space<vmem>>
      %dma_start3A_2880 = tpu.memref_squeeze %dma_start3A_2879 : memref<1x128x7xf32, #tpu.memory_space<vmem>> -> memref<128x7xf32, #tpu.memory_space<vmem>>
      tpu.enqueue_dma source(%dma_start3A_2880 : memref<128x7xf32, #tpu.memory_space<vmem>>) target(%dma_start3A_2876 : memref<128x7xf32, #tpu.memory_space<hbm>>) target_semaphore(%dma_start3A_2874 : memref<!tpu.dma_semaphore, #tpu.memory_space<semaphore_mem>>)
    }
    %scan3A_63 = arith.constant 8 : i32
    %add3A_64 = arith.constant 1792 : i32
    %add3A_65 = arith.addi %mul3A_2, %add3A_64 : i32
    %dma_wait3A = arith.constant 0 : i32
    %dma_wait3A_66 = arith.constant 0 : i32
    %dma_wait3A_67 = arith.constant 0 : i32
    %dma_wait3A_68 = arith.constant 0 : i32
    %dma_wait3A_69 = tpu.memref_slice %arg7[%dma_wait3A, %dma_wait3A_67, %dma_wait3A_68] : memref<2x128x128xf32, #tpu.memory_space<vmem>> -> memref<1x128x128xf32, #tpu.memory_space<vmem>>
    %dma_wait3A_70 = tpu.memref_squeeze %dma_wait3A_69 : memref<1x128x128xf32, #tpu.memory_space<vmem>> -> memref<128x128xf32, #tpu.memory_space<vmem>>
    %dma_wait3A_71 = arith.constant 0 : i32
    %dma_wait3A_72 = tpu.memref_slice %arg4[%add3A_65, %dma_wait3A_71] : memref<65536x128xf32, #tpu.memory_space<hbm>> -> memref<128x128xf32, #tpu.memory_space<hbm>>
    %dma_wait3A_73 = tpu.memref_slice %arg11[%dma_wait3A_66] : memref<2x!tpu.dma_semaphore, #tpu.memory_space<semaphore_mem>> -> memref<1x!tpu.dma_semaphore, #tpu.memory_space<semaphore_mem>>
    %dma_wait3A_74 = tpu.memref_squeeze %dma_wait3A_73 : memref<1x!tpu.dma_semaphore, #tpu.memory_space<semaphore_mem>> -> memref<!tpu.dma_semaphore, #tpu.memory_space<semaphore_mem>>
    %dma_wait3A_75 = arith.constant 0 : i32
    %dma_wait3A_76 = tpu.memref_slice %arg4[%add3A_65, %dma_wait3A_75] : memref<65536x128xf32, #tpu.memory_space<hbm>> -> memref<128x128xf32, #tpu.memory_space<hbm>>
    %dma_wait3A_77 = arith.constant 0 : i32
    %dma_wait3A_78 = arith.constant 0 : i32
    %dma_wait3A_79 = tpu.memref_slice %arg7[%dma_wait3A, %dma_wait3A_77, %dma_wait3A_78] : memref<2x128x128xf32, #tpu.memory_space<vmem>> -> memref<1x128x128xf32, #tpu.memory_space<vmem>>
    %dma_wait3A_80 = tpu.memref_squeeze %dma_wait3A_79 : memref<1x128x128xf32, #tpu.memory_space<vmem>> -> memref<128x128xf32, #tpu.memory_space<vmem>>
    tpu.wait_dma2 semaphore(%dma_wait3A_74 : memref<!tpu.dma_semaphore, #tpu.memory_space<semaphore_mem>>) src(%dma_wait3A_80 : memref<128x128xf32, #tpu.memory_space<vmem>>) dst(%dma_wait3A_76 : memref<128x128xf32, #tpu.memory_space<hbm>>)
    %add3A_81 = arith.constant 1792 : i32
    %add3A_82 = arith.addi %mul3A_2, %add3A_81 : i32
    %dma_wait3A_83 = arith.constant 0 : i32
    %dma_wait3A_84 = arith.constant 0 : i32
    %dma_wait3A_85 = arith.constant 0 : i32
    %dma_wait3A_86 = arith.constant 0 : i32
    %dma_wait3A_87 = tpu.memref_slice %arg8[%dma_wait3A_83, %dma_wait3A_85, %dma_wait3A_86] : memref<2x128x7xf32, #tpu.memory_space<vmem>> -> memref<1x128x7xf32, #tpu.memory_space<vmem>>
    %dma_wait3A_88 = tpu.memref_squeeze %dma_wait3A_87 : memref<1x128x7xf32, #tpu.memory_space<vmem>> -> memref<128x7xf32, #tpu.memory_space<vmem>>
    %dma_wait3A_89 = arith.constant 0 : i32
    %dma_wait3A_90 = tpu.memref_slice %arg5[%add3A_82, %dma_wait3A_89] : memref<65536x7xf32, #tpu.memory_space<hbm>> -> memref<128x7xf32, #tpu.memory_space<hbm>>
    %dma_wait3A_91 = tpu.memref_slice %arg12[%dma_wait3A_84] : memref<2x!tpu.dma_semaphore, #tpu.memory_space<semaphore_mem>> -> memref<1x!tpu.dma_semaphore, #tpu.memory_space<semaphore_mem>>
    %dma_wait3A_92 = tpu.memref_squeeze %dma_wait3A_91 : memref<1x!tpu.dma_semaphore, #tpu.memory_space<semaphore_mem>> -> memref<!tpu.dma_semaphore, #tpu.memory_space<semaphore_mem>>
    %dma_wait3A_93 = arith.constant 0 : i32
    %dma_wait3A_94 = tpu.memref_slice %arg5[%add3A_82, %dma_wait3A_93] : memref<65536x7xf32, #tpu.memory_space<hbm>> -> memref<128x7xf32, #tpu.memory_space<hbm>>
    %dma_wait3A_95 = arith.constant 0 : i32
    %dma_wait3A_96 = arith.constant 0 : i32
    %dma_wait3A_97 = tpu.memref_slice %arg8[%dma_wait3A_83, %dma_wait3A_95, %dma_wait3A_96] : memref<2x128x7xf32, #tpu.memory_space<vmem>> -> memref<1x128x7xf32, #tpu.memory_space<vmem>>
    %dma_wait3A_98 = tpu.memref_squeeze %dma_wait3A_97 : memref<1x128x7xf32, #tpu.memory_space<vmem>> -> memref<128x7xf32, #tpu.memory_space<vmem>>
    tpu.wait_dma2 semaphore(%dma_wait3A_92 : memref<!tpu.dma_semaphore, #tpu.memory_space<semaphore_mem>>) src(%dma_wait3A_98 : memref<128x7xf32, #tpu.memory_space<vmem>>) dst(%dma_wait3A_94 : memref<128x7xf32, #tpu.memory_space<hbm>>)
    %add3A_99 = arith.constant 1920 : i32
    %add3A_100 = arith.addi %mul3A_2, %add3A_99 : i32
    %dma_wait3A_101 = arith.constant 1 : i32
    %dma_wait3A_102 = arith.constant 1 : i32
    %dma_wait3A_103 = arith.constant 0 : i32
    %dma_wait3A_104 = arith.constant 0 : i32
    %dma_wait3A_105 = tpu.memref_slice %arg7[%dma_wait3A_101, %dma_wait3A_103, %dma_wait3A_104] : memref<2x128x128xf32, #tpu.memory_space<vmem>> -> memref<1x128x128xf32, #tpu.memory_space<vmem>>
    %dma_wait3A_106 = tpu.memref_squeeze %dma_wait3A_105 : memref<1x128x128xf32, #tpu.memory_space<vmem>> -> memref<128x128xf32, #tpu.memory_space<vmem>>
    %dma_wait3A_107 = arith.constant 0 : i32
    %dma_wait3A_108 = tpu.memref_slice %arg4[%add3A_100, %dma_wait3A_107] : memref<65536x128xf32, #tpu.memory_space<hbm>> -> memref<128x128xf32, #tpu.memory_space<hbm>>
    %dma_wait3A_109 = tpu.memref_slice %arg11[%dma_wait3A_102] : memref<2x!tpu.dma_semaphore, #tpu.memory_space<semaphore_mem>> -> memref<1x!tpu.dma_semaphore, #tpu.memory_space<semaphore_mem>>
    %dma_wait3A_110 = tpu.memref_squeeze %dma_wait3A_109 : memref<1x!tpu.dma_semaphore, #tpu.memory_space<semaphore_mem>> -> memref<!tpu.dma_semaphore, #tpu.memory_space<semaphore_mem>>
    %dma_wait3A_111 = arith.constant 0 : i32
    %dma_wait3A_112 = tpu.memref_slice %arg4[%add3A_100, %dma_wait3A_111] : memref<65536x128xf32, #tpu.memory_space<hbm>> -> memref<128x128xf32, #tpu.memory_space<hbm>>
    %dma_wait3A_113 = arith.constant 0 : i32
    %dma_wait3A_114 = arith.constant 0 : i32
    %dma_wait3A_115 = tpu.memref_slice %arg7[%dma_wait3A_101, %dma_wait3A_113, %dma_wait3A_114] : memref<2x128x128xf32, #tpu.memory_space<vmem>> -> memref<1x128x128xf32, #tpu.memory_space<vmem>>
    %dma_wait3A_116 = tpu.memref_squeeze %dma_wait3A_115 : memref<1x128x128xf32, #tpu.memory_space<vmem>> -> memref<128x128xf32, #tpu.memory_space<vmem>>
    tpu.wait_dma2 semaphore(%dma_wait3A_110 : memref<!tpu.dma_semaphore, #tpu.memory_space<semaphore_mem>>) src(%dma_wait3A_116 : memref<128x128xf32, #tpu.memory_space<vmem>>) dst(%dma_wait3A_112 : memref<128x128xf32, #tpu.memory_space<hbm>>)
    %add3A_117 = arith.constant 1920 : i32
    %add3A_118 = arith.addi %mul3A_2, %add3A_117 : i32
    %dma_wait3A_119 = arith.constant 1 : i32
    %dma_wait3A_120 = arith.constant 1 : i32
    %dma_wait3A_121 = arith.constant 0 : i32
    %dma_wait3A_122 = arith.constant 0 : i32
    %dma_wait3A_123 = tpu.memref_slice %arg8[%dma_wait3A_119, %dma_wait3A_121, %dma_wait3A_122] : memref<2x128x7xf32, #tpu.memory_space<vmem>> -> memref<1x128x7xf32, #tpu.memory_space<vmem>>
    %dma_wait3A_124 = tpu.memref_squeeze %dma_wait3A_123 : memref<1x128x7xf32, #tpu.memory_space<vmem>> -> memref<128x7xf32, #tpu.memory_space<vmem>>
    %dma_wait3A_125 = arith.constant 0 : i32
    %dma_wait3A_126 = tpu.memref_slice %arg5[%add3A_118, %dma_wait3A_125] : memref<65536x7xf32, #tpu.memory_space<hbm>> -> memref<128x7xf32, #tpu.memory_space<hbm>>
    %dma_wait3A_127 = tpu.memref_slice %arg12[%dma_wait3A_120] : memref<2x!tpu.dma_semaphore, #tpu.memory_space<semaphore_mem>> -> memref<1x!tpu.dma_semaphore, #tpu.memory_space<semaphore_mem>>
    %dma_wait3A_128 = tpu.memref_squeeze %dma_wait3A_127 : memref<1x!tpu.dma_semaphore, #tpu.memory_space<semaphore_mem>> -> memref<!tpu.dma_semaphore, #tpu.memory_space<semaphore_mem>>
    %dma_wait3A_129 = arith.constant 0 : i32
    %dma_wait3A_130 = tpu.memref_slice %arg5[%add3A_118, %dma_wait3A_129] : memref<65536x7xf32, #tpu.memory_space<hbm>> -> memref<128x7xf32, #tpu.memory_space<hbm>>
    %dma_wait3A_131 = arith.constant 0 : i32
    %dma_wait3A_132 = arith.constant 0 : i32
    %dma_wait3A_133 = tpu.memref_slice %arg8[%dma_wait3A_119, %dma_wait3A_131, %dma_wait3A_132] : memref<2x128x7xf32, #tpu.memory_space<vmem>> -> memref<1x128x7xf32, #tpu.memory_space<vmem>>
    %dma_wait3A_134 = tpu.memref_squeeze %dma_wait3A_133 : memref<1x128x7xf32, #tpu.memory_space<vmem>> -> memref<128x7xf32, #tpu.memory_space<vmem>>
    tpu.wait_dma2 semaphore(%dma_wait3A_128 : memref<!tpu.dma_semaphore, #tpu.memory_space<semaphore_mem>>) src(%dma_wait3A_134 : memref<128x7xf32, #tpu.memory_space<vmem>>) dst(%dma_wait3A_130 : memref<128x7xf32, #tpu.memory_space<hbm>>)
    return
  }
}

</mosaic_0001>

<sc_bundles>
// kernel: kernel.3.cloned.1.call-start
scs
__scs_entry_jumppad:
0x0: {  	(pc) =	sbr.rel $0x88, $3  }
0x1: {  	(tag) =	ssettag $0x0;
	lr =	simm.s32 $0x1  }
0x2: {  	[smem:$0x3F9F] =	sst lr;
	_ =	strace $0xD0000000  }
0x3: {  	_ = 	snop  }
0x4: {  	_ = 	snop  }
0x5: {  	_ = 	snop  }
0x6: {  	_ = 	snop  }
0x7: {  	_ = 	snop  }
__scs_overlays_trampoline_lowered:
0x8: {  	[smem:$0x3FAE] =	sst s0  }
0x9: {  	[smem:$0x3FAF] =	sst s1  }
0xa: {  	[smem:$0x3FB0] =	sst s2  }
0xb: {  	[smem:$0x3FB1] =	sst s3  }
0xc: {  	[smem:$0x3FB2] =	sst s4  }
0xd: {  	[smem:$0x3FB3] =	sst s5  }
0xe: {  	[smem:$0x3FB4] =	sst s6  }
0xf: {  	[smem:$0x3FB5] =	sst s7  }
0x10: {  	[smem:$0x3FB6] =	sst s8  }
0x11: {  	[smem:$0x3FB7] =	sst s9;
	s0 =	simm.s32 @!p0 $0x0  }
0x12: {  	s1 =	sld [smem:$0x3F9D];
	s0 =	simm.s32 @p0 $0x1  }
0x13: {  	[smem:$0x3FB8] =	sst s0;
	s0 =	simm.s32 @!p1 $0x0  }
0x14: {  	s2 =	sld [smem:$0x3F9C];
	s0 =	simm.s32 @p1 $0x1  }
0x15: {  	[smem:$0x3FB9] =	sst s0;
	s0 =	simm.s32 @!p2 $0x0  }
0x16: {  	s3 =	sld [smem:$0x3FDB];
	s0 =	simm.s32 @p2 $0x1  }
0x17: {  	s4 =	simm.s32 $0x1BF5;
	[smem:$0x3FBB] =	sst s0  }
0x18: {  	s0 =	sld [smem:$0x3F9E];
	_ =	swait.ge [sflag:s4], $0x0  }
0x19: {  	s7 =	sld [smem:$0x3F9F]  }
0x1a: {  	s8 =	sadd.s32 $0xFFFFE003, lr  }
0x1b: {  	s9 =	sadd.s32 $0xFFFFFEF7, lr;
	s5 =	simm.s32 $0xFFFFFFFF;
	p2 =	slt.u32 s8, $0xFFFFF086  }
0x1c: {  	p1 =	slt.u32 s9, $0xF7A;
	s5 =	simm.s32 @!p2 $0x0  }
0x1d: {  	s5 =	simm.s32 @p1 $0x1;
	p0 =	seq.s32 s7, s2  }
0x1e: {  	s7 =	smul.u32 @!p0 $0xF7A, s2;
	p2 =	seq.s32 @!p0 s5, $0x0  }
0x1f: {  	s9 =	smul.u32 $0xF7A, s1;
	s8 =	simm.s32 @!p0 $0x1BF5;
	p2 =	por !p2, p0  }
0x20: {  	[sflag:s8] =	ssyncset.s32 @!p0 $0xFFFFF086;
	s6 =	sadd.s32 @!p0 s3, s7;
	s7 =	simm.s32 @!p0 $0x108  }
0x21: {  	s3 =	sadd.s32 s3, s9;
	s6 =	sadd.s32 @!p0 $0x88, s6;
	s7 =	simm.s32 @p2 $0x1082  }
0x22: {  	[simem:s7], [sflag:s8] =	dma.local @!p0 [hbm:s6], $0xF7A  }
0x23: {  	s9 =	sor.u32 $0xD0000000, s2;
	s6 =	simm.s32 $0x108;
	_ =	swait.ge @!p0 [sflag:s8], $0x0  }
0x24: {  	s3 =	sadd.s32 $0x88, s3;
	s6 =	simm.s32 @!p1 $0x1082;
	[sflag:s4] =	ssyncset.s32 $0xFFFFF086  }
0x25: {  	[simem:s6], [sflag:s4] =	dma.local [hbm:s3], $0xF7A  }
0x26: {  	[smem:$0x3F9F] =	sst s1;
	(tag) =	ssettag s2;
	_ =	strace s9  }
0x27: {  	s1 =	sld [smem:$0x3FAF]  }
0x28: {  	s2 =	sld [smem:$0x3FB0]  }
0x29: {  	s4 =	sld [smem:$0x3FB2]  }
0x2a: {  	p0 =	seq.s32 s5, $0x0;
	s5 =	sld [smem:$0x3FB3]  }
0x2b: {  	s6 =	sld [smem:$0x3FB4]  }
0x2c: {  	s7 =	sld [smem:$0x3FB5]  }
0x2d: {  	s3 =	simm.s32 $0x108;
	s8 =	sld [smem:$0x3FB6]  }
0x2e: {  	s3 =	simm.s32 @!p0 $0x1082;
	s9 =	sld [smem:$0x3FB7]  }
0x2f: {  	lr =	sadd.s32 s0, s3;
	s0 =	sld [smem:$0x3FAE]  }
0x30: {  	s3 =	sld [smem:$0x3FB1]  }
0x31: {  	[smem:$0x3FBA] =	sst s10  }
0x32: {  	s10 =	sld [smem:$0x3FB8];
	_ =	sdelay $0x3  }
0x33: {  	p0 =	seq.s32 s10, $0x1;
	s10 =	sld [smem:$0x3FBA];
	_ =	sdelay $0x3  }
0x34: {  	[smem:$0x3FBA] =	sst s10  }
0x35: {  	s10 =	sld [smem:$0x3FB9];
	_ =	sdelay $0x3  }
0x36: {  	p1 =	seq.s32 s10, $0x1;
	s10 =	sld [smem:$0x3FBA];
	_ =	sdelay $0x3  }
0x37: {  	[smem:$0x3FBA] =	sst s10  }
0x38: {  	s10 =	sld [smem:$0x3FBB]  }
0x39: {  	_ = 	snop;
	(pc) =	sbr.ind lr, $3  }
0x3a: {  	_ = 	snop  }
0x3b: {  	_ = 	snop  }
0x3c: {  	p2 =	seq.s32 s10, $0x1;
	s10 =	sld [smem:$0x3FBA]  }
0x3d: {  	_ =	shalt  }
0x3e: {  	_ =	shalt  }
0x3f: {  	_ =	shalt  }
0x40: {  	_ =	shalt  }
0x41: {  	_ =	shalt  }
0x42: {  	_ =	shalt  }
0x43: {  	_ =	shalt  }
0x44: {  	_ =	shalt  }
0x45: {  	_ =	shalt  }
0x46: {  	_ =	shalt  }
0x47: {  	_ =	shalt  }
0x48: {  	_ =	shalt  }
0x49: {  	_ =	shalt  }
0x4a: {  	_ =	shalt  }
0x4b: {  	_ =	shalt  }
0x4c: {  	_ =	shalt  }
0x4d: {  	_ =	shalt  }
0x4e: {  	_ =	shalt  }
0x4f: {  	_ =	shalt  }
0x50: {  	_ =	shalt  }
0x51: {  	_ =	shalt  }
0x52: {  	_ =	shalt  }
0x53: {  	_ =	shalt  }
0x54: {  	_ =	shalt  }
0x55: {  	_ =	shalt  }
0x56: {  	_ =	shalt  }
0x57: {  	_ =	shalt  }
0x58: {  	_ =	shalt  }
0x59: {  	_ =	shalt  }
0x5a: {  	_ =	shalt  }
0x5b: {  	_ =	shalt  }
0x5c: {  	_ =	shalt  }
0x5d: {  	_ =	shalt  }
0x5e: {  	_ =	shalt  }
0x5f: {  	_ =	shalt  }
0x60: {  	_ =	shalt  }
0x61: {  	_ =	shalt  }
0x62: {  	_ =	shalt  }
0x63: {  	_ =	shalt  }
0x64: {  	_ =	shalt  }
0x65: {  	_ =	shalt  }
0x66: {  	_ =	shalt  }
0x67: {  	_ =	shalt  }
0x68: {  	_ =	shalt  }
0x69: {  	_ =	shalt  }
0x6a: {  	_ =	shalt  }
0x6b: {  	_ =	shalt  }
0x6c: {  	_ =	shalt  }
0x6d: {  	_ =	shalt  }
0x6e: {  	_ =	shalt  }
0x6f: {  	_ =	shalt  }
0x70: {  	_ =	shalt  }
0x71: {  	_ =	shalt  }
0x72: {  	_ =	shalt  }
0x73: {  	_ =	shalt  }
0x74: {  	_ =	shalt  }
0x75: {  	_ =	shalt  }
0x76: {  	_ =	shalt  }
0x77: {  	_ =	shalt  }
0x78: {  	_ =	shalt  }
0x79: {  	_ =	shalt  }
0x7a: {  	_ =	shalt  }
0x7b: {  	_ =	shalt  }
0x7c: {  	_ =	shalt  }
0x7d: {  	_ =	shalt  }
0x7e: {  	_ =	shalt  }
0x7f: {  	_ =	shalt  }
0x80: {  	_ =	shalt  }
0x81: {  	_ =	shalt  }
0x82: {  	_ =	shalt  }
0x83: {  	_ =	shalt  }
0x84: {  	_ =	shalt  }
0x85: {  	_ =	shalt  }
0x86: {  	_ =	shalt  }
0x87: {  	_ =	shalt  }
.Lfunc_end0:
.L_simem_size_0:
called_computation_lowered:
.L_overlay_start_0:
0x88: {  	s2 =	sld [smem:$0x3FD9]  }
0x89: {  	s3 =	sld [smem:$0x3FFE];
	_ =	sdelay $0x1  }
0x8a: {  	s1 =	srdreg.scid  }
0x8b: {  	s0 =	sand.u32 $0x1, s1  }
0x8c: {  	s14 =	sshll.u32 s0, $0xA;
	s2 =	sadd.s32 s3, s2  }
0x8d: {  	s2 =	sadd.s32 s2, s14  }
0x8e: {  	[smem:$0x3FC6] =	sst s2  }
0x8f: {  	_ = 	snop  }
0x90: {  	s2 =	sld [smem:$0x3FD0];
	_ =	sdelay $0x2  }
0x91: {  	s4 =	simm.s32 $0xA;
	s5 =	simm.s32 $0x10;
	s15 =	sld [smem:$0x3FC9]  }
0x92: {  	[smem:s5], [sflag:s4] =	dma.local [hbm:s2], $0x1  }
0x93: {  	_ =	swait.eq [sflag:s4], $0x1  }
0x94: {  	[sflag:s4] =	ssyncset.done $0x0  }
0x95: {  	s16 =	sld [smem:$0x10];
	[sflag:s4] =	ssyncadd.s32 $0xFFFFFFFF  }
0x96: {  	s17 =	sld [smem:$0x11];
	(tm) =	ssettm $0x1  }
0x97: {  	s18 =	sld [smem:$0x3FFB];
	_ =	sdelay $0x3  }
0x98: {  	_ =	strace s18  }
0x99: {  	s5 =	sld [smem:$0x3FFC];
	_ =	sdelay $0x3  }
0x9a: {  	_ =	strace s5  }
0x9b: {  	s5 =	sld [smem:$0x3FFD];
	_ =	sdelay $0x3  }
0x9c: {  	_ =	strace s5  }
0x9d: {  	_ =	strace $0x8FFFFFFF  }
0x9e: {  	s19 =	sld [smem:$0x3FDB];
	_ =	sdelay $0x1  }
0x9f: {  	s6 =	simm.s32 $_scs_section_size  }
0xa0: {  	s7 =	simm.s32 $_size__tile_overlayer_lowered;
	s8 =	simm.s32 $_tile_overlayer_lowered  }
0xa1: {  	s22 =	simm.s32 $0x1BFF;
	s21 =	sshll.u32 s8, $0x1;
	s5 =	sadd.s32 s6, s19  }
0xa2: {  	s9 =	simm.s32 $0x0;
	s20 =	sshll.u32 s7, $0x1;
	s7 =	sadd.s32 s21, s5  }
0xa3: {  	[timem:s9], [sflag:s22] =	dma.local [hbm:s7], s20  }
0xa4: {  	_ =	swait.ge [sflag:s22], s20  }
0xa5: {  	s6 =	ssub.s32 $0x0, s20;
	[sflag:s22] =	ssyncset.done $0x0  }
0xa6: {  	[sflag:s22] =	ssyncadd.s32 s6;
	_ =	sdelay $0x1  }
0xa7: {  	s23 =	simm.s32 $0x1B8B  }
0xa8: {  	_ =	swait.ge [sflag:s23], $0x1  }
0xa9: {  	[sflag:s23] =	ssyncset.done $0x0  }
0xaa: {  	s25 =	simm.s32 $0x1B8E;
	s24 =	sld [smem:$0x3FFE];
	[sflag:s23] =	ssyncadd.s32 $0xFFFFFFFF  }
0xab: {  	s26 =	simm.s32 $execute0_lowered;
	[smem:$0x3FD2] =	sst s25  }
0xac: {  	s7 =	sshll.u32 s26, $0x1;
	_ =	strace $0x80000046;
	[dreg:$0x1] =	wrdreg $0xFFFFFFFF  }
0xad: {  	s28 =	simm.s32 $_size_execute0_lowered;
	s5 =	sadd.s32 s5, s7;
	[dreg:$0x0] =	wrdreg $0x0  }
0xae: {  	s7 =	sshll.u32 s28, $0x1;
	[dreg:$0x2] =	wrdreg s5  }
0xaf: {  	[dreg:$0x3] =	wrdreg s7  }
0xb0: {  	[dreg:$0x4] =	wrdreg $0xC0  }
0xb1: {  	_ =	task [dreg:s9], $0x5FFFF  }
0xb2: {  	[dreg:$0x1] =	wrdreg $0xFFFFFFFF  }
0xb3: {  	[dreg:$0x0] =	wrdreg $0x60  }
0xb4: {  	[dreg:$0x2] =	wrdreg s15  }
0xb5: {  	[dreg:$0x3] =	wrdreg s17  }
0xb6: {  	[dreg:$0x4] =	wrdreg s16  }
0xb7: {  	[dreg:$0x5] =	wrdreg s24  }
0xb8: {  	[dreg:$0x6] =	wrdreg $0x9  }
0xb9: {  	_ =	task.clear_ibuf [dreg:s9], $0x7FFFF;
	_ =	strace $0x90000046  }
0xba: {  	s29 =	simm.s32 $0x9;
	_ =	strace $0x80000048  }
0xbb: {  	_ =	swait.ge [sflag:s29], $0x1  }
0xbc: {  	[sflag:s29] =	ssyncadd.s32 $0xFFFFFFFF  }
0xbd: {  	_ =	strace $0x90000048  }
0xbe: {  	_ =	sfence  }
0xbf: {  	s30 =	sld [smem:$0x0];
	_ =	sdelay $0x2  }
0xc0: {  	s31 =	sshll.u32 s1, $0xD;
	s1 =	sshrl.u32 s1, $0x2  }
0xc1: {  	s3 =	sand.u32 $0x4000, s31;
	s1 =	sadd.s32 s1, s30  }
0xc2: {  	s0 =	sor.u32 s3, s0;
	s1 =	sshll.u32 s1, $0x11  }
0xc3: {  	s0 =	sor.u32 s1, s0  }
0xc4: {  	s0 =	sadd.s32 $0x8F2B, s0  }
0xc5: {  	[sflag:s0] =	ssyncadd.remote.s32 $0x1  }
0xc6: {  	_ =	sfence.sel $0xFFFF  }
0xc7: {  	[dreg:$0x0] =	wrdreg $0xFFFFFFFF;
	(pc) =	sbr.abs _section_cstart, $3  }
0xc8: {  	[dreg:$0x1] =	wrdreg $0xFFFFFFFF  }
0xc9: {  	_ =	task.clear_ibuf [dreg:s9], $0x2FFFF;
	_ =	strace $0x9FFFFFFF  }
0xca: {  	(tm) =	ssettm $0x7FFFFFFF  }
0xcb: {  	_ =	shalt  }
tec
execute0_lowered:
.L_overlay_start_1:
0x0: {  	(tag) =	ssettag $0x1  }
0x1: {  	v0 =	vlaneseq.u32  }
0x2: {  	v0 =	vmul.u32 $0x80, v0;
	_ =	sdelay $0x1  }
0x3: {  	v2 =	vor.u32 $0x3, v0  }
0x4: {  	[tilespmem:$0x1FC30] =	vst v2;
	v2 =	vor.u32 $0x7, v0  }
0x5: {  	s8 =	rddreg [dreg:$0x0];
	[tilespmem:$0x1FC40] =	vst v2;
	v2 =	vor.u32 $0xC, v0  }
0x6: {  	s0 =	rddreg [dreg:$0x1];
	[tilespmem:$0x1FC50] =	vst v2;
	v2 =	vor.u32 $0x14, v0  }
0x7: {  	s6 =	rddreg [dreg:$0x2];
	[tilespmem:$0x1FC60] =	vst v2;
	v2 =	vor.u32 $0x2D, v0  }
0x8: {  	s4 =	rddreg [dreg:$0x3];
	s2 =	simm.s32 $0x0;
	[tilespmem:$0x1FC70] =	vst v2;
	v2 =	vor.u32 $0x3C, v0  }
0x9: {  	[smem:$0x7FF] =	sst s2;
	v3 =	vor.u32 $0x1806, v0;
	[tilespmem:$0x1FC80] =	vst v2  }
0xa: {  	s1 =	rddreg [dreg:$0x4];
	v4 =	vor.u32 $0x80C, v0;
	_ =	strace $0x80000047;
	[tilespmem:$0x1FC90] =	vst v3  }
0xb: {  	v62 =	vor.u32 $0x1002, v0;
	[tilespmem:$0x1FD20] =	vst v4  }
0xc: {  	v14 =	vor.u32 $0x1004, v0;
	[tilespmem:$0x1FD30] =	vst v62  }
0xd: {  	v8 =	vor.u32 $0x1005, v0;
	[tilespmem:$0x1FD40] =	vst v14  }
0xe: {  	v5 =	vor.u32 $0x1802, v0;
	[tilespmem:$0x1FD50] =	vst v8  }
0xf: {  	v7 =	vor.u32 $0x1805, v0;
	[tilespmem:$0x1FD60] =	vst v5  }
0x10: {  	v61 =	vor.u32 $0x2003, v0;
	[tilespmem:$0x1FD70] =	vst v7  }
0x11: {  	v6 =	vor.u32 $0x2007, v0;
	[tilespmem:$0x1FD80] =	vst v61  }
0x12: {  	v2 =	vor.u32 $0x4D, v0;
	[tilespmem:$0x1FD90] =	vst v6  }
0x13: {  	v27 =	vor.u32 $0x1, v0;
	[tilespmem:$0x1FDA0] =	vst v2  }
0x14: {  	v40 =	vor.u32 $0x2, v0;
	[tilespmem:$0x1FDB0] =	vst v27  }
0x15: {  	v32 =	vor.u32 $0x4, v0;
	[tilespmem:$0x1FDC0] =	vst v40  }
0x16: {  	v52 =	vor.u32 $0x5, v0;
	[tilespmem:$0x1FDD0] =	vst v32  }
0x17: {  	v60 =	vor.u32 $0x6, v0;
	[tilespmem:$0x1FDE0] =	vst v52  }
0x18: {  	v12 =	vor.u32 $0x803, v0;
	[tilespmem:$0x1FDF0] =	vst v60  }
0x19: {  	v13 =	vor.u32 $0x807, v0;
	[tilespmem:$0x1FE00] =	vst v12  }
0x1a: {  	v15 =	vor.u32 $0x814, v0;
	[tilespmem:$0x1FE10] =	vst v13  }
0x1b: {  	v16 =	vor.u32 $0x82D, v0;
	[tilespmem:$0x1FE20] =	vst v15  }
0x1c: {  	v17 =	vor.u32 $0x83C, v0;
	[tilespmem:$0x1FE30] =	vst v16  }
0x1d: {  	v18 =	vor.u32 $0x84D, v0;
	[tilespmem:$0x1FE40] =	vst v17  }
0x1e: {  	v19 =	vor.u32 $0x800, v0;
	[tilespmem:$0x1FE50] =	vst v18  }
0x1f: {  	v20 =	vor.u32 $0x801, v0;
	[tilespmem:$0x1FE60] =	vst v19  }
0x20: {  	v21 =	vor.u32 $0x802, v0;
	[tilespmem:$0x1FE70] =	vst v20  }
0x21: {  	v43 =	vor.u32 $0x804, v0;
	[tilespmem:$0x1FE80] =	vst v21  }
0x22: {  	v23 =	vor.u32 $0x805, v0;
	[tilespmem:$0x1FE90] =	vst v43  }
0x23: {  	v24 =	vor.u32 $0x806, v0;
	[tilespmem:$0x1FEA0] =	vst v23  }
0x24: {  	v25 =	vor.u32 $0x1003, v0;
	[tilespmem:$0x1FEB0] =	vst v24  }
0x25: {  	v26 =	vor.u32 $0x1007, v0;
	[tilespmem:$0x1FEC0] =	vst v25  }
0x26: {  	v28 =	vor.u32 $0x100C, v0;
	[tilespmem:$0x1FED0] =	vst v26  }
0x27: {  	v29 =	vor.u32 $0x1014, v0;
	[tilespmem:$0x1FEE0] =	vst v28  }
0x28: {  	v30 =	vor.u32 $0x102D, v0;
	[tilespmem:$0x1FEF0] =	vst v29  }
0x29: {  	v31 =	vor.u32 $0x103C, v0;
	[tilespmem:$0x1FF00] =	vst v30  }
0x2a: {  	v37 =	vor.u32 $0x104D, v0;
	[tilespmem:$0x1FF10] =	vst v31  }
0x2b: {  	v22 =	vor.u32 $0x1000, v0;
	[tilespmem:$0x1FF20] =	vst v37  }
0x2c: {  	v34 =	vor.u32 $0x1001, v0;
	[tilespmem:$0x1FF30] =	vst v22  }
0x2d: {  	v38 =	vor.u32 $0x1006, v0;
	[tilespmem:$0x1FF40] =	vst v34  }
0x2e: {  	v39 =	vor.u32 $0x1803, v0;
	[tilespmem:$0x1FF50] =	vst v38  }
0x2f: {  	v58 =	vor.u32 $0x1807, v0;
	[tilespmem:$0x1FF60] =	vst v39  }
0x30: {  	v59 =	vor.u32 $0x180C, v0;
	[tilespmem:$0x1FF70] =	vst v58  }
0x31: {  	v53 =	vor.u32 $0x1814, v0;
	[tilespmem:$0x1FF80] =	vst v59  }
0x32: {  	v42 =	vor.u32 $0x182D, v0;
	[tilespmem:$0x1FF90] =	vst v53  }
0x33: {  	v47 =	vor.u32 $0x183C, v0;
	[tilespmem:$0x1FFA0] =	vst v42  }
0x34: {  	v48 =	vor.u32 $0x184D, v0;
	[tilespmem:$0x1FFB0] =	vst v47  }
0x35: {  	v49 =	vor.u32 $0x1800, v0;
	[tilespmem:$0x1FFC0] =	vst v48  }
0x36: {  	s5 =	srdreg.scid;
	s3 =	stileid.u32;
	s13 =	simm.s32 $0x8000;
	v50 =	vor.u32 $0x1801, v0;
	[tilespmem:$0x1FFD0] =	vst v49  }
0x37: {  	s14 =	simm.s32 $0x10000;
	s15 =	simm.s32 $0x2;
	s16 =	simm.s32 $0x4;
	v55 =	vor.u32 $0x1804, v0;
	[tilespmem:$0x1FFE0] =	vst v50  }
0x38: {  	s17 =	simm.s32 $0x6;
	s18 =	simm.s32 $0xC000;
	s19 =	simm.s32 $0x14000;
	v3 =	vor.u32 $0x200C, v0;
	[tilespmem:$0x1FFF0] =	vst v55  }
0x39: {  	s20 =	simm.s32 $0x3;
	s21 =	simm.s32 $0x5;
	s5 =	sand.u32 $0x1, s5;
	[tilespmem:$0x1FCA0] =	vst v3;
	v3 =	vor.u32 $0x2014, v0  }
0x3a: {  	s22 =	simm.s32 $0x0;
	s9 =	sshll.u32 s3, $0x10;
	s7 =	ssub.s32 $0x2, s5;
	[tilespmem:$0x1FCB0] =	vst v3;
	v3 =	vor.u32 $0x202D, v0  }
0x3b: {  	s10 =	sshll.u32 s5, $0xF;
	s12 =	sadd.s32 s9, s4;
	s6 =	sadd.s32 s9, s6;
	[tilespmem:$0x1FCC0] =	vst v3;
	v3 =	vor.u32 $0x203C, v0  }
.Ltmp0:
0x3c: {  	s30 =	sshrl.u32 s7, $0x1;
	s11 =	sor.u32 s10, s9;
	[tilespmem:$0x1FCD0] =	vst v3;
	v3 =	vor.u32 $0x204D, v0;
	(pc) =	sbr.rel .LBB2_1-.Ltmp0, $4  }
0x3d: {  	s31 =	sadd.s32 s10, s12;
	s6 =	sadd.s32 s10, s6;
	s12 =	simm.s32 $0x1;
	[tilespmem:$0x1FCE0] =	vst v3;
	v3 =	vor.u32 $0x2000, v0  }
0x3e: {  	s5 =	ssub.s32 s7, s30;
	s4 =	sadd.s32 s8, s11;
	s7 =	sadd.s32 $0x800, s31;
	[tilespmem:$0x1FCF0] =	vst v3;
	v3 =	vor.u32 $0x2001, v0  }
0x3f: {  	s8 =	sadd.s32 s9, s8;
	s9 =	simm.s32 $0x18000;
	s11 =	simm.s32 $0x4000;
	[tilespmem:$0x1FD00] =	vst v3;
	v3 =	vor.u32 $0x2002, v0  }
0x40: {  	v1 =	vimm.f32 $0.0e+00;
	v36 =	vmovc v4;
	v41 =	vmov v6;
	s5 =	smax.u32 s5, $0x1;
	s8 =	sadd.s32 s10, s8;
	s10 =	simm.s32 $0x7;
	v5 =	vmov v7;
	[tilespmem:$0x1FD10] =	vst v3  }
.LBB2_9:
0x41: {  	_ =	swait.ge [sflag:s20], $0x4000  }
0x42: {  	[sflag:s20] =	ssyncset.done $0x0  }
0x43: {  	[sflag:s20] =	ssyncadd.s32 $0xFFFFC000  }
0x44: {  	_ =	swait.ge [sflag:s21], $0x4000  }
0x45: {  	[sflag:s21] =	ssyncset.done $0x0  }
0x46: {  	s22 =	sadd.s32 $0x1, s22;
	[sflag:s21] =	ssyncadd.s32 $0xFFFFC000  }
0x47: {  	p0 =	sne.s32 s22, s5;
	_ =	swait.ge [sflag:s16], $0x4000  }
.Ltmp1:
0x48: {  	[sflag:s16] =	ssyncset.done $0x0;
	(pc) =	sbr.rel @!p0 .LBB2_10-.Ltmp1, $4  }
0x49: {  	[sflag:s16] =	ssyncadd.s32 $0xFFFFC000  }
0x4a: {  	_ =	swait.ge [sflag:s17], $0x4000  }
0x4b: {  	[sflag:s17] =	ssyncset.done $0x0  }
0x4c: {  	v5 =	vmov v35;
	[sflag:s17] =	ssyncadd.s32 $0xFFFFC000  }
.LBB2_1:
0x4d: {  	[tilespmem:s2], [sflag:$0x1] =	stream.linear.gather [hbm4b:s4+s2], $0x4000, $0x38;
	[tilespmem:$0x18080] =	vst v63  }
0x4e: {  	_ = 	snop  }
0x4f: {  	[tilespmem:s9], [sflag:$0x7] =	stream.linear.gather [hbm4b:s0+s2], $0x80, $0x38;
	[tilespmem:$0x18080] =	vst v63  }
0x50: {  	_ =	swait.ge [sflag:s10], $0x80  }
0x51: {  	[sflag:s10] =	ssyncset.done $0x0  }
0x52: {  	[sflag:s10] =	ssyncadd.s32 $0xFFFFFF80  }
0x53: {  	s23 =	simm.s32 $0x0;
	s24 =	simm.s32 $0x200;
	v3 =	vld [tilespmem:$0x18000]  }
.LBB2_2:
0x54: {  	p0 =	sne.s32 s24, $0xFE00;
	[tilespmem:s23+$0xC070] =	vst v1  }
0x55: {  	[tilespmem:s23+$0x8000] =	vst v1  }
0x56: {  	[tilespmem:s23+$0x8010] =	vst v1  }
0x57: {  	[tilespmem:s23+$0x8020] =	vst v1  }
0x58: {  	[tilespmem:s23+$0x8030] =	vst v1  }
0x59: {  	[tilespmem:s23+$0x8040] =	vst v1  }
0x5a: {  	[tilespmem:s23+$0x8050] =	vst v1  }
0x5b: {  	[tilespmem:s23+$0x8060] =	vst v1  }
0x5c: {  	[tilespmem:s23+$0x8070] =	vst v1  }
0x5d: {  	[tilespmem:s23+$0xC000] =	vst v1  }
0x5e: {  	[tilespmem:s23+$0xC010] =	vst v1  }
.Ltmp2:
0x5f: {  	[tilespmem:s23+$0xC020] =	vst v1;
	(pc) =	sbr.rel @p0 .LBB2_2-.Ltmp2, $4  }
0x60: {  	[tilespmem:s23+$0xC030] =	vst v1  }
0x61: {  	[tilespmem:s23+$0xC040] =	vst v1  }
0x62: {  	[tilespmem:s23+$0xC050] =	vst v1  }
0x63: {  	[tilespmem:s23+$0xC060] =	vst v1;
	s23 =	sshra.s32 s24, $0x2;
	s24 =	sadd.s32 $0x200, s24  }
0x64: {  	[tilespmem:s23+$0xC070] =	vst v1  }
0x65: {  	[tilespmem:s23+$0x8000] =	vst v1  }
0x66: {  	[tilespmem:s23+$0x8010] =	vst v1  }
0x67: {  	[tilespmem:s23+$0x8020] =	vst v1  }
0x68: {  	[tilespmem:s23+$0x8030] =	vst v1  }
0x69: {  	[tilespmem:s23+$0x8040] =	vst v1  }
0x6a: {  	[tilespmem:s23+$0x8050] =	vst v1  }
0x6b: {  	[tilespmem:s23+$0x8060] =	vst v1  }
0x6c: {  	[tilespmem:s23+$0x8070] =	vst v1  }
0x6d: {  	[tilespmem:s23+$0xC000] =	vst v1  }
0x6e: {  	[tilespmem:s23+$0xC010] =	vst v1  }
.Ltmp3:
0x6f: {  	[tilespmem:s23+$0xC020] =	vst v1;
	(pc) =	sbr.rel .LBB2_4-.Ltmp3, $4  }
0x70: {  	[tilespmem:s23+$0xC030] =	vst v1  }
0x71: {  	[tilespmem:s23+$0xC040] =	vst v1  }
0x72: {  	[tilespmem:s23+$0xC050] =	vst v1;
	v3 =	vmax.f32 v3, $0.0e+00  }
0x73: {  	[tilespmem:s23+$0xC060] =	vst v1;
	s23 =	simm.s32 $0x0;
	v54 =	vld [tilespmem:$0x1FC90];
	v35 =	vmov v5;
	v63 =	vmin.f32 v3, $5.000000000e+02  }
.LBB2_5:
0x74: {  	_ =	swait.ge [sflag:s15], $0x4000  }
0x75: {  	[sflag:s15] =	ssyncset.done $0x0  }
0x76: {  	[sflag:s15] =	ssyncadd.s32 $0xFFFFC000  }
.LBB2_7:
0x77: {  	_ =	swait.ge [sflag:s16], $0x4000  }
0x78: {  	[sflag:s16] =	ssyncset.done $0x0  }
0x79: {  	[sflag:s16] =	ssyncadd.s32 $0xFFFFC000  }
0x7a: {  	_ =	swait.ge [sflag:s17], $0x4000  }
0x7b: {  	[sflag:s17] =	ssyncset.done $0x0  }
0x7c: {  	[sflag:s17] =	ssyncadd.s32 $0xFFFFC000  }
.LBB2_8:
0x7d: {  	v10 =	vld [tilespmem:$0x1FC30]  }
0x7e: {  	v11 =	vld [tilespmem:$0x1FC40]  }
0x7f: {  	v5 =	vld [tilespmem:$0x1FC50]  }
0x80: {  	v3 =	vld [tilespmem:$0x1FC60];
	_ =	sdelay $0x4  }
0x81: {  	v32 =	vld.idx.msk [tilespmem:v10+s11+$0x0], $0xffff  }
0x82: {  	v33 =	vld.idx.msk [tilespmem:v11+s11+$0x0], $0xffff  }
0x83: {  	v41 =	vld.idx.msk [tilespmem:v5+s11+$0x0], $0xffff  }
0x84: {  	v42 =	vld.idx.msk [tilespmem:v3+s11+$0x0], $0xffff;
	_ =	sdelay $0x1  }
0x85: {  	v32 =	vmul.f32 $-1.442695020e+00, v32  }
0x86: {  	v33 =	vmul.f32 $1.442695020e+00, v33  }
0x87: {  	v47 =	vmul.f32 $-1.442695020e+00, v41;
	(erf) = vpow2.f32 v32  }
0x88: {  	v48 =	vmul.f32 $1.442695020e+00, v42;
	(erf) = vpow2.f32 v33  }
0x89: {  	(erf) = vpow2.f32 v47  }
0x8a: {  	v6 =	vld [tilespmem:$0x1FC70];
	(erf) = vpow2.f32 v48  }
0x8b: {  	v7 =	vld [tilespmem:$0x1FC80];
	_ =	sdelay $0x1  }
0x8c: {  	v2 =	vld [tilespmem:$0x1FDA0];
	_ =	sdelay $0x2  }
0x8d: {  	v32 =	vpop (erf)  }
0x8e: {  	v33 =	vpop (erf)  }
0x8f: {  	v49 =	vld.idx.msk [tilespmem:v6+s11+$0x0], $0xffff;
	v50 =	vpop (erf)  }
0x90: {  	v43 =	vld.idx.msk [tilespmem:v7+s11+$0x0], $0xffff;
	v44 =	vpop (erf)  }
0x91: {  	v45 =	vadd.f32 v33, v32;
	v46 =	vadd.f32 v44, v50  }
0x92: {  	v54 =	vld.idx.msk [tilespmem:v2+s11+$0x0], $0xffff  }
0x93: {  	v45 =	vadd.f32 v46, v45  }
0x94: {  	v41 =	vmul.f32 $1.442695020e+00, v49  }
0x95: {  	v43 =	vmul.f32 $-1.442695020e+00, v43;
	(erf) = vrcp.f32 v45  }
0x96: {  	(erf) = vpow2.f32 v41  }
0x97: {  	v58 =	vmul.f32 $1.442695020e+00, v54;
	(erf) = vpow2.f32 v43;
	_ =	sdelay $0x1  }
0x98: {  	(erf) = vpow2.f32 v58;
	_ =	sdelay $0x4  }
0x99: {  	v59 =	vpop (erf)  }
0x9a: {  	v61 =	vpop (erf)  }
0x9b: {  	v41 =	vmul.f32 v59, v63;
	v62 =	vpop (erf)  }
0x9c: {  	v8 =	vld [tilespmem:$0x1FDB0];
	v37 =	vadd.f32 v62, v61  }
0x9d: {  	v38 =	vpop (erf);
	v48 =	vsub.f32 $0.0e+00, v41  }
0x9e: {  	v55 =	vld [tilespmem:$0x1FDC0];
	v46 =	vadd.f32 v38, v37  }
0x9f: {  	v32 =	vmul.f32 v48, v32  }
0xa0: {  	(erf) = vrcp.f32 v46  }
0xa1: {  	v33 =	vmul.f32 v41, v33;
	[tilespmem:v10+s18+$0x0] =	vst.idx.msk $0xffff, v32  }
0xa2: {  	[tilespmem:v0+s19+$0x0] =	vst.idx.msk $0xffff, v32  }
0xa3: {  	v49 =	vmul.f32 v48, v50;
	[tilespmem:v11+s18+$0x0] =	vst.idx.msk $0xffff, v33  }
0xa4: {  	[tilespmem:v8+s19+$0x0] =	vst.idx.msk $0xffff, v33  }
0xa5: {  	v52 =	vmul.f32 v41, v44;
	[tilespmem:v5+s18+$0x0] =	vst.idx.msk $0xffff, v49  }
0xa6: {  	[tilespmem:v55+s19+$0x0] =	vst.idx.msk $0xffff, v49  }
0xa7: {  	[tilespmem:v3+s18+$0x0] =	vst.idx.msk $0xffff, v52;
	v3 =	vld [tilespmem:$0x1FDD0];
	_ =	sdelay $0x1  }
0xa8: {  	v50 =	vpop (erf)  }
0xa9: {  	v53 =	vmul.f32 v50, v63;
	_ =	sdelay $0x1  }
0xaa: {  	v42 =	vmul.f32 v53, v61  }
0xab: {  	[tilespmem:v10+s19+$0x0] =	vst.idx.msk $0xffff, v52  }
0xac: {  	[tilespmem:v6+s18+$0x0] =	vst.idx.msk $0xffff, v42  }
0xad: {  	[tilespmem:v3+s19+$0x0] =	vst.idx.msk $0xffff, v42;
	v3 =	vld [tilespmem:$0x1FDE0];
	_ =	sdelay $0x2  }
0xae: {  	v56 =	vsub.f32 $0.0e+00, v53;
	_ =	sdelay $0x1  }
0xaf: {  	v32 =	vmul.f32 v56, v62;
	_ =	sdelay $0x1  }
0xb0: {  	[tilespmem:v7+s18+$0x0] =	vst.idx.msk $0xffff, v32  }
0xb1: {  	[tilespmem:v3+s19+$0x0] =	vst.idx.msk $0xffff, v32;
	v3 =	vld [tilespmem:$0x1FDF0]  }
0xb2: {  	v52 =	vld [tilespmem:$0x1FE00]  }
0xb3: {  	v7 =	vld [tilespmem:$0x1FE10]  }
0xb4: {  	v14 =	vld [tilespmem:$0x1FD20]  }
0xb5: {  	v15 =	vld [tilespmem:$0x1FE20]  }
0xb6: {  	v58 =	vmul.f32 v53, v38;
	_ =	sdelay $0x1  }
0xb7: {  	[tilespmem:v2+s18+$0x0] =	vst.idx.msk $0xffff, v58  }
0xb8: {  	[tilespmem:v3+s19+$0x0] =	vst.idx.msk $0xffff, v58  }
0xb9: {  	v32 =	vld.idx.msk [tilespmem:v52+s11+$0x0], $0xffff  }
0xba: {  	v33 =	vld.idx.msk [tilespmem:v7+s11+$0x0], $0xffff  }
0xbb: {  	v59 =	vld.idx.msk [tilespmem:v14+s11+$0x0], $0xffff  }
0xbc: {  	v42 =	vld.idx.msk [tilespmem:v15+s11+$0x0], $0xffff;
	_ =	sdelay $0x1  }
0xbd: {  	v32 =	vmul.f32 $-1.442695020e+00, v32  }
0xbe: {  	v33 =	vmul.f32 $1.442695020e+00, v33  }
0xbf: {  	v61 =	vmul.f32 $-1.442695020e+00, v59;
	(erf) = vpow2.f32 v32  }
0xc0: {  	v62 =	vmul.f32 $1.442695020e+00, v42;
	(erf) = vpow2.f32 v33  }
0xc1: {  	(erf) = vpow2.f32 v61  }
0xc2: {  	(erf) = vpow2.f32 v62;
	_ =	sdelay $0x5  }
0xc3: {  	v16 =	vld [tilespmem:$0x1FE30];
	v32 =	vpop (erf)  }
0xc4: {  	v17 =	vld [tilespmem:$0x1FE40];
	v5 =	vpop (erf)  }
0xc5: {  	v42 =	vpop (erf)  }
0xc6: {  	v18 =	vld [tilespmem:$0x1FE50];
	v44 =	vpop (erf)  }
0xc7: {  	v48 =	vadd.f32 v5, v32;
	v49 =	vadd.f32 v44, v42;
	_ =	sdelay $0x1  }
0xc8: {  	v45 =	vadd.f32 v49, v48;
	_ =	sdelay $0x1  }
0xc9: {  	v37 =	vld.idx.msk [tilespmem:v16+s11+$0x0], $0xffff;
	(erf) = vrcp.f32 v45  }
0xca: {  	v38 =	vld.idx.msk [tilespmem:v17+s11+$0x0], $0xffff;
	_ =	sdelay $0x1  }
0xcb: {  	v50 =	vld.idx.msk [tilespmem:v18+s11+$0x0], $0xffff;
	_ =	sdelay $0x1  }
0xcc: {  	v41 =	vmul.f32 $1.442695020e+00, v37  }
0xcd: {  	v43 =	vmul.f32 $-1.442695020e+00, v38  }
0xce: {  	(erf) = vpow2.f32 v41  }
0xcf: {  	v58 =	vmul.f32 $1.442695020e+00, v50;
	(erf) = vpow2.f32 v43  }
0xd0: {  	v3 =	vld [tilespmem:$0x1FE60];
	v59 =	vpop (erf)  }
0xd1: {  	(erf) = vpow2.f32 v58;
	v41 =	vmul.f32 v59, v63;
	_ =	sdelay $0x1  }
0xd2: {  	v39 =	vsub.f32 $0.0e+00, v41;
	_ =	sdelay $0x1  }
0xd3: {  	v32 =	vmul.f32 v39, v32;
	_ =	sdelay $0x1  }
0xd4: {  	v61 =	vpop (erf);
	[tilespmem:v52+s18+$0x0] =	vst.idx.msk $0xffff, v32  }
0xd5: {  	v62 =	vpop (erf);
	[tilespmem:v3+s19+$0x0] =	vst.idx.msk $0xffff, v32;
	v3 =	vld [tilespmem:$0x1FE70]  }
0xd6: {  	v37 =	vadd.f32 v62, v61  }
0xd7: {  	v38 =	vpop (erf)  }
0xd8: {  	v46 =	vadd.f32 v38, v37;
	_ =	sdelay $0x1  }
0xd9: {  	v33 =	vmul.f32 v41, v5;
	(erf) = vrcp.f32 v46;
	_ =	sdelay $0x1  }
0xda: {  	[tilespmem:v7+s18+$0x0] =	vst.idx.msk $0xffff, v33  }
0xdb: {  	[tilespmem:v3+s19+$0x0] =	vst.idx.msk $0xffff, v33;
	v3 =	vld [tilespmem:$0x1FE80];
	_ =	sdelay $0x3  }
0xdc: {  	v8 =	vld [tilespmem:$0x1FE90]  }
0xdd: {  	v46 =	vmul.f32 v39, v42  }
0xde: {  	v23 =	vld [tilespmem:$0x1FEA0];
	v47 =	vpop (erf)  }
0xdf: {  	v48 =	vmul.f32 v41, v44;
	v49 =	vmul.f32 v47, v63;
	[tilespmem:v14+s18+$0x0] =	vst.idx.msk $0xffff, v46  }
0xe0: {  	v24 =	vld [tilespmem:$0x1FEB0];
	[tilespmem:v3+s19+$0x0] =	vst.idx.msk $0xffff, v46  }
0xe1: {  	v25 =	vld [tilespmem:$0x1FEC0];
	v50 =	vsub.f32 $0.0e+00, v49;
	v42 =	vmul.f32 v49, v61;
	[tilespmem:v15+s18+$0x0] =	vst.idx.msk $0xffff, v48  }
0xe2: {  	v26 =	vld [tilespmem:$0x1FED0];
	[tilespmem:v52+s19+$0x0] =	vst.idx.msk $0xffff, v48  }
0xe3: {  	v28 =	vld [tilespmem:$0x1FEE0];
	v32 =	vmul.f32 v50, v62;
	[tilespmem:v16+s18+$0x0] =	vst.idx.msk $0xffff, v42  }
0xe4: {  	v29 =	vld [tilespmem:$0x1FEF0];
	[tilespmem:v8+s19+$0x0] =	vst.idx.msk $0xffff, v42  }
0xe5: {  	v53 =	vmul.f32 v49, v38;
	[tilespmem:v17+s18+$0x0] =	vst.idx.msk $0xffff, v32  }
0xe6: {  	[tilespmem:v23+s19+$0x0] =	vst.idx.msk $0xffff, v32  }
0xe7: {  	[tilespmem:v18+s18+$0x0] =	vst.idx.msk $0xffff, v53  }
0xe8: {  	[tilespmem:v24+s19+$0x0] =	vst.idx.msk $0xffff, v53  }
0xe9: {  	v32 =	vld.idx.msk [tilespmem:v25+s11+$0x0], $0xffff  }
0xea: {  	v33 =	vld.idx.msk [tilespmem:v26+s11+$0x0], $0xffff  }
0xeb: {  	v54 =	vld.idx.msk [tilespmem:v28+s11+$0x0], $0xffff  }
0xec: {  	v42 =	vld.idx.msk [tilespmem:v29+s11+$0x0], $0xffff;
	_ =	sdelay $0x1  }
0xed: {  	v32 =	vmul.f32 $-1.442695020e+00, v32  }
0xee: {  	v33 =	vmul.f32 $1.442695020e+00, v33  }
0xef: {  	v55 =	vmul.f32 $-1.442695020e+00, v54;
	(erf) = vpow2.f32 v32  }
0xf0: {  	v56 =	vmul.f32 $1.442695020e+00, v42;
	(erf) = vpow2.f32 v33  }
0xf1: {  	(erf) = vpow2.f32 v55  }
0xf2: {  	(erf) = vpow2.f32 v56;
	_ =	sdelay $0x3  }
0xf3: {  	v30 =	vld [tilespmem:$0x1FF00]  }
0xf4: {  	v31 =	vld [tilespmem:$0x1FF10]  }
0xf5: {  	v32 =	vpop (erf)  }
0xf6: {  	v3 =	vld [tilespmem:$0x1FF20];
	v58 =	vpop (erf)  }
0xf7: {  	v42 =	vpop (erf)  }
0xf8: {  	v44 =	vpop (erf)  }
0xf9: {  	v62 =	vadd.f32 v58, v32;
	v37 =	vadd.f32 v44, v42;
	_ =	sdelay $0x1  }
0xfa: {  	v59 =	vld.idx.msk [tilespmem:v30+s11+$0x0], $0xffff;
	v45 =	vadd.f32 v37, v62  }
0xfb: {  	v61 =	vld.idx.msk [tilespmem:v31+s11+$0x0], $0xffff  }
0xfc: {  	(erf) = vrcp.f32 v45  }
0xfd: {  	v38 =	vld.idx.msk [tilespmem:v3+s11+$0x0], $0xffff;
	_ =	sdelay $0x1  }
0xfe: {  	v41 =	vmul.f32 $1.442695020e+00, v59  }
0xff: {  	v43 =	vmul.f32 $-1.442695020e+00, v61  }
0x100: {  	(erf) = vpow2.f32 v41  }
0x101: {  	v47 =	vmul.f32 $1.442695020e+00, v38;
	(erf) = vpow2.f32 v43;
	_ =	sdelay $0x1  }
0x102: {  	(erf) = vpow2.f32 v47  }
0x103: {  	v56 =	vld [tilespmem:$0x1FF30];
	v48 =	vpop (erf)  }
0x104: {  	v41 =	vmul.f32 v48, v63  }
0x105: {  	v6 =	vld [tilespmem:$0x1FF40]  }
0x106: {  	v37 =	vsub.f32 $0.0e+00, v41;
	_ =	sdelay $0x1  }
0x107: {  	v49 =	vpop (erf);
	v32 =	vmul.f32 v37, v32  }
0x108: {  	v50 =	vpop (erf)  }
0x109: {  	v61 =	vadd.f32 v50, v49;
	v33 =	vmul.f32 v41, v58;
	[tilespmem:v25+s18+$0x0] =	vst.idx.msk $0xffff, v32  }
0x10a: {  	v62 =	vpop (erf);
	[tilespmem:v56+s19+$0x0] =	vst.idx.msk $0xffff, v32  }
0x10b: {  	v46 =	vadd.f32 v62, v61;
	[tilespmem:v26+s18+$0x0] =	vst.idx.msk $0xffff, v33  }
0x10c: {  	[tilespmem:v6+s19+$0x0] =	vst.idx.msk $0xffff, v33;
	v6 =	vld [tilespmem:$0x1FD30]  }
0x10d: {  	(erf) = vrcp.f32 v46;
	_ =	sdelay $0x3  }
0x10e: {  	v38 =	vmul.f32 v37, v42;
	_ =	sdelay $0x1  }
0x10f: {  	[tilespmem:v28+s18+$0x0] =	vst.idx.msk $0xffff, v38  }
0x110: {  	[tilespmem:v6+s19+$0x0] =	vst.idx.msk $0xffff, v38;
	v6 =	vld [tilespmem:$0x1FD40];
	_ =	sdelay $0x1  }
0x111: {  	v39 =	vpop (erf)  }
0x112: {  	v46 =	vmul.f32 v41, v44;
	v47 =	vmul.f32 v39, v63;
	_ =	sdelay $0x1  }
0x113: {  	v42 =	vmul.f32 v47, v49;
	[tilespmem:v29+s18+$0x0] =	vst.idx.msk $0xffff, v46  }
0x114: {  	[tilespmem:v25+s19+$0x0] =	vst.idx.msk $0xffff, v46  }
0x115: {  	[tilespmem:v30+s18+$0x0] =	vst.idx.msk $0xffff, v42  }
0x116: {  	[tilespmem:v6+s19+$0x0] =	vst.idx.msk $0xffff, v42;
	v6 =	vld [tilespmem:$0x1FD50];
	_ =	sdelay $0x1  }
0x117: {  	v38 =	vld [tilespmem:$0x1FF50]  }
0x118: {  	v39 =	vld [tilespmem:$0x1FF60];
	v48 =	vsub.f32 $0.0e+00, v47  }
0x119: {  	v58 =	vld [tilespmem:$0x1FF70]  }
0x11a: {  	v59 =	vld [tilespmem:$0x1FF80];
	v32 =	vmul.f32 v48, v50  }
0x11b: {  	v53 =	vld [tilespmem:$0x1FF90]  }
0x11c: {  	v49 =	vmul.f32 v47, v62;
	[tilespmem:v31+s18+$0x0] =	vst.idx.msk $0xffff, v32  }
0x11d: {  	[tilespmem:v6+s19+$0x0] =	vst.idx.msk $0xffff, v32  }
0x11e: {  	[tilespmem:v3+s18+$0x0] =	vst.idx.msk $0xffff, v49  }
0x11f: {  	[tilespmem:v38+s19+$0x0] =	vst.idx.msk $0xffff, v49  }
0x120: {  	v32 =	vld.idx.msk [tilespmem:v39+s11+$0x0], $0xffff  }
0x121: {  	v33 =	vld.idx.msk [tilespmem:v58+s11+$0x0], $0xffff  }
0x122: {  	v50 =	vld.idx.msk [tilespmem:v59+s11+$0x0], $0xffff  }
0x123: {  	v42 =	vld.idx.msk [tilespmem:v53+s11+$0x0], $0xffff;
	_ =	sdelay $0x1  }
0x124: {  	v32 =	vmul.f32 $-1.442695020e+00, v32  }
0x125: {  	v33 =	vmul.f32 $1.442695020e+00, v33  }
0x126: {  	v54 =	vmul.f32 $-1.442695020e+00, v50;
	(erf) = vpow2.f32 v32  }
0x127: {  	v55 =	vmul.f32 $1.442695020e+00, v42;
	(erf) = vpow2.f32 v33  }
0x128: {  	(erf) = vpow2.f32 v54  }
0x129: {  	v27 =	vld [tilespmem:$0x1FFA0];
	(erf) = vpow2.f32 v55  }
0x12a: {  	v47 =	vld [tilespmem:$0x1FFB0];
	_ =	sdelay $0x1  }
0x12b: {  	v48 =	vld [tilespmem:$0x1FFC0];
	_ =	sdelay $0x2  }
0x12c: {  	v32 =	vpop (erf)  }
0x12d: {  	v33 =	vpop (erf)  }
0x12e: {  	v61 =	vld.idx.msk [tilespmem:v27+s11+$0x0], $0xffff;
	v42 =	vpop (erf)  }
0x12f: {  	v62 =	vld.idx.msk [tilespmem:v47+s11+$0x0], $0xffff;
	v44 =	vpop (erf)  }
0x130: {  	v5 =	vadd.f32 v33, v32;
	v37 =	vadd.f32 v44, v42  }
0x131: {  	v50 =	vld.idx.msk [tilespmem:v48+s11+$0x0], $0xffff  }
0x132: {  	v45 =	vadd.f32 v37, v5  }
0x133: {  	v41 =	vmul.f32 $1.442695020e+00, v61  }
0x134: {  	v43 =	vmul.f32 $-1.442695020e+00, v62;
	(erf) = vrcp.f32 v45  }
0x135: {  	(erf) = vpow2.f32 v41  }
0x136: {  	v61 =	vmul.f32 $1.442695020e+00, v50;
	(erf) = vpow2.f32 v43;
	_ =	sdelay $0x1  }
0x137: {  	(erf) = vpow2.f32 v61;
	_ =	sdelay $0x4  }
0x138: {  	v62 =	vpop (erf)  }
0x139: {  	v43 =	vpop (erf)  }
0x13a: {  	v45 =	vpop (erf)  }
0x13b: {  	v5 =	vadd.f32 v45, v43  }
0x13c: {  	v54 =	vpop (erf)  }
0x13d: {  	v46 =	vadd.f32 v54, v5;
	_ =	sdelay $0x1  }
0x13e: {  	(erf) = vrcp.f32 v46  }
0x13f: {  	v49 =	vld [tilespmem:$0x1FFD0]  }
0x140: {  	v41 =	vmul.f32 v62, v63  }
0x141: {  	v50 =	vld [tilespmem:$0x1FFE0]  }
0x142: {  	v37 =	vsub.f32 $0.0e+00, v41  }
0x143: {  	v6 =	vld [tilespmem:$0x1FD60]  }
0x144: {  	v32 =	vmul.f32 v37, v32;
	_ =	sdelay $0x1  }
0x145: {  	v33 =	vmul.f32 v41, v33;
	[tilespmem:v39+s18+$0x0] =	vst.idx.msk $0xffff, v32  }
0x146: {  	[tilespmem:v49+s19+$0x0] =	vst.idx.msk $0xffff, v32;
	v55 =	vpop (erf)  }
0x147: {  	v46 =	vmul.f32 v37, v42;
	[tilespmem:v58+s18+$0x0] =	vst.idx.msk $0xffff, v33;
	v62 =	vmul.f32 v55, v63;
	v55 =	vld [tilespmem:$0x1FFF0]  }
0x148: {  	[tilespmem:v50+s19+$0x0] =	vst.idx.msk $0xffff, v33  }
0x149: {  	v22 =	vld [tilespmem:$0x1FD70];
	v61 =	vmul.f32 v41, v44;
	[tilespmem:v59+s18+$0x0] =	vst.idx.msk $0xffff, v46  }
0x14a: {  	[tilespmem:v6+s19+$0x0] =	vst.idx.msk $0xffff, v46  }
0x14b: {  	[tilespmem:v53+s18+$0x0] =	vst.idx.msk $0xffff, v61  }
0x14c: {  	[tilespmem:v39+s19+$0x0] =	vst.idx.msk $0xffff, v61;
	v61 =	vld [tilespmem:$0x1FD80];
	v37 =	vsub.f32 $0.0e+00, v62;
	v42 =	vmul.f32 v62, v43  }
0x14d: {  	v44 =	vmul.f32 v62, v54;
	v62 =	vld [tilespmem:$0x1FD90]  }
0x14e: {  	v19 =	vld [tilespmem:$0x1FCA0];
	v32 =	vmul.f32 v37, v45;
	[tilespmem:v27+s18+$0x0] =	vst.idx.msk $0xffff, v42  }
0x14f: {  	[tilespmem:v55+s19+$0x0] =	vst.idx.msk $0xffff, v42  }
0x150: {  	[tilespmem:v47+s18+$0x0] =	vst.idx.msk $0xffff, v32  }
0x151: {  	[tilespmem:v22+s19+$0x0] =	vst.idx.msk $0xffff, v32  }
0x152: {  	[tilespmem:v48+s18+$0x0] =	vst.idx.msk $0xffff, v44  }
0x153: {  	[tilespmem:v51+s19+$0x0] =	vst.idx.msk $0xffff, v44  }
0x154: {  	v32 =	vld.idx.msk [tilespmem:v61+s11+$0x0], $0xffff  }
0x155: {  	v33 =	vld.idx.msk [tilespmem:v62+s11+$0x0], $0xffff  }
0x156: {  	v45 =	vld.idx.msk [tilespmem:v19+s11+$0x0], $0xffff  }
0x157: {  	v42 =	vld.idx.msk [tilespmem:v20+s11+$0x0], $0xffff;
	_ =	sdelay $0x1  }
0x158: {  	v32 =	vmul.f32 $-1.442695020e+00, v32  }
0x159: {  	v33 =	vmul.f32 $1.442695020e+00, v33  }
0x15a: {  	v46 =	vmul.f32 $-1.442695020e+00, v45;
	(erf) = vpow2.f32 v32  }
0x15b: {  	v54 =	vmul.f32 $1.442695020e+00, v42;
	(erf) = vpow2.f32 v33  }
0x15c: {  	(erf) = vpow2.f32 v46  }
0x15d: {  	(erf) = vpow2.f32 v54;
	_ =	sdelay $0x2  }
0x15e: {  	v37 =	vld [tilespmem:$0x1FCE0];
	_ =	sdelay $0x2  }
0x15f: {  	v32 =	vpop (erf)  }
0x160: {  	v33 =	vpop (erf)  }
0x161: {  	v41 =	vld.idx.msk [tilespmem:v12+s11+$0x0], $0xffff;
	v42 =	vpop (erf)  }
0x162: {  	v43 =	vld.idx.msk [tilespmem:v35+s11+$0x0], $0xffff;
	v44 =	vpop (erf)  }
0x163: {  	v45 =	vadd.f32 v33, v32;
	v46 =	vadd.f32 v44, v42  }
0x164: {  	v5 =	vld.idx.msk [tilespmem:v37+s11+$0x0], $0xffff  }
0x165: {  	v45 =	vadd.f32 v46, v45  }
0x166: {  	v41 =	vmul.f32 $1.442695020e+00, v41  }
0x167: {  	v43 =	vmul.f32 $-1.442695020e+00, v43;
	(erf) = vrcp.f32 v45  }
0x168: {  	(erf) = vpow2.f32 v41  }
0x169: {  	v54 =	vmul.f32 $1.442695020e+00, v5;
	(erf) = vpow2.f32 v43;
	_ =	sdelay $0x1  }
0x16a: {  	(erf) = vpow2.f32 v54;
	_ =	sdelay $0x4  }
0x16b: {  	v41 =	vpop (erf)  }
0x16c: {  	v43 =	vpop (erf)  }
0x16d: {  	v45 =	vpop (erf)  }
0x16e: {  	v41 =	vmul.f32 v41, v63;
	v5 =	vadd.f32 v45, v43  }
0x16f: {  	v6 =	vld [tilespmem:$0x1FD00];
	v54 =	vpop (erf)  }
0x170: {  	v46 =	vadd.f32 v54, v5;
	v5 =	vsub.f32 $0.0e+00, v41;
	_ =	sdelay $0x1  }
0x171: {  	v32 =	vmul.f32 v5, v32;
	_ =	sdelay $0x1  }
0x172: {  	v33 =	vmul.f32 v41, v33;
	(erf) = vrcp.f32 v46;
	[tilespmem:v61+s18+$0x0] =	vst.idx.msk $0xffff, v32  }
0x173: {  	[tilespmem:v40+s19+$0x0] =	vst.idx.msk $0xffff, v32  }
0x174: {  	[tilespmem:v62+s18+$0x0] =	vst.idx.msk $0xffff, v33  }
0x175: {  	[tilespmem:v6+s19+$0x0] =	vst.idx.msk $0xffff, v33;
	v6 =	vld [tilespmem:$0x1FD10];
	_ =	sdelay $0x4  }
0x176: {  	v32 =	vmul.f32 v5, v42  }
0x177: {  	v46 =	vpop (erf)  }
0x178: {  	v41 =	vmul.f32 v41, v44;
	[tilespmem:v19+s18+$0x0] =	vst.idx.msk $0xffff, v32;
	v33 =	vmul.f32 v46, v63  }
0x179: {  	[tilespmem:v6+s19+$0x0] =	vst.idx.msk $0xffff, v32  }
0x17a: {  	v5 =	vsub.f32 $0.0e+00, v33;
	v46 =	vmul.f32 v33, v43;
	[tilespmem:v20+s18+$0x0] =	vst.idx.msk $0xffff, v41  }
0x17b: {  	[tilespmem:v61+s19+$0x0] =	vst.idx.msk $0xffff, v41  }
0x17c: {  	v32 =	vmul.f32 v5, v45;
	[tilespmem:v12+s18+$0x0] =	vst.idx.msk $0xffff, v46  }
0x17d: {  	[tilespmem:v36+s19+$0x0] =	vst.idx.msk $0xffff, v46  }
0x17e: {  	[tilespmem:v35+s18+$0x0] =	vst.idx.msk $0xffff, v32  }
0x17f: {  	[tilespmem:v57+s19+$0x0] =	vst.idx.msk $0xffff, v32;
	v57 =	vld [tilespmem:$0x1FA10]  }
0x180: {  	v36 =	vmov v14;
	v14 =	vld [tilespmem:$0x1FA30]  }
0x181: {  	v6 =	vld [tilespmem:$0x1FA50]  }
0x182: {  	v33 =	vmul.f32 v33, v54;
	_ =	sdelay $0x1  }
0x183: {  	[tilespmem:v37+s18+$0x0] =	vst.idx.msk $0xffff, v33  }
0x184: {  	[tilespmem:v60+s19+$0x0] =	vst.idx.msk $0xffff, v33  }
0x185: {  	v32 =	vld.idx.msk [tilespmem:v9+s11+$0x0], $0xffff  }
0x186: {  	v33 =	vld.idx.msk [tilespmem:v57+s11+$0x0], $0xffff  }
0x187: {  	v41 =	vld.idx.msk [tilespmem:v14+s11+$0x0], $0xffff  }
0x188: {  	v42 =	vld.idx.msk [tilespmem:v6+s11+$0x0], $0xffff;
	_ =	sdelay $0x1  }
0x189: {  	v32 =	vmul.f32 $-1.442695020e+00, v32  }
0x18a: {  	v33 =	vmul.f32 $1.442695020e+00, v33  }
0x18b: {  	(erf) = vpow2.f32 v32;
	v54 =	vmul.f32 $-1.442695020e+00, v41  }
0x18c: {  	v60 =	vmul.f32 $1.442695020e+00, v42;
	(erf) = vpow2.f32 v33  }
0x18d: {  	(erf) = vpow2.f32 v54  }
0x18e: {  	(erf) = vpow2.f32 v60;
	v60 =	vld [tilespmem:$0x1FA60];
	_ =	sdelay $0x1  }
0x18f: {  	v43 =	vld.idx.msk [tilespmem:v21+s11+$0x0], $0xffff  }
0x190: {  	v19 =	vmov v21;
	v21 =	vld [tilespmem:$0x1FA90];
	_ =	sdelay $0x2  }
0x191: {  	v32 =	vpop (erf)  }
0x192: {  	v33 =	vpop (erf)  }
0x193: {  	v41 =	vld.idx.msk [tilespmem:v60+s11+$0x0], $0xffff;
	v42 =	vpop (erf)  }
0x194: {  	v44 =	vpop (erf)  }
0x195: {  	v5 =	vadd.f32 v33, v32;
	v35 =	vadd.f32 v44, v42  }
0x196: {  	v37 =	vld.idx.msk [tilespmem:v21+s11+$0x0], $0xffff  }
0x197: {  	v45 =	vadd.f32 v35, v5  }
0x198: {  	v41 =	vmul.f32 $1.442695020e+00, v41  }
0x199: {  	v43 =	vmul.f32 $-1.442695020e+00, v43;
	(erf) = vrcp.f32 v45  }
0x19a: {  	(erf) = vpow2.f32 v41  }
0x19b: {  	v5 =	vmul.f32 $1.442695020e+00, v37;
	(erf) = vpow2.f32 v43;
	_ =	sdelay $0x1  }
0x19c: {  	(erf) = vpow2.f32 v5;
	_ =	sdelay $0x4  }
0x19d: {  	v35 =	vpop (erf)  }
0x19e: {  	v43 =	vpop (erf);
	v41 =	vmul.f32 v35, v63  }
0x19f: {  	v11 =	vld [tilespmem:$0x1FA20];
	v45 =	vpop (erf)  }
0x1a0: {  	v37 =	vadd.f32 v45, v43;
	v40 =	vsub.f32 $0.0e+00, v41  }
0x1a1: {  	v54 =	vmov v51;
	v51 =	vpop (erf)  }
0x1a2: {  	v46 =	vadd.f32 v51, v37;
	v32 =	vmul.f32 v40, v32;
	_ =	sdelay $0x1  }
0x1a3: {  	v33 =	vmul.f32 v41, v33;
	(erf) = vrcp.f32 v46;
	[tilespmem:v9+s18+$0x0] =	vst.idx.msk $0xffff, v32  }
0x1a4: {  	[tilespmem:v4+s19+$0x0] =	vst.idx.msk $0xffff, v32  }
0x1a5: {  	[tilespmem:v57+s18+$0x0] =	vst.idx.msk $0xffff, v33  }
0x1a6: {  	[tilespmem:v11+s19+$0x0] =	vst.idx.msk $0xffff, v33;
	v33 =	vld [tilespmem:$0x1FA40];
	_ =	sdelay $0x3  }
0x1a7: {  	v37 =	vmov v3;
	v3 =	vld [tilespmem:$0x1FA70]  }
0x1a8: {  	v46 =	vmul.f32 v40, v42  }
0x1a9: {  	v12 =	vpop (erf)  }
0x1aa: {  	v57 =	vmul.f32 v41, v44;
	[tilespmem:v14+s18+$0x0] =	vst.idx.msk $0xffff, v46;
	v11 =	vmul.f32 v12, v63  }
0x1ab: {  	v40 =	vld [tilespmem:$0x1FA80];
	[tilespmem:v33+s19+$0x0] =	vst.idx.msk $0xffff, v46  }
0x1ac: {  	[tilespmem:v6+s18+$0x0] =	vst.idx.msk $0xffff, v57;
	v35 =	vsub.f32 $0.0e+00, v11;
	v10 =	vmul.f32 v11, v43  }
0x1ad: {  	v41 =	vld [tilespmem:$0x1FAA0];
	[tilespmem:v9+s19+$0x0] =	vst.idx.msk $0xffff, v57  }
0x1ae: {  	v4 =	vmul.f32 v35, v45;
	[tilespmem:v60+s18+$0x0] =	vst.idx.msk $0xffff, v10  }
0x1af: {  	v14 =	vld [tilespmem:$0x1FAC0];
	[tilespmem:v3+s19+$0x0] =	vst.idx.msk $0xffff, v10  }
0x1b0: {  	[tilespmem:v19+s18+$0x0] =	vst.idx.msk $0xffff, v4;
	v19 =	vld [tilespmem:$0x1FAE0]  }
0x1b1: {  	v20 =	vld [tilespmem:$0x1FB00]  }
0x1b2: {  	v3 =	vmul.f32 v11, v51  }
0x1b3: {  	[tilespmem:v40+s19+$0x0] =	vst.idx.msk $0xffff, v4  }
0x1b4: {  	[tilespmem:v21+s18+$0x0] =	vst.idx.msk $0xffff, v3  }
0x1b5: {  	[tilespmem:v41+s19+$0x0] =	vst.idx.msk $0xffff, v3  }
0x1b6: {  	v3 =	vld.idx.msk [tilespmem:v13+s11+$0x0], $0xffff  }
0x1b7: {  	v4 =	vld.idx.msk [tilespmem:v14+s11+$0x0], $0xffff  }
0x1b8: {  	v5 =	vld.idx.msk [tilespmem:v19+s11+$0x0], $0xffff  }
0x1b9: {  	v6 =	vld.idx.msk [tilespmem:v20+s11+$0x0], $0xffff;
	_ =	sdelay $0x1  }
0x1ba: {  	v3 =	vmul.f32 $-1.442695020e+00, v3  }
0x1bb: {  	v4 =	vmul.f32 $1.442695020e+00, v4  }
0x1bc: {  	(erf) = vpow2.f32 v3;
	v3 =	vmul.f32 $-1.442695020e+00, v5  }
0x1bd: {  	v44 =	vmul.f32 $1.442695020e+00, v6;
	(erf) = vpow2.f32 v4  }
0x1be: {  	(erf) = vpow2.f32 v3  }
0x1bf: {  	v46 =	vld [tilespmem:$0x1FB10];
	(erf) = vpow2.f32 v44  }
0x1c0: {  	v51 =	vld [tilespmem:$0x1FB30];
	_ =	sdelay $0x1  }
0x1c1: {  	v43 =	vmov v8;
	v8 =	vld [tilespmem:$0x1FB50];
	_ =	sdelay $0x2  }
0x1c2: {  	v3 =	vpop (erf)  }
0x1c3: {  	v45 =	vpop (erf)  }
0x1c4: {  	v40 =	vld.idx.msk [tilespmem:v46+s11+$0x0], $0xffff;
	v6 =	vpop (erf)  }
0x1c5: {  	v9 =	vld.idx.msk [tilespmem:v51+s11+$0x0], $0xffff;
	v10 =	vpop (erf)  }
0x1c6: {  	v11 =	vadd.f32 v45, v3;
	v12 =	vadd.f32 v10, v6  }
0x1c7: {  	v21 =	vld.idx.msk [tilespmem:v8+s11+$0x0], $0xffff  }
0x1c8: {  	v11 =	vadd.f32 v12, v11  }
0x1c9: {  	v5 =	vmul.f32 $1.442695020e+00, v40  }
0x1ca: {  	v9 =	vmul.f32 $-1.442695020e+00, v9;
	(erf) = vrcp.f32 v11  }
0x1cb: {  	(erf) = vpow2.f32 v5  }
0x1cc: {  	v41 =	vmul.f32 $1.442695020e+00, v21;
	(erf) = vpow2.f32 v9;
	_ =	sdelay $0x1  }
0x1cd: {  	(erf) = vpow2.f32 v41;
	_ =	sdelay $0x4  }
0x1ce: {  	v44 =	vpop (erf)  }
0x1cf: {  	v9 =	vpop (erf)  }
0x1d0: {  	v11 =	vpop (erf)  }
0x1d1: {  	v12 =	vadd.f32 v11, v9  }
0x1d2: {  	v42 =	vmov v27;
	v27 =	vld [tilespmem:$0x1FAB0];
	v21 =	vpop (erf)  }
0x1d3: {  	v5 =	vmul.f32 v44, v63;
	v12 =	vadd.f32 v21, v12;
	_ =	sdelay $0x1  }
0x1d4: {  	(erf) = vrcp.f32 v12;
	v12 =	vsub.f32 $0.0e+00, v5;
	_ =	sdelay $0x1  }
0x1d5: {  	v3 =	vmul.f32 v12, v3;
	_ =	sdelay $0x1  }
0x1d6: {  	[tilespmem:v13+s18+$0x0] =	vst.idx.msk $0xffff, v3  }
0x1d7: {  	[tilespmem:v27+s19+$0x0] =	vst.idx.msk $0xffff, v3;
	v3 =	vmul.f32 v12, v6;
	v6 =	vld [tilespmem:$0x1FAD0];
	_ =	sdelay $0x4  }
0x1d8: {  	v4 =	vmul.f32 v5, v45;
	_ =	sdelay $0x1  }
0x1d9: {  	[tilespmem:v14+s18+$0x0] =	vst.idx.msk $0xffff, v4  }
0x1da: {  	[tilespmem:v6+s19+$0x0] =	vst.idx.msk $0xffff, v4;
	v6 =	vld [tilespmem:$0x1FAF0];
	_ =	sdelay $0x5  }
0x1db: {  	v45 =	vpop (erf)  }
0x1dc: {  	v5 =	vmul.f32 v5, v10;
	v4 =	vmul.f32 v45, v63;
	[tilespmem:v19+s18+$0x0] =	vst.idx.msk $0xffff, v3  }
0x1dd: {  	[tilespmem:v6+s19+$0x0] =	vst.idx.msk $0xffff, v3  }
0x1de: {  	v6 =	vmul.f32 v4, v9;
	[tilespmem:v20+s18+$0x0] =	vst.idx.msk $0xffff, v5  }
0x1df: {  	[tilespmem:v13+s19+$0x0] =	vst.idx.msk $0xffff, v5  }
0x1e0: {  	[tilespmem:v46+s18+$0x0] =	vst.idx.msk $0xffff, v6;
	v46 =	vld [tilespmem:$0x1FB20];
	_ =	sdelay $0x4  }
0x1e1: {  	v3 =	vsub.f32 $0.0e+00, v4;
	_ =	sdelay $0x1  }
0x1e2: {  	v3 =	vmul.f32 v3, v11  }
0x1e3: {  	[tilespmem:v46+s19+$0x0] =	vst.idx.msk $0xffff, v6  }
0x1e4: {  	[tilespmem:v51+s18+$0x0] =	vst.idx.msk $0xffff, v3;
	v51 =	vld [tilespmem:$0x1FB40];
	_ =	sdelay $0x7  }
0x1e5: {  	[tilespmem:v51+s19+$0x0] =	vst.idx.msk $0xffff, v3;
	v3 =	vld [tilespmem:$0x1FB60];
	_ =	sdelay $0x1  }
0x1e6: {  	v20 =	vld [tilespmem:$0x1FB80]  }
0x1e7: {  	v19 =	vld [tilespmem:$0x1FBA0]  }
0x1e8: {  	v14 =	vld [tilespmem:$0x1FBC0]  }
0x1e9: {  	v4 =	vmul.f32 v4, v21;
	_ =	sdelay $0x1  }
0x1ea: {  	[tilespmem:v8+s18+$0x0] =	vst.idx.msk $0xffff, v4  }
0x1eb: {  	[tilespmem:v3+s19+$0x0] =	vst.idx.msk $0xffff, v4  }
0x1ec: {  	v3 =	vld.idx.msk [tilespmem:v34+s11+$0x0], $0xffff  }
0x1ed: {  	v4 =	vld.idx.msk [tilespmem:v20+s11+$0x0], $0xffff  }
0x1ee: {  	v5 =	vld.idx.msk [tilespmem:v19+s11+$0x0], $0xffff  }
0x1ef: {  	v6 =	vld.idx.msk [tilespmem:v14+s11+$0x0], $0xffff;
	_ =	sdelay $0x1  }
0x1f0: {  	v3 =	vmul.f32 $-1.442695020e+00, v3  }
0x1f1: {  	v4 =	vmul.f32 $1.442695020e+00, v4  }
0x1f2: {  	(erf) = vpow2.f32 v3;
	v3 =	vmul.f32 $-1.442695020e+00, v5  }
0x1f3: {  	v57 =	vmul.f32 $1.442695020e+00, v6;
	(erf) = vpow2.f32 v4  }
0x1f4: {  	(erf) = vpow2.f32 v3  }
0x1f5: {  	v44 =	vld [tilespmem:$0x1FBD0];
	(erf) = vpow2.f32 v57  }
0x1f6: {  	v57 =	vld [tilespmem:$0x1FBF0];
	_ =	sdelay $0x1  }
0x1f7: {  	v51 =	vld [tilespmem:$0x1FC10];
	_ =	sdelay $0x2  }
0x1f8: {  	v3 =	vpop (erf)  }
0x1f9: {  	v4 =	vpop (erf)  }
0x1fa: {  	v41 =	vmov v62;
	v62 =	vld.idx.msk [tilespmem:v44+s11+$0x0], $0xffff;
	v6 =	vpop (erf)  }
0x1fb: {  	v13 =	vmov v7;
	v7 =	vld.idx.msk [tilespmem:v57+s11+$0x0], $0xffff;
	v8 =	vpop (erf)  }
0x1fc: {  	v9 =	vadd.f32 v4, v3;
	v10 =	vadd.f32 v8, v6  }
0x1fd: {  	v11 =	vld.idx.msk [tilespmem:v51+s11+$0x0], $0xffff  }
0x1fe: {  	v9 =	vadd.f32 v10, v9  }
0x1ff: {  	v5 =	vmul.f32 $1.442695020e+00, v62  }
0x200: {  	v7 =	vmul.f32 $-1.442695020e+00, v7;
	(erf) = vrcp.f32 v9  }
0x201: {  	(erf) = vpow2.f32 v5  }
0x202: {  	v33 =	vmul.f32 $1.442695020e+00, v11;
	(erf) = vpow2.f32 v7;
	_ =	sdelay $0x1  }
0x203: {  	(erf) = vpow2.f32 v33;
	_ =	sdelay $0x4  }
0x204: {  	v35 =	vpop (erf)  }
0x205: {  	v7 =	vpop (erf)  }
0x206: {  	v9 =	vpop (erf)  }
0x207: {  	v10 =	vadd.f32 v9, v7  }
0x208: {  	v45 =	vld [tilespmem:$0x1FB70];
	v11 =	vpop (erf)  }
0x209: {  	v5 =	vmul.f32 v35, v63;
	v10 =	vadd.f32 v11, v10;
	_ =	sdelay $0x1  }
0x20a: {  	(erf) = vrcp.f32 v10;
	v10 =	vsub.f32 $0.0e+00, v5;
	_ =	sdelay $0x1  }
0x20b: {  	v3 =	vmul.f32 v10, v3;
	_ =	sdelay $0x1  }
0x20c: {  	[tilespmem:v34+s18+$0x0] =	vst.idx.msk $0xffff, v3  }
0x20d: {  	[tilespmem:v45+s19+$0x0] =	vst.idx.msk $0xffff, v3;
	v3 =	vmul.f32 v10, v6;
	v6 =	vld [tilespmem:$0x1FB90];
	_ =	sdelay $0x4  }
0x20e: {  	v4 =	vmul.f32 v5, v4;
	_ =	sdelay $0x1  }
0x20f: {  	[tilespmem:v20+s18+$0x0] =	vst.idx.msk $0xffff, v4  }
0x210: {  	[tilespmem:v6+s19+$0x0] =	vst.idx.msk $0xffff, v4;
	v6 =	vld [tilespmem:$0x1FBB0];
	_ =	sdelay $0x3  }
0x211: {  	v35 =	vmov v22;
	v22 =	vmov v56;
	v56 =	vld [tilespmem:$0x1FBE0];
	_ =	sdelay $0x1  }
0x212: {  	v46 =	vpop (erf)  }
0x213: {  	v5 =	vmul.f32 v5, v8;
	v4 =	vmul.f32 v46, v63;
	[tilespmem:v19+s18+$0x0] =	vst.idx.msk $0xffff, v3  }
0x214: {  	[tilespmem:v6+s19+$0x0] =	vst.idx.msk $0xffff, v3  }
0x215: {  	v3 =	vsub.f32 $0.0e+00, v4;
	v6 =	vmul.f32 v4, v7;
	[tilespmem:v14+s18+$0x0] =	vst.idx.msk $0xffff, v5  }
0x216: {  	[tilespmem:v34+s19+$0x0] =	vst.idx.msk $0xffff, v5  }
0x217: {  	v3 =	vmul.f32 v3, v9;
	[tilespmem:v44+s18+$0x0] =	vst.idx.msk $0xffff, v6  }
0x218: {  	[tilespmem:v56+s19+$0x0] =	vst.idx.msk $0xffff, v6  }
0x219: {  	[tilespmem:v57+s18+$0x0] =	vst.idx.msk $0xffff, v3;
	v57 =	vld [tilespmem:$0x1FC00];
	_ =	sdelay $0x6  }
0x21a: {  	v32 =	vld [tilespmem:$0x1FDD0]  }
0x21b: {  	[tilespmem:v57+s19+$0x0] =	vst.idx.msk $0xffff, v3;
	v3 =	vld [tilespmem:$0x1FC20]  }
0x21c: {  	v60 =	vld [tilespmem:$0x1FDF0]  }
0x21d: {  	v40 =	vld [tilespmem:$0x1FDC0]  }
0x21e: {  	v12 =	vmov v52;
	v52 =	vld [tilespmem:$0x1FDE0]  }
0x21f: {  	v27 =	vld [tilespmem:$0x1FDB0]  }
0x220: {  	s23 =	sadd.s32 $0x1000, s23;
	v21 =	vld [tilespmem:$0x1FE80];
	v4 =	vmul.f32 v4, v11  }
0x221: {  	p0 =	sne.s32 s23, $0x8000;
	v62 =	vld [tilespmem:$0x1FD30]  }
.Ltmp4:
0x222: {  	v8 =	vld [tilespmem:$0x1FD50];
	[tilespmem:v51+s18+$0x0] =	vst.idx.msk $0xffff, v4;
	(pc) =	sbr.rel @!p0 .LBB2_9-.Ltmp4, $4  }
0x223: {  	s24 =	sadd.s32 $0x800, s25;
	v20 =	vld [tilespmem:$0x1FE70];
	[tilespmem:v3+s19+$0x0] =	vst.idx.msk $0xffff, v4  }
0x224: {  	v19 =	vld [tilespmem:$0x1FE60];
	[hbm4b:s24+s2] =	stream.linear.scatter [tilespmem:s18], [sflag:$0x4], $0x4000, $0x38  }
0x225: {  	s31 =	sadd.s32 $0x800, s26;
	v14 =	vld [tilespmem:$0x1FD40]  }
0x226: {  	v34 =	vld [tilespmem:$0x1FF40];
	[hbm4b:s31+s2] =	stream.linear.scatter [tilespmem:s19], [sflag:$0x6], $0x4000, $0x38  }
.LBB2_4:
0x227: {  	s24 =	sadd.s32 s23, s8  }
0x228: {  	s25 =	sadd.s32 $0x800, s24  }
0x229: {  	[tilespmem:s11], [sflag:$0x2] =	stream.linear.gather [hbm4b:s25+s2], $0x4000, $0x38;
	[tilespmem:$0x18080] =	vst v63  }
0x22a: {  	_ =	swait.ge [sflag:s12], $0x4000  }
0x22b: {  	p0 =	seq.s32 s23, $0x0;
	[sflag:s12] =	ssyncset.done $0x0  }
0x22c: {  	s25 =	simm.s32 @!p0 $0x3;
	[sflag:s12] =	ssyncadd.s32 $0xFFFFC000  }
0x22d: {  	_ =	swait.ge @!p0 [sflag:s25], $0x4000  }
0x22e: {  	[sflag:s25] =	ssyncset.done @!p0 $0x0  }
0x22f: {  	[sflag:s25] =	ssyncadd.s32 @!p0 $0xFFFFC000;
	s25 =	simm.s32 @!p0 $0x5  }
0x230: {  	_ =	swait.ge @!p0 [sflag:s25], $0x4000  }
0x231: {  	v33 =	vld [tilespmem:$0x1FC30]  }
0x232: {  	v46 =	vld [tilespmem:$0x1FC40]  }
0x233: {  	v57 =	vmov v54;
	v54 =	vld [tilespmem:$0x1FC50]  }
0x234: {  	v56 =	vld [tilespmem:$0x1FC60];
	_ =	sdelay $0x2  }
0x235: {  	[sflag:s25] =	ssyncset.done @!p0 $0x0  }
0x236: {  	[sflag:s25] =	ssyncadd.s32 @!p0 $0xFFFFC000  }
0x237: {  	v3 =	vld.idx.msk [tilespmem:v33+s2+$0x0], $0xffff  }
0x238: {  	v4 =	vld.idx.msk [tilespmem:v46+s2+$0x0], $0xffff  }
0x239: {  	v5 =	vld.idx.msk [tilespmem:v54+s2+$0x0], $0xffff  }
0x23a: {  	v6 =	vld.idx.msk [tilespmem:v56+s2+$0x0], $0xffff;
	_ =	sdelay $0x1  }
0x23b: {  	v3 =	vmul.f32 $-1.442695020e+00, v3  }
0x23c: {  	v4 =	vmul.f32 $1.442695020e+00, v4  }
0x23d: {  	(erf) = vpow2.f32 v3;
	v3 =	vmul.f32 $-1.442695020e+00, v5  }
0x23e: {  	(erf) = vpow2.f32 v4;
	v4 =	vmul.f32 $1.442695020e+00, v6  }
0x23f: {  	(erf) = vpow2.f32 v3  }
0x240: {  	v51 =	vld [tilespmem:$0x1FC70];
	(erf) = vpow2.f32 v4  }
0x241: {  	v45 =	vld [tilespmem:$0x1FC80];
	_ =	sdelay $0x4  }
0x242: {  	v3 =	vpop (erf)  }
0x243: {  	v4 =	vpop (erf)  }
0x244: {  	v5 =	vld.idx.msk [tilespmem:v51+s2+$0x0], $0xffff;
	v6 =	vpop (erf)  }
0x245: {  	v44 =	vmov v8;
	v7 =	vld.idx.msk [tilespmem:v45+s2+$0x0], $0xffff;
	v8 =	vpop (erf)  }
0x246: {  	v9 =	vadd.f32 v4, v3;
	v10 =	vadd.f32 v8, v6  }
0x247: {  	v11 =	vld.idx.msk [tilespmem:v2+s2+$0x0], $0xffff  }
0x248: {  	v9 =	vadd.f32 v10, v9  }
0x249: {  	v5 =	vmul.f32 $1.442695020e+00, v5  }
0x24a: {  	v7 =	vmul.f32 $-1.442695020e+00, v7;
	(erf) = vrcp.f32 v9  }
0x24b: {  	(erf) = vpow2.f32 v5  }
0x24c: {  	v5 =	vmul.f32 $1.442695020e+00, v11;
	(erf) = vpow2.f32 v7;
	_ =	sdelay $0x1  }
0x24d: {  	(erf) = vpow2.f32 v5;
	_ =	sdelay $0x4  }
0x24e: {  	v5 =	vpop (erf)  }
0x24f: {  	v7 =	vpop (erf)  }
0x250: {  	v9 =	vpop (erf)  }
0x251: {  	v10 =	vadd.f32 v9, v7  }
0x252: {  	v11 =	vpop (erf)  }
0x253: {  	v10 =	vadd.f32 v11, v10;
	_ =	sdelay $0x1  }
0x254: {  	v5 =	vmul.f32 v5, v63;
	(erf) = vrcp.f32 v10;
	_ =	sdelay $0x1  }
0x255: {  	v10 =	vsub.f32 $0.0e+00, v5;
	_ =	sdelay $0x1  }
0x256: {  	v3 =	vmul.f32 v10, v3;
	_ =	sdelay $0x1  }
0x257: {  	v4 =	vmul.f32 v5, v4;
	[tilespmem:v33+s13+$0x0] =	vst.idx.msk $0xffff, v3  }
0x258: {  	[tilespmem:v0+s14+$0x0] =	vst.idx.msk $0xffff, v3  }
0x259: {  	v3 =	vmul.f32 v10, v6;
	[tilespmem:v46+s13+$0x0] =	vst.idx.msk $0xffff, v4  }
0x25a: {  	[tilespmem:v27+s14+$0x0] =	vst.idx.msk $0xffff, v4;
	v6 =	vpop (erf)  }
0x25b: {  	v4 =	vmul.f32 v5, v8;
	[tilespmem:v54+s13+$0x0] =	vst.idx.msk $0xffff, v3;
	v5 =	vmul.f32 v6, v63  }
0x25c: {  	[tilespmem:v40+s14+$0x0] =	vst.idx.msk $0xffff, v3  }
0x25d: {  	[tilespmem:v56+s13+$0x0] =	vst.idx.msk $0xffff, v4;
	v3 =	vsub.f32 $0.0e+00, v5;
	v6 =	vmul.f32 v5, v7  }
0x25e: {  	[tilespmem:v33+s14+$0x0] =	vst.idx.msk $0xffff, v4  }
0x25f: {  	v3 =	vmul.f32 v3, v9;
	[tilespmem:v51+s13+$0x0] =	vst.idx.msk $0xffff, v6  }
0x260: {  	[tilespmem:v32+s14+$0x0] =	vst.idx.msk $0xffff, v6  }
0x261: {  	v4 =	vmul.f32 v5, v11;
	[tilespmem:v45+s13+$0x0] =	vst.idx.msk $0xffff, v3  }
0x262: {  	[tilespmem:v52+s14+$0x0] =	vst.idx.msk $0xffff, v3  }
0x263: {  	[tilespmem:v2+s13+$0x0] =	vst.idx.msk $0xffff, v4  }
0x264: {  	[tilespmem:v60+s14+$0x0] =	vst.idx.msk $0xffff, v4  }
0x265: {  	v3 =	vld.idx.msk [tilespmem:v12+s2+$0x0], $0xffff  }
0x266: {  	v4 =	vld.idx.msk [tilespmem:v13+s2+$0x0], $0xffff  }
0x267: {  	v5 =	vld.idx.msk [tilespmem:v36+s2+$0x0], $0xffff  }
0x268: {  	v6 =	vld.idx.msk [tilespmem:v15+s2+$0x0], $0xffff;
	_ =	sdelay $0x1  }
0x269: {  	v3 =	vmul.f32 $-1.442695020e+00, v3  }
0x26a: {  	v4 =	vmul.f32 $1.442695020e+00, v4  }
0x26b: {  	(erf) = vpow2.f32 v3;
	v3 =	vmul.f32 $-1.442695020e+00, v5  }
0x26c: {  	(erf) = vpow2.f32 v4;
	v4 =	vmul.f32 $1.442695020e+00, v6  }
0x26d: {  	(erf) = vpow2.f32 v3  }
0x26e: {  	(erf) = vpow2.f32 v4;
	_ =	sdelay $0x5  }
0x26f: {  	v3 =	vpop (erf)  }
0x270: {  	v4 =	vpop (erf)  }
0x271: {  	v5 =	vld.idx.msk [tilespmem:v16+s2+$0x0], $0xffff;
	v6 =	vpop (erf)  }
0x272: {  	v7 =	vld.idx.msk [tilespmem:v17+s2+$0x0], $0xffff;
	v8 =	vpop (erf)  }
0x273: {  	v9 =	vadd.f32 v4, v3;
	v10 =	vadd.f32 v8, v6  }
0x274: {  	v11 =	vld.idx.msk [tilespmem:v18+s2+$0x0], $0xffff  }
0x275: {  	v9 =	vadd.f32 v10, v9  }
0x276: {  	v5 =	vmul.f32 $1.442695020e+00, v5  }
0x277: {  	v7 =	vmul.f32 $-1.442695020e+00, v7;
	(erf) = vrcp.f32 v9  }
0x278: {  	(erf) = vpow2.f32 v5  }
0x279: {  	v5 =	vmul.f32 $1.442695020e+00, v11;
	(erf) = vpow2.f32 v7;
	_ =	sdelay $0x1  }
0x27a: {  	(erf) = vpow2.f32 v5;
	_ =	sdelay $0x4  }
0x27b: {  	v5 =	vpop (erf)  }
0x27c: {  	v7 =	vpop (erf)  }
0x27d: {  	v9 =	vpop (erf)  }
0x27e: {  	v10 =	vadd.f32 v9, v7  }
0x27f: {  	v11 =	vpop (erf)  }
0x280: {  	v10 =	vadd.f32 v11, v10;
	_ =	sdelay $0x1  }
0x281: {  	v5 =	vmul.f32 v5, v63;
	(erf) = vrcp.f32 v10;
	_ =	sdelay $0x1  }
0x282: {  	v10 =	vsub.f32 $0.0e+00, v5;
	_ =	sdelay $0x1  }
0x283: {  	v3 =	vmul.f32 v10, v3;
	_ =	sdelay $0x1  }
0x284: {  	v4 =	vmul.f32 v5, v4;
	[tilespmem:v12+s13+$0x0] =	vst.idx.msk $0xffff, v3  }
0x285: {  	[tilespmem:v19+s14+$0x0] =	vst.idx.msk $0xffff, v3  }
0x286: {  	v3 =	vmul.f32 v10, v6;
	[tilespmem:v13+s13+$0x0] =	vst.idx.msk $0xffff, v4  }
0x287: {  	[tilespmem:v20+s14+$0x0] =	vst.idx.msk $0xffff, v4;
	v6 =	vpop (erf)  }
0x288: {  	v4 =	vmul.f32 v5, v8;
	[tilespmem:v36+s13+$0x0] =	vst.idx.msk $0xffff, v3;
	v5 =	vmul.f32 v6, v63  }
0x289: {  	[tilespmem:v21+s14+$0x0] =	vst.idx.msk $0xffff, v3  }
0x28a: {  	[tilespmem:v15+s13+$0x0] =	vst.idx.msk $0xffff, v4;
	v3 =	vsub.f32 $0.0e+00, v5;
	v6 =	vmul.f32 v5, v7  }
0x28b: {  	[tilespmem:v12+s14+$0x0] =	vst.idx.msk $0xffff, v4  }
0x28c: {  	v3 =	vmul.f32 v3, v9;
	[tilespmem:v16+s13+$0x0] =	vst.idx.msk $0xffff, v6  }
0x28d: {  	[tilespmem:v43+s14+$0x0] =	vst.idx.msk $0xffff, v6  }
0x28e: {  	v4 =	vmul.f32 v5, v11;
	[tilespmem:v17+s13+$0x0] =	vst.idx.msk $0xffff, v3  }
0x28f: {  	[tilespmem:v23+s14+$0x0] =	vst.idx.msk $0xffff, v3  }
0x290: {  	[tilespmem:v18+s13+$0x0] =	vst.idx.msk $0xffff, v4  }
0x291: {  	[tilespmem:v24+s14+$0x0] =	vst.idx.msk $0xffff, v4  }
0x292: {  	v3 =	vld.idx.msk [tilespmem:v25+s2+$0x0], $0xffff  }
0x293: {  	v4 =	vld.idx.msk [tilespmem:v26+s2+$0x0], $0xffff  }
0x294: {  	v5 =	vld.idx.msk [tilespmem:v28+s2+$0x0], $0xffff  }
0x295: {  	v6 =	vld.idx.msk [tilespmem:v29+s2+$0x0], $0xffff;
	_ =	sdelay $0x1  }
0x296: {  	v3 =	vmul.f32 $-1.442695020e+00, v3  }
0x297: {  	v4 =	vmul.f32 $1.442695020e+00, v4  }
0x298: {  	(erf) = vpow2.f32 v3;
	v3 =	vmul.f32 $-1.442695020e+00, v5  }
0x299: {  	(erf) = vpow2.f32 v4;
	v4 =	vmul.f32 $1.442695020e+00, v6  }
0x29a: {  	(erf) = vpow2.f32 v3  }
0x29b: {  	(erf) = vpow2.f32 v4;
	_ =	sdelay $0x5  }
0x29c: {  	v3 =	vpop (erf)  }
0x29d: {  	v4 =	vpop (erf)  }
0x29e: {  	v5 =	vld.idx.msk [tilespmem:v30+s2+$0x0], $0xffff;
	v6 =	vpop (erf)  }
0x29f: {  	v7 =	vld.idx.msk [tilespmem:v31+s2+$0x0], $0xffff;
	v8 =	vpop (erf)  }
0x2a0: {  	v9 =	vadd.f32 v4, v3;
	v10 =	vadd.f32 v8, v6  }
0x2a1: {  	v11 =	vld.idx.msk [tilespmem:v37+s2+$0x0], $0xffff  }
0x2a2: {  	v9 =	vadd.f32 v10, v9  }
0x2a3: {  	v5 =	vmul.f32 $1.442695020e+00, v5  }
0x2a4: {  	v7 =	vmul.f32 $-1.442695020e+00, v7;
	(erf) = vrcp.f32 v9  }
0x2a5: {  	(erf) = vpow2.f32 v5  }
0x2a6: {  	v5 =	vmul.f32 $1.442695020e+00, v11;
	(erf) = vpow2.f32 v7;
	_ =	sdelay $0x1  }
0x2a7: {  	(erf) = vpow2.f32 v5;
	_ =	sdelay $0x4  }
0x2a8: {  	v5 =	vpop (erf)  }
0x2a9: {  	v7 =	vpop (erf)  }
0x2aa: {  	v9 =	vpop (erf)  }
0x2ab: {  	v10 =	vadd.f32 v9, v7  }
0x2ac: {  	v11 =	vpop (erf)  }
0x2ad: {  	v10 =	vadd.f32 v11, v10;
	_ =	sdelay $0x1  }
0x2ae: {  	v5 =	vmul.f32 v5, v63;
	(erf) = vrcp.f32 v10;
	_ =	sdelay $0x1  }
0x2af: {  	v10 =	vsub.f32 $0.0e+00, v5;
	_ =	sdelay $0x1  }
0x2b0: {  	v3 =	vmul.f32 v10, v3;
	_ =	sdelay $0x1  }
0x2b1: {  	v4 =	vmul.f32 v5, v4;
	[tilespmem:v25+s13+$0x0] =	vst.idx.msk $0xffff, v3  }
0x2b2: {  	[tilespmem:v22+s14+$0x0] =	vst.idx.msk $0xffff, v3  }
0x2b3: {  	v3 =	vmul.f32 v10, v6;
	[tilespmem:v26+s13+$0x0] =	vst.idx.msk $0xffff, v4  }
0x2b4: {  	[tilespmem:v34+s14+$0x0] =	vst.idx.msk $0xffff, v4;
	v6 =	vpop (erf)  }
0x2b5: {  	v4 =	vmul.f32 v5, v8;
	[tilespmem:v28+s13+$0x0] =	vst.idx.msk $0xffff, v3;
	v5 =	vmul.f32 v6, v63  }
0x2b6: {  	[tilespmem:v62+s14+$0x0] =	vst.idx.msk $0xffff, v3  }
0x2b7: {  	[tilespmem:v29+s13+$0x0] =	vst.idx.msk $0xffff, v4;
	v3 =	vsub.f32 $0.0e+00, v5;
	v6 =	vmul.f32 v5, v7  }
0x2b8: {  	[tilespmem:v25+s14+$0x0] =	vst.idx.msk $0xffff, v4  }
0x2b9: {  	v3 =	vmul.f32 v3, v9;
	[tilespmem:v30+s13+$0x0] =	vst.idx.msk $0xffff, v6  }
0x2ba: {  	[tilespmem:v14+s14+$0x0] =	vst.idx.msk $0xffff, v6  }
0x2bb: {  	v4 =	vmul.f32 v5, v11;
	[tilespmem:v31+s13+$0x0] =	vst.idx.msk $0xffff, v3  }
0x2bc: {  	[tilespmem:v44+s14+$0x0] =	vst.idx.msk $0xffff, v3  }
0x2bd: {  	[tilespmem:v37+s13+$0x0] =	vst.idx.msk $0xffff, v4  }
0x2be: {  	[tilespmem:v38+s14+$0x0] =	vst.idx.msk $0xffff, v4  }
0x2bf: {  	v3 =	vld.idx.msk [tilespmem:v39+s2+$0x0], $0xffff  }
0x2c0: {  	v4 =	vld.idx.msk [tilespmem:v58+s2+$0x0], $0xffff  }
0x2c1: {  	v5 =	vld.idx.msk [tilespmem:v59+s2+$0x0], $0xffff  }
0x2c2: {  	v6 =	vld.idx.msk [tilespmem:v53+s2+$0x0], $0xffff;
	_ =	sdelay $0x1  }
0x2c3: {  	v3 =	vmul.f32 $-1.442695020e+00, v3  }
0x2c4: {  	v4 =	vmul.f32 $1.442695020e+00, v4  }
0x2c5: {  	(erf) = vpow2.f32 v3;
	v3 =	vmul.f32 $-1.442695020e+00, v5  }
0x2c6: {  	(erf) = vpow2.f32 v4;
	v4 =	vmul.f32 $1.442695020e+00, v6  }
0x2c7: {  	(erf) = vpow2.f32 v3  }
0x2c8: {  	(erf) = vpow2.f32 v4;
	_ =	sdelay $0x5  }
0x2c9: {  	v3 =	vpop (erf)  }
0x2ca: {  	v4 =	vpop (erf)  }
0x2cb: {  	v5 =	vld.idx.msk [tilespmem:v42+s2+$0x0], $0xffff;
	v6 =	vpop (erf)  }
0x2cc: {  	v7 =	vld.idx.msk [tilespmem:v47+s2+$0x0], $0xffff;
	v8 =	vpop (erf)  }
0x2cd: {  	v9 =	vadd.f32 v4, v3;
	v10 =	vadd.f32 v8, v6  }
0x2ce: {  	v11 =	vld.idx.msk [tilespmem:v48+s2+$0x0], $0xffff  }
0x2cf: {  	v9 =	vadd.f32 v10, v9  }
0x2d0: {  	v5 =	vmul.f32 $1.442695020e+00, v5  }
0x2d1: {  	v7 =	vmul.f32 $-1.442695020e+00, v7;
	(erf) = vrcp.f32 v9  }
0x2d2: {  	(erf) = vpow2.f32 v5  }
0x2d3: {  	v5 =	vmul.f32 $1.442695020e+00, v11;
	(erf) = vpow2.f32 v7;
	_ =	sdelay $0x1  }
0x2d4: {  	(erf) = vpow2.f32 v5;
	_ =	sdelay $0x4  }
0x2d5: {  	v5 =	vpop (erf)  }
0x2d6: {  	v7 =	vpop (erf)  }
0x2d7: {  	v9 =	vpop (erf)  }
0x2d8: {  	v10 =	vadd.f32 v9, v7  }
0x2d9: {  	v11 =	vpop (erf)  }
0x2da: {  	v10 =	vadd.f32 v11, v10;
	_ =	sdelay $0x1  }
0x2db: {  	v5 =	vmul.f32 v5, v63;
	(erf) = vrcp.f32 v10;
	_ =	sdelay $0x1  }
0x2dc: {  	v10 =	vsub.f32 $0.0e+00, v5  }
0x2dd: {  	v2 =	vld [tilespmem:$0x1FD60]  }
0x2de: {  	v3 =	vmul.f32 v10, v3;
	_ =	sdelay $0x1  }
0x2df: {  	v4 =	vmul.f32 v5, v4;
	[tilespmem:v39+s13+$0x0] =	vst.idx.msk $0xffff, v3  }
0x2e0: {  	[tilespmem:v49+s14+$0x0] =	vst.idx.msk $0xffff, v3  }
0x2e1: {  	v3 =	vmul.f32 v10, v6;
	[tilespmem:v58+s13+$0x0] =	vst.idx.msk $0xffff, v4  }
0x2e2: {  	[tilespmem:v50+s14+$0x0] =	vst.idx.msk $0xffff, v4;
	v6 =	vpop (erf)  }
0x2e3: {  	v4 =	vmul.f32 v5, v8;
	[tilespmem:v59+s13+$0x0] =	vst.idx.msk $0xffff, v3;
	v5 =	vmul.f32 v6, v63  }
0x2e4: {  	[tilespmem:v2+s14+$0x0] =	vst.idx.msk $0xffff, v3  }
0x2e5: {  	[tilespmem:v53+s13+$0x0] =	vst.idx.msk $0xffff, v4;
	v3 =	vsub.f32 $0.0e+00, v5;
	v6 =	vmul.f32 v5, v7  }
0x2e6: {  	[tilespmem:v39+s14+$0x0] =	vst.idx.msk $0xffff, v4  }
0x2e7: {  	v13 =	vld [tilespmem:$0x1FCA0];
	v3 =	vmul.f32 v3, v9;
	[tilespmem:v42+s13+$0x0] =	vst.idx.msk $0xffff, v6  }
0x2e8: {  	v23 =	vld [tilespmem:$0x1FCB0];
	[tilespmem:v55+s14+$0x0] =	vst.idx.msk $0xffff, v6  }
0x2e9: {  	v4 =	vmul.f32 v5, v11;
	[tilespmem:v47+s13+$0x0] =	vst.idx.msk $0xffff, v3  }
0x2ea: {  	[tilespmem:v35+s14+$0x0] =	vst.idx.msk $0xffff, v3  }
0x2eb: {  	[tilespmem:v48+s13+$0x0] =	vst.idx.msk $0xffff, v4  }
0x2ec: {  	[tilespmem:v57+s14+$0x0] =	vst.idx.msk $0xffff, v4  }
0x2ed: {  	v3 =	vld.idx.msk [tilespmem:v61+s2+$0x0], $0xffff  }
0x2ee: {  	v4 =	vld.idx.msk [tilespmem:v41+s2+$0x0], $0xffff  }
0x2ef: {  	v5 =	vld.idx.msk [tilespmem:v13+s2+$0x0], $0xffff  }
0x2f0: {  	v6 =	vld.idx.msk [tilespmem:v23+s2+$0x0], $0xffff;
	_ =	sdelay $0x1  }
0x2f1: {  	v3 =	vmul.f32 $-1.442695020e+00, v3  }
0x2f2: {  	v4 =	vmul.f32 $1.442695020e+00, v4  }
0x2f3: {  	(erf) = vpow2.f32 v3;
	v3 =	vmul.f32 $-1.442695020e+00, v5  }
0x2f4: {  	(erf) = vpow2.f32 v4;
	v4 =	vmul.f32 $1.442695020e+00, v6  }
0x2f5: {  	(erf) = vpow2.f32 v3  }
0x2f6: {  	v12 =	vld [tilespmem:$0x1FCC0];
	(erf) = vpow2.f32 v4  }
0x2f7: {  	v35 =	vld [tilespmem:$0x1FCD0];
	_ =	sdelay $0x1  }
0x2f8: {  	v14 =	vld [tilespmem:$0x1FCE0];
	_ =	sdelay $0x2  }
0x2f9: {  	v3 =	vpop (erf)  }
0x2fa: {  	v4 =	vpop (erf)  }
0x2fb: {  	v5 =	vld.idx.msk [tilespmem:v12+s2+$0x0], $0xffff;
	v6 =	vpop (erf)  }
0x2fc: {  	v7 =	vld.idx.msk [tilespmem:v35+s2+$0x0], $0xffff;
	v8 =	vpop (erf)  }
0x2fd: {  	v9 =	vadd.f32 v4, v3;
	v10 =	vadd.f32 v8, v6  }
0x2fe: {  	v11 =	vld.idx.msk [tilespmem:v14+s2+$0x0], $0xffff  }
0x2ff: {  	v9 =	vadd.f32 v10, v9  }
0x300: {  	v5 =	vmul.f32 $1.442695020e+00, v5  }
0x301: {  	v7 =	vmul.f32 $-1.442695020e+00, v7;
	(erf) = vrcp.f32 v9  }
0x302: {  	(erf) = vpow2.f32 v5  }
0x303: {  	v5 =	vmul.f32 $1.442695020e+00, v11;
	(erf) = vpow2.f32 v7;
	_ =	sdelay $0x1  }
0x304: {  	(erf) = vpow2.f32 v5;
	_ =	sdelay $0x4  }
0x305: {  	v5 =	vpop (erf)  }
0x306: {  	v7 =	vpop (erf)  }
0x307: {  	v9 =	vpop (erf)  }
0x308: {  	v10 =	vadd.f32 v9, v7  }
0x309: {  	v40 =	vld [tilespmem:$0x1FCF0];
	v11 =	vpop (erf)  }
0x30a: {  	v5 =	vmul.f32 v5, v63;
	v10 =	vadd.f32 v11, v10  }
0x30b: {  	v2 =	vld [tilespmem:$0x1FD00]  }
0x30c: {  	(erf) = vrcp.f32 v10;
	v10 =	vsub.f32 $0.0e+00, v5;
	_ =	sdelay $0x1  }
0x30d: {  	v3 =	vmul.f32 v10, v3;
	_ =	sdelay $0x1  }
0x30e: {  	v4 =	vmul.f32 v5, v4;
	[tilespmem:v61+s13+$0x0] =	vst.idx.msk $0xffff, v3  }
0x30f: {  	[tilespmem:v40+s14+$0x0] =	vst.idx.msk $0xffff, v3  }
0x310: {  	[tilespmem:v41+s13+$0x0] =	vst.idx.msk $0xffff, v4  }
0x311: {  	[tilespmem:v2+s14+$0x0] =	vst.idx.msk $0xffff, v4;
	v2 =	vld [tilespmem:$0x1FD10];
	_ =	sdelay $0x4  }
0x312: {  	v3 =	vmul.f32 v10, v6  }
0x313: {  	v6 =	vpop (erf)  }
0x314: {  	v36 =	vor.u32 $0x2004, v0;
	v4 =	vmul.f32 v5, v8;
	[tilespmem:v13+s13+$0x0] =	vst.idx.msk $0xffff, v3;
	v5 =	vmul.f32 v6, v63  }
0x315: {  	[tilespmem:v2+s14+$0x0] =	vst.idx.msk $0xffff, v3  }
0x316: {  	v51 =	vmovc v57;
	v57 =	vor.u32 $0x2005, v0;
	v6 =	vmul.f32 v5, v7;
	v3 =	vsub.f32 $0.0e+00, v5;
	[tilespmem:v23+s13+$0x0] =	vst.idx.msk $0xffff, v4  }
0x317: {  	[tilespmem:v61+s14+$0x0] =	vst.idx.msk $0xffff, v4  }
0x318: {  	v60 =	vor.u32 $0x2006, v0;
	v3 =	vmul.f32 v3, v9;
	[tilespmem:v12+s13+$0x0] =	vst.idx.msk $0xffff, v6  }
0x319: {  	v9 =	vor.u32 $0x2803, v0;
	[tilespmem:v36+s14+$0x0] =	vst.idx.msk $0xffff, v6  }
0x31a: {  	v4 =	vmul.f32 v5, v11;
	v11 =	vor.u32 $0x2807, v0;
	[tilespmem:v35+s13+$0x0] =	vst.idx.msk $0xffff, v3  }
0x31b: {  	v10 =	vor.u32 $0x280C, v0;
	[tilespmem:v57+s14+$0x0] =	vst.idx.msk $0xffff, v3  }
0x31c: {  	v2 =	vor.u32 $0x2814, v0;
	[tilespmem:v14+s13+$0x0] =	vst.idx.msk $0xffff, v4  }
0x31d: {  	[tilespmem:v60+s14+$0x0] =	vst.idx.msk $0xffff, v4  }
0x31e: {  	v3 =	vld.idx.msk [tilespmem:v9+s2+$0x0], $0xffff  }
0x31f: {  	v4 =	vld.idx.msk [tilespmem:v11+s2+$0x0], $0xffff  }
0x320: {  	v5 =	vld.idx.msk [tilespmem:v10+s2+$0x0], $0xffff  }
0x321: {  	v6 =	vld.idx.msk [tilespmem:v2+s2+$0x0], $0xffff;
	_ =	sdelay $0x1  }
0x322: {  	v3 =	vmul.f32 $-1.442695020e+00, v3  }
0x323: {  	v4 =	vmul.f32 $1.442695020e+00, v4  }
0x324: {  	(erf) = vpow2.f32 v3;
	v3 =	vmul.f32 $-1.442695020e+00, v5  }
0x325: {  	(erf) = vpow2.f32 v4;
	v4 =	vmul.f32 $1.442695020e+00, v6  }
0x326: {  	(erf) = vpow2.f32 v3  }
0x327: {  	(erf) = vpow2.f32 v4;
	_ =	sdelay $0x2  }
0x328: {  	v18 =	vor.u32 $0x282D, v0  }
0x329: {  	v21 =	vor.u32 $0x283C, v0;
	_ =	sdelay $0x1  }
0x32a: {  	v14 =	vor.u32 $0x284D, v0;
	v3 =	vpop (erf)  }
0x32b: {  	v5 =	vpop (erf)  }
0x32c: {  	v4 =	vld.idx.msk [tilespmem:v18+s2+$0x0], $0xffff;
	v6 =	vpop (erf)  }
0x32d: {  	v7 =	vld.idx.msk [tilespmem:v21+s2+$0x0], $0xffff;
	v8 =	vpop (erf)  }
0x32e: {  	v13 =	vadd.f32 v5, v3;
	v15 =	vadd.f32 v8, v6  }
0x32f: {  	v16 =	vld.idx.msk [tilespmem:v14+s2+$0x0], $0xffff  }
0x330: {  	v13 =	vadd.f32 v15, v13  }
0x331: {  	v4 =	vmul.f32 $1.442695020e+00, v4  }
0x332: {  	v7 =	vmul.f32 $-1.442695020e+00, v7;
	(erf) = vrcp.f32 v13  }
0x333: {  	(erf) = vpow2.f32 v4  }
0x334: {  	v4 =	vmul.f32 $1.442695020e+00, v16;
	(erf) = vpow2.f32 v7;
	_ =	sdelay $0x1  }
0x335: {  	(erf) = vpow2.f32 v4;
	_ =	sdelay $0x4  }
0x336: {  	v4 =	vpop (erf)  }
0x337: {  	v7 =	vpop (erf)  }
0x338: {  	v13 =	vpop (erf)  }
0x339: {  	v15 =	vadd.f32 v13, v7  }
0x33a: {  	v47 =	vpop (erf)  }
0x33b: {  	v48 =	vmul.f32 v4, v63;
	v15 =	vadd.f32 v47, v15;
	_ =	sdelay $0x1  }
0x33c: {  	v4 =	vor.u32 $0x2800, v0;
	(erf) = vrcp.f32 v15;
	v15 =	vsub.f32 $0.0e+00, v48;
	_ =	sdelay $0x1  }
0x33d: {  	v20 =	vor.u32 $0x2801, v0;
	v3 =	vmul.f32 v15, v3  }
0x33e: {  	[tilespmem:$0x1FA50] =	vst v2  }
0x33f: {  	v5 =	vmul.f32 v48, v5;
	[tilespmem:v9+s13+$0x0] =	vst.idx.msk $0xffff, v3  }
0x340: {  	v19 =	vor.u32 $0x2802, v0;
	[tilespmem:v4+s14+$0x0] =	vst.idx.msk $0xffff, v3  }
0x341: {  	v6 =	vmul.f32 v15, v6;
	[tilespmem:v11+s13+$0x0] =	vst.idx.msk $0xffff, v5  }
0x342: {  	[tilespmem:v20+s14+$0x0] =	vst.idx.msk $0xffff, v5  }
0x343: {  	v5 =	vor.u32 $0x2805, v0;
	[tilespmem:v10+s13+$0x0] =	vst.idx.msk $0xffff, v6  }
0x344: {  	v8 =	vmul.f32 v48, v8;
	[tilespmem:$0x1FA80] =	vst v5;
	v3 =	vpop (erf)  }
0x345: {  	[tilespmem:v19+s14+$0x0] =	vst.idx.msk $0xffff, v6;
	v15 =	vmul.f32 v3, v63;
	v3 =	vor.u32 $0x2804, v0  }
0x346: {  	[tilespmem:v2+s13+$0x0] =	vst.idx.msk $0xffff, v8  }
0x347: {  	[tilespmem:v9+s14+$0x0] =	vst.idx.msk $0xffff, v8;
	v6 =	vsub.f32 $0.0e+00, v15;
	v7 =	vmul.f32 v15, v7  }
0x348: {  	[tilespmem:$0x1FA70] =	vst v3  }
0x349: {  	v8 =	vmul.f32 v6, v13;
	[tilespmem:v18+s13+$0x0] =	vst.idx.msk $0xffff, v7;
	v6 =	vor.u32 $0x2806, v0  }
0x34a: {  	v13 =	vor.u32 $0x3003, v0;
	[tilespmem:v3+s14+$0x0] =	vst.idx.msk $0xffff, v7  }
0x34b: {  	v2 =	vor.u32 $0x3007, v0;
	v7 =	vmul.f32 v15, v47;
	[tilespmem:v21+s13+$0x0] =	vst.idx.msk $0xffff, v8  }
0x34c: {  	v3 =	vor.u32 $0x300C, v0;
	[tilespmem:v5+s14+$0x0] =	vst.idx.msk $0xffff, v8  }
0x34d: {  	v5 =	vor.u32 $0x3014, v0;
	[tilespmem:v14+s13+$0x0] =	vst.idx.msk $0xffff, v7  }
0x34e: {  	[tilespmem:v6+s14+$0x0] =	vst.idx.msk $0xffff, v7  }
0x34f: {  	v7 =	vld.idx.msk [tilespmem:v13+s2+$0x0], $0xffff  }
0x350: {  	v8 =	vld.idx.msk [tilespmem:v2+s2+$0x0], $0xffff  }
0x351: {  	v15 =	vld.idx.msk [tilespmem:v3+s2+$0x0], $0xffff  }
0x352: {  	v49 =	vld.idx.msk [tilespmem:v5+s2+$0x0], $0xffff;
	_ =	sdelay $0x1  }
0x353: {  	v7 =	vmul.f32 $-1.442695020e+00, v7  }
0x354: {  	v8 =	vmul.f32 $1.442695020e+00, v8  }
0x355: {  	(erf) = vpow2.f32 v7;
	v7 =	vmul.f32 $-1.442695020e+00, v15  }
0x356: {  	(erf) = vpow2.f32 v8;
	v8 =	vmul.f32 $1.442695020e+00, v49  }
0x357: {  	(erf) = vpow2.f32 v7  }
0x358: {  	(erf) = vpow2.f32 v8;
	_ =	sdelay $0x2  }
0x359: {  	[tilespmem:$0x1FA10] =	vst v11;
	v11 =	vor.u32 $0x302D, v0  }
0x35a: {  	[tilespmem:$0x1FA30] =	vst v10;
	v10 =	vor.u32 $0x303C, v0;
	_ =	sdelay $0x1  }
0x35b: {  	[tilespmem:$0x1FAA0] =	vst v6;
	v6 =	vor.u32 $0x304D, v0;
	v7 =	vpop (erf)  }
0x35c: {  	v15 =	vpop (erf)  }
0x35d: {  	[tilespmem:$0x1FA40] =	vst v19;
	v8 =	vld.idx.msk [tilespmem:v11+s2+$0x0], $0xffff;
	v50 =	vpop (erf)  }
0x35e: {  	[tilespmem:$0x1FA60] =	vst v18;
	v52 =	vld.idx.msk [tilespmem:v10+s2+$0x0], $0xffff;
	v18 =	vpop (erf)  }
0x35f: {  	[tilespmem:$0x1FA20] =	vst v20;
	v19 =	vadd.f32 v15, v7;
	v20 =	vadd.f32 v18, v50  }
0x360: {  	v28 =	vld.idx.msk [tilespmem:v6+s2+$0x0], $0xffff  }
0x361: {  	v19 =	vadd.f32 v20, v19  }
0x362: {  	v8 =	vmul.f32 $1.442695020e+00, v8  }
0x363: {  	v16 =	vmul.f32 $-1.442695020e+00, v52;
	(erf) = vrcp.f32 v19  }
0x364: {  	(erf) = vpow2.f32 v8  }
0x365: {  	v8 =	vmul.f32 $1.442695020e+00, v28;
	(erf) = vpow2.f32 v16;
	_ =	sdelay $0x1  }
0x366: {  	(erf) = vpow2.f32 v8;
	_ =	sdelay $0x4  }
0x367: {  	v8 =	vpop (erf)  }
0x368: {  	v19 =	vpop (erf)  }
0x369: {  	v20 =	vpop (erf)  }
0x36a: {  	v53 =	vadd.f32 v20, v19  }
0x36b: {  	v54 =	vpop (erf)  }
0x36c: {  	v55 =	vmul.f32 v8, v63;
	v16 =	vadd.f32 v54, v53  }
0x36d: {  	[tilespmem:$0x1FA90] =	vst v14  }
0x36e: {  	[tilespmem:$0x1FAC0] =	vst v2;
	v14 =	vor.u32 $0x3000, v0;
	v56 =	vsub.f32 $0.0e+00, v55;
	(erf) = vrcp.f32 v16  }
0x36f: {  	[tilespmem:$0x1FAE0] =	vst v3  }
0x370: {  	[tilespmem:$0x1FB00] =	vst v5;
	v58 =	vmul.f32 v56, v7;
	v7 =	vor.u32 $0x3001, v0  }
0x371: {  	[tilespmem:$0x1FAD0] =	vst v7  }
0x372: {  	v15 =	vmul.f32 v55, v15;
	[tilespmem:v13+s13+$0x0] =	vst.idx.msk $0xffff, v58  }
0x373: {  	v8 =	vor.u32 $0x3002, v0;
	[tilespmem:v14+s14+$0x0] =	vst.idx.msk $0xffff, v58  }
0x374: {  	[tilespmem:v2+s13+$0x0] =	vst.idx.msk $0xffff, v15  }
0x375: {  	v17 =	vmul.f32 v56, v50;
	v2 =	vor.u32 $0x3004, v0;
	[tilespmem:v7+s14+$0x0] =	vst.idx.msk $0xffff, v15  }
0x376: {  	[tilespmem:$0x1FB20] =	vst v2  }
0x377: {  	[tilespmem:v3+s13+$0x0] =	vst.idx.msk $0xffff, v17;
	v59 =	vpop (erf)  }
0x378: {  	v18 =	vmul.f32 v55, v18;
	v3 =	vor.u32 $0x3005, v0;
	[tilespmem:v8+s14+$0x0] =	vst.idx.msk $0xffff, v17;
	v61 =	vmul.f32 v59, v63  }
0x379: {  	[tilespmem:$0x1FB40] =	vst v3  }
0x37a: {  	[tilespmem:v5+s13+$0x0] =	vst.idx.msk $0xffff, v18;
	v30 =	vsub.f32 $0.0e+00, v61;
	v19 =	vmul.f32 v61, v19  }
0x37b: {  	[tilespmem:v13+s14+$0x0] =	vst.idx.msk $0xffff, v18  }
0x37c: {  	v7 =	vor.u32 $0x3006, v0;
	v20 =	vmul.f32 v30, v20;
	[tilespmem:v11+s13+$0x0] =	vst.idx.msk $0xffff, v19  }
0x37d: {  	v34 =	vor.u32 $0x3803, v0;
	[tilespmem:v2+s14+$0x0] =	vst.idx.msk $0xffff, v19  }
0x37e: {  	v5 =	vor.u32 $0x3807, v0;
	v19 =	vmul.f32 v61, v54;
	[tilespmem:v10+s13+$0x0] =	vst.idx.msk $0xffff, v20  }
0x37f: {  	[tilespmem:v3+s14+$0x0] =	vst.idx.msk $0xffff, v20;
	v3 =	vor.u32 $0x380C, v0  }
0x380: {  	v2 =	vor.u32 $0x3814, v0;
	[tilespmem:v6+s13+$0x0] =	vst.idx.msk $0xffff, v19  }
0x381: {  	[tilespmem:v7+s14+$0x0] =	vst.idx.msk $0xffff, v19  }
0x382: {  	v19 =	vld.idx.msk [tilespmem:v34+s2+$0x0], $0xffff  }
0x383: {  	v20 =	vld.idx.msk [tilespmem:v5+s2+$0x0], $0xffff  }
0x384: {  	v62 =	vld.idx.msk [tilespmem:v3+s2+$0x0], $0xffff  }
0x385: {  	v24 =	vld.idx.msk [tilespmem:v2+s2+$0x0], $0xffff;
	_ =	sdelay $0x1  }
0x386: {  	v19 =	vmul.f32 $-1.442695020e+00, v19  }
0x387: {  	v20 =	vmul.f32 $1.442695020e+00, v20  }
0x388: {  	(erf) = vpow2.f32 v19;
	v19 =	vmul.f32 $-1.442695020e+00, v62  }
0x389: {  	(erf) = vpow2.f32 v20;
	v20 =	vmul.f32 $1.442695020e+00, v24  }
0x38a: {  	(erf) = vpow2.f32 v19  }
0x38b: {  	(erf) = vpow2.f32 v20;
	_ =	sdelay $0x2  }
0x38c: {  	[tilespmem:$0x1FAF0] =	vst v8;
	v8 =	vor.u32 $0x382D, v0  }
0x38d: {  	[tilespmem:$0x1FB60] =	vst v7;
	v7 =	vor.u32 $0x383C, v0;
	_ =	sdelay $0x1  }
0x38e: {  	[tilespmem:$0x1FB50] =	vst v6;
	v6 =	vor.u32 $0x384D, v0;
	v19 =	vpop (erf)  }
0x38f: {  	v25 =	vpop (erf)  }
0x390: {  	v20 =	vld.idx.msk [tilespmem:v8+s2+$0x0], $0xffff;
	v26 =	vpop (erf)  }
0x391: {  	v37 =	vld.idx.msk [tilespmem:v7+s2+$0x0], $0xffff;
	v38 =	vpop (erf)  }
0x392: {  	v48 =	vadd.f32 v25, v19;
	v49 =	vadd.f32 v38, v26  }
0x393: {  	v41 =	vld.idx.msk [tilespmem:v6+s2+$0x0], $0xffff  }
0x394: {  	v32 =	vadd.f32 v49, v48  }
0x395: {  	v20 =	vmul.f32 $1.442695020e+00, v20  }
0x396: {  	v29 =	vmul.f32 $-1.442695020e+00, v37;
	(erf) = vrcp.f32 v32  }
0x397: {  	(erf) = vpow2.f32 v20  }
0x398: {  	v20 =	vmul.f32 $1.442695020e+00, v41;
	(erf) = vpow2.f32 v29;
	_ =	sdelay $0x1  }
0x399: {  	(erf) = vpow2.f32 v20;
	_ =	sdelay $0x3  }
0x39a: {  	[tilespmem:$0x1FB10] =	vst v11  }
0x39b: {  	[tilespmem:$0x1FB30] =	vst v10;
	v20 =	vpop (erf)  }
0x39c: {  	[tilespmem:$0x1FAB0] =	vst v14;
	v14 =	vor.u32 $0x3800, v0;
	v50 =	vpop (erf)  }
0x39d: {  	[tilespmem:$0x1FB70] =	vst v14;
	v52 =	vpop (erf)  }
0x39e: {  	[tilespmem:$0x1FBD0] =	vst v8;
	v53 =	vadd.f32 v52, v50  }
0x39f: {  	[tilespmem:$0x1FB80] =	vst v5;
	v11 =	vor.u32 $0x3801, v0;
	v54 =	vpop (erf)  }
0x3a0: {  	[tilespmem:$0x1FB90] =	vst v11;
	v55 =	vmul.f32 v20, v63;
	v29 =	vadd.f32 v54, v53  }
0x3a1: {  	v10 =	vor.u32 $0x3802, v0;
	[tilespmem:$0x1FBC0] =	vst v2  }
0x3a2: {  	[tilespmem:$0x1FBB0] =	vst v10;
	v56 =	vsub.f32 $0.0e+00, v55;
	(erf) = vrcp.f32 v29  }
0x3a3: {  	[tilespmem:$0x1FBA0] =	vst v3  }
0x3a4: {  	[tilespmem:$0x1FC10] =	vst v6;
	v58 =	vmul.f32 v56, v19  }
0x3a5: {  	[tilespmem:$0x1FBF0] =	vst v7  }
0x3a6: {  	v28 =	vmul.f32 v55, v25;
	[tilespmem:v34+s13+$0x0] =	vst.idx.msk $0xffff, v58  }
0x3a7: {  	[tilespmem:v14+s14+$0x0] =	vst.idx.msk $0xffff, v58  }
0x3a8: {  	[tilespmem:v5+s13+$0x0] =	vst.idx.msk $0xffff, v28  }
0x3a9: {  	v30 =	vmul.f32 v56, v26;
	v5 =	vor.u32 $0x3806, v0;
	[tilespmem:v11+s14+$0x0] =	vst.idx.msk $0xffff, v28  }
0x3aa: {  	[tilespmem:$0x1FC20] =	vst v5  }
0x3ab: {  	[tilespmem:v3+s13+$0x0] =	vst.idx.msk $0xffff, v30;
	v59 =	vpop (erf)  }
0x3ac: {  	v31 =	vmul.f32 v55, v38;
	v3 =	vor.u32 $0x3804, v0;
	[tilespmem:v10+s14+$0x0] =	vst.idx.msk $0xffff, v30;
	v61 =	vmul.f32 v59, v63  }
0x3ad: {  	[tilespmem:$0x1FBE0] =	vst v3  }
0x3ae: {  	[tilespmem:v2+s13+$0x0] =	vst.idx.msk $0xffff, v31;
	v2 =	vor.u32 $0x3805, v0;
	v43 =	vsub.f32 $0.0e+00, v61;
	v32 =	vmul.f32 v61, v50  }
0x3af: {  	[tilespmem:v34+s14+$0x0] =	vst.idx.msk $0xffff, v31  }
0x3b0: {  	v33 =	vmul.f32 v43, v52;
	[tilespmem:v8+s13+$0x0] =	vst.idx.msk $0xffff, v32  }
0x3b1: {  	[tilespmem:v3+s14+$0x0] =	vst.idx.msk $0xffff, v32  }
0x3b2: {  	v62 =	vmul.f32 v61, v54;
	[tilespmem:v7+s13+$0x0] =	vst.idx.msk $0xffff, v33  }
0x3b3: {  	p1 =	sne.s32 s23, $0x7000;
	[tilespmem:v2+s14+$0x0] =	vst.idx.msk $0xffff, v33  }
.Ltmp5:
0x3b4: {  	[tilespmem:v6+s13+$0x0] =	vst.idx.msk $0xffff, v62;
	(pc) =	sbr.rel @!p1 .LBB2_5-.Ltmp5, $4  }
0x3b5: {  	s25 =	sadd.s32 s23, s6;
	[tilespmem:v5+s14+$0x0] =	vst.idx.msk $0xffff, v62  }
0x3b6: {  	[hbm4b:s25+s2] =	stream.linear.scatter [tilespmem:s13], [sflag:$0x3], $0x4000, $0x38;
	[tilespmem:$0x18080] =	vst v63  }
0x3b7: {  	s26 =	sadd.s32 s23, s7;
	[tilespmem:$0x1FC00] =	vst v2  }
0x3b8: {  	v20 =	vmov v23;
	[hbm4b:s26+s2] =	stream.linear.scatter [tilespmem:s14], [sflag:$0x5], $0x4000, $0x38;
	[tilespmem:$0x18080] =	vst v63  }
0x3b9: {  	s24 =	sadd.s32 $0x1000, s24  }
0x3ba: {  	[tilespmem:s2], [sflag:$0x1] =	stream.linear.gather [hbm4b:s24+s2], $0x4000, $0x38;
	[tilespmem:$0x18080] =	vst v63  }
.Ltmp6:
0x3bb: {  	_ = 	snop;
	(pc) =	sbr.rel @!p0 .LBB2_7-.Ltmp6, $4  }
.Ltmp7:
0x3bc: {  	_ = 	snop;
	(pc) =	sbr.rel @p0 .LBB2_8-.Ltmp7, $4  }
0x3bd: {  	_ =	swait.ge [sflag:s15], $0x4000  }
0x3be: {  	[sflag:s15] =	ssyncset.done $0x0  }
0x3bf: {  	[sflag:s15] =	ssyncadd.s32 $0xFFFFC000  }
0x3c0: {  	_ = 	snop  }
.LBB2_10:
0x3c1: {  	_ =	sfence.sel $0x180000  }
0x3c2: {  	[bflag:$0x0] =	sbarrier.arrive $0xFFFF  }
0x3c3: {  	p0 =	sne.s32 s3, $0x0;
	_ =	strace $0x90000047  }
0x3c4: {  	s0 =	sadd.s32 @!p0 $0x100000, s1;
	[bflag:$0x2] =	sbarrier.arrive $0xFFFF  }
0x3c5: {  	[sflag:s0] =	ssyncadd.tile.s32 @!p0 $0x1;
	_ =	shalt  }
.Lfunc_end2:
_tile_overlayer_lowered:
.L_overlay_start_2:
0x3c6: {  	(tag) =	ssettag $0x2  }
0x3c7: {  	s0 =	rddreg [dreg:$0x0];
	s2 =	stileid.u32  }
0x3c8: {  	s1 =	rddreg [dreg:$0x1];
	p0 =	sne.s32 s2, $0x0  }
0x3c9: {  	s3 =	rddreg [dreg:$0x2];
	[bflag:$0x3] =	sbarrier.arrive $0xFFFF;
	s2 =	simm.s32 @!p0 $0x1C07  }
0x3ca: {  	[timem:s3], [sflag:s2] =	dma.local @!p0 [hbm:s0], s1  }
0x3cb: {  	s0 =	simm.s32 @!p0 $0x7  }
0x3cc: {  	_ =	swait.ge @!p0 [sflag:s0], s1  }
0x3cd: {  	s1 =	ssub.s32 @!p0 $0x0, s1;
	[sflag:s0] =	ssyncset.done @!p0 $0x0  }
0x3ce: {  	[sflag:s0] =	ssyncadd.s32 @!p0 s1  }
0x3cf: {  	[bflag:$0x3] =	sbarrier.arrive $0xFFFF  }
0x3d0: {  	_ =	shalt  }

</sc_bundles>
